<compile_context>
chip_gen: v7x
topology: tpu7x:2x2x1
jax: 0.10.2.dev20260603
libtpu: 0.0.44.dev20260713+nightly
codegen_flags: <defaults>
</compile_context>

<pallas_src>
import jax
import jax.numpy as jnp
from jax import lax
from jax.experimental import pallas as pl
from jax.experimental.pallas import tpu as pltpu
from jax.experimental.pallas import tpu_sc as plsc

_V = 100000
_NF = 26
_D = 32
_EPS = 1e-5
_L = 16
_FEAT = _NF * _D
_VP = 100008
_GROWS = _NF * _VP // 4
_RPB = 16672
_RPG = _RPB // 4
_NBLK = _VP // _RPB


def _repack(tables):
    def body(t_ref, o_ref):
        t3 = t_ref[0].reshape(_RPG, 4, _D)
        for k in range(4):
            o_ref[:, k * _D:(k + 1) * _D] = t3[:, k, :]

    return pl.pallas_call(
        body,
        grid=(_NF, _NBLK),
        in_specs=[pl.BlockSpec((1, _RPB, _D), lambda f, c: (f, c, 0))],
        out_specs=pl.BlockSpec((_RPG, 128), lambda f, c: (f * _NBLK + c, 0)),
        out_shape=jax.ShapeDtypeStruct((_GROWS, 128), jnp.float32),
    )(tables)


def _layernorm(og, gamma, beta, B):
    RB = 128
    XR = RB * _FEAT // 128

    def body(g_ref, b_ref, x_ref, o_ref):
        x3 = x_ref[...].reshape(RB // 2, 13, 128)

        def rows(c, lo, hi):
            return x3[:, c, lo:hi]

        h_even = jnp.concatenate(
            [rows(c, 0, 128) for c in range(6)] + [rows(6, 0, 64)], axis=1)
        h_odd = jnp.concatenate(
            [rows(6, 64, 128)] + [rows(7 + c, 0, 128) for c in range(6)],
            axis=1)
        h = jnp.stack([h_even, h_odd], axis=1).reshape(RB, _FEAT)
        mu = jnp.mean(h, axis=1, keepdims=True)
        var = jnp.mean(h * h, axis=1, keepdims=True) - mu * mu
        hn = (h - mu) * lax.rsqrt(var + _EPS)
        o_ref[...] = hn * g_ref[...][None, :] + b_ref[...][None, :]

    return pl.pallas_call(
        body,
        grid=(B // RB,),
        in_specs=[
            pl.BlockSpec((_FEAT,), lambda r: (0,)),
            pl.BlockSpec((_FEAT,), lambda r: (0,)),
            pl.BlockSpec((XR, 128), lambda r: (r, 0)),
        ],
        out_specs=pl.BlockSpec((RB, _FEAT), lambda r: (r, 0)),
        out_shape=jax.ShapeDtypeStruct((B, _FEAT), jnp.float32),
    )(gamma, beta, og)


def kernel(x, tables, gamma, beta):
    B = x.shape[0]
    info = plsc.get_sparse_core_info()
    NC, NS = info.num_cores, info.num_subcores
    NW = NC * NS
    LPW = B * _NF // NW
    CL = 128
    NCH = LPW // CL
    ORC = CL * _D // 128
    IR = B * _NF // 128
    IRW = IR // NW

    offs = (jnp.arange(_NF, dtype=jnp.int32) * _VP)[None, :]
    idxp = (jnp.clip(x, 0, _V) + offs).reshape(IR, 128)
    tabp = jnp.pad(tables, ((0, 0), (0, _VP - _V - 1), (0, 96))).reshape(-1, 128)

    mesh = plsc.VectorSubcoreMesh(core_axis_name="c", subcore_axis_name="s")

    @pl.kernel(
        mesh=mesh,
        compiler_params=pltpu.CompilerParams(use_tc_tiling_on_sc=True),
        out_type=jax.ShapeDtypeStruct((B * _FEAT // 128, 128), jnp.float32),
        scratch_types=[
            pltpu.VMEM((IRW, 128), jnp.int32),
            pltpu.VMEM((CL,), jnp.int32),
            pltpu.VMEM((CL, 128), jnp.float32),
            pltpu.VMEM((ORC, 128), jnp.float32),
            pltpu.SemaphoreType.DMA,
        ],
    )
    def gather(idx_hbm, tab_hbm, out_hbm, idx_v, gsc_v, emb_v, outb_v, gsem):
        wid = lax.axis_index("s") * NC + lax.axis_index("c")
        pltpu.sync_copy(idx_hbm.at[pl.ds(wid * IRW, IRW)], idx_v)

        def chunk_body(c, carry):
            for k in range(CL // _L):
                gsc_v[pl.ds(k * _L, _L)] = idx_v[c, pl.ds(k * _L, _L)]
            pltpu.async_copy(tab_hbm.at[gsc_v], emb_v, gsem).wait()
            for lk in range(CL):
                for h in range(2):
                    outb_v[lk >> 2, pl.ds((lk & 3) * _D + h * _L, _L)] = (
                        emb_v[lk, pl.ds(h * _L, _L)])
            pltpu.sync_copy(outb_v,
                            out_hbm.at[pl.ds(wid * (LPW * _D // 128) + c * ORC,
                                             ORC)])
            return carry

        lax.fori_loop(0, NCH, chunk_body, 0)

    og = gather(idxp, tabp)
    return _layernorm(og, gamma, beta, B)

# --- scband reference (transcript-rebuilt; emitter-appended) ---
"""Pipeline reference for scband-categorical-encoder-2705829396615 (READ-ONLY COPY).

The authoritative reference and input builder live on the scoring server;
editing this copy changes nothing except your own understanding.
"""

import jax, jax.numpy as jnp
import numpy as np

B = 16384
NF = 26
V = 100000  # cardinality; table rows = V + 1 (row 0 is padding)
D = 32
EPS = 1e-5


def setup_inputs(seed: int = 0) -> dict:
    key = jax.random.key(seed)
    k1, k2 = jax.random.split(key, 2)
    # categorical indices in [0, V)
    x = jax.random.randint(k1, (B, NF), 0, V, dtype=jnp.int32)
    # 26 embedding tables stacked: [NF, V+1, D]; padding_idx=0 row zeroed (nn.Embedding semantics)
    tables = jax.random.normal(k2, (NF, V + 1, D), dtype=jnp.float32)
    tables = tables.at[:, 0, :].set(0.0)
    # LayerNorm params over NF*D features
    gamma = jnp.ones((NF * D,), dtype=jnp.float32)
    beta = jnp.zeros((NF * D,), dtype=jnp.float32)
    return {"x": x, "tables": tables, "gamma": gamma, "beta": beta}


def reference(x, tables, gamma, beta):
    # per-field clamp to [0, cardinality] then embedding gather
    idx = jnp.clip(x, 0, V)  # [B, NF]
    # gather each field's column of indices from its own table -> [B, NF, D]
    emb = jax.vmap(lambda t, ix: jnp.take(t, ix, axis=0), in_axes=(0, 1), out_axes=1)(tables, idx)
    h = emb.reshape(emb.shape[0], NF * D)  # concat along feature dim
    # LayerNorm over last dim
    mu = jnp.mean(h, axis=-1, keepdims=True)
    var = jnp.var(h, axis=-1, keepdims=True)
    h = (h - mu) / jnp.sqrt(var + EPS)
    h = h * gamma + beta
    # dropout is identity at inference
    return h

if __name__ == "__main__":
    import jax
    _d = setup_inputs()
    print(jax.jit(kernel)(*tuple(_d.values())))

</pallas_src>

<mosaic_0001>
#map = affine_map<(d0, d1) -> (0, 0)>
module attributes {stable_mosaic.version = 14 : i64} {
  func.func @gather(%arg0: i32, %arg1: i32, %arg2: memref<3328x128xi32, #tpu.memory_space<hbm>>, %arg3: memref<2600208x128xf32, #tpu.memory_space<hbm>>, %arg4: memref<106496x128xf32, #tpu.memory_space<hbm>>, %arg5: memref<104x128xi32, #tpu.memory_space<vmem>>, %arg6: memref<128xi32, #tpu.memory_space<vmem>>, %arg7: memref<128x128xf32, #tpu.memory_space<vmem>>, %arg8: memref<32x128xf32, #tpu.memory_space<vmem>>, %arg9: memref<!tpu.dma_semaphore, #tpu.memory_space<semaphore_mem>>) attributes {dimension_semantics = [#tpu.dimension_semantics<core_parallel>, #tpu.dimension_semantics<subcore_parallel>], iteration_bounds = array<i64: 2, 16>, scalar_prefetch = 0 : i64, scratch_operands = 5 : i64, tpu.core_type = #tpu.core_type<sc_vector_subcore>, window_params = [{transform_indices = #map}, {transform_indices = #map}, {transform_indices = #map}]} {
    %mul3A = arith.constant 2 : i32
    %mul3A_0 = arith.muli %arg1, %mul3A : i32
    %add3A = arith.addi %mul3A_0, %arg0 : i32
    %mul3A_1 = arith.constant 104 : i32
    %mul3A_2 = arith.muli %add3A, %mul3A_1 : i32
    "tpu.region"() ({
      %run_scoped3A = tpu.sem_alloc : memref<!tpu.dma_semaphore, #tpu.memory_space<semaphore_mem>>
      %dma_start3A = arith.constant 0 : i32
      %dma_start3A_8 = tpu.memref_slice %arg2[%mul3A_2, %dma_start3A] : memref<3328x128xi32, #tpu.memory_space<hbm>> -> memref<104x128xi32, #tpu.memory_space<hbm>>
      %dma_start3A_9 = arith.constant 0 : i32
      %dma_start3A_10 = tpu.memref_slice %arg2[%mul3A_2, %dma_start3A_9] : memref<3328x128xi32, #tpu.memory_space<hbm>> -> memref<104x128xi32, #tpu.memory_space<hbm>>
      tpu.enqueue_dma source(%dma_start3A_10 : memref<104x128xi32, #tpu.memory_space<hbm>>) target(%arg5 : memref<104x128xi32, #tpu.memory_space<vmem>>) target_semaphore(%run_scoped3A : memref<!tpu.dma_semaphore, #tpu.memory_space<semaphore_mem>>)
      %dma_wait3A = arith.constant 0 : i32
      %dma_wait3A_11 = tpu.memref_slice %arg2[%mul3A_2, %dma_wait3A] : memref<3328x128xi32, #tpu.memory_space<hbm>> -> memref<104x128xi32, #tpu.memory_space<hbm>>
      %dma_wait3A_12 = arith.constant 0 : i32
      %dma_wait3A_13 = tpu.memref_slice %arg2[%mul3A_2, %dma_wait3A_12] : memref<3328x128xi32, #tpu.memory_space<hbm>> -> memref<104x128xi32, #tpu.memory_space<hbm>>
      tpu.wait_dma2 semaphore(%run_scoped3A : memref<!tpu.dma_semaphore, #tpu.memory_space<semaphore_mem>>) src(%dma_wait3A_13 : memref<104x128xi32, #tpu.memory_space<hbm>>) dst(%arg5 : memref<104x128xi32, #tpu.memory_space<vmem>>)
      tpu.yield
    }) : () -> ()
    %scan3A = arith.constant 0 : i32
    %scan3A_3 = arith.constant 0 : i32
    %scan3A_4 = arith.constant 104 : i32
    %scan3A_5 = arith.addi %scan3A_3, %scan3A_4 : i32
    %scan3A_6 = arith.constant 1 : i32
    scf.for %scan3A_8 = %scan3A_3 to %scan3A_5 step %scan3A_6  : i32 {
      %get3A = arith.index_cast %scan3A_8 : i32 to index
      %get3A_9 = arith.constant 0 : index
      %get3A_10 = tpu.vector_load %arg5[%get3A, %get3A_9] {strides = array<i32>} : memref<104x128xi32, #tpu.memory_space<vmem>>, vector<1x16xi32>,
      %get3A_11 = vector.shape_cast %get3A_10 : vector<1x16xi32> to vector<16xi32>
      %swap3A = arith.constant 0 : index
      %swap3A_12 = tpu.vector_load %arg6[%swap3A] {strides = array<i32>} : memref<128xi32, #tpu.memory_space<vmem>>, vector<16xi32>,
      %swap3A_13 = vector.shape_cast %swap3A_12 : vector<16xi32> to vector<16xi32>
      %swap3A_14 = vector.shape_cast %get3A_11 : vector<16xi32> to vector<16xi32>
      tpu.vector_store %arg6[%swap3A], %swap3A_14 {strides = array<i32>} : memref<128xi32, #tpu.memory_space<vmem>>, vector<16xi32>,
      %get3A_15 = arith.index_cast %scan3A_8 : i32 to index
      %get3A_16 = arith.constant 16 : index
      %get3A_17 = tpu.vector_load %arg5[%get3A_15, %get3A_16] {strides = array<i32>} : memref<104x128xi32, #tpu.memory_space<vmem>>, vector<1x16xi32>,
      %get3A_18 = vector.shape_cast %get3A_17 : vector<1x16xi32> to vector<16xi32>
      %swap3A_19 = arith.constant 16 : index
      %swap3A_20 = tpu.vector_load %arg6[%swap3A_19] {strides = array<i32>} : memref<128xi32, #tpu.memory_space<vmem>>, vector<16xi32>,
      %swap3A_21 = vector.shape_cast %swap3A_20 : vector<16xi32> to vector<16xi32>
      %swap3A_22 = vector.shape_cast %get3A_18 : vector<16xi32> to vector<16xi32>
      tpu.vector_store %arg6[%swap3A_19], %swap3A_22 {strides = array<i32>} : memref<128xi32, #tpu.memory_space<vmem>>, vector<16xi32>,
      %get3A_23 = arith.index_cast %scan3A_8 : i32 to index
      %get3A_24 = arith.constant 32 : index
      %get3A_25 = tpu.vector_load %arg5[%get3A_23, %get3A_24] {strides = array<i32>} : memref<104x128xi32, #tpu.memory_space<vmem>>, vector<1x16xi32>,
      %get3A_26 = vector.shape_cast %get3A_25 : vector<1x16xi32> to vector<16xi32>
      %swap3A_27 = arith.constant 32 : index
      %swap3A_28 = tpu.vector_load %arg6[%swap3A_27] {strides = array<i32>} : memref<128xi32, #tpu.memory_space<vmem>>, vector<16xi32>,
      %swap3A_29 = vector.shape_cast %swap3A_28 : vector<16xi32> to vector<16xi32>
      %swap3A_30 = vector.shape_cast %get3A_26 : vector<16xi32> to vector<16xi32>
      tpu.vector_store %arg6[%swap3A_27], %swap3A_30 {strides = array<i32>} : memref<128xi32, #tpu.memory_space<vmem>>, vector<16xi32>,
      %get3A_31 = arith.index_cast %scan3A_8 : i32 to index
      %get3A_32 = arith.constant 48 : index
      %get3A_33 = tpu.vector_load %arg5[%get3A_31, %get3A_32] {strides = array<i32>} : memref<104x128xi32, #tpu.memory_space<vmem>>, vector<1x16xi32>,
      %get3A_34 = vector.shape_cast %get3A_33 : vector<1x16xi32> to vector<16xi32>
      %swap3A_35 = arith.constant 48 : index
      %swap3A_36 = tpu.vector_load %arg6[%swap3A_35] {strides = array<i32>} : memref<128xi32, #tpu.memory_space<vmem>>, vector<16xi32>,
      %swap3A_37 = vector.shape_cast %swap3A_36 : vector<16xi32> to vector<16xi32>
      %swap3A_38 = vector.shape_cast %get3A_34 : vector<16xi32> to vector<16xi32>
      tpu.vector_store %arg6[%swap3A_35], %swap3A_38 {strides = array<i32>} : memref<128xi32, #tpu.memory_space<vmem>>, vector<16xi32>,
      %get3A_39 = arith.index_cast %scan3A_8 : i32 to index
      %get3A_40 = arith.constant 64 : index
      %get3A_41 = tpu.vector_load %arg5[%get3A_39, %get3A_40] {strides = array<i32>} : memref<104x128xi32, #tpu.memory_space<vmem>>, vector<1x16xi32>,
      %get3A_42 = vector.shape_cast %get3A_41 : vector<1x16xi32> to vector<16xi32>
      %swap3A_43 = arith.constant 64 : index
      %swap3A_44 = tpu.vector_load %arg6[%swap3A_43] {strides = array<i32>} : memref<128xi32, #tpu.memory_space<vmem>>, vector<16xi32>,
      %swap3A_45 = vector.shape_cast %swap3A_44 : vector<16xi32> to vector<16xi32>
      %swap3A_46 = vector.shape_cast %get3A_42 : vector<16xi32> to vector<16xi32>
      tpu.vector_store %arg6[%swap3A_43], %swap3A_46 {strides = array<i32>} : memref<128xi32, #tpu.memory_space<vmem>>, vector<16xi32>,
      %get3A_47 = arith.index_cast %scan3A_8 : i32 to index
      %get3A_48 = arith.constant 80 : index
      %get3A_49 = tpu.vector_load %arg5[%get3A_47, %get3A_48] {strides = array<i32>} : memref<104x128xi32, #tpu.memory_space<vmem>>, vector<1x16xi32>,
      %get3A_50 = vector.shape_cast %get3A_49 : vector<1x16xi32> to vector<16xi32>
      %swap3A_51 = arith.constant 80 : index
      %swap3A_52 = tpu.vector_load %arg6[%swap3A_51] {strides = array<i32>} : memref<128xi32, #tpu.memory_space<vmem>>, vector<16xi32>,
      %swap3A_53 = vector.shape_cast %swap3A_52 : vector<16xi32> to vector<16xi32>
      %swap3A_54 = vector.shape_cast %get3A_50 : vector<16xi32> to vector<16xi32>
      tpu.vector_store %arg6[%swap3A_51], %swap3A_54 {strides = array<i32>} : memref<128xi32, #tpu.memory_space<vmem>>, vector<16xi32>,
      %get3A_55 = arith.index_cast %scan3A_8 : i32 to index
      %get3A_56 = arith.constant 96 : index
      %get3A_57 = tpu.vector_load %arg5[%get3A_55, %get3A_56] {strides = array<i32>} : memref<104x128xi32, #tpu.memory_space<vmem>>, vector<1x16xi32>,
      %get3A_58 = vector.shape_cast %get3A_57 : vector<1x16xi32> to vector<16xi32>
      %swap3A_59 = arith.constant 96 : index
      %swap3A_60 = tpu.vector_load %arg6[%swap3A_59] {strides = array<i32>} : memref<128xi32, #tpu.memory_space<vmem>>, vector<16xi32>,
      %swap3A_61 = vector.shape_cast %swap3A_60 : vector<16xi32> to vector<16xi32>
      %swap3A_62 = vector.shape_cast %get3A_58 : vector<16xi32> to vector<16xi32>
      tpu.vector_store %arg6[%swap3A_59], %swap3A_62 {strides = array<i32>} : memref<128xi32, #tpu.memory_space<vmem>>, vector<16xi32>,
      %get3A_63 = arith.index_cast %scan3A_8 : i32 to index
      %get3A_64 = arith.constant 112 : index
      %get3A_65 = tpu.vector_load %arg5[%get3A_63, %get3A_64] {strides = array<i32>} : memref<104x128xi32, #tpu.memory_space<vmem>>, vector<1x16xi32>,
      %get3A_66 = vector.shape_cast %get3A_65 : vector<1x16xi32> to vector<16xi32>
      %swap3A_67 = arith.constant 112 : index
      %swap3A_68 = tpu.vector_load %arg6[%swap3A_67] {strides = array<i32>} : memref<128xi32, #tpu.memory_space<vmem>>, vector<16xi32>,
      %swap3A_69 = vector.shape_cast %swap3A_68 : vector<16xi32> to vector<16xi32>
      %swap3A_70 = vector.shape_cast %get3A_66 : vector<16xi32> to vector<16xi32>
      tpu.vector_store %arg6[%swap3A_67], %swap3A_70 {strides = array<i32>} : memref<128xi32, #tpu.memory_space<vmem>>, vector<16xi32>,
      %dma_start3A = arith.constant 0 : i32
      %dma_start3A_71 = arith.constant 0 : i32
      %dma_start3A_72 = tpu.memref_slice %arg3[%dma_start3A, %dma_start3A_71] : memref<2600208x128xf32, #tpu.memory_space<hbm>> -> memref<2600208x128xf32, #tpu.memory_space<hbm>>
      tpu.enqueue_indirect_dma source(%dma_start3A_72 : memref<2600208x128xf32, #tpu.memory_space<hbm>>) target(%arg7 : memref<128x128xf32, #tpu.memory_space<vmem>>) offsets(%arg6 : memref<128xi32, #tpu.memory_space<vmem>>) semaphore(%arg9 : memref<!tpu.dma_semaphore, #tpu.memory_space<semaphore_mem>>)
      %dma_wait3A = arith.constant 0 : i32
      %dma_wait3A_73 = arith.constant 0 : i32
      %dma_wait3A_74 = tpu.memref_slice %arg3[%dma_wait3A, %dma_wait3A_73] : memref<2600208x128xf32, #tpu.memory_space<hbm>> -> memref<2600208x128xf32, #tpu.memory_space<hbm>>
      tpu.wait_indirect_dma semaphore(%arg9 : memref<!tpu.dma_semaphore, #tpu.memory_space<semaphore_mem>>) src(%dma_wait3A_74 : memref<2600208x128xf32, #tpu.memory_space<hbm>>) dst(%arg7 : memref<128x128xf32, #tpu.memory_space<vmem>>)
      %get3A_75 = arith.constant 0 : i32
      %get3A_76 = arith.index_cast %get3A_75 : i32 to index
      %get3A_77 = arith.constant 0 : index
      %get3A_78 = tpu.vector_load %arg7[%get3A_76, %get3A_77] {strides = array<i32>} : memref<128x128xf32, #tpu.memory_space<vmem>>, vector<1x16xf32>,
      %get3A_79 = vector.shape_cast %get3A_78 : vector<1x16xf32> to vector<16xf32>
      %swap3A_80 = arith.constant 0 : i32
      %swap3A_81 = arith.index_cast %swap3A_80 : i32 to index
      %swap3A_82 = arith.constant 0 : index
      %swap3A_83 = tpu.vector_load %arg8[%swap3A_81, %swap3A_82] {strides = array<i32>} : memref<32x128xf32, #tpu.memory_space<vmem>>, vector<1x16xf32>,
      %swap3A_84 = vector.shape_cast %swap3A_83 : vector<1x16xf32> to vector<16xf32>
      %swap3A_85 = vector.shape_cast %get3A_79 : vector<16xf32> to vector<1x16xf32>
      tpu.vector_store %arg8[%swap3A_81, %swap3A_82], %swap3A_85 {strides = array<i32>} : memref<32x128xf32, #tpu.memory_space<vmem>>, vector<1x16xf32>,
      %get3A_86 = arith.constant 0 : i32
      %get3A_87 = arith.index_cast %get3A_86 : i32 to index
      %get3A_88 = arith.constant 16 : index
      %get3A_89 = tpu.vector_load %arg7[%get3A_87, %get3A_88] {strides = array<i32>} : memref<128x128xf32, #tpu.memory_space<vmem>>, vector<1x16xf32>,
      %get3A_90 = vector.shape_cast %get3A_89 : vector<1x16xf32> to vector<16xf32>
      %swap3A_91 = arith.constant 0 : i32
      %swap3A_92 = arith.index_cast %swap3A_91 : i32 to index
      %swap3A_93 = arith.constant 16 : index
      %swap3A_94 = tpu.vector_load %arg8[%swap3A_92, %swap3A_93] {strides = array<i32>} : memref<32x128xf32, #tpu.memory_space<vmem>>, vector<1x16xf32>,
      %swap3A_95 = vector.shape_cast %swap3A_94 : vector<1x16xf32> to vector<16xf32>
      %swap3A_96 = vector.shape_cast %get3A_90 : vector<16xf32> to vector<1x16xf32>
      tpu.vector_store %arg8[%swap3A_92, %swap3A_93], %swap3A_96 {strides = array<i32>} : memref<32x128xf32, #tpu.memory_space<vmem>>, vector<1x16xf32>,
      %get3A_97 = arith.constant 1 : i32
      %get3A_98 = arith.index_cast %get3A_97 : i32 to index
      %get3A_99 = arith.constant 0 : index
      %get3A_100 = tpu.vector_load %arg7[%get3A_98, %get3A_99] {strides = array<i32>} : memref<128x128xf32, #tpu.memory_space<vmem>>, vector<1x16xf32>,
      %get3A_101 = vector.shape_cast %get3A_100 : vector<1x16xf32> to vector<16xf32>
      %swap3A_102 = arith.constant 0 : i32
      %swap3A_103 = arith.index_cast %swap3A_102 : i32 to index
      %swap3A_104 = arith.constant 32 : index
      %swap3A_105 = tpu.vector_load %arg8[%swap3A_103, %swap3A_104] {strides = array<i32>} : memref<32x128xf32, #tpu.memory_space<vmem>>, vector<1x16xf32>,
      %swap3A_106 = vector.shape_cast %swap3A_105 : vector<1x16xf32> to vector<16xf32>
      %swap3A_107 = vector.shape_cast %get3A_101 : vector<16xf32> to vector<1x16xf32>
      tpu.vector_store %arg8[%swap3A_103, %swap3A_104], %swap3A_107 {strides = array<i32>} : memref<32x128xf32, #tpu.memory_space<vmem>>, vector<1x16xf32>,
      %get3A_108 = arith.constant 1 : i32
      %get3A_109 = arith.index_cast %get3A_108 : i32 to index
      %get3A_110 = arith.constant 16 : index
      %get3A_111 = tpu.vector_load %arg7[%get3A_109, %get3A_110] {strides = array<i32>} : memref<128x128xf32, #tpu.memory_space<vmem>>, vector<1x16xf32>,
      %get3A_112 = vector.shape_cast %get3A_111 : vector<1x16xf32> to vector<16xf32>
      %swap3A_113 = arith.constant 0 : i32
      %swap3A_114 = arith.index_cast %swap3A_113 : i32 to index
      %swap3A_115 = arith.constant 48 : index
      %swap3A_116 = tpu.vector_load %arg8[%swap3A_114, %swap3A_115] {strides = array<i32>} : memref<32x128xf32, #tpu.memory_space<vmem>>, vector<1x16xf32>,
      %swap3A_117 = vector.shape_cast %swap3A_116 : vector<1x16xf32> to vector<16xf32>
      %swap3A_118 = vector.shape_cast %get3A_112 : vector<16xf32> to vector<1x16xf32>
      tpu.vector_store %arg8[%swap3A_114, %swap3A_115], %swap3A_118 {strides = array<i32>} : memref<32x128xf32, #tpu.memory_space<vmem>>, vector<1x16xf32>,
      %get3A_119 = arith.constant 2 : i32
      %get3A_120 = arith.index_cast %get3A_119 : i32 to index
      %get3A_121 = arith.constant 0 : index
      %get3A_122 = tpu.vector_load %arg7[%get3A_120, %get3A_121] {strides = array<i32>} : memref<128x128xf32, #tpu.memory_space<vmem>>, vector<1x16xf32>,
      %get3A_123 = vector.shape_cast %get3A_122 : vector<1x16xf32> to vector<16xf32>
      %swap3A_124 = arith.constant 0 : i32
      %swap3A_125 = arith.index_cast %swap3A_124 : i32 to index
      %swap3A_126 = arith.constant 64 : index
      %swap3A_127 = tpu.vector_load %arg8[%swap3A_125, %swap3A_126] {strides = array<i32>} : memref<32x128xf32, #tpu.memory_space<vmem>>, vector<1x16xf32>,
      %swap3A_128 = vector.shape_cast %swap3A_127 : vector<1x16xf32> to vector<16xf32>
      %swap3A_129 = vector.shape_cast %get3A_123 : vector<16xf32> to vector<1x16xf32>
      tpu.vector_store %arg8[%swap3A_125, %swap3A_126], %swap3A_129 {strides = array<i32>} : memref<32x128xf32, #tpu.memory_space<vmem>>, vector<1x16xf32>,
      %get3A_130 = arith.constant 2 : i32
      %get3A_131 = arith.index_cast %get3A_130 : i32 to index
      %get3A_132 = arith.constant 16 : index
      %get3A_133 = tpu.vector_load %arg7[%get3A_131, %get3A_132] {strides = array<i32>} : memref<128x128xf32, #tpu.memory_space<vmem>>, vector<1x16xf32>,
      %get3A_134 = vector.shape_cast %get3A_133 : vector<1x16xf32> to vector<16xf32>
      %swap3A_135 = arith.constant 0 : i32
      %swap3A_136 = arith.index_cast %swap3A_135 : i32 to index
      %swap3A_137 = arith.constant 80 : index
      %swap3A_138 = tpu.vector_load %arg8[%swap3A_136, %swap3A_137] {strides = array<i32>} : memref<32x128xf32, #tpu.memory_space<vmem>>, vector<1x16xf32>,
      %swap3A_139 = vector.shape_cast %swap3A_138 : vector<1x16xf32> to vector<16xf32>
      %swap3A_140 = vector.shape_cast %get3A_134 : vector<16xf32> to vector<1x16xf32>
      tpu.vector_store %arg8[%swap3A_136, %swap3A_137], %swap3A_140 {strides = array<i32>} : memref<32x128xf32, #tpu.memory_space<vmem>>, vector<1x16xf32>,
      %get3A_141 = arith.constant 3 : i32
      %get3A_142 = arith.index_cast %get3A_141 : i32 to index
      %get3A_143 = arith.constant 0 : index
      %get3A_144 = tpu.vector_load %arg7[%get3A_142, %get3A_143] {strides = array<i32>} : memref<128x128xf32, #tpu.memory_space<vmem>>, vector<1x16xf32>,
      %get3A_145 = vector.shape_cast %get3A_144 : vector<1x16xf32> to vector<16xf32>
      %swap3A_146 = arith.constant 0 : i32
      %swap3A_147 = arith.index_cast %swap3A_146 : i32 to index
      %swap3A_148 = arith.constant 96 : index
      %swap3A_149 = tpu.vector_load %arg8[%swap3A_147, %swap3A_148] {strides = array<i32>} : memref<32x128xf32, #tpu.memory_space<vmem>>, vector<1x16xf32>,
      %swap3A_150 = vector.shape_cast %swap3A_149 : vector<1x16xf32> to vector<16xf32>
      %swap3A_151 = vector.shape_cast %get3A_145 : vector<16xf32> to vector<1x16xf32>
      tpu.vector_store %arg8[%swap3A_147, %swap3A_148], %swap3A_151 {strides = array<i32>} : memref<32x128xf32, #tpu.memory_space<vmem>>, vector<1x16xf32>,
      %get3A_152 = arith.constant 3 : i32
      %get3A_153 = arith.index_cast %get3A_152 : i32 to index
      %get3A_154 = arith.constant 16 : index
      %get3A_155 = tpu.vector_load %arg7[%get3A_153, %get3A_154] {strides = array<i32>} : memref<128x128xf32, #tpu.memory_space<vmem>>, vector<1x16xf32>,
      %get3A_156 = vector.shape_cast %get3A_155 : vector<1x16xf32> to vector<16xf32>
      %swap3A_157 = arith.constant 0 : i32
      %swap3A_158 = arith.index_cast %swap3A_157 : i32 to index
      %swap3A_159 = arith.constant 112 : index
      %swap3A_160 = tpu.vector_load %arg8[%swap3A_158, %swap3A_159] {strides = array<i32>} : memref<32x128xf32, #tpu.memory_space<vmem>>, vector<1x16xf32>,
      %swap3A_161 = vector.shape_cast %swap3A_160 : vector<1x16xf32> to vector<16xf32>
      %swap3A_162 = vector.shape_cast %get3A_156 : vector<16xf32> to vector<1x16xf32>
      tpu.vector_store %arg8[%swap3A_158, %swap3A_159], %swap3A_162 {strides = array<i32>} : memref<32x128xf32, #tpu.memory_space<vmem>>, vector<1x16xf32>,
      %get3A_163 = arith.constant 4 : i32
      %get3A_164 = arith.index_cast %get3A_163 : i32 to index
      %get3A_165 = arith.constant 0 : index
      %get3A_166 = tpu.vector_load %arg7[%get3A_164, %get3A_165] {strides = array<i32>} : memref<128x128xf32, #tpu.memory_space<vmem>>, vector<1x16xf32>,
      %get3A_167 = vector.shape_cast %get3A_166 : vector<1x16xf32> to vector<16xf32>
      %swap3A_168 = arith.constant 1 : i32
      %swap3A_169 = arith.index_cast %swap3A_168 : i32 to index
      %swap3A_170 = arith.constant 0 : index
      %swap3A_171 = tpu.vector_load %arg8[%swap3A_169, %swap3A_170] {strides = array<i32>} : memref<32x128xf32, #tpu.memory_space<vmem>>, vector<1x16xf32>,
      %swap3A_172 = vector.shape_cast %swap3A_171 : vector<1x16xf32> to vector<16xf32>
      %swap3A_173 = vector.shape_cast %get3A_167 : vector<16xf32> to vector<1x16xf32>
      tpu.vector_store %arg8[%swap3A_169, %swap3A_170], %swap3A_173 {strides = array<i32>} : memref<32x128xf32, #tpu.memory_space<vmem>>, vector<1x16xf32>,
      %get3A_174 = arith.constant 4 : i32
      %get3A_175 = arith.index_cast %get3A_174 : i32 to index
      %get3A_176 = arith.constant 16 : index
      %get3A_177 = tpu.vector_load %arg7[%get3A_175, %get3A_176] {strides = array<i32>} : memref<128x128xf32, #tpu.memory_space<vmem>>, vector<1x16xf32>,
      %get3A_178 = vector.shape_cast %get3A_177 : vector<1x16xf32> to vector<16xf32>
      %swap3A_179 = arith.constant 1 : i32
      %swap3A_180 = arith.index_cast %swap3A_179 : i32 to index
      %swap3A_181 = arith.constant 16 : index
      %swap3A_182 = tpu.vector_load %arg8[%swap3A_180, %swap3A_181] {strides = array<i32>} : memref<32x128xf32, #tpu.memory_space<vmem>>, vector<1x16xf32>,
      %swap3A_183 = vector.shape_cast %swap3A_182 : vector<1x16xf32> to vector<16xf32>
      %swap3A_184 = vector.shape_cast %get3A_178 : vector<16xf32> to vector<1x16xf32>
      tpu.vector_store %arg8[%swap3A_180, %swap3A_181], %swap3A_184 {strides = array<i32>} : memref<32x128xf32, #tpu.memory_space<vmem>>, vector<1x16xf32>,
      %get3A_185 = arith.constant 5 : i32
      %get3A_186 = arith.index_cast %get3A_185 : i32 to index
      %get3A_187 = arith.constant 0 : index
      %get3A_188 = tpu.vector_load %arg7[%get3A_186, %get3A_187] {strides = array<i32>} : memref<128x128xf32, #tpu.memory_space<vmem>>, vector<1x16xf32>,
      %get3A_189 = vector.shape_cast %get3A_188 : vector<1x16xf32> to vector<16xf32>
      %swap3A_190 = arith.constant 1 : i32
      %swap3A_191 = arith.index_cast %swap3A_190 : i32 to index
      %swap3A_192 = arith.constant 32 : index
      %swap3A_193 = tpu.vector_load %arg8[%swap3A_191, %swap3A_192] {strides = array<i32>} : memref<32x128xf32, #tpu.memory_space<vmem>>, vector<1x16xf32>,
      %swap3A_194 = vector.shape_cast %swap3A_193 : vector<1x16xf32> to vector<16xf32>
      %swap3A_195 = vector.shape_cast %get3A_189 : vector<16xf32> to vector<1x16xf32>
      tpu.vector_store %arg8[%swap3A_191, %swap3A_192], %swap3A_195 {strides = array<i32>} : memref<32x128xf32, #tpu.memory_space<vmem>>, vector<1x16xf32>,
      %get3A_196 = arith.constant 5 : i32
      %get3A_197 = arith.index_cast %get3A_196 : i32 to index
      %get3A_198 = arith.constant 16 : index
      %get3A_199 = tpu.vector_load %arg7[%get3A_197, %get3A_198] {strides = array<i32>} : memref<128x128xf32, #tpu.memory_space<vmem>>, vector<1x16xf32>,
      %get3A_200 = vector.shape_cast %get3A_199 : vector<1x16xf32> to vector<16xf32>
      %swap3A_201 = arith.constant 1 : i32
      %swap3A_202 = arith.index_cast %swap3A_201 : i32 to index
      %swap3A_203 = arith.constant 48 : index
      %swap3A_204 = tpu.vector_load %arg8[%swap3A_202, %swap3A_203] {strides = array<i32>} : memref<32x128xf32, #tpu.memory_space<vmem>>, vector<1x16xf32>,
      %swap3A_205 = vector.shape_cast %swap3A_204 : vector<1x16xf32> to vector<16xf32>
      %swap3A_206 = vector.shape_cast %get3A_200 : vector<16xf32> to vector<1x16xf32>
      tpu.vector_store %arg8[%swap3A_202, %swap3A_203], %swap3A_206 {strides = array<i32>} : memref<32x128xf32, #tpu.memory_space<vmem>>, vector<1x16xf32>,
      %get3A_207 = arith.constant 6 : i32
      %get3A_208 = arith.index_cast %get3A_207 : i32 to index
      %get3A_209 = arith.constant 0 : index
      %get3A_210 = tpu.vector_load %arg7[%get3A_208, %get3A_209] {strides = array<i32>} : memref<128x128xf32, #tpu.memory_space<vmem>>, vector<1x16xf32>,
      %get3A_211 = vector.shape_cast %get3A_210 : vector<1x16xf32> to vector<16xf32>
      %swap3A_212 = arith.constant 1 : i32
      %swap3A_213 = arith.index_cast %swap3A_212 : i32 to index
      %swap3A_214 = arith.constant 64 : index
      %swap3A_215 = tpu.vector_load %arg8[%swap3A_213, %swap3A_214] {strides = array<i32>} : memref<32x128xf32, #tpu.memory_space<vmem>>, vector<1x16xf32>,
      %swap3A_216 = vector.shape_cast %swap3A_215 : vector<1x16xf32> to vector<16xf32>
      %swap3A_217 = vector.shape_cast %get3A_211 : vector<16xf32> to vector<1x16xf32>
      tpu.vector_store %arg8[%swap3A_213, %swap3A_214], %swap3A_217 {strides = array<i32>} : memref<32x128xf32, #tpu.memory_space<vmem>>, vector<1x16xf32>,
      %get3A_218 = arith.constant 6 : i32
      %get3A_219 = arith.index_cast %get3A_218 : i32 to index
      %get3A_220 = arith.constant 16 : index
      %get3A_221 = tpu.vector_load %arg7[%get3A_219, %get3A_220] {strides = array<i32>} : memref<128x128xf32, #tpu.memory_space<vmem>>, vector<1x16xf32>,
      %get3A_222 = vector.shape_cast %get3A_221 : vector<1x16xf32> to vector<16xf32>
      %swap3A_223 = arith.constant 1 : i32
      %swap3A_224 = arith.index_cast %swap3A_223 : i32 to index
      %swap3A_225 = arith.constant 80 : index
      %swap3A_226 = tpu.vector_load %arg8[%swap3A_224, %swap3A_225] {strides = array<i32>} : memref<32x128xf32, #tpu.memory_space<vmem>>, vector<1x16xf32>,
      %swap3A_227 = vector.shape_cast %swap3A_226 : vector<1x16xf32> to vector<16xf32>
      %swap3A_228 = vector.shape_cast %get3A_222 : vector<16xf32> to vector<1x16xf32>
      tpu.vector_store %arg8[%swap3A_224, %swap3A_225], %swap3A_228 {strides = array<i32>} : memref<32x128xf32, #tpu.memory_space<vmem>>, vector<1x16xf32>,
      %get3A_229 = arith.constant 7 : i32
      %get3A_230 = arith.index_cast %get3A_229 : i32 to index
      %get3A_231 = arith.constant 0 : index
      %get3A_232 = tpu.vector_load %arg7[%get3A_230, %get3A_231] {strides = array<i32>} : memref<128x128xf32, #tpu.memory_space<vmem>>, vector<1x16xf32>,
      %get3A_233 = vector.shape_cast %get3A_232 : vector<1x16xf32> to vector<16xf32>
      %swap3A_234 = arith.constant 1 : i32
      %swap3A_235 = arith.index_cast %swap3A_234 : i32 to index
      %swap3A_236 = arith.constant 96 : index
      %swap3A_237 = tpu.vector_load %arg8[%swap3A_235, %swap3A_236] {strides = array<i32>} : memref<32x128xf32, #tpu.memory_space<vmem>>, vector<1x16xf32>,
      %swap3A_238 = vector.shape_cast %swap3A_237 : vector<1x16xf32> to vector<16xf32>
      %swap3A_239 = vector.shape_cast %get3A_233 : vector<16xf32> to vector<1x16xf32>
      tpu.vector_store %arg8[%swap3A_235, %swap3A_236], %swap3A_239 {strides = array<i32>} : memref<32x128xf32, #tpu.memory_space<vmem>>, vector<1x16xf32>,
      %get3A_240 = arith.constant 7 : i32
      %get3A_241 = arith.index_cast %get3A_240 : i32 to index
      %get3A_242 = arith.constant 16 : index
      %get3A_243 = tpu.vector_load %arg7[%get3A_241, %get3A_242] {strides = array<i32>} : memref<128x128xf32, #tpu.memory_space<vmem>>, vector<1x16xf32>,
      %get3A_244 = vector.shape_cast %get3A_243 : vector<1x16xf32> to vector<16xf32>
      %swap3A_245 = arith.constant 1 : i32
      %swap3A_246 = arith.index_cast %swap3A_245 : i32 to index
      %swap3A_247 = arith.constant 112 : index
      %swap3A_248 = tpu.vector_load %arg8[%swap3A_246, %swap3A_247] {strides = array<i32>} : memref<32x128xf32, #tpu.memory_space<vmem>>, vector<1x16xf32>,
      %swap3A_249 = vector.shape_cast %swap3A_248 : vector<1x16xf32> to vector<16xf32>
      %swap3A_250 = vector.shape_cast %get3A_244 : vector<16xf32> to vector<1x16xf32>
      tpu.vector_store %arg8[%swap3A_246, %swap3A_247], %swap3A_250 {strides = array<i32>} : memref<32x128xf32, #tpu.memory_space<vmem>>, vector<1x16xf32>,
      %get3A_251 = arith.constant 8 : i32
      %get3A_252 = arith.index_cast %get3A_251 : i32 to index
      %get3A_253 = arith.constant 0 : index
      %get3A_254 = tpu.vector_load %arg7[%get3A_252, %get3A_253] {strides = array<i32>} : memref<128x128xf32, #tpu.memory_space<vmem>>, vector<1x16xf32>,
      %get3A_255 = vector.shape_cast %get3A_254 : vector<1x16xf32> to vector<16xf32>
      %swap3A_256 = arith.constant 2 : i32
      %swap3A_257 = arith.index_cast %swap3A_256 : i32 to index
      %swap3A_258 = arith.constant 0 : index
      %swap3A_259 = tpu.vector_load %arg8[%swap3A_257, %swap3A_258] {strides = array<i32>} : memref<32x128xf32, #tpu.memory_space<vmem>>, vector<1x16xf32>,
      %swap3A_260 = vector.shape_cast %swap3A_259 : vector<1x16xf32> to vector<16xf32>
      %swap3A_261 = vector.shape_cast %get3A_255 : vector<16xf32> to vector<1x16xf32>
      tpu.vector_store %arg8[%swap3A_257, %swap3A_258], %swap3A_261 {strides = array<i32>} : memref<32x128xf32, #tpu.memory_space<vmem>>, vector<1x16xf32>,
      %get3A_262 = arith.constant 8 : i32
      %get3A_263 = arith.index_cast %get3A_262 : i32 to index
      %get3A_264 = arith.constant 16 : index
      %get3A_265 = tpu.vector_load %arg7[%get3A_263, %get3A_264] {strides = array<i32>} : memref<128x128xf32, #tpu.memory_space<vmem>>, vector<1x16xf32>,
      %get3A_266 = vector.shape_cast %get3A_265 : vector<1x16xf32> to vector<16xf32>
      %swap3A_267 = arith.constant 2 : i32
      %swap3A_268 = arith.index_cast %swap3A_267 : i32 to index
      %swap3A_269 = arith.constant 16 : index
      %swap3A_270 = tpu.vector_load %arg8[%swap3A_268, %swap3A_269] {strides = array<i32>} : memref<32x128xf32, #tpu.memory_space<vmem>>, vector<1x16xf32>,
      %swap3A_271 = vector.shape_cast %swap3A_270 : vector<1x16xf32> to vector<16xf32>
      %swap3A_272 = vector.shape_cast %get3A_266 : vector<16xf32> to vector<1x16xf32>
      tpu.vector_store %arg8[%swap3A_268, %swap3A_269], %swap3A_272 {strides = array<i32>} : memref<32x128xf32, #tpu.memory_space<vmem>>, vector<1x16xf32>,
      %get3A_273 = arith.constant 9 : i32
      %get3A_274 = arith.index_cast %get3A_273 : i32 to index
      %get3A_275 = arith.constant 0 : index
      %get3A_276 = tpu.vector_load %arg7[%get3A_274, %get3A_275] {strides = array<i32>} : memref<128x128xf32, #tpu.memory_space<vmem>>, vector<1x16xf32>,
      %get3A_277 = vector.shape_cast %get3A_276 : vector<1x16xf32> to vector<16xf32>
      %swap3A_278 = arith.constant 2 : i32
      %swap3A_279 = arith.index_cast %swap3A_278 : i32 to index
      %swap3A_280 = arith.constant 32 : index
      %swap3A_281 = tpu.vector_load %arg8[%swap3A_279, %swap3A_280] {strides = array<i32>} : memref<32x128xf32, #tpu.memory_space<vmem>>, vector<1x16xf32>,
      %swap3A_282 = vector.shape_cast %swap3A_281 : vector<1x16xf32> to vector<16xf32>
      %swap3A_283 = vector.shape_cast %get3A_277 : vector<16xf32> to vector<1x16xf32>
      tpu.vector_store %arg8[%swap3A_279, %swap3A_280], %swap3A_283 {strides = array<i32>} : memref<32x128xf32, #tpu.memory_space<vmem>>, vector<1x16xf32>,
      %get3A_284 = arith.constant 9 : i32
      %get3A_285 = arith.index_cast %get3A_284 : i32 to index
      %get3A_286 = arith.constant 16 : index
      %get3A_287 = tpu.vector_load %arg7[%get3A_285, %get3A_286] {strides = array<i32>} : memref<128x128xf32, #tpu.memory_space<vmem>>, vector<1x16xf32>,
      %get3A_288 = vector.shape_cast %get3A_287 : vector<1x16xf32> to vector<16xf32>
      %swap3A_289 = arith.constant 2 : i32
      %swap3A_290 = arith.index_cast %swap3A_289 : i32 to index
      %swap3A_291 = arith.constant 48 : index
      %swap3A_292 = tpu.vector_load %arg8[%swap3A_290, %swap3A_291] {strides = array<i32>} : memref<32x128xf32, #tpu.memory_space<vmem>>, vector<1x16xf32>,
      %swap3A_293 = vector.shape_cast %swap3A_292 : vector<1x16xf32> to vector<16xf32>
      %swap3A_294 = vector.shape_cast %get3A_288 : vector<16xf32> to vector<1x16xf32>
      tpu.vector_store %arg8[%swap3A_290, %swap3A_291], %swap3A_294 {strides = array<i32>} : memref<32x128xf32, #tpu.memory_space<vmem>>, vector<1x16xf32>,
      %get3A_295 = arith.constant 10 : i32
      %get3A_296 = arith.index_cast %get3A_295 : i32 to index
      %get3A_297 = arith.constant 0 : index
      %get3A_298 = tpu.vector_load %arg7[%get3A_296, %get3A_297] {strides = array<i32>} : memref<128x128xf32, #tpu.memory_space<vmem>>, vector<1x16xf32>,
      %get3A_299 = vector.shape_cast %get3A_298 : vector<1x16xf32> to vector<16xf32>
      %swap3A_300 = arith.constant 2 : i32
      %swap3A_301 = arith.index_cast %swap3A_300 : i32 to index
      %swap3A_302 = arith.constant 64 : index
      %swap3A_303 = tpu.vector_load %arg8[%swap3A_301, %swap3A_302] {strides = array<i32>} : memref<32x128xf32, #tpu.memory_space<vmem>>, vector<1x16xf32>,
      %swap3A_304 = vector.shape_cast %swap3A_303 : vector<1x16xf32> to vector<16xf32>
      %swap3A_305 = vector.shape_cast %get3A_299 : vector<16xf32> to vector<1x16xf32>
      tpu.vector_store %arg8[%swap3A_301, %swap3A_302], %swap3A_305 {strides = array<i32>} : memref<32x128xf32, #tpu.memory_space<vmem>>, vector<1x16xf32>,
      %get3A_306 = arith.constant 10 : i32
      %get3A_307 = arith.index_cast %get3A_306 : i32 to index
      %get3A_308 = arith.constant 16 : index
      %get3A_309 = tpu.vector_load %arg7[%get3A_307, %get3A_308] {strides = array<i32>} : memref<128x128xf32, #tpu.memory_space<vmem>>, vector<1x16xf32>,
      %get3A_310 = vector.shape_cast %get3A_309 : vector<1x16xf32> to vector<16xf32>
      %swap3A_311 = arith.constant 2 : i32
      %swap3A_312 = arith.index_cast %swap3A_311 : i32 to index
      %swap3A_313 = arith.constant 80 : index
      %swap3A_314 = tpu.vector_load %arg8[%swap3A_312, %swap3A_313] {strides = array<i32>} : memref<32x128xf32, #tpu.memory_space<vmem>>, vector<1x16xf32>,
      %swap3A_315 = vector.shape_cast %swap3A_314 : vector<1x16xf32> to vector<16xf32>
      %swap3A_316 = vector.shape_cast %get3A_310 : vector<16xf32> to vector<1x16xf32>
      tpu.vector_store %arg8[%swap3A_312, %swap3A_313], %swap3A_316 {strides = array<i32>} : memref<32x128xf32, #tpu.memory_space<vmem>>, vector<1x16xf32>,
      %get3A_317 = arith.constant 11 : i32
      %get3A_318 = arith.index_cast %get3A_317 : i32 to index
      %get3A_319 = arith.constant 0 : index
      %get3A_320 = tpu.vector_load %arg7[%get3A_318, %get3A_319] {strides = array<i32>} : memref<128x128xf32, #tpu.memory_space<vmem>>, vector<1x16xf32>,
      %get3A_321 = vector.shape_cast %get3A_320 : vector<1x16xf32> to vector<16xf32>
      %swap3A_322 = arith.constant 2 : i32
      %swap3A_323 = arith.index_cast %swap3A_322 : i32 to index
      %swap3A_324 = arith.constant 96 : index
      %swap3A_325 = tpu.vector_load %arg8[%swap3A_323, %swap3A_324] {strides = array<i32>} : memref<32x128xf32, #tpu.memory_space<vmem>>, vector<1x16xf32>,
      %swap3A_326 = vector.shape_cast %swap3A_325 : vector<1x16xf32> to vector<16xf32>
      %swap3A_327 = vector.shape_cast %get3A_321 : vector<16xf32> to vector<1x16xf32>
      tpu.vector_store %arg8[%swap3A_323, %swap3A_324], %swap3A_327 {strides = array<i32>} : memref<32x128xf32, #tpu.memory_space<vmem>>, vector<1x16xf32>,
      %get3A_328 = arith.constant 11 : i32
      %get3A_329 = arith.index_cast %get3A_328 : i32 to index
      %get3A_330 = arith.constant 16 : index
      %get3A_331 = tpu.vector_load %arg7[%get3A_329, %get3A_330] {strides = array<i32>} : memref<128x128xf32, #tpu.memory_space<vmem>>, vector<1x16xf32>,
      %get3A_332 = vector.shape_cast %get3A_331 : vector<1x16xf32> to vector<16xf32>
      %swap3A_333 = arith.constant 2 : i32
      %swap3A_334 = arith.index_cast %swap3A_333 : i32 to index
      %swap3A_335 = arith.constant 112 : index
      %swap3A_336 = tpu.vector_load %arg8[%swap3A_334, %swap3A_335] {strides = array<i32>} : memref<32x128xf32, #tpu.memory_space<vmem>>, vector<1x16xf32>,
      %swap3A_337 = vector.shape_cast %swap3A_336 : vector<1x16xf32> to vector<16xf32>
      %swap3A_338 = vector.shape_cast %get3A_332 : vector<16xf32> to vector<1x16xf32>
      tpu.vector_store %arg8[%swap3A_334, %swap3A_335], %swap3A_338 {strides = array<i32>} : memref<32x128xf32, #tpu.memory_space<vmem>>, vector<1x16xf32>,
      %get3A_339 = arith.constant 12 : i32
      %get3A_340 = arith.index_cast %get3A_339 : i32 to index
      %get3A_341 = arith.constant 0 : index
      %get3A_342 = tpu.vector_load %arg7[%get3A_340, %get3A_341] {strides = array<i32>} : memref<128x128xf32, #tpu.memory_space<vmem>>, vector<1x16xf32>,
      %get3A_343 = vector.shape_cast %get3A_342 : vector<1x16xf32> to vector<16xf32>
      %swap3A_344 = arith.constant 3 : i32
      %swap3A_345 = arith.index_cast %swap3A_344 : i32 to index
      %swap3A_346 = arith.constant 0 : index
      %swap3A_347 = tpu.vector_load %arg8[%swap3A_345, %swap3A_346] {strides = array<i32>} : memref<32x128xf32, #tpu.memory_space<vmem>>, vector<1x16xf32>,
      %swap3A_348 = vector.shape_cast %swap3A_347 : vector<1x16xf32> to vector<16xf32>
      %swap3A_349 = vector.shape_cast %get3A_343 : vector<16xf32> to vector<1x16xf32>
      tpu.vector_store %arg8[%swap3A_345, %swap3A_346], %swap3A_349 {strides = array<i32>} : memref<32x128xf32, #tpu.memory_space<vmem>>, vector<1x16xf32>,
      %get3A_350 = arith.constant 12 : i32
      %get3A_351 = arith.index_cast %get3A_350 : i32 to index
      %get3A_352 = arith.constant 16 : index
      %get3A_353 = tpu.vector_load %arg7[%get3A_351, %get3A_352] {strides = array<i32>} : memref<128x128xf32, #tpu.memory_space<vmem>>, vector<1x16xf32>,
      %get3A_354 = vector.shape_cast %get3A_353 : vector<1x16xf32> to vector<16xf32>
      %swap3A_355 = arith.constant 3 : i32
      %swap3A_356 = arith.index_cast %swap3A_355 : i32 to index
      %swap3A_357 = arith.constant 16 : index
      %swap3A_358 = tpu.vector_load %arg8[%swap3A_356, %swap3A_357] {strides = array<i32>} : memref<32x128xf32, #tpu.memory_space<vmem>>, vector<1x16xf32>,
      %swap3A_359 = vector.shape_cast %swap3A_358 : vector<1x16xf32> to vector<16xf32>
      %swap3A_360 = vector.shape_cast %get3A_354 : vector<16xf32> to vector<1x16xf32>
      tpu.vector_store %arg8[%swap3A_356, %swap3A_357], %swap3A_360 {strides = array<i32>} : memref<32x128xf32, #tpu.memory_space<vmem>>, vector<1x16xf32>,
      %get3A_361 = arith.constant 13 : i32
      %get3A_362 = arith.index_cast %get3A_361 : i32 to index
      %get3A_363 = arith.constant 0 : index
      %get3A_364 = tpu.vector_load %arg7[%get3A_362, %get3A_363] {strides = array<i32>} : memref<128x128xf32, #tpu.memory_space<vmem>>, vector<1x16xf32>,
      %get3A_365 = vector.shape_cast %get3A_364 : vector<1x16xf32> to vector<16xf32>
      %swap3A_366 = arith.constant 3 : i32
      %swap3A_367 = arith.index_cast %swap3A_366 : i32 to index
      %swap3A_368 = arith.constant 32 : index
      %swap3A_369 = tpu.vector_load %arg8[%swap3A_367, %swap3A_368] {strides = array<i32>} : memref<32x128xf32, #tpu.memory_space<vmem>>, vector<1x16xf32>,
      %swap3A_370 = vector.shape_cast %swap3A_369 : vector<1x16xf32> to vector<16xf32>
      %swap3A_371 = vector.shape_cast %get3A_365 : vector<16xf32> to vector<1x16xf32>
      tpu.vector_store %arg8[%swap3A_367, %swap3A_368], %swap3A_371 {strides = array<i32>} : memref<32x128xf32, #tpu.memory_space<vmem>>, vector<1x16xf32>,
      %get3A_372 = arith.constant 13 : i32
      %get3A_373 = arith.index_cast %get3A_372 : i32 to index
      %get3A_374 = arith.constant 16 : index
      %get3A_375 = tpu.vector_load %arg7[%get3A_373, %get3A_374] {strides = array<i32>} : memref<128x128xf32, #tpu.memory_space<vmem>>, vector<1x16xf32>,
      %get3A_376 = vector.shape_cast %get3A_375 : vector<1x16xf32> to vector<16xf32>
      %swap3A_377 = arith.constant 3 : i32
      %swap3A_378 = arith.index_cast %swap3A_377 : i32 to index
      %swap3A_379 = arith.constant 48 : index
      %swap3A_380 = tpu.vector_load %arg8[%swap3A_378, %swap3A_379] {strides = array<i32>} : memref<32x128xf32, #tpu.memory_space<vmem>>, vector<1x16xf32>,
      %swap3A_381 = vector.shape_cast %swap3A_380 : vector<1x16xf32> to vector<16xf32>
      %swap3A_382 = vector.shape_cast %get3A_376 : vector<16xf32> to vector<1x16xf32>
      tpu.vector_store %arg8[%swap3A_378, %swap3A_379], %swap3A_382 {strides = array<i32>} : memref<32x128xf32, #tpu.memory_space<vmem>>, vector<1x16xf32>,
      %get3A_383 = arith.constant 14 : i32
      %get3A_384 = arith.index_cast %get3A_383 : i32 to index
      %get3A_385 = arith.constant 0 : index
      %get3A_386 = tpu.vector_load %arg7[%get3A_384, %get3A_385] {strides = array<i32>} : memref<128x128xf32, #tpu.memory_space<vmem>>, vector<1x16xf32>,
      %get3A_387 = vector.shape_cast %get3A_386 : vector<1x16xf32> to vector<16xf32>
      %swap3A_388 = arith.constant 3 : i32
      %swap3A_389 = arith.index_cast %swap3A_388 : i32 to index
      %swap3A_390 = arith.constant 64 : index
      %swap3A_391 = tpu.vector_load %arg8[%swap3A_389, %swap3A_390] {strides = array<i32>} : memref<32x128xf32, #tpu.memory_space<vmem>>, vector<1x16xf32>,
      %swap3A_392 = vector.shape_cast %swap3A_391 : vector<1x16xf32> to vector<16xf32>
      %swap3A_393 = vector.shape_cast %get3A_387 : vector<16xf32> to vector<1x16xf32>
      tpu.vector_store %arg8[%swap3A_389, %swap3A_390], %swap3A_393 {strides = array<i32>} : memref<32x128xf32, #tpu.memory_space<vmem>>, vector<1x16xf32>,
      %get3A_394 = arith.constant 14 : i32
      %get3A_395 = arith.index_cast %get3A_394 : i32 to index
      %get3A_396 = arith.constant 16 : index
      %get3A_397 = tpu.vector_load %arg7[%get3A_395, %get3A_396] {strides = array<i32>} : memref<128x128xf32, #tpu.memory_space<vmem>>, vector<1x16xf32>,
      %get3A_398 = vector.shape_cast %get3A_397 : vector<1x16xf32> to vector<16xf32>
      %swap3A_399 = arith.constant 3 : i32
      %swap3A_400 = arith.index_cast %swap3A_399 : i32 to index
      %swap3A_401 = arith.constant 80 : index
      %swap3A_402 = tpu.vector_load %arg8[%swap3A_400, %swap3A_401] {strides = array<i32>} : memref<32x128xf32, #tpu.memory_space<vmem>>, vector<1x16xf32>,
      %swap3A_403 = vector.shape_cast %swap3A_402 : vector<1x16xf32> to vector<16xf32>
      %swap3A_404 = vector.shape_cast %get3A_398 : vector<16xf32> to vector<1x16xf32>
      tpu.vector_store %arg8[%swap3A_400, %swap3A_401], %swap3A_404 {strides = array<i32>} : memref<32x128xf32, #tpu.memory_space<vmem>>, vector<1x16xf32>,
      %get3A_405 = arith.constant 15 : i32
      %get3A_406 = arith.index_cast %get3A_405 : i32 to index
      %get3A_407 = arith.constant 0 : index
      %get3A_408 = tpu.vector_load %arg7[%get3A_406, %get3A_407] {strides = array<i32>} : memref<128x128xf32, #tpu.memory_space<vmem>>, vector<1x16xf32>,
      %get3A_409 = vector.shape_cast %get3A_408 : vector<1x16xf32> to vector<16xf32>
      %swap3A_410 = arith.constant 3 : i32
      %swap3A_411 = arith.index_cast %swap3A_410 : i32 to index
      %swap3A_412 = arith.constant 96 : index
      %swap3A_413 = tpu.vector_load %arg8[%swap3A_411, %swap3A_412] {strides = array<i32>} : memref<32x128xf32, #tpu.memory_space<vmem>>, vector<1x16xf32>,
      %swap3A_414 = vector.shape_cast %swap3A_413 : vector<1x16xf32> to vector<16xf32>
      %swap3A_415 = vector.shape_cast %get3A_409 : vector<16xf32> to vector<1x16xf32>
      tpu.vector_store %arg8[%swap3A_411, %swap3A_412], %swap3A_415 {strides = array<i32>} : memref<32x128xf32, #tpu.memory_space<vmem>>, vector<1x16xf32>,
      %get3A_416 = arith.constant 15 : i32
      %get3A_417 = arith.index_cast %get3A_416 : i32 to index
      %get3A_418 = arith.constant 16 : index
      %get3A_419 = tpu.vector_load %arg7[%get3A_417, %get3A_418] {strides = array<i32>} : memref<128x128xf32, #tpu.memory_space<vmem>>, vector<1x16xf32>,
      %get3A_420 = vector.shape_cast %get3A_419 : vector<1x16xf32> to vector<16xf32>
      %swap3A_421 = arith.constant 3 : i32
      %swap3A_422 = arith.index_cast %swap3A_421 : i32 to index
      %swap3A_423 = arith.constant 112 : index
      %swap3A_424 = tpu.vector_load %arg8[%swap3A_422, %swap3A_423] {strides = array<i32>} : memref<32x128xf32, #tpu.memory_space<vmem>>, vector<1x16xf32>,
      %swap3A_425 = vector.shape_cast %swap3A_424 : vector<1x16xf32> to vector<16xf32>
      %swap3A_426 = vector.shape_cast %get3A_420 : vector<16xf32> to vector<1x16xf32>
      tpu.vector_store %arg8[%swap3A_422, %swap3A_423], %swap3A_426 {strides = array<i32>} : memref<32x128xf32, #tpu.memory_space<vmem>>, vector<1x16xf32>,
      %get3A_427 = arith.constant 16 : i32
      %get3A_428 = arith.index_cast %get3A_427 : i32 to index
      %get3A_429 = arith.constant 0 : index
      %get3A_430 = tpu.vector_load %arg7[%get3A_428, %get3A_429] {strides = array<i32>} : memref<128x128xf32, #tpu.memory_space<vmem>>, vector<1x16xf32>,
      %get3A_431 = vector.shape_cast %get3A_430 : vector<1x16xf32> to vector<16xf32>
      %swap3A_432 = arith.constant 4 : i32
      %swap3A_433 = arith.index_cast %swap3A_432 : i32 to index
      %swap3A_434 = arith.constant 0 : index
      %swap3A_435 = tpu.vector_load %arg8[%swap3A_433, %swap3A_434] {strides = array<i32>} : memref<32x128xf32, #tpu.memory_space<vmem>>, vector<1x16xf32>,
      %swap3A_436 = vector.shape_cast %swap3A_435 : vector<1x16xf32> to vector<16xf32>
      %swap3A_437 = vector.shape_cast %get3A_431 : vector<16xf32> to vector<1x16xf32>
      tpu.vector_store %arg8[%swap3A_433, %swap3A_434], %swap3A_437 {strides = array<i32>} : memref<32x128xf32, #tpu.memory_space<vmem>>, vector<1x16xf32>,
      %get3A_438 = arith.constant 16 : i32
      %get3A_439 = arith.index_cast %get3A_438 : i32 to index
      %get3A_440 = arith.constant 16 : index
      %get3A_441 = tpu.vector_load %arg7[%get3A_439, %get3A_440] {strides = array<i32>} : memref<128x128xf32, #tpu.memory_space<vmem>>, vector<1x16xf32>,
      %get3A_442 = vector.shape_cast %get3A_441 : vector<1x16xf32> to vector<16xf32>
      %swap3A_443 = arith.constant 4 : i32
      %swap3A_444 = arith.index_cast %swap3A_443 : i32 to index
      %swap3A_445 = arith.constant 16 : index
      %swap3A_446 = tpu.vector_load %arg8[%swap3A_444, %swap3A_445] {strides = array<i32>} : memref<32x128xf32, #tpu.memory_space<vmem>>, vector<1x16xf32>,
      %swap3A_447 = vector.shape_cast %swap3A_446 : vector<1x16xf32> to vector<16xf32>
      %swap3A_448 = vector.shape_cast %get3A_442 : vector<16xf32> to vector<1x16xf32>
      tpu.vector_store %arg8[%swap3A_444, %swap3A_445], %swap3A_448 {strides = array<i32>} : memref<32x128xf32, #tpu.memory_space<vmem>>, vector<1x16xf32>,
      %get3A_449 = arith.constant 17 : i32
      %get3A_450 = arith.index_cast %get3A_449 : i32 to index
      %get3A_451 = arith.constant 0 : index
      %get3A_452 = tpu.vector_load %arg7[%get3A_450, %get3A_451] {strides = array<i32>} : memref<128x128xf32, #tpu.memory_space<vmem>>, vector<1x16xf32>,
      %get3A_453 = vector.shape_cast %get3A_452 : vector<1x16xf32> to vector<16xf32>
      %swap3A_454 = arith.constant 4 : i32
      %swap3A_455 = arith.index_cast %swap3A_454 : i32 to index
      %swap3A_456 = arith.constant 32 : index
      %swap3A_457 = tpu.vector_load %arg8[%swap3A_455, %swap3A_456] {strides = array<i32>} : memref<32x128xf32, #tpu.memory_space<vmem>>, vector<1x16xf32>,
      %swap3A_458 = vector.shape_cast %swap3A_457 : vector<1x16xf32> to vector<16xf32>
      %swap3A_459 = vector.shape_cast %get3A_453 : vector<16xf32> to vector<1x16xf32>
      tpu.vector_store %arg8[%swap3A_455, %swap3A_456], %swap3A_459 {strides = array<i32>} : memref<32x128xf32, #tpu.memory_space<vmem>>, vector<1x16xf32>,
      %get3A_460 = arith.constant 17 : i32
      %get3A_461 = arith.index_cast %get3A_460 : i32 to index
      %get3A_462 = arith.constant 16 : index
      %get3A_463 = tpu.vector_load %arg7[%get3A_461, %get3A_462] {strides = array<i32>} : memref<128x128xf32, #tpu.memory_space<vmem>>, vector<1x16xf32>,
      %get3A_464 = vector.shape_cast %get3A_463 : vector<1x16xf32> to vector<16xf32>
      %swap3A_465 = arith.constant 4 : i32
      %swap3A_466 = arith.index_cast %swap3A_465 : i32 to index
      %swap3A_467 = arith.constant 48 : index
      %swap3A_468 = tpu.vector_load %arg8[%swap3A_466, %swap3A_467] {strides = array<i32>} : memref<32x128xf32, #tpu.memory_space<vmem>>, vector<1x16xf32>,
      %swap3A_469 = vector.shape_cast %swap3A_468 : vector<1x16xf32> to vector<16xf32>
      %swap3A_470 = vector.shape_cast %get3A_464 : vector<16xf32> to vector<1x16xf32>
      tpu.vector_store %arg8[%swap3A_466, %swap3A_467], %swap3A_470 {strides = array<i32>} : memref<32x128xf32, #tpu.memory_space<vmem>>, vector<1x16xf32>,
      %get3A_471 = arith.constant 18 : i32
      %get3A_472 = arith.index_cast %get3A_471 : i32 to index
      %get3A_473 = arith.constant 0 : index
      %get3A_474 = tpu.vector_load %arg7[%get3A_472, %get3A_473] {strides = array<i32>} : memref<128x128xf32, #tpu.memory_space<vmem>>, vector<1x16xf32>,
      %get3A_475 = vector.shape_cast %get3A_474 : vector<1x16xf32> to vector<16xf32>
      %swap3A_476 = arith.constant 4 : i32
      %swap3A_477 = arith.index_cast %swap3A_476 : i32 to index
      %swap3A_478 = arith.constant 64 : index
      %swap3A_479 = tpu.vector_load %arg8[%swap3A_477, %swap3A_478] {strides = array<i32>} : memref<32x128xf32, #tpu.memory_space<vmem>>, vector<1x16xf32>,
      %swap3A_480 = vector.shape_cast %swap3A_479 : vector<1x16xf32> to vector<16xf32>
      %swap3A_481 = vector.shape_cast %get3A_475 : vector<16xf32> to vector<1x16xf32>
      tpu.vector_store %arg8[%swap3A_477, %swap3A_478], %swap3A_481 {strides = array<i32>} : memref<32x128xf32, #tpu.memory_space<vmem>>, vector<1x16xf32>,
      %get3A_482 = arith.constant 18 : i32
      %get3A_483 = arith.index_cast %get3A_482 : i32 to index
      %get3A_484 = arith.constant 16 : index
      %get3A_485 = tpu.vector_load %arg7[%get3A_483, %get3A_484] {strides = array<i32>} : memref<128x128xf32, #tpu.memory_space<vmem>>, vector<1x16xf32>,
      %get3A_486 = vector.shape_cast %get3A_485 : vector<1x16xf32> to vector<16xf32>
      %swap3A_487 = arith.constant 4 : i32
      %swap3A_488 = arith.index_cast %swap3A_487 : i32 to index
      %swap3A_489 = arith.constant 80 : index
      %swap3A_490 = tpu.vector_load %arg8[%swap3A_488, %swap3A_489] {strides = array<i32>} : memref<32x128xf32, #tpu.memory_space<vmem>>, vector<1x16xf32>,
      %swap3A_491 = vector.shape_cast %swap3A_490 : vector<1x16xf32> to vector<16xf32>
      %swap3A_492 = vector.shape_cast %get3A_486 : vector<16xf32> to vector<1x16xf32>
      tpu.vector_store %arg8[%swap3A_488, %swap3A_489], %swap3A_492 {strides = array<i32>} : memref<32x128xf32, #tpu.memory_space<vmem>>, vector<1x16xf32>,
      %get3A_493 = arith.constant 19 : i32
      %get3A_494 = arith.index_cast %get3A_493 : i32 to index
      %get3A_495 = arith.constant 0 : index
      %get3A_496 = tpu.vector_load %arg7[%get3A_494, %get3A_495] {strides = array<i32>} : memref<128x128xf32, #tpu.memory_space<vmem>>, vector<1x16xf32>,
      %get3A_497 = vector.shape_cast %get3A_496 : vector<1x16xf32> to vector<16xf32>
      %swap3A_498 = arith.constant 4 : i32
      %swap3A_499 = arith.index_cast %swap3A_498 : i32 to index
      %swap3A_500 = arith.constant 96 : index
      %swap3A_501 = tpu.vector_load %arg8[%swap3A_499, %swap3A_500] {strides = array<i32>} : memref<32x128xf32, #tpu.memory_space<vmem>>, vector<1x16xf32>,
      %swap3A_502 = vector.shape_cast %swap3A_501 : vector<1x16xf32> to vector<16xf32>
      %swap3A_503 = vector.shape_cast %get3A_497 : vector<16xf32> to vector<1x16xf32>
      tpu.vector_store %arg8[%swap3A_499, %swap3A_500], %swap3A_503 {strides = array<i32>} : memref<32x128xf32, #tpu.memory_space<vmem>>, vector<1x16xf32>,
      %get3A_504 = arith.constant 19 : i32
      %get3A_505 = arith.index_cast %get3A_504 : i32 to index
      %get3A_506 = arith.constant 16 : index
      %get3A_507 = tpu.vector_load %arg7[%get3A_505, %get3A_506] {strides = array<i32>} : memref<128x128xf32, #tpu.memory_space<vmem>>, vector<1x16xf32>,
      %get3A_508 = vector.shape_cast %get3A_507 : vector<1x16xf32> to vector<16xf32>
      %swap3A_509 = arith.constant 4 : i32
      %swap3A_510 = arith.index_cast %swap3A_509 : i32 to index
      %swap3A_511 = arith.constant 112 : index
      %swap3A_512 = tpu.vector_load %arg8[%swap3A_510, %swap3A_511] {strides = array<i32>} : memref<32x128xf32, #tpu.memory_space<vmem>>, vector<1x16xf32>,
      %swap3A_513 = vector.shape_cast %swap3A_512 : vector<1x16xf32> to vector<16xf32>
      %swap3A_514 = vector.shape_cast %get3A_508 : vector<16xf32> to vector<1x16xf32>
      tpu.vector_store %arg8[%swap3A_510, %swap3A_511], %swap3A_514 {strides = array<i32>} : memref<32x128xf32, #tpu.memory_space<vmem>>, vector<1x16xf32>,
      %get3A_515 = arith.constant 20 : i32
      %get3A_516 = arith.index_cast %get3A_515 : i32 to index
      %get3A_517 = arith.constant 0 : index
      %get3A_518 = tpu.vector_load %arg7[%get3A_516, %get3A_517] {strides = array<i32>} : memref<128x128xf32, #tpu.memory_space<vmem>>, vector<1x16xf32>,
      %get3A_519 = vector.shape_cast %get3A_518 : vector<1x16xf32> to vector<16xf32>
      %swap3A_520 = arith.constant 5 : i32
      %swap3A_521 = arith.index_cast %swap3A_520 : i32 to index
      %swap3A_522 = arith.constant 0 : index
      %swap3A_523 = tpu.vector_load %arg8[%swap3A_521, %swap3A_522] {strides = array<i32>} : memref<32x128xf32, #tpu.memory_space<vmem>>, vector<1x16xf32>,
      %swap3A_524 = vector.shape_cast %swap3A_523 : vector<1x16xf32> to vector<16xf32>
      %swap3A_525 = vector.shape_cast %get3A_519 : vector<16xf32> to vector<1x16xf32>
      tpu.vector_store %arg8[%swap3A_521, %swap3A_522], %swap3A_525 {strides = array<i32>} : memref<32x128xf32, #tpu.memory_space<vmem>>, vector<1x16xf32>,
      %get3A_526 = arith.constant 20 : i32
      %get3A_527 = arith.index_cast %get3A_526 : i32 to index
      %get3A_528 = arith.constant 16 : index
      %get3A_529 = tpu.vector_load %arg7[%get3A_527, %get3A_528] {strides = array<i32>} : memref<128x128xf32, #tpu.memory_space<vmem>>, vector<1x16xf32>,
      %get3A_530 = vector.shape_cast %get3A_529 : vector<1x16xf32> to vector<16xf32>
      %swap3A_531 = arith.constant 5 : i32
      %swap3A_532 = arith.index_cast %swap3A_531 : i32 to index
      %swap3A_533 = arith.constant 16 : index
      %swap3A_534 = tpu.vector_load %arg8[%swap3A_532, %swap3A_533] {strides = array<i32>} : memref<32x128xf32, #tpu.memory_space<vmem>>, vector<1x16xf32>,
      %swap3A_535 = vector.shape_cast %swap3A_534 : vector<1x16xf32> to vector<16xf32>
      %swap3A_536 = vector.shape_cast %get3A_530 : vector<16xf32> to vector<1x16xf32>
      tpu.vector_store %arg8[%swap3A_532, %swap3A_533], %swap3A_536 {strides = array<i32>} : memref<32x128xf32, #tpu.memory_space<vmem>>, vector<1x16xf32>,
      %get3A_537 = arith.constant 21 : i32
      %get3A_538 = arith.index_cast %get3A_537 : i32 to index
      %get3A_539 = arith.constant 0 : index
      %get3A_540 = tpu.vector_load %arg7[%get3A_538, %get3A_539] {strides = array<i32>} : memref<128x128xf32, #tpu.memory_space<vmem>>, vector<1x16xf32>,
      %get3A_541 = vector.shape_cast %get3A_540 : vector<1x16xf32> to vector<16xf32>
      %swap3A_542 = arith.constant 5 : i32
      %swap3A_543 = arith.index_cast %swap3A_542 : i32 to index
      %swap3A_544 = arith.constant 32 : index
      %swap3A_545 = tpu.vector_load %arg8[%swap3A_543, %swap3A_544] {strides = array<i32>} : memref<32x128xf32, #tpu.memory_space<vmem>>, vector<1x16xf32>,
      %swap3A_546 = vector.shape_cast %swap3A_545 : vector<1x16xf32> to vector<16xf32>
      %swap3A_547 = vector.shape_cast %get3A_541 : vector<16xf32> to vector<1x16xf32>
      tpu.vector_store %arg8[%swap3A_543, %swap3A_544], %swap3A_547 {strides = array<i32>} : memref<32x128xf32, #tpu.memory_space<vmem>>, vector<1x16xf32>,
      %get3A_548 = arith.constant 21 : i32
      %get3A_549 = arith.index_cast %get3A_548 : i32 to index
      %get3A_550 = arith.constant 16 : index
      %get3A_551 = tpu.vector_load %arg7[%get3A_549, %get3A_550] {strides = array<i32>} : memref<128x128xf32, #tpu.memory_space<vmem>>, vector<1x16xf32>,
      %get3A_552 = vector.shape_cast %get3A_551 : vector<1x16xf32> to vector<16xf32>
      %swap3A_553 = arith.constant 5 : i32
      %swap3A_554 = arith.index_cast %swap3A_553 : i32 to index
      %swap3A_555 = arith.constant 48 : index
      %swap3A_556 = tpu.vector_load %arg8[%swap3A_554, %swap3A_555] {strides = array<i32>} : memref<32x128xf32, #tpu.memory_space<vmem>>, vector<1x16xf32>,
      %swap3A_557 = vector.shape_cast %swap3A_556 : vector<1x16xf32> to vector<16xf32>
      %swap3A_558 = vector.shape_cast %get3A_552 : vector<16xf32> to vector<1x16xf32>
      tpu.vector_store %arg8[%swap3A_554, %swap3A_555], %swap3A_558 {strides = array<i32>} : memref<32x128xf32, #tpu.memory_space<vmem>>, vector<1x16xf32>,
      %get3A_559 = arith.constant 22 : i32
      %get3A_560 = arith.index_cast %get3A_559 : i32 to index
      %get3A_561 = arith.constant 0 : index
      %get3A_562 = tpu.vector_load %arg7[%get3A_560, %get3A_561] {strides = array<i32>} : memref<128x128xf32, #tpu.memory_space<vmem>>, vector<1x16xf32>,
      %get3A_563 = vector.shape_cast %get3A_562 : vector<1x16xf32> to vector<16xf32>
      %swap3A_564 = arith.constant 5 : i32
      %swap3A_565 = arith.index_cast %swap3A_564 : i32 to index
      %swap3A_566 = arith.constant 64 : index
      %swap3A_567 = tpu.vector_load %arg8[%swap3A_565, %swap3A_566] {strides = array<i32>} : memref<32x128xf32, #tpu.memory_space<vmem>>, vector<1x16xf32>,
      %swap3A_568 = vector.shape_cast %swap3A_567 : vector<1x16xf32> to vector<16xf32>
      %swap3A_569 = vector.shape_cast %get3A_563 : vector<16xf32> to vector<1x16xf32>
      tpu.vector_store %arg8[%swap3A_565, %swap3A_566], %swap3A_569 {strides = array<i32>} : memref<32x128xf32, #tpu.memory_space<vmem>>, vector<1x16xf32>,
      %get3A_570 = arith.constant 22 : i32
      %get3A_571 = arith.index_cast %get3A_570 : i32 to index
      %get3A_572 = arith.constant 16 : index
      %get3A_573 = tpu.vector_load %arg7[%get3A_571, %get3A_572] {strides = array<i32>} : memref<128x128xf32, #tpu.memory_space<vmem>>, vector<1x16xf32>,
      %get3A_574 = vector.shape_cast %get3A_573 : vector<1x16xf32> to vector<16xf32>
      %swap3A_575 = arith.constant 5 : i32
      %swap3A_576 = arith.index_cast %swap3A_575 : i32 to index
      %swap3A_577 = arith.constant 80 : index
      %swap3A_578 = tpu.vector_load %arg8[%swap3A_576, %swap3A_577] {strides = array<i32>} : memref<32x128xf32, #tpu.memory_space<vmem>>, vector<1x16xf32>,
      %swap3A_579 = vector.shape_cast %swap3A_578 : vector<1x16xf32> to vector<16xf32>
      %swap3A_580 = vector.shape_cast %get3A_574 : vector<16xf32> to vector<1x16xf32>
      tpu.vector_store %arg8[%swap3A_576, %swap3A_577], %swap3A_580 {strides = array<i32>} : memref<32x128xf32, #tpu.memory_space<vmem>>, vector<1x16xf32>,
      %get3A_581 = arith.constant 23 : i32
      %get3A_582 = arith.index_cast %get3A_581 : i32 to index
      %get3A_583 = arith.constant 0 : index
      %get3A_584 = tpu.vector_load %arg7[%get3A_582, %get3A_583] {strides = array<i32>} : memref<128x128xf32, #tpu.memory_space<vmem>>, vector<1x16xf32>,
      %get3A_585 = vector.shape_cast %get3A_584 : vector<1x16xf32> to vector<16xf32>
      %swap3A_586 = arith.constant 5 : i32
      %swap3A_587 = arith.index_cast %swap3A_586 : i32 to index
      %swap3A_588 = arith.constant 96 : index
      %swap3A_589 = tpu.vector_load %arg8[%swap3A_587, %swap3A_588] {strides = array<i32>} : memref<32x128xf32, #tpu.memory_space<vmem>>, vector<1x16xf32>,
      %swap3A_590 = vector.shape_cast %swap3A_589 : vector<1x16xf32> to vector<16xf32>
      %swap3A_591 = vector.shape_cast %get3A_585 : vector<16xf32> to vector<1x16xf32>
      tpu.vector_store %arg8[%swap3A_587, %swap3A_588], %swap3A_591 {strides = array<i32>} : memref<32x128xf32, #tpu.memory_space<vmem>>, vector<1x16xf32>,
      %get3A_592 = arith.constant 23 : i32
      %get3A_593 = arith.index_cast %get3A_592 : i32 to index
      %get3A_594 = arith.constant 16 : index
      %get3A_595 = tpu.vector_load %arg7[%get3A_593, %get3A_594] {strides = array<i32>} : memref<128x128xf32, #tpu.memory_space<vmem>>, vector<1x16xf32>,
      %get3A_596 = vector.shape_cast %get3A_595 : vector<1x16xf32> to vector<16xf32>
      %swap3A_597 = arith.constant 5 : i32
      %swap3A_598 = arith.index_cast %swap3A_597 : i32 to index
      %swap3A_599 = arith.constant 112 : index
      %swap3A_600 = tpu.vector_load %arg8[%swap3A_598, %swap3A_599] {strides = array<i32>} : memref<32x128xf32, #tpu.memory_space<vmem>>, vector<1x16xf32>,
      %swap3A_601 = vector.shape_cast %swap3A_600 : vector<1x16xf32> to vector<16xf32>
      %swap3A_602 = vector.shape_cast %get3A_596 : vector<16xf32> to vector<1x16xf32>
      tpu.vector_store %arg8[%swap3A_598, %swap3A_599], %swap3A_602 {strides = array<i32>} : memref<32x128xf32, #tpu.memory_space<vmem>>, vector<1x16xf32>,
      %get3A_603 = arith.constant 24 : i32
      %get3A_604 = arith.index_cast %get3A_603 : i32 to index
      %get3A_605 = arith.constant 0 : index
      %get3A_606 = tpu.vector_load %arg7[%get3A_604, %get3A_605] {strides = array<i32>} : memref<128x128xf32, #tpu.memory_space<vmem>>, vector<1x16xf32>,
      %get3A_607 = vector.shape_cast %get3A_606 : vector<1x16xf32> to vector<16xf32>
      %swap3A_608 = arith.constant 6 : i32
      %swap3A_609 = arith.index_cast %swap3A_608 : i32 to index
      %swap3A_610 = arith.constant 0 : index
      %swap3A_611 = tpu.vector_load %arg8[%swap3A_609, %swap3A_610] {strides = array<i32>} : memref<32x128xf32, #tpu.memory_space<vmem>>, vector<1x16xf32>,
      %swap3A_612 = vector.shape_cast %swap3A_611 : vector<1x16xf32> to vector<16xf32>
      %swap3A_613 = vector.shape_cast %get3A_607 : vector<16xf32> to vector<1x16xf32>
      tpu.vector_store %arg8[%swap3A_609, %swap3A_610], %swap3A_613 {strides = array<i32>} : memref<32x128xf32, #tpu.memory_space<vmem>>, vector<1x16xf32>,
      %get3A_614 = arith.constant 24 : i32
      %get3A_615 = arith.index_cast %get3A_614 : i32 to index
      %get3A_616 = arith.constant 16 : index
      %get3A_617 = tpu.vector_load %arg7[%get3A_615, %get3A_616] {strides = array<i32>} : memref<128x128xf32, #tpu.memory_space<vmem>>, vector<1x16xf32>,
      %get3A_618 = vector.shape_cast %get3A_617 : vector<1x16xf32> to vector<16xf32>
      %swap3A_619 = arith.constant 6 : i32
      %swap3A_620 = arith.index_cast %swap3A_619 : i32 to index
      %swap3A_621 = arith.constant 16 : index
      %swap3A_622 = tpu.vector_load %arg8[%swap3A_620, %swap3A_621] {strides = array<i32>} : memref<32x128xf32, #tpu.memory_space<vmem>>, vector<1x16xf32>,
      %swap3A_623 = vector.shape_cast %swap3A_622 : vector<1x16xf32> to vector<16xf32>
      %swap3A_624 = vector.shape_cast %get3A_618 : vector<16xf32> to vector<1x16xf32>
      tpu.vector_store %arg8[%swap3A_620, %swap3A_621], %swap3A_624 {strides = array<i32>} : memref<32x128xf32, #tpu.memory_space<vmem>>, vector<1x16xf32>,
      %get3A_625 = arith.constant 25 : i32
      %get3A_626 = arith.index_cast %get3A_625 : i32 to index
      %get3A_627 = arith.constant 0 : index
      %get3A_628 = tpu.vector_load %arg7[%get3A_626, %get3A_627] {strides = array<i32>} : memref<128x128xf32, #tpu.memory_space<vmem>>, vector<1x16xf32>,
      %get3A_629 = vector.shape_cast %get3A_628 : vector<1x16xf32> to vector<16xf32>
      %swap3A_630 = arith.constant 6 : i32
      %swap3A_631 = arith.index_cast %swap3A_630 : i32 to index
      %swap3A_632 = arith.constant 32 : index
      %swap3A_633 = tpu.vector_load %arg8[%swap3A_631, %swap3A_632] {strides = array<i32>} : memref<32x128xf32, #tpu.memory_space<vmem>>, vector<1x16xf32>,
      %swap3A_634 = vector.shape_cast %swap3A_633 : vector<1x16xf32> to vector<16xf32>
      %swap3A_635 = vector.shape_cast %get3A_629 : vector<16xf32> to vector<1x16xf32>
      tpu.vector_store %arg8[%swap3A_631, %swap3A_632], %swap3A_635 {strides = array<i32>} : memref<32x128xf32, #tpu.memory_space<vmem>>, vector<1x16xf32>,
      %get3A_636 = arith.constant 25 : i32
      %get3A_637 = arith.index_cast %get3A_636 : i32 to index
      %get3A_638 = arith.constant 16 : index
      %get3A_639 = tpu.vector_load %arg7[%get3A_637, %get3A_638] {strides = array<i32>} : memref<128x128xf32, #tpu.memory_space<vmem>>, vector<1x16xf32>,
      %get3A_640 = vector.shape_cast %get3A_639 : vector<1x16xf32> to vector<16xf32>
      %swap3A_641 = arith.constant 6 : i32
      %swap3A_642 = arith.index_cast %swap3A_641 : i32 to index
      %swap3A_643 = arith.constant 48 : index
      %swap3A_644 = tpu.vector_load %arg8[%swap3A_642, %swap3A_643] {strides = array<i32>} : memref<32x128xf32, #tpu.memory_space<vmem>>, vector<1x16xf32>,
      %swap3A_645 = vector.shape_cast %swap3A_644 : vector<1x16xf32> to vector<16xf32>
      %swap3A_646 = vector.shape_cast %get3A_640 : vector<16xf32> to vector<1x16xf32>
      tpu.vector_store %arg8[%swap3A_642, %swap3A_643], %swap3A_646 {strides = array<i32>} : memref<32x128xf32, #tpu.memory_space<vmem>>, vector<1x16xf32>,
      %get3A_647 = arith.constant 26 : i32
      %get3A_648 = arith.index_cast %get3A_647 : i32 to index
      %get3A_649 = arith.constant 0 : index
      %get3A_650 = tpu.vector_load %arg7[%get3A_648, %get3A_649] {strides = array<i32>} : memref<128x128xf32, #tpu.memory_space<vmem>>, vector<1x16xf32>,
      %get3A_651 = vector.shape_cast %get3A_650 : vector<1x16xf32> to vector<16xf32>
      %swap3A_652 = arith.constant 6 : i32
      %swap3A_653 = arith.index_cast %swap3A_652 : i32 to index
      %swap3A_654 = arith.constant 64 : index
      %swap3A_655 = tpu.vector_load %arg8[%swap3A_653, %swap3A_654] {strides = array<i32>} : memref<32x128xf32, #tpu.memory_space<vmem>>, vector<1x16xf32>,
      %swap3A_656 = vector.shape_cast %swap3A_655 : vector<1x16xf32> to vector<16xf32>
      %swap3A_657 = vector.shape_cast %get3A_651 : vector<16xf32> to vector<1x16xf32>
      tpu.vector_store %arg8[%swap3A_653, %swap3A_654], %swap3A_657 {strides = array<i32>} : memref<32x128xf32, #tpu.memory_space<vmem>>, vector<1x16xf32>,
      %get3A_658 = arith.constant 26 : i32
      %get3A_659 = arith.index_cast %get3A_658 : i32 to index
      %get3A_660 = arith.constant 16 : index
      %get3A_661 = tpu.vector_load %arg7[%get3A_659, %get3A_660] {strides = array<i32>} : memref<128x128xf32, #tpu.memory_space<vmem>>, vector<1x16xf32>,
      %get3A_662 = vector.shape_cast %get3A_661 : vector<1x16xf32> to vector<16xf32>
      %swap3A_663 = arith.constant 6 : i32
      %swap3A_664 = arith.index_cast %swap3A_663 : i32 to index
      %swap3A_665 = arith.constant 80 : index
      %swap3A_666 = tpu.vector_load %arg8[%swap3A_664, %swap3A_665] {strides = array<i32>} : memref<32x128xf32, #tpu.memory_space<vmem>>, vector<1x16xf32>,
      %swap3A_667 = vector.shape_cast %swap3A_666 : vector<1x16xf32> to vector<16xf32>
      %swap3A_668 = vector.shape_cast %get3A_662 : vector<16xf32> to vector<1x16xf32>
      tpu.vector_store %arg8[%swap3A_664, %swap3A_665], %swap3A_668 {strides = array<i32>} : memref<32x128xf32, #tpu.memory_space<vmem>>, vector<1x16xf32>,
      %get3A_669 = arith.constant 27 : i32
      %get3A_670 = arith.index_cast %get3A_669 : i32 to index
      %get3A_671 = arith.constant 0 : index
      %get3A_672 = tpu.vector_load %arg7[%get3A_670, %get3A_671] {strides = array<i32>} : memref<128x128xf32, #tpu.memory_space<vmem>>, vector<1x16xf32>,
      %get3A_673 = vector.shape_cast %get3A_672 : vector<1x16xf32> to vector<16xf32>
      %swap3A_674 = arith.constant 6 : i32
      %swap3A_675 = arith.index_cast %swap3A_674 : i32 to index
      %swap3A_676 = arith.constant 96 : index
      %swap3A_677 = tpu.vector_load %arg8[%swap3A_675, %swap3A_676] {strides = array<i32>} : memref<32x128xf32, #tpu.memory_space<vmem>>, vector<1x16xf32>,
      %swap3A_678 = vector.shape_cast %swap3A_677 : vector<1x16xf32> to vector<16xf32>
      %swap3A_679 = vector.shape_cast %get3A_673 : vector<16xf32> to vector<1x16xf32>
      tpu.vector_store %arg8[%swap3A_675, %swap3A_676], %swap3A_679 {strides = array<i32>} : memref<32x128xf32, #tpu.memory_space<vmem>>, vector<1x16xf32>,
      %get3A_680 = arith.constant 27 : i32
      %get3A_681 = arith.index_cast %get3A_680 : i32 to index
      %get3A_682 = arith.constant 16 : index
      %get3A_683 = tpu.vector_load %arg7[%get3A_681, %get3A_682] {strides = array<i32>} : memref<128x128xf32, #tpu.memory_space<vmem>>, vector<1x16xf32>,
      %get3A_684 = vector.shape_cast %get3A_683 : vector<1x16xf32> to vector<16xf32>
      %swap3A_685 = arith.constant 6 : i32
      %swap3A_686 = arith.index_cast %swap3A_685 : i32 to index
      %swap3A_687 = arith.constant 112 : index
      %swap3A_688 = tpu.vector_load %arg8[%swap3A_686, %swap3A_687] {strides = array<i32>} : memref<32x128xf32, #tpu.memory_space<vmem>>, vector<1x16xf32>,
      %swap3A_689 = vector.shape_cast %swap3A_688 : vector<1x16xf32> to vector<16xf32>
      %swap3A_690 = vector.shape_cast %get3A_684 : vector<16xf32> to vector<1x16xf32>
      tpu.vector_store %arg8[%swap3A_686, %swap3A_687], %swap3A_690 {strides = array<i32>} : memref<32x128xf32, #tpu.memory_space<vmem>>, vector<1x16xf32>,
      %get3A_691 = arith.constant 28 : i32
      %get3A_692 = arith.index_cast %get3A_691 : i32 to index
      %get3A_693 = arith.constant 0 : index
      %get3A_694 = tpu.vector_load %arg7[%get3A_692, %get3A_693] {strides = array<i32>} : memref<128x128xf32, #tpu.memory_space<vmem>>, vector<1x16xf32>,
      %get3A_695 = vector.shape_cast %get3A_694 : vector<1x16xf32> to vector<16xf32>
      %swap3A_696 = arith.constant 7 : i32
      %swap3A_697 = arith.index_cast %swap3A_696 : i32 to index
      %swap3A_698 = arith.constant 0 : index
      %swap3A_699 = tpu.vector_load %arg8[%swap3A_697, %swap3A_698] {strides = array<i32>} : memref<32x128xf32, #tpu.memory_space<vmem>>, vector<1x16xf32>,
      %swap3A_700 = vector.shape_cast %swap3A_699 : vector<1x16xf32> to vector<16xf32>
      %swap3A_701 = vector.shape_cast %get3A_695 : vector<16xf32> to vector<1x16xf32>
      tpu.vector_store %arg8[%swap3A_697, %swap3A_698], %swap3A_701 {strides = array<i32>} : memref<32x128xf32, #tpu.memory_space<vmem>>, vector<1x16xf32>,
      %get3A_702 = arith.constant 28 : i32
      %get3A_703 = arith.index_cast %get3A_702 : i32 to index
      %get3A_704 = arith.constant 16 : index
      %get3A_705 = tpu.vector_load %arg7[%get3A_703, %get3A_704] {strides = array<i32>} : memref<128x128xf32, #tpu.memory_space<vmem>>, vector<1x16xf32>,
      %get3A_706 = vector.shape_cast %get3A_705 : vector<1x16xf32> to vector<16xf32>
      %swap3A_707 = arith.constant 7 : i32
      %swap3A_708 = arith.index_cast %swap3A_707 : i32 to index
      %swap3A_709 = arith.constant 16 : index
      %swap3A_710 = tpu.vector_load %arg8[%swap3A_708, %swap3A_709] {strides = array<i32>} : memref<32x128xf32, #tpu.memory_space<vmem>>, vector<1x16xf32>,
      %swap3A_711 = vector.shape_cast %swap3A_710 : vector<1x16xf32> to vector<16xf32>
      %swap3A_712 = vector.shape_cast %get3A_706 : vector<16xf32> to vector<1x16xf32>
      tpu.vector_store %arg8[%swap3A_708, %swap3A_709], %swap3A_712 {strides = array<i32>} : memref<32x128xf32, #tpu.memory_space<vmem>>, vector<1x16xf32>,
      %get3A_713 = arith.constant 29 : i32
      %get3A_714 = arith.index_cast %get3A_713 : i32 to index
      %get3A_715 = arith.constant 0 : index
      %get3A_716 = tpu.vector_load %arg7[%get3A_714, %get3A_715] {strides = array<i32>} : memref<128x128xf32, #tpu.memory_space<vmem>>, vector<1x16xf32>,
      %get3A_717 = vector.shape_cast %get3A_716 : vector<1x16xf32> to vector<16xf32>
      %swap3A_718 = arith.constant 7 : i32
      %swap3A_719 = arith.index_cast %swap3A_718 : i32 to index
      %swap3A_720 = arith.constant 32 : index
      %swap3A_721 = tpu.vector_load %arg8[%swap3A_719, %swap3A_720] {strides = array<i32>} : memref<32x128xf32, #tpu.memory_space<vmem>>, vector<1x16xf32>,
      %swap3A_722 = vector.shape_cast %swap3A_721 : vector<1x16xf32> to vector<16xf32>
      %swap3A_723 = vector.shape_cast %get3A_717 : vector<16xf32> to vector<1x16xf32>
      tpu.vector_store %arg8[%swap3A_719, %swap3A_720], %swap3A_723 {strides = array<i32>} : memref<32x128xf32, #tpu.memory_space<vmem>>, vector<1x16xf32>,
      %get3A_724 = arith.constant 29 : i32
      %get3A_725 = arith.index_cast %get3A_724 : i32 to index
      %get3A_726 = arith.constant 16 : index
      %get3A_727 = tpu.vector_load %arg7[%get3A_725, %get3A_726] {strides = array<i32>} : memref<128x128xf32, #tpu.memory_space<vmem>>, vector<1x16xf32>,
      %get3A_728 = vector.shape_cast %get3A_727 : vector<1x16xf32> to vector<16xf32>
      %swap3A_729 = arith.constant 7 : i32
      %swap3A_730 = arith.index_cast %swap3A_729 : i32 to index
      %swap3A_731 = arith.constant 48 : index
      %swap3A_732 = tpu.vector_load %arg8[%swap3A_730, %swap3A_731] {strides = array<i32>} : memref<32x128xf32, #tpu.memory_space<vmem>>, vector<1x16xf32>,
      %swap3A_733 = vector.shape_cast %swap3A_732 : vector<1x16xf32> to vector<16xf32>
      %swap3A_734 = vector.shape_cast %get3A_728 : vector<16xf32> to vector<1x16xf32>
      tpu.vector_store %arg8[%swap3A_730, %swap3A_731], %swap3A_734 {strides = array<i32>} : memref<32x128xf32, #tpu.memory_space<vmem>>, vector<1x16xf32>,
      %get3A_735 = arith.constant 30 : i32
      %get3A_736 = arith.index_cast %get3A_735 : i32 to index
      %get3A_737 = arith.constant 0 : index
      %get3A_738 = tpu.vector_load %arg7[%get3A_736, %get3A_737] {strides = array<i32>} : memref<128x128xf32, #tpu.memory_space<vmem>>, vector<1x16xf32>,
      %get3A_739 = vector.shape_cast %get3A_738 : vector<1x16xf32> to vector<16xf32>
      %swap3A_740 = arith.constant 7 : i32
      %swap3A_741 = arith.index_cast %swap3A_740 : i32 to index
      %swap3A_742 = arith.constant 64 : index
      %swap3A_743 = tpu.vector_load %arg8[%swap3A_741, %swap3A_742] {strides = array<i32>} : memref<32x128xf32, #tpu.memory_space<vmem>>, vector<1x16xf32>,
      %swap3A_744 = vector.shape_cast %swap3A_743 : vector<1x16xf32> to vector<16xf32>
      %swap3A_745 = vector.shape_cast %get3A_739 : vector<16xf32> to vector<1x16xf32>
      tpu.vector_store %arg8[%swap3A_741, %swap3A_742], %swap3A_745 {strides = array<i32>} : memref<32x128xf32, #tpu.memory_space<vmem>>, vector<1x16xf32>,
      %get3A_746 = arith.constant 30 : i32
      %get3A_747 = arith.index_cast %get3A_746 : i32 to index
      %get3A_748 = arith.constant 16 : index
      %get3A_749 = tpu.vector_load %arg7[%get3A_747, %get3A_748] {strides = array<i32>} : memref<128x128xf32, #tpu.memory_space<vmem>>, vector<1x16xf32>,
      %get3A_750 = vector.shape_cast %get3A_749 : vector<1x16xf32> to vector<16xf32>
      %swap3A_751 = arith.constant 7 : i32
      %swap3A_752 = arith.index_cast %swap3A_751 : i32 to index
      %swap3A_753 = arith.constant 80 : index
      %swap3A_754 = tpu.vector_load %arg8[%swap3A_752, %swap3A_753] {strides = array<i32>} : memref<32x128xf32, #tpu.memory_space<vmem>>, vector<1x16xf32>,
      %swap3A_755 = vector.shape_cast %swap3A_754 : vector<1x16xf32> to vector<16xf32>
      %swap3A_756 = vector.shape_cast %get3A_750 : vector<16xf32> to vector<1x16xf32>
      tpu.vector_store %arg8[%swap3A_752, %swap3A_753], %swap3A_756 {strides = array<i32>} : memref<32x128xf32, #tpu.memory_space<vmem>>, vector<1x16xf32>,
      %get3A_757 = arith.constant 31 : i32
      %get3A_758 = arith.index_cast %get3A_757 : i32 to index
      %get3A_759 = arith.constant 0 : index
      %get3A_760 = tpu.vector_load %arg7[%get3A_758, %get3A_759] {strides = array<i32>} : memref<128x128xf32, #tpu.memory_space<vmem>>, vector<1x16xf32>,
      %get3A_761 = vector.shape_cast %get3A_760 : vector<1x16xf32> to vector<16xf32>
      %swap3A_762 = arith.constant 7 : i32
      %swap3A_763 = arith.index_cast %swap3A_762 : i32 to index
      %swap3A_764 = arith.constant 96 : index
      %swap3A_765 = tpu.vector_load %arg8[%swap3A_763, %swap3A_764] {strides = array<i32>} : memref<32x128xf32, #tpu.memory_space<vmem>>, vector<1x16xf32>,
      %swap3A_766 = vector.shape_cast %swap3A_765 : vector<1x16xf32> to vector<16xf32>
      %swap3A_767 = vector.shape_cast %get3A_761 : vector<16xf32> to vector<1x16xf32>
      tpu.vector_store %arg8[%swap3A_763, %swap3A_764], %swap3A_767 {strides = array<i32>} : memref<32x128xf32, #tpu.memory_space<vmem>>, vector<1x16xf32>,
      %get3A_768 = arith.constant 31 : i32
      %get3A_769 = arith.index_cast %get3A_768 : i32 to index
      %get3A_770 = arith.constant 16 : index
      %get3A_771 = tpu.vector_load %arg7[%get3A_769, %get3A_770] {strides = array<i32>} : memref<128x128xf32, #tpu.memory_space<vmem>>, vector<1x16xf32>,
      %get3A_772 = vector.shape_cast %get3A_771 : vector<1x16xf32> to vector<16xf32>
      %swap3A_773 = arith.constant 7 : i32
      %swap3A_774 = arith.index_cast %swap3A_773 : i32 to index
      %swap3A_775 = arith.constant 112 : index
      %swap3A_776 = tpu.vector_load %arg8[%swap3A_774, %swap3A_775] {strides = array<i32>} : memref<32x128xf32, #tpu.memory_space<vmem>>, vector<1x16xf32>,
      %swap3A_777 = vector.shape_cast %swap3A_776 : vector<1x16xf32> to vector<16xf32>
      %swap3A_778 = vector.shape_cast %get3A_772 : vector<16xf32> to vector<1x16xf32>
      tpu.vector_store %arg8[%swap3A_774, %swap3A_775], %swap3A_778 {strides = array<i32>} : memref<32x128xf32, #tpu.memory_space<vmem>>, vector<1x16xf32>,
      %get3A_779 = arith.constant 32 : i32
      %get3A_780 = arith.index_cast %get3A_779 : i32 to index
      %get3A_781 = arith.constant 0 : index
      %get3A_782 = tpu.vector_load %arg7[%get3A_780, %get3A_781] {strides = array<i32>} : memref<128x128xf32, #tpu.memory_space<vmem>>, vector<1x16xf32>,
      %get3A_783 = vector.shape_cast %get3A_782 : vector<1x16xf32> to vector<16xf32>
      %swap3A_784 = arith.constant 8 : i32
      %swap3A_785 = arith.index_cast %swap3A_784 : i32 to index
      %swap3A_786 = arith.constant 0 : index
      %swap3A_787 = tpu.vector_load %arg8[%swap3A_785, %swap3A_786] {strides = array<i32>} : memref<32x128xf32, #tpu.memory_space<vmem>>, vector<1x16xf32>,
      %swap3A_788 = vector.shape_cast %swap3A_787 : vector<1x16xf32> to vector<16xf32>
      %swap3A_789 = vector.shape_cast %get3A_783 : vector<16xf32> to vector<1x16xf32>
      tpu.vector_store %arg8[%swap3A_785, %swap3A_786], %swap3A_789 {strides = array<i32>} : memref<32x128xf32, #tpu.memory_space<vmem>>, vector<1x16xf32>,
      %get3A_790 = arith.constant 32 : i32
      %get3A_791 = arith.index_cast %get3A_790 : i32 to index
      %get3A_792 = arith.constant 16 : index
      %get3A_793 = tpu.vector_load %arg7[%get3A_791, %get3A_792] {strides = array<i32>} : memref<128x128xf32, #tpu.memory_space<vmem>>, vector<1x16xf32>,
      %get3A_794 = vector.shape_cast %get3A_793 : vector<1x16xf32> to vector<16xf32>
      %swap3A_795 = arith.constant 8 : i32
      %swap3A_796 = arith.index_cast %swap3A_795 : i32 to index
      %swap3A_797 = arith.constant 16 : index
      %swap3A_798 = tpu.vector_load %arg8[%swap3A_796, %swap3A_797] {strides = array<i32>} : memref<32x128xf32, #tpu.memory_space<vmem>>, vector<1x16xf32>,
      %swap3A_799 = vector.shape_cast %swap3A_798 : vector<1x16xf32> to vector<16xf32>
      %swap3A_800 = vector.shape_cast %get3A_794 : vector<16xf32> to vector<1x16xf32>
      tpu.vector_store %arg8[%swap3A_796, %swap3A_797], %swap3A_800 {strides = array<i32>} : memref<32x128xf32, #tpu.memory_space<vmem>>, vector<1x16xf32>,
      %get3A_801 = arith.constant 33 : i32
      %get3A_802 = arith.index_cast %get3A_801 : i32 to index
      %get3A_803 = arith.constant 0 : index
      %get3A_804 = tpu.vector_load %arg7[%get3A_802, %get3A_803] {strides = array<i32>} : memref<128x128xf32, #tpu.memory_space<vmem>>, vector<1x16xf32>,
      %get3A_805 = vector.shape_cast %get3A_804 : vector<1x16xf32> to vector<16xf32>
      %swap3A_806 = arith.constant 8 : i32
      %swap3A_807 = arith.index_cast %swap3A_806 : i32 to index
      %swap3A_808 = arith.constant 32 : index
      %swap3A_809 = tpu.vector_load %arg8[%swap3A_807, %swap3A_808] {strides = array<i32>} : memref<32x128xf32, #tpu.memory_space<vmem>>, vector<1x16xf32>,
      %swap3A_810 = vector.shape_cast %swap3A_809 : vector<1x16xf32> to vector<16xf32>
      %swap3A_811 = vector.shape_cast %get3A_805 : vector<16xf32> to vector<1x16xf32>
      tpu.vector_store %arg8[%swap3A_807, %swap3A_808], %swap3A_811 {strides = array<i32>} : memref<32x128xf32, #tpu.memory_space<vmem>>, vector<1x16xf32>,
      %get3A_812 = arith.constant 33 : i32
      %get3A_813 = arith.index_cast %get3A_812 : i32 to index
      %get3A_814 = arith.constant 16 : index
      %get3A_815 = tpu.vector_load %arg7[%get3A_813, %get3A_814] {strides = array<i32>} : memref<128x128xf32, #tpu.memory_space<vmem>>, vector<1x16xf32>,
      %get3A_816 = vector.shape_cast %get3A_815 : vector<1x16xf32> to vector<16xf32>
      %swap3A_817 = arith.constant 8 : i32
      %swap3A_818 = arith.index_cast %swap3A_817 : i32 to index
      %swap3A_819 = arith.constant 48 : index
      %swap3A_820 = tpu.vector_load %arg8[%swap3A_818, %swap3A_819] {strides = array<i32>} : memref<32x128xf32, #tpu.memory_space<vmem>>, vector<1x16xf32>,
      %swap3A_821 = vector.shape_cast %swap3A_820 : vector<1x16xf32> to vector<16xf32>
      %swap3A_822 = vector.shape_cast %get3A_816 : vector<16xf32> to vector<1x16xf32>
      tpu.vector_store %arg8[%swap3A_818, %swap3A_819], %swap3A_822 {strides = array<i32>} : memref<32x128xf32, #tpu.memory_space<vmem>>, vector<1x16xf32>,
      %get3A_823 = arith.constant 34 : i32
      %get3A_824 = arith.index_cast %get3A_823 : i32 to index
      %get3A_825 = arith.constant 0 : index
      %get3A_826 = tpu.vector_load %arg7[%get3A_824, %get3A_825] {strides = array<i32>} : memref<128x128xf32, #tpu.memory_space<vmem>>, vector<1x16xf32>,
      %get3A_827 = vector.shape_cast %get3A_826 : vector<1x16xf32> to vector<16xf32>
      %swap3A_828 = arith.constant 8 : i32
      %swap3A_829 = arith.index_cast %swap3A_828 : i32 to index
      %swap3A_830 = arith.constant 64 : index
      %swap3A_831 = tpu.vector_load %arg8[%swap3A_829, %swap3A_830] {strides = array<i32>} : memref<32x128xf32, #tpu.memory_space<vmem>>, vector<1x16xf32>,
      %swap3A_832 = vector.shape_cast %swap3A_831 : vector<1x16xf32> to vector<16xf32>
      %swap3A_833 = vector.shape_cast %get3A_827 : vector<16xf32> to vector<1x16xf32>
      tpu.vector_store %arg8[%swap3A_829, %swap3A_830], %swap3A_833 {strides = array<i32>} : memref<32x128xf32, #tpu.memory_space<vmem>>, vector<1x16xf32>,
      %get3A_834 = arith.constant 34 : i32
      %get3A_835 = arith.index_cast %get3A_834 : i32 to index
      %get3A_836 = arith.constant 16 : index
      %get3A_837 = tpu.vector_load %arg7[%get3A_835, %get3A_836] {strides = array<i32>} : memref<128x128xf32, #tpu.memory_space<vmem>>, vector<1x16xf32>,
      %get3A_838 = vector.shape_cast %get3A_837 : vector<1x16xf32> to vector<16xf32>
      %swap3A_839 = arith.constant 8 : i32
      %swap3A_840 = arith.index_cast %swap3A_839 : i32 to index
      %swap3A_841 = arith.constant 80 : index
      %swap3A_842 = tpu.vector_load %arg8[%swap3A_840, %swap3A_841] {strides = array<i32>} : memref<32x128xf32, #tpu.memory_space<vmem>>, vector<1x16xf32>,
      %swap3A_843 = vector.shape_cast %swap3A_842 : vector<1x16xf32> to vector<16xf32>
      %swap3A_844 = vector.shape_cast %get3A_838 : vector<16xf32> to vector<1x16xf32>
      tpu.vector_store %arg8[%swap3A_840, %swap3A_841], %swap3A_844 {strides = array<i32>} : memref<32x128xf32, #tpu.memory_space<vmem>>, vector<1x16xf32>,
      %get3A_845 = arith.constant 35 : i32
      %get3A_846 = arith.index_cast %get3A_845 : i32 to index
      %get3A_847 = arith.constant 0 : index
      %get3A_848 = tpu.vector_load %arg7[%get3A_846, %get3A_847] {strides = array<i32>} : memref<128x128xf32, #tpu.memory_space<vmem>>, vector<1x16xf32>,
      %get3A_849 = vector.shape_cast %get3A_848 : vector<1x16xf32> to vector<16xf32>
      %swap3A_850 = arith.constant 8 : i32
      %swap3A_851 = arith.index_cast %swap3A_850 : i32 to index
      %swap3A_852 = arith.constant 96 : index
      %swap3A_853 = tpu.vector_load %arg8[%swap3A_851, %swap3A_852] {strides = array<i32>} : memref<32x128xf32, #tpu.memory_space<vmem>>, vector<1x16xf32>,
      %swap3A_854 = vector.shape_cast %swap3A_853 : vector<1x16xf32> to vector<16xf32>
      %swap3A_855 = vector.shape_cast %get3A_849 : vector<16xf32> to vector<1x16xf32>
      tpu.vector_store %arg8[%swap3A_851, %swap3A_852], %swap3A_855 {strides = array<i32>} : memref<32x128xf32, #tpu.memory_space<vmem>>, vector<1x16xf32>,
      %get3A_856 = arith.constant 35 : i32
      %get3A_857 = arith.index_cast %get3A_856 : i32 to index
      %get3A_858 = arith.constant 16 : index
      %get3A_859 = tpu.vector_load %arg7[%get3A_857, %get3A_858] {strides = array<i32>} : memref<128x128xf32, #tpu.memory_space<vmem>>, vector<1x16xf32>,
      %get3A_860 = vector.shape_cast %get3A_859 : vector<1x16xf32> to vector<16xf32>
      %swap3A_861 = arith.constant 8 : i32
      %swap3A_862 = arith.index_cast %swap3A_861 : i32 to index
      %swap3A_863 = arith.constant 112 : index
      %swap3A_864 = tpu.vector_load %arg8[%swap3A_862, %swap3A_863] {strides = array<i32>} : memref<32x128xf32, #tpu.memory_space<vmem>>, vector<1x16xf32>,
      %swap3A_865 = vector.shape_cast %swap3A_864 : vector<1x16xf32> to vector<16xf32>
      %swap3A_866 = vector.shape_cast %get3A_860 : vector<16xf32> to vector<1x16xf32>
      tpu.vector_store %arg8[%swap3A_862, %swap3A_863], %swap3A_866 {strides = array<i32>} : memref<32x128xf32, #tpu.memory_space<vmem>>, vector<1x16xf32>,
      %get3A_867 = arith.constant 36 : i32
      %get3A_868 = arith.index_cast %get3A_867 : i32 to index
      %get3A_869 = arith.constant 0 : index
      %get3A_870 = tpu.vector_load %arg7[%get3A_868, %get3A_869] {strides = array<i32>} : memref<128x128xf32, #tpu.memory_space<vmem>>, vector<1x16xf32>,
      %get3A_871 = vector.shape_cast %get3A_870 : vector<1x16xf32> to vector<16xf32>
      %swap3A_872 = arith.constant 9 : i32
      %swap3A_873 = arith.index_cast %swap3A_872 : i32 to index
      %swap3A_874 = arith.constant 0 : index
      %swap3A_875 = tpu.vector_load %arg8[%swap3A_873, %swap3A_874] {strides = array<i32>} : memref<32x128xf32, #tpu.memory_space<vmem>>, vector<1x16xf32>,
      %swap3A_876 = vector.shape_cast %swap3A_875 : vector<1x16xf32> to vector<16xf32>
      %swap3A_877 = vector.shape_cast %get3A_871 : vector<16xf32> to vector<1x16xf32>
      tpu.vector_store %arg8[%swap3A_873, %swap3A_874], %swap3A_877 {strides = array<i32>} : memref<32x128xf32, #tpu.memory_space<vmem>>, vector<1x16xf32>,
      %get3A_878 = arith.constant 36 : i32
      %get3A_879 = arith.index_cast %get3A_878 : i32 to index
      %get3A_880 = arith.constant 16 : index
      %get3A_881 = tpu.vector_load %arg7[%get3A_879, %get3A_880] {strides = array<i32>} : memref<128x128xf32, #tpu.memory_space<vmem>>, vector<1x16xf32>,
      %get3A_882 = vector.shape_cast %get3A_881 : vector<1x16xf32> to vector<16xf32>
      %swap3A_883 = arith.constant 9 : i32
      %swap3A_884 = arith.index_cast %swap3A_883 : i32 to index
      %swap3A_885 = arith.constant 16 : index
      %swap3A_886 = tpu.vector_load %arg8[%swap3A_884, %swap3A_885] {strides = array<i32>} : memref<32x128xf32, #tpu.memory_space<vmem>>, vector<1x16xf32>,
      %swap3A_887 = vector.shape_cast %swap3A_886 : vector<1x16xf32> to vector<16xf32>
      %swap3A_888 = vector.shape_cast %get3A_882 : vector<16xf32> to vector<1x16xf32>
      tpu.vector_store %arg8[%swap3A_884, %swap3A_885], %swap3A_888 {strides = array<i32>} : memref<32x128xf32, #tpu.memory_space<vmem>>, vector<1x16xf32>,
      %get3A_889 = arith.constant 37 : i32
      %get3A_890 = arith.index_cast %get3A_889 : i32 to index
      %get3A_891 = arith.constant 0 : index
      %get3A_892 = tpu.vector_load %arg7[%get3A_890, %get3A_891] {strides = array<i32>} : memref<128x128xf32, #tpu.memory_space<vmem>>, vector<1x16xf32>,
      %get3A_893 = vector.shape_cast %get3A_892 : vector<1x16xf32> to vector<16xf32>
      %swap3A_894 = arith.constant 9 : i32
      %swap3A_895 = arith.index_cast %swap3A_894 : i32 to index
      %swap3A_896 = arith.constant 32 : index
      %swap3A_897 = tpu.vector_load %arg8[%swap3A_895, %swap3A_896] {strides = array<i32>} : memref<32x128xf32, #tpu.memory_space<vmem>>, vector<1x16xf32>,
      %swap3A_898 = vector.shape_cast %swap3A_897 : vector<1x16xf32> to vector<16xf32>
      %swap3A_899 = vector.shape_cast %get3A_893 : vector<16xf32> to vector<1x16xf32>
      tpu.vector_store %arg8[%swap3A_895, %swap3A_896], %swap3A_899 {strides = array<i32>} : memref<32x128xf32, #tpu.memory_space<vmem>>, vector<1x16xf32>,
      %get3A_900 = arith.constant 37 : i32
      %get3A_901 = arith.index_cast %get3A_900 : i32 to index
      %get3A_902 = arith.constant 16 : index
      %get3A_903 = tpu.vector_load %arg7[%get3A_901, %get3A_902] {strides = array<i32>} : memref<128x128xf32, #tpu.memory_space<vmem>>, vector<1x16xf32>,
      %get3A_904 = vector.shape_cast %get3A_903 : vector<1x16xf32> to vector<16xf32>
      %swap3A_905 = arith.constant 9 : i32
      %swap3A_906 = arith.index_cast %swap3A_905 : i32 to index
      %swap3A_907 = arith.constant 48 : index
      %swap3A_908 = tpu.vector_load %arg8[%swap3A_906, %swap3A_907] {strides = array<i32>} : memref<32x128xf32, #tpu.memory_space<vmem>>, vector<1x16xf32>,
      %swap3A_909 = vector.shape_cast %swap3A_908 : vector<1x16xf32> to vector<16xf32>
      %swap3A_910 = vector.shape_cast %get3A_904 : vector<16xf32> to vector<1x16xf32>
      tpu.vector_store %arg8[%swap3A_906, %swap3A_907], %swap3A_910 {strides = array<i32>} : memref<32x128xf32, #tpu.memory_space<vmem>>, vector<1x16xf32>,
      %get3A_911 = arith.constant 38 : i32
      %get3A_912 = arith.index_cast %get3A_911 : i32 to index
      %get3A_913 = arith.constant 0 : index
      %get3A_914 = tpu.vector_load %arg7[%get3A_912, %get3A_913] {strides = array<i32>} : memref<128x128xf32, #tpu.memory_space<vmem>>, vector<1x16xf32>,
      %get3A_915 = vector.shape_cast %get3A_914 : vector<1x16xf32> to vector<16xf32>
      %swap3A_916 = arith.constant 9 : i32
      %swap3A_917 = arith.index_cast %swap3A_916 : i32 to index
      %swap3A_918 = arith.constant 64 : index
      %swap3A_919 = tpu.vector_load %arg8[%swap3A_917, %swap3A_918] {strides = array<i32>} : memref<32x128xf32, #tpu.memory_space<vmem>>, vector<1x16xf32>,
      %swap3A_920 = vector.shape_cast %swap3A_919 : vector<1x16xf32> to vector<16xf32>
      %swap3A_921 = vector.shape_cast %get3A_915 : vector<16xf32> to vector<1x16xf32>
      tpu.vector_store %arg8[%swap3A_917, %swap3A_918], %swap3A_921 {strides = array<i32>} : memref<32x128xf32, #tpu.memory_space<vmem>>, vector<1x16xf32>,
      %get3A_922 = arith.constant 38 : i32
      %get3A_923 = arith.index_cast %get3A_922 : i32 to index
      %get3A_924 = arith.constant 16 : index
      %get3A_925 = tpu.vector_load %arg7[%get3A_923, %get3A_924] {strides = array<i32>} : memref<128x128xf32, #tpu.memory_space<vmem>>, vector<1x16xf32>,
      %get3A_926 = vector.shape_cast %get3A_925 : vector<1x16xf32> to vector<16xf32>
      %swap3A_927 = arith.constant 9 : i32
      %swap3A_928 = arith.index_cast %swap3A_927 : i32 to index
      %swap3A_929 = arith.constant 80 : index
      %swap3A_930 = tpu.vector_load %arg8[%swap3A_928, %swap3A_929] {strides = array<i32>} : memref<32x128xf32, #tpu.memory_space<vmem>>, vector<1x16xf32>,
      %swap3A_931 = vector.shape_cast %swap3A_930 : vector<1x16xf32> to vector<16xf32>
      %swap3A_932 = vector.shape_cast %get3A_926 : vector<16xf32> to vector<1x16xf32>
      tpu.vector_store %arg8[%swap3A_928, %swap3A_929], %swap3A_932 {strides = array<i32>} : memref<32x128xf32, #tpu.memory_space<vmem>>, vector<1x16xf32>,
      %get3A_933 = arith.constant 39 : i32
      %get3A_934 = arith.index_cast %get3A_933 : i32 to index
      %get3A_935 = arith.constant 0 : index
      %get3A_936 = tpu.vector_load %arg7[%get3A_934, %get3A_935] {strides = array<i32>} : memref<128x128xf32, #tpu.memory_space<vmem>>, vector<1x16xf32>,
      %get3A_937 = vector.shape_cast %get3A_936 : vector<1x16xf32> to vector<16xf32>
      %swap3A_938 = arith.constant 9 : i32
      %swap3A_939 = arith.index_cast %swap3A_938 : i32 to index
      %swap3A_940 = arith.constant 96 : index
      %swap3A_941 = tpu.vector_load %arg8[%swap3A_939, %swap3A_940] {strides = array<i32>} : memref<32x128xf32, #tpu.memory_space<vmem>>, vector<1x16xf32>,
      %swap3A_942 = vector.shape_cast %swap3A_941 : vector<1x16xf32> to vector<16xf32>
      %swap3A_943 = vector.shape_cast %get3A_937 : vector<16xf32> to vector<1x16xf32>
      tpu.vector_store %arg8[%swap3A_939, %swap3A_940], %swap3A_943 {strides = array<i32>} : memref<32x128xf32, #tpu.memory_space<vmem>>, vector<1x16xf32>,
      %get3A_944 = arith.constant 39 : i32
      %get3A_945 = arith.index_cast %get3A_944 : i32 to index
      %get3A_946 = arith.constant 16 : index
      %get3A_947 = tpu.vector_load %arg7[%get3A_945, %get3A_946] {strides = array<i32>} : memref<128x128xf32, #tpu.memory_space<vmem>>, vector<1x16xf32>,
      %get3A_948 = vector.shape_cast %get3A_947 : vector<1x16xf32> to vector<16xf32>
      %swap3A_949 = arith.constant 9 : i32
      %swap3A_950 = arith.index_cast %swap3A_949 : i32 to index
      %swap3A_951 = arith.constant 112 : index
      %swap3A_952 = tpu.vector_load %arg8[%swap3A_950, %swap3A_951] {strides = array<i32>} : memref<32x128xf32, #tpu.memory_space<vmem>>, vector<1x16xf32>,
      %swap3A_953 = vector.shape_cast %swap3A_952 : vector<1x16xf32> to vector<16xf32>
      %swap3A_954 = vector.shape_cast %get3A_948 : vector<16xf32> to vector<1x16xf32>
      tpu.vector_store %arg8[%swap3A_950, %swap3A_951], %swap3A_954 {strides = array<i32>} : memref<32x128xf32, #tpu.memory_space<vmem>>, vector<1x16xf32>,
      %get3A_955 = arith.constant 40 : i32
      %get3A_956 = arith.index_cast %get3A_955 : i32 to index
      %get3A_957 = arith.constant 0 : index
      %get3A_958 = tpu.vector_load %arg7[%get3A_956, %get3A_957] {strides = array<i32>} : memref<128x128xf32, #tpu.memory_space<vmem>>, vector<1x16xf32>,
      %get3A_959 = vector.shape_cast %get3A_958 : vector<1x16xf32> to vector<16xf32>
      %swap3A_960 = arith.constant 10 : i32
      %swap3A_961 = arith.index_cast %swap3A_960 : i32 to index
      %swap3A_962 = arith.constant 0 : index
      %swap3A_963 = tpu.vector_load %arg8[%swap3A_961, %swap3A_962] {strides = array<i32>} : memref<32x128xf32, #tpu.memory_space<vmem>>, vector<1x16xf32>,
      %swap3A_964 = vector.shape_cast %swap3A_963 : vector<1x16xf32> to vector<16xf32>
      %swap3A_965 = vector.shape_cast %get3A_959 : vector<16xf32> to vector<1x16xf32>
      tpu.vector_store %arg8[%swap3A_961, %swap3A_962], %swap3A_965 {strides = array<i32>} : memref<32x128xf32, #tpu.memory_space<vmem>>, vector<1x16xf32>,
      %get3A_966 = arith.constant 40 : i32
      %get3A_967 = arith.index_cast %get3A_966 : i32 to index
      %get3A_968 = arith.constant 16 : index
      %get3A_969 = tpu.vector_load %arg7[%get3A_967, %get3A_968] {strides = array<i32>} : memref<128x128xf32, #tpu.memory_space<vmem>>, vector<1x16xf32>,
      %get3A_970 = vector.shape_cast %get3A_969 : vector<1x16xf32> to vector<16xf32>
      %swap3A_971 = arith.constant 10 : i32
      %swap3A_972 = arith.index_cast %swap3A_971 : i32 to index
      %swap3A_973 = arith.constant 16 : index
      %swap3A_974 = tpu.vector_load %arg8[%swap3A_972, %swap3A_973] {strides = array<i32>} : memref<32x128xf32, #tpu.memory_space<vmem>>, vector<1x16xf32>,
      %swap3A_975 = vector.shape_cast %swap3A_974 : vector<1x16xf32> to vector<16xf32>
      %swap3A_976 = vector.shape_cast %get3A_970 : vector<16xf32> to vector<1x16xf32>
      tpu.vector_store %arg8[%swap3A_972, %swap3A_973], %swap3A_976 {strides = array<i32>} : memref<32x128xf32, #tpu.memory_space<vmem>>, vector<1x16xf32>,
      %get3A_977 = arith.constant 41 : i32
      %get3A_978 = arith.index_cast %get3A_977 : i32 to index
      %get3A_979 = arith.constant 0 : index
      %get3A_980 = tpu.vector_load %arg7[%get3A_978, %get3A_979] {strides = array<i32>} : memref<128x128xf32, #tpu.memory_space<vmem>>, vector<1x16xf32>,
      %get3A_981 = vector.shape_cast %get3A_980 : vector<1x16xf32> to vector<16xf32>
      %swap3A_982 = arith.constant 10 : i32
      %swap3A_983 = arith.index_cast %swap3A_982 : i32 to index
      %swap3A_984 = arith.constant 32 : index
      %swap3A_985 = tpu.vector_load %arg8[%swap3A_983, %swap3A_984] {strides = array<i32>} : memref<32x128xf32, #tpu.memory_space<vmem>>, vector<1x16xf32>,
      %swap3A_986 = vector.shape_cast %swap3A_985 : vector<1x16xf32> to vector<16xf32>
      %swap3A_987 = vector.shape_cast %get3A_981 : vector<16xf32> to vector<1x16xf32>
      tpu.vector_store %arg8[%swap3A_983, %swap3A_984], %swap3A_987 {strides = array<i32>} : memref<32x128xf32, #tpu.memory_space<vmem>>, vector<1x16xf32>,
      %get3A_988 = arith.constant 41 : i32
      %get3A_989 = arith.index_cast %get3A_988 : i32 to index
      %get3A_990 = arith.constant 16 : index
      %get3A_991 = tpu.vector_load %arg7[%get3A_989, %get3A_990] {strides = array<i32>} : memref<128x128xf32, #tpu.memory_space<vmem>>, vector<1x16xf32>,
      %get3A_992 = vector.shape_cast %get3A_991 : vector<1x16xf32> to vector<16xf32>
      %swap3A_993 = arith.constant 10 : i32
      %swap3A_994 = arith.index_cast %swap3A_993 : i32 to index
      %swap3A_995 = arith.constant 48 : index
      %swap3A_996 = tpu.vector_load %arg8[%swap3A_994, %swap3A_995] {strides = array<i32>} : memref<32x128xf32, #tpu.memory_space<vmem>>, vector<1x16xf32>,
      %swap3A_997 = vector.shape_cast %swap3A_996 : vector<1x16xf32> to vector<16xf32>
      %swap3A_998 = vector.shape_cast %get3A_992 : vector<16xf32> to vector<1x16xf32>
      tpu.vector_store %arg8[%swap3A_994, %swap3A_995], %swap3A_998 {strides = array<i32>} : memref<32x128xf32, #tpu.memory_space<vmem>>, vector<1x16xf32>,
      %get3A_999 = arith.constant 42 : i32
      %get3A_1000 = arith.index_cast %get3A_999 : i32 to index
      %get3A_1001 = arith.constant 0 : index
      %get3A_1002 = tpu.vector_load %arg7[%get3A_1000, %get3A_1001] {strides = array<i32>} : memref<128x128xf32, #tpu.memory_space<vmem>>, vector<1x16xf32>,
      %get3A_1003 = vector.shape_cast %get3A_1002 : vector<1x16xf32> to vector<16xf32>
      %swap3A_1004 = arith.constant 10 : i32
      %swap3A_1005 = arith.index_cast %swap3A_1004 : i32 to index
      %swap3A_1006 = arith.constant 64 : index
      %swap3A_1007 = tpu.vector_load %arg8[%swap3A_1005, %swap3A_1006] {strides = array<i32>} : memref<32x128xf32, #tpu.memory_space<vmem>>, vector<1x16xf32>,
      %swap3A_1008 = vector.shape_cast %swap3A_1007 : vector<1x16xf32> to vector<16xf32>
      %swap3A_1009 = vector.shape_cast %get3A_1003 : vector<16xf32> to vector<1x16xf32>
      tpu.vector_store %arg8[%swap3A_1005, %swap3A_1006], %swap3A_1009 {strides = array<i32>} : memref<32x128xf32, #tpu.memory_space<vmem>>, vector<1x16xf32>,
      %get3A_1010 = arith.constant 42 : i32
      %get3A_1011 = arith.index_cast %get3A_1010 : i32 to index
      %get3A_1012 = arith.constant 16 : index
      %get3A_1013 = tpu.vector_load %arg7[%get3A_1011, %get3A_1012] {strides = array<i32>} : memref<128x128xf32, #tpu.memory_space<vmem>>, vector<1x16xf32>,
      %get3A_1014 = vector.shape_cast %get3A_1013 : vector<1x16xf32> to vector<16xf32>
      %swap3A_1015 = arith.constant 10 : i32
      %swap3A_1016 = arith.index_cast %swap3A_1015 : i32 to index
      %swap3A_1017 = arith.constant 80 : index
      %swap3A_1018 = tpu.vector_load %arg8[%swap3A_1016, %swap3A_1017] {strides = array<i32>} : memref<32x128xf32, #tpu.memory_space<vmem>>, vector<1x16xf32>,
      %swap3A_1019 = vector.shape_cast %swap3A_1018 : vector<1x16xf32> to vector<16xf32>
      %swap3A_1020 = vector.shape_cast %get3A_1014 : vector<16xf32> to vector<1x16xf32>
      tpu.vector_store %arg8[%swap3A_1016, %swap3A_1017], %swap3A_1020 {strides = array<i32>} : memref<32x128xf32, #tpu.memory_space<vmem>>, vector<1x16xf32>,
      %get3A_1021 = arith.constant 43 : i32
      %get3A_1022 = arith.index_cast %get3A_1021 : i32 to index
      %get3A_1023 = arith.constant 0 : index
      %get3A_1024 = tpu.vector_load %arg7[%get3A_1022, %get3A_1023] {strides = array<i32>} : memref<128x128xf32, #tpu.memory_space<vmem>>, vector<1x16xf32>,
      %get3A_1025 = vector.shape_cast %get3A_1024 : vector<1x16xf32> to vector<16xf32>
      %swap3A_1026 = arith.constant 10 : i32
      %swap3A_1027 = arith.index_cast %swap3A_1026 : i32 to index
      %swap3A_1028 = arith.constant 96 : index
      %swap3A_1029 = tpu.vector_load %arg8[%swap3A_1027, %swap3A_1028] {strides = array<i32>} : memref<32x128xf32, #tpu.memory_space<vmem>>, vector<1x16xf32>,
      %swap3A_1030 = vector.shape_cast %swap3A_1029 : vector<1x16xf32> to vector<16xf32>
      %swap3A_1031 = vector.shape_cast %get3A_1025 : vector<16xf32> to vector<1x16xf32>
      tpu.vector_store %arg8[%swap3A_1027, %swap3A_1028], %swap3A_1031 {strides = array<i32>} : memref<32x128xf32, #tpu.memory_space<vmem>>, vector<1x16xf32>,
      %get3A_1032 = arith.constant 43 : i32
      %get3A_1033 = arith.index_cast %get3A_1032 : i32 to index
      %get3A_1034 = arith.constant 16 : index
      %get3A_1035 = tpu.vector_load %arg7[%get3A_1033, %get3A_1034] {strides = array<i32>} : memref<128x128xf32, #tpu.memory_space<vmem>>, vector<1x16xf32>,
      %get3A_1036 = vector.shape_cast %get3A_1035 : vector<1x16xf32> to vector<16xf32>
      %swap3A_1037 = arith.constant 10 : i32
      %swap3A_1038 = arith.index_cast %swap3A_1037 : i32 to index
      %swap3A_1039 = arith.constant 112 : index
      %swap3A_1040 = tpu.vector_load %arg8[%swap3A_1038, %swap3A_1039] {strides = array<i32>} : memref<32x128xf32, #tpu.memory_space<vmem>>, vector<1x16xf32>,
      %swap3A_1041 = vector.shape_cast %swap3A_1040 : vector<1x16xf32> to vector<16xf32>
      %swap3A_1042 = vector.shape_cast %get3A_1036 : vector<16xf32> to vector<1x16xf32>
      tpu.vector_store %arg8[%swap3A_1038, %swap3A_1039], %swap3A_1042 {strides = array<i32>} : memref<32x128xf32, #tpu.memory_space<vmem>>, vector<1x16xf32>,
      %get3A_1043 = arith.constant 44 : i32
      %get3A_1044 = arith.index_cast %get3A_1043 : i32 to index
      %get3A_1045 = arith.constant 0 : index
      %get3A_1046 = tpu.vector_load %arg7[%get3A_1044, %get3A_1045] {strides = array<i32>} : memref<128x128xf32, #tpu.memory_space<vmem>>, vector<1x16xf32>,
      %get3A_1047 = vector.shape_cast %get3A_1046 : vector<1x16xf32> to vector<16xf32>
      %swap3A_1048 = arith.constant 11 : i32
      %swap3A_1049 = arith.index_cast %swap3A_1048 : i32 to index
      %swap3A_1050 = arith.constant 0 : index
      %swap3A_1051 = tpu.vector_load %arg8[%swap3A_1049, %swap3A_1050] {strides = array<i32>} : memref<32x128xf32, #tpu.memory_space<vmem>>, vector<1x16xf32>,
      %swap3A_1052 = vector.shape_cast %swap3A_1051 : vector<1x16xf32> to vector<16xf32>
      %swap3A_1053 = vector.shape_cast %get3A_1047 : vector<16xf32> to vector<1x16xf32>
      tpu.vector_store %arg8[%swap3A_1049, %swap3A_1050], %swap3A_1053 {strides = array<i32>} : memref<32x128xf32, #tpu.memory_space<vmem>>, vector<1x16xf32>,
      %get3A_1054 = arith.constant 44 : i32
      %get3A_1055 = arith.index_cast %get3A_1054 : i32 to index
      %get3A_1056 = arith.constant 16 : index
      %get3A_1057 = tpu.vector_load %arg7[%get3A_1055, %get3A_1056] {strides = array<i32>} : memref<128x128xf32, #tpu.memory_space<vmem>>, vector<1x16xf32>,
      %get3A_1058 = vector.shape_cast %get3A_1057 : vector<1x16xf32> to vector<16xf32>
      %swap3A_1059 = arith.constant 11 : i32
      %swap3A_1060 = arith.index_cast %swap3A_1059 : i32 to index
      %swap3A_1061 = arith.constant 16 : index
      %swap3A_1062 = tpu.vector_load %arg8[%swap3A_1060, %swap3A_1061] {strides = array<i32>} : memref<32x128xf32, #tpu.memory_space<vmem>>, vector<1x16xf32>,
      %swap3A_1063 = vector.shape_cast %swap3A_1062 : vector<1x16xf32> to vector<16xf32>
      %swap3A_1064 = vector.shape_cast %get3A_1058 : vector<16xf32> to vector<1x16xf32>
      tpu.vector_store %arg8[%swap3A_1060, %swap3A_1061], %swap3A_1064 {strides = array<i32>} : memref<32x128xf32, #tpu.memory_space<vmem>>, vector<1x16xf32>,
      %get3A_1065 = arith.constant 45 : i32
      %get3A_1066 = arith.index_cast %get3A_1065 : i32 to index
      %get3A_1067 = arith.constant 0 : index
      %get3A_1068 = tpu.vector_load %arg7[%get3A_1066, %get3A_1067] {strides = array<i32>} : memref<128x128xf32, #tpu.memory_space<vmem>>, vector<1x16xf32>,
      %get3A_1069 = vector.shape_cast %get3A_1068 : vector<1x16xf32> to vector<16xf32>
      %swap3A_1070 = arith.constant 11 : i32
      %swap3A_1071 = arith.index_cast %swap3A_1070 : i32 to index
      %swap3A_1072 = arith.constant 32 : index
      %swap3A_1073 = tpu.vector_load %arg8[%swap3A_1071, %swap3A_1072] {strides = array<i32>} : memref<32x128xf32, #tpu.memory_space<vmem>>, vector<1x16xf32>,
      %swap3A_1074 = vector.shape_cast %swap3A_1073 : vector<1x16xf32> to vector<16xf32>
      %swap3A_1075 = vector.shape_cast %get3A_1069 : vector<16xf32> to vector<1x16xf32>
      tpu.vector_store %arg8[%swap3A_1071, %swap3A_1072], %swap3A_1075 {strides = array<i32>} : memref<32x128xf32, #tpu.memory_space<vmem>>, vector<1x16xf32>,
      %get3A_1076 = arith.constant 45 : i32
      %get3A_1077 = arith.index_cast %get3A_1076 : i32 to index
      %get3A_1078 = arith.constant 16 : index
      %get3A_1079 = tpu.vector_load %arg7[%get3A_1077, %get3A_1078] {strides = array<i32>} : memref<128x128xf32, #tpu.memory_space<vmem>>, vector<1x16xf32>,
      %get3A_1080 = vector.shape_cast %get3A_1079 : vector<1x16xf32> to vector<16xf32>
      %swap3A_1081 = arith.constant 11 : i32
      %swap3A_1082 = arith.index_cast %swap3A_1081 : i32 to index
      %swap3A_1083 = arith.constant 48 : index
      %swap3A_1084 = tpu.vector_load %arg8[%swap3A_1082, %swap3A_1083] {strides = array<i32>} : memref<32x128xf32, #tpu.memory_space<vmem>>, vector<1x16xf32>,
      %swap3A_1085 = vector.shape_cast %swap3A_1084 : vector<1x16xf32> to vector<16xf32>
      %swap3A_1086 = vector.shape_cast %get3A_1080 : vector<16xf32> to vector<1x16xf32>
      tpu.vector_store %arg8[%swap3A_1082, %swap3A_1083], %swap3A_1086 {strides = array<i32>} : memref<32x128xf32, #tpu.memory_space<vmem>>, vector<1x16xf32>,
      %get3A_1087 = arith.constant 46 : i32
      %get3A_1088 = arith.index_cast %get3A_1087 : i32 to index
      %get3A_1089 = arith.constant 0 : index
      %get3A_1090 = tpu.vector_load %arg7[%get3A_1088, %get3A_1089] {strides = array<i32>} : memref<128x128xf32, #tpu.memory_space<vmem>>, vector<1x16xf32>,
      %get3A_1091 = vector.shape_cast %get3A_1090 : vector<1x16xf32> to vector<16xf32>
      %swap3A_1092 = arith.constant 11 : i32
      %swap3A_1093 = arith.index_cast %swap3A_1092 : i32 to index
      %swap3A_1094 = arith.constant 64 : index
      %swap3A_1095 = tpu.vector_load %arg8[%swap3A_1093, %swap3A_1094] {strides = array<i32>} : memref<32x128xf32, #tpu.memory_space<vmem>>, vector<1x16xf32>,
      %swap3A_1096 = vector.shape_cast %swap3A_1095 : vector<1x16xf32> to vector<16xf32>
      %swap3A_1097 = vector.shape_cast %get3A_1091 : vector<16xf32> to vector<1x16xf32>
      tpu.vector_store %arg8[%swap3A_1093, %swap3A_1094], %swap3A_1097 {strides = array<i32>} : memref<32x128xf32, #tpu.memory_space<vmem>>, vector<1x16xf32>,
      %get3A_1098 = arith.constant 46 : i32
      %get3A_1099 = arith.index_cast %get3A_1098 : i32 to index
      %get3A_1100 = arith.constant 16 : index
      %get3A_1101 = tpu.vector_load %arg7[%get3A_1099, %get3A_1100] {strides = array<i32>} : memref<128x128xf32, #tpu.memory_space<vmem>>, vector<1x16xf32>,
      %get3A_1102 = vector.shape_cast %get3A_1101 : vector<1x16xf32> to vector<16xf32>
      %swap3A_1103 = arith.constant 11 : i32
      %swap3A_1104 = arith.index_cast %swap3A_1103 : i32 to index
      %swap3A_1105 = arith.constant 80 : index
      %swap3A_1106 = tpu.vector_load %arg8[%swap3A_1104, %swap3A_1105] {strides = array<i32>} : memref<32x128xf32, #tpu.memory_space<vmem>>, vector<1x16xf32>,
      %swap3A_1107 = vector.shape_cast %swap3A_1106 : vector<1x16xf32> to vector<16xf32>
      %swap3A_1108 = vector.shape_cast %get3A_1102 : vector<16xf32> to vector<1x16xf32>
      tpu.vector_store %arg8[%swap3A_1104, %swap3A_1105], %swap3A_1108 {strides = array<i32>} : memref<32x128xf32, #tpu.memory_space<vmem>>, vector<1x16xf32>,
      %get3A_1109 = arith.constant 47 : i32
      %get3A_1110 = arith.index_cast %get3A_1109 : i32 to index
      %get3A_1111 = arith.constant 0 : index
      %get3A_1112 = tpu.vector_load %arg7[%get3A_1110, %get3A_1111] {strides = array<i32>} : memref<128x128xf32, #tpu.memory_space<vmem>>, vector<1x16xf32>,
      %get3A_1113 = vector.shape_cast %get3A_1112 : vector<1x16xf32> to vector<16xf32>
      %swap3A_1114 = arith.constant 11 : i32
      %swap3A_1115 = arith.index_cast %swap3A_1114 : i32 to index
      %swap3A_1116 = arith.constant 96 : index
      %swap3A_1117 = tpu.vector_load %arg8[%swap3A_1115, %swap3A_1116] {strides = array<i32>} : memref<32x128xf32, #tpu.memory_space<vmem>>, vector<1x16xf32>,
      %swap3A_1118 = vector.shape_cast %swap3A_1117 : vector<1x16xf32> to vector<16xf32>
      %swap3A_1119 = vector.shape_cast %get3A_1113 : vector<16xf32> to vector<1x16xf32>
      tpu.vector_store %arg8[%swap3A_1115, %swap3A_1116], %swap3A_1119 {strides = array<i32>} : memref<32x128xf32, #tpu.memory_space<vmem>>, vector<1x16xf32>,
      %get3A_1120 = arith.constant 47 : i32
      %get3A_1121 = arith.index_cast %get3A_1120 : i32 to index
      %get3A_1122 = arith.constant 16 : index
      %get3A_1123 = tpu.vector_load %arg7[%get3A_1121, %get3A_1122] {strides = array<i32>} : memref<128x128xf32, #tpu.memory_space<vmem>>, vector<1x16xf32>,
      %get3A_1124 = vector.shape_cast %get3A_1123 : vector<1x16xf32> to vector<16xf32>
      %swap3A_1125 = arith.constant 11 : i32
      %swap3A_1126 = arith.index_cast %swap3A_1125 : i32 to index
      %swap3A_1127 = arith.constant 112 : index
      %swap3A_1128 = tpu.vector_load %arg8[%swap3A_1126, %swap3A_1127] {strides = array<i32>} : memref<32x128xf32, #tpu.memory_space<vmem>>, vector<1x16xf32>,
      %swap3A_1129 = vector.shape_cast %swap3A_1128 : vector<1x16xf32> to vector<16xf32>
      %swap3A_1130 = vector.shape_cast %get3A_1124 : vector<16xf32> to vector<1x16xf32>
      tpu.vector_store %arg8[%swap3A_1126, %swap3A_1127], %swap3A_1130 {strides = array<i32>} : memref<32x128xf32, #tpu.memory_space<vmem>>, vector<1x16xf32>,
      %get3A_1131 = arith.constant 48 : i32
      %get3A_1132 = arith.index_cast %get3A_1131 : i32 to index
      %get3A_1133 = arith.constant 0 : index
      %get3A_1134 = tpu.vector_load %arg7[%get3A_1132, %get3A_1133] {strides = array<i32>} : memref<128x128xf32, #tpu.memory_space<vmem>>, vector<1x16xf32>,
      %get3A_1135 = vector.shape_cast %get3A_1134 : vector<1x16xf32> to vector<16xf32>
      %swap3A_1136 = arith.constant 12 : i32
      %swap3A_1137 = arith.index_cast %swap3A_1136 : i32 to index
      %swap3A_1138 = arith.constant 0 : index
      %swap3A_1139 = tpu.vector_load %arg8[%swap3A_1137, %swap3A_1138] {strides = array<i32>} : memref<32x128xf32, #tpu.memory_space<vmem>>, vector<1x16xf32>,
      %swap3A_1140 = vector.shape_cast %swap3A_1139 : vector<1x16xf32> to vector<16xf32>
      %swap3A_1141 = vector.shape_cast %get3A_1135 : vector<16xf32> to vector<1x16xf32>
      tpu.vector_store %arg8[%swap3A_1137, %swap3A_1138], %swap3A_1141 {strides = array<i32>} : memref<32x128xf32, #tpu.memory_space<vmem>>, vector<1x16xf32>,
      %get3A_1142 = arith.constant 48 : i32
      %get3A_1143 = arith.index_cast %get3A_1142 : i32 to index
      %get3A_1144 = arith.constant 16 : index
      %get3A_1145 = tpu.vector_load %arg7[%get3A_1143, %get3A_1144] {strides = array<i32>} : memref<128x128xf32, #tpu.memory_space<vmem>>, vector<1x16xf32>,
      %get3A_1146 = vector.shape_cast %get3A_1145 : vector<1x16xf32> to vector<16xf32>
      %swap3A_1147 = arith.constant 12 : i32
      %swap3A_1148 = arith.index_cast %swap3A_1147 : i32 to index
      %swap3A_1149 = arith.constant 16 : index
      %swap3A_1150 = tpu.vector_load %arg8[%swap3A_1148, %swap3A_1149] {strides = array<i32>} : memref<32x128xf32, #tpu.memory_space<vmem>>, vector<1x16xf32>,
      %swap3A_1151 = vector.shape_cast %swap3A_1150 : vector<1x16xf32> to vector<16xf32>
      %swap3A_1152 = vector.shape_cast %get3A_1146 : vector<16xf32> to vector<1x16xf32>
      tpu.vector_store %arg8[%swap3A_1148, %swap3A_1149], %swap3A_1152 {strides = array<i32>} : memref<32x128xf32, #tpu.memory_space<vmem>>, vector<1x16xf32>,
      %get3A_1153 = arith.constant 49 : i32
      %get3A_1154 = arith.index_cast %get3A_1153 : i32 to index
      %get3A_1155 = arith.constant 0 : index
      %get3A_1156 = tpu.vector_load %arg7[%get3A_1154, %get3A_1155] {strides = array<i32>} : memref<128x128xf32, #tpu.memory_space<vmem>>, vector<1x16xf32>,
      %get3A_1157 = vector.shape_cast %get3A_1156 : vector<1x16xf32> to vector<16xf32>
      %swap3A_1158 = arith.constant 12 : i32
      %swap3A_1159 = arith.index_cast %swap3A_1158 : i32 to index
      %swap3A_1160 = arith.constant 32 : index
      %swap3A_1161 = tpu.vector_load %arg8[%swap3A_1159, %swap3A_1160] {strides = array<i32>} : memref<32x128xf32, #tpu.memory_space<vmem>>, vector<1x16xf32>,
      %swap3A_1162 = vector.shape_cast %swap3A_1161 : vector<1x16xf32> to vector<16xf32>
      %swap3A_1163 = vector.shape_cast %get3A_1157 : vector<16xf32> to vector<1x16xf32>
      tpu.vector_store %arg8[%swap3A_1159, %swap3A_1160], %swap3A_1163 {strides = array<i32>} : memref<32x128xf32, #tpu.memory_space<vmem>>, vector<1x16xf32>,
      %get3A_1164 = arith.constant 49 : i32
      %get3A_1165 = arith.index_cast %get3A_1164 : i32 to index
      %get3A_1166 = arith.constant 16 : index
      %get3A_1167 = tpu.vector_load %arg7[%get3A_1165, %get3A_1166] {strides = array<i32>} : memref<128x128xf32, #tpu.memory_space<vmem>>, vector<1x16xf32>,
      %get3A_1168 = vector.shape_cast %get3A_1167 : vector<1x16xf32> to vector<16xf32>
      %swap3A_1169 = arith.constant 12 : i32
      %swap3A_1170 = arith.index_cast %swap3A_1169 : i32 to index
      %swap3A_1171 = arith.constant 48 : index
      %swap3A_1172 = tpu.vector_load %arg8[%swap3A_1170, %swap3A_1171] {strides = array<i32>} : memref<32x128xf32, #tpu.memory_space<vmem>>, vector<1x16xf32>,
      %swap3A_1173 = vector.shape_cast %swap3A_1172 : vector<1x16xf32> to vector<16xf32>
      %swap3A_1174 = vector.shape_cast %get3A_1168 : vector<16xf32> to vector<1x16xf32>
      tpu.vector_store %arg8[%swap3A_1170, %swap3A_1171], %swap3A_1174 {strides = array<i32>} : memref<32x128xf32, #tpu.memory_space<vmem>>, vector<1x16xf32>,
      %get3A_1175 = arith.constant 50 : i32
      %get3A_1176 = arith.index_cast %get3A_1175 : i32 to index
      %get3A_1177 = arith.constant 0 : index
      %get3A_1178 = tpu.vector_load %arg7[%get3A_1176, %get3A_1177] {strides = array<i32>} : memref<128x128xf32, #tpu.memory_space<vmem>>, vector<1x16xf32>,
      %get3A_1179 = vector.shape_cast %get3A_1178 : vector<1x16xf32> to vector<16xf32>
      %swap3A_1180 = arith.constant 12 : i32
      %swap3A_1181 = arith.index_cast %swap3A_1180 : i32 to index
      %swap3A_1182 = arith.constant 64 : index
      %swap3A_1183 = tpu.vector_load %arg8[%swap3A_1181, %swap3A_1182] {strides = array<i32>} : memref<32x128xf32, #tpu.memory_space<vmem>>, vector<1x16xf32>,
      %swap3A_1184 = vector.shape_cast %swap3A_1183 : vector<1x16xf32> to vector<16xf32>
      %swap3A_1185 = vector.shape_cast %get3A_1179 : vector<16xf32> to vector<1x16xf32>
      tpu.vector_store %arg8[%swap3A_1181, %swap3A_1182], %swap3A_1185 {strides = array<i32>} : memref<32x128xf32, #tpu.memory_space<vmem>>, vector<1x16xf32>,
      %get3A_1186 = arith.constant 50 : i32
      %get3A_1187 = arith.index_cast %get3A_1186 : i32 to index
      %get3A_1188 = arith.constant 16 : index
      %get3A_1189 = tpu.vector_load %arg7[%get3A_1187, %get3A_1188] {strides = array<i32>} : memref<128x128xf32, #tpu.memory_space<vmem>>, vector<1x16xf32>,
      %get3A_1190 = vector.shape_cast %get3A_1189 : vector<1x16xf32> to vector<16xf32>
      %swap3A_1191 = arith.constant 12 : i32
      %swap3A_1192 = arith.index_cast %swap3A_1191 : i32 to index
      %swap3A_1193 = arith.constant 80 : index
      %swap3A_1194 = tpu.vector_load %arg8[%swap3A_1192, %swap3A_1193] {strides = array<i32>} : memref<32x128xf32, #tpu.memory_space<vmem>>, vector<1x16xf32>,
      %swap3A_1195 = vector.shape_cast %swap3A_1194 : vector<1x16xf32> to vector<16xf32>
      %swap3A_1196 = vector.shape_cast %get3A_1190 : vector<16xf32> to vector<1x16xf32>
      tpu.vector_store %arg8[%swap3A_1192, %swap3A_1193], %swap3A_1196 {strides = array<i32>} : memref<32x128xf32, #tpu.memory_space<vmem>>, vector<1x16xf32>,
      %get3A_1197 = arith.constant 51 : i32
      %get3A_1198 = arith.index_cast %get3A_1197 : i32 to index
      %get3A_1199 = arith.constant 0 : index
      %get3A_1200 = tpu.vector_load %arg7[%get3A_1198, %get3A_1199] {strides = array<i32>} : memref<128x128xf32, #tpu.memory_space<vmem>>, vector<1x16xf32>,
      %get3A_1201 = vector.shape_cast %get3A_1200 : vector<1x16xf32> to vector<16xf32>
      %swap3A_1202 = arith.constant 12 : i32
      %swap3A_1203 = arith.index_cast %swap3A_1202 : i32 to index
      %swap3A_1204 = arith.constant 96 : index
      %swap3A_1205 = tpu.vector_load %arg8[%swap3A_1203, %swap3A_1204] {strides = array<i32>} : memref<32x128xf32, #tpu.memory_space<vmem>>, vector<1x16xf32>,
      %swap3A_1206 = vector.shape_cast %swap3A_1205 : vector<1x16xf32> to vector<16xf32>
      %swap3A_1207 = vector.shape_cast %get3A_1201 : vector<16xf32> to vector<1x16xf32>
      tpu.vector_store %arg8[%swap3A_1203, %swap3A_1204], %swap3A_1207 {strides = array<i32>} : memref<32x128xf32, #tpu.memory_space<vmem>>, vector<1x16xf32>,
      %get3A_1208 = arith.constant 51 : i32
      %get3A_1209 = arith.index_cast %get3A_1208 : i32 to index
      %get3A_1210 = arith.constant 16 : index
      %get3A_1211 = tpu.vector_load %arg7[%get3A_1209, %get3A_1210] {strides = array<i32>} : memref<128x128xf32, #tpu.memory_space<vmem>>, vector<1x16xf32>,
      %get3A_1212 = vector.shape_cast %get3A_1211 : vector<1x16xf32> to vector<16xf32>
      %swap3A_1213 = arith.constant 12 : i32
      %swap3A_1214 = arith.index_cast %swap3A_1213 : i32 to index
      %swap3A_1215 = arith.constant 112 : index
      %swap3A_1216 = tpu.vector_load %arg8[%swap3A_1214, %swap3A_1215] {strides = array<i32>} : memref<32x128xf32, #tpu.memory_space<vmem>>, vector<1x16xf32>,
      %swap3A_1217 = vector.shape_cast %swap3A_1216 : vector<1x16xf32> to vector<16xf32>
      %swap3A_1218 = vector.shape_cast %get3A_1212 : vector<16xf32> to vector<1x16xf32>
      tpu.vector_store %arg8[%swap3A_1214, %swap3A_1215], %swap3A_1218 {strides = array<i32>} : memref<32x128xf32, #tpu.memory_space<vmem>>, vector<1x16xf32>,
      %get3A_1219 = arith.constant 52 : i32
      %get3A_1220 = arith.index_cast %get3A_1219 : i32 to index
      %get3A_1221 = arith.constant 0 : index
      %get3A_1222 = tpu.vector_load %arg7[%get3A_1220, %get3A_1221] {strides = array<i32>} : memref<128x128xf32, #tpu.memory_space<vmem>>, vector<1x16xf32>,
      %get3A_1223 = vector.shape_cast %get3A_1222 : vector<1x16xf32> to vector<16xf32>
      %swap3A_1224 = arith.constant 13 : i32
      %swap3A_1225 = arith.index_cast %swap3A_1224 : i32 to index
      %swap3A_1226 = arith.constant 0 : index
      %swap3A_1227 = tpu.vector_load %arg8[%swap3A_1225, %swap3A_1226] {strides = array<i32>} : memref<32x128xf32, #tpu.memory_space<vmem>>, vector<1x16xf32>,
      %swap3A_1228 = vector.shape_cast %swap3A_1227 : vector<1x16xf32> to vector<16xf32>
      %swap3A_1229 = vector.shape_cast %get3A_1223 : vector<16xf32> to vector<1x16xf32>
      tpu.vector_store %arg8[%swap3A_1225, %swap3A_1226], %swap3A_1229 {strides = array<i32>} : memref<32x128xf32, #tpu.memory_space<vmem>>, vector<1x16xf32>,
      %get3A_1230 = arith.constant 52 : i32
      %get3A_1231 = arith.index_cast %get3A_1230 : i32 to index
      %get3A_1232 = arith.constant 16 : index
      %get3A_1233 = tpu.vector_load %arg7[%get3A_1231, %get3A_1232] {strides = array<i32>} : memref<128x128xf32, #tpu.memory_space<vmem>>, vector<1x16xf32>,
      %get3A_1234 = vector.shape_cast %get3A_1233 : vector<1x16xf32> to vector<16xf32>
      %swap3A_1235 = arith.constant 13 : i32
      %swap3A_1236 = arith.index_cast %swap3A_1235 : i32 to index
      %swap3A_1237 = arith.constant 16 : index
      %swap3A_1238 = tpu.vector_load %arg8[%swap3A_1236, %swap3A_1237] {strides = array<i32>} : memref<32x128xf32, #tpu.memory_space<vmem>>, vector<1x16xf32>,
      %swap3A_1239 = vector.shape_cast %swap3A_1238 : vector<1x16xf32> to vector<16xf32>
      %swap3A_1240 = vector.shape_cast %get3A_1234 : vector<16xf32> to vector<1x16xf32>
      tpu.vector_store %arg8[%swap3A_1236, %swap3A_1237], %swap3A_1240 {strides = array<i32>} : memref<32x128xf32, #tpu.memory_space<vmem>>, vector<1x16xf32>,
      %get3A_1241 = arith.constant 53 : i32
      %get3A_1242 = arith.index_cast %get3A_1241 : i32 to index
      %get3A_1243 = arith.constant 0 : index
      %get3A_1244 = tpu.vector_load %arg7[%get3A_1242, %get3A_1243] {strides = array<i32>} : memref<128x128xf32, #tpu.memory_space<vmem>>, vector<1x16xf32>,
      %get3A_1245 = vector.shape_cast %get3A_1244 : vector<1x16xf32> to vector<16xf32>
      %swap3A_1246 = arith.constant 13 : i32
      %swap3A_1247 = arith.index_cast %swap3A_1246 : i32 to index
      %swap3A_1248 = arith.constant 32 : index
      %swap3A_1249 = tpu.vector_load %arg8[%swap3A_1247, %swap3A_1248] {strides = array<i32>} : memref<32x128xf32, #tpu.memory_space<vmem>>, vector<1x16xf32>,
      %swap3A_1250 = vector.shape_cast %swap3A_1249 : vector<1x16xf32> to vector<16xf32>
      %swap3A_1251 = vector.shape_cast %get3A_1245 : vector<16xf32> to vector<1x16xf32>
      tpu.vector_store %arg8[%swap3A_1247, %swap3A_1248], %swap3A_1251 {strides = array<i32>} : memref<32x128xf32, #tpu.memory_space<vmem>>, vector<1x16xf32>,
      %get3A_1252 = arith.constant 53 : i32
      %get3A_1253 = arith.index_cast %get3A_1252 : i32 to index
      %get3A_1254 = arith.constant 16 : index
      %get3A_1255 = tpu.vector_load %arg7[%get3A_1253, %get3A_1254] {strides = array<i32>} : memref<128x128xf32, #tpu.memory_space<vmem>>, vector<1x16xf32>,
      %get3A_1256 = vector.shape_cast %get3A_1255 : vector<1x16xf32> to vector<16xf32>
      %swap3A_1257 = arith.constant 13 : i32
      %swap3A_1258 = arith.index_cast %swap3A_1257 : i32 to index
      %swap3A_1259 = arith.constant 48 : index
      %swap3A_1260 = tpu.vector_load %arg8[%swap3A_1258, %swap3A_1259] {strides = array<i32>} : memref<32x128xf32, #tpu.memory_space<vmem>>, vector<1x16xf32>,
      %swap3A_1261 = vector.shape_cast %swap3A_1260 : vector<1x16xf32> to vector<16xf32>
      %swap3A_1262 = vector.shape_cast %get3A_1256 : vector<16xf32> to vector<1x16xf32>
      tpu.vector_store %arg8[%swap3A_1258, %swap3A_1259], %swap3A_1262 {strides = array<i32>} : memref<32x128xf32, #tpu.memory_space<vmem>>, vector<1x16xf32>,
      %get3A_1263 = arith.constant 54 : i32
      %get3A_1264 = arith.index_cast %get3A_1263 : i32 to index
      %get3A_1265 = arith.constant 0 : index
      %get3A_1266 = tpu.vector_load %arg7[%get3A_1264, %get3A_1265] {strides = array<i32>} : memref<128x128xf32, #tpu.memory_space<vmem>>, vector<1x16xf32>,
      %get3A_1267 = vector.shape_cast %get3A_1266 : vector<1x16xf32> to vector<16xf32>
      %swap3A_1268 = arith.constant 13 : i32
      %swap3A_1269 = arith.index_cast %swap3A_1268 : i32 to index
      %swap3A_1270 = arith.constant 64 : index
      %swap3A_1271 = tpu.vector_load %arg8[%swap3A_1269, %swap3A_1270] {strides = array<i32>} : memref<32x128xf32, #tpu.memory_space<vmem>>, vector<1x16xf32>,
      %swap3A_1272 = vector.shape_cast %swap3A_1271 : vector<1x16xf32> to vector<16xf32>
      %swap3A_1273 = vector.shape_cast %get3A_1267 : vector<16xf32> to vector<1x16xf32>
      tpu.vector_store %arg8[%swap3A_1269, %swap3A_1270], %swap3A_1273 {strides = array<i32>} : memref<32x128xf32, #tpu.memory_space<vmem>>, vector<1x16xf32>,
      %get3A_1274 = arith.constant 54 : i32
      %get3A_1275 = arith.index_cast %get3A_1274 : i32 to index
      %get3A_1276 = arith.constant 16 : index
      %get3A_1277 = tpu.vector_load %arg7[%get3A_1275, %get3A_1276] {strides = array<i32>} : memref<128x128xf32, #tpu.memory_space<vmem>>, vector<1x16xf32>,
      %get3A_1278 = vector.shape_cast %get3A_1277 : vector<1x16xf32> to vector<16xf32>
      %swap3A_1279 = arith.constant 13 : i32
      %swap3A_1280 = arith.index_cast %swap3A_1279 : i32 to index
      %swap3A_1281 = arith.constant 80 : index
      %swap3A_1282 = tpu.vector_load %arg8[%swap3A_1280, %swap3A_1281] {strides = array<i32>} : memref<32x128xf32, #tpu.memory_space<vmem>>, vector<1x16xf32>,
      %swap3A_1283 = vector.shape_cast %swap3A_1282 : vector<1x16xf32> to vector<16xf32>
      %swap3A_1284 = vector.shape_cast %get3A_1278 : vector<16xf32> to vector<1x16xf32>
      tpu.vector_store %arg8[%swap3A_1280, %swap3A_1281], %swap3A_1284 {strides = array<i32>} : memref<32x128xf32, #tpu.memory_space<vmem>>, vector<1x16xf32>,
      %get3A_1285 = arith.constant 55 : i32
      %get3A_1286 = arith.index_cast %get3A_1285 : i32 to index
      %get3A_1287 = arith.constant 0 : index
      %get3A_1288 = tpu.vector_load %arg7[%get3A_1286, %get3A_1287] {strides = array<i32>} : memref<128x128xf32, #tpu.memory_space<vmem>>, vector<1x16xf32>,
      %get3A_1289 = vector.shape_cast %get3A_1288 : vector<1x16xf32> to vector<16xf32>
      %swap3A_1290 = arith.constant 13 : i32
      %swap3A_1291 = arith.index_cast %swap3A_1290 : i32 to index
      %swap3A_1292 = arith.constant 96 : index
      %swap3A_1293 = tpu.vector_load %arg8[%swap3A_1291, %swap3A_1292] {strides = array<i32>} : memref<32x128xf32, #tpu.memory_space<vmem>>, vector<1x16xf32>,
      %swap3A_1294 = vector.shape_cast %swap3A_1293 : vector<1x16xf32> to vector<16xf32>
      %swap3A_1295 = vector.shape_cast %get3A_1289 : vector<16xf32> to vector<1x16xf32>
      tpu.vector_store %arg8[%swap3A_1291, %swap3A_1292], %swap3A_1295 {strides = array<i32>} : memref<32x128xf32, #tpu.memory_space<vmem>>, vector<1x16xf32>,
      %get3A_1296 = arith.constant 55 : i32
      %get3A_1297 = arith.index_cast %get3A_1296 : i32 to index
      %get3A_1298 = arith.constant 16 : index
      %get3A_1299 = tpu.vector_load %arg7[%get3A_1297, %get3A_1298] {strides = array<i32>} : memref<128x128xf32, #tpu.memory_space<vmem>>, vector<1x16xf32>,
      %get3A_1300 = vector.shape_cast %get3A_1299 : vector<1x16xf32> to vector<16xf32>
      %swap3A_1301 = arith.constant 13 : i32
      %swap3A_1302 = arith.index_cast %swap3A_1301 : i32 to index
      %swap3A_1303 = arith.constant 112 : index
      %swap3A_1304 = tpu.vector_load %arg8[%swap3A_1302, %swap3A_1303] {strides = array<i32>} : memref<32x128xf32, #tpu.memory_space<vmem>>, vector<1x16xf32>,
      %swap3A_1305 = vector.shape_cast %swap3A_1304 : vector<1x16xf32> to vector<16xf32>
      %swap3A_1306 = vector.shape_cast %get3A_1300 : vector<16xf32> to vector<1x16xf32>
      tpu.vector_store %arg8[%swap3A_1302, %swap3A_1303], %swap3A_1306 {strides = array<i32>} : memref<32x128xf32, #tpu.memory_space<vmem>>, vector<1x16xf32>,
      %get3A_1307 = arith.constant 56 : i32
      %get3A_1308 = arith.index_cast %get3A_1307 : i32 to index
      %get3A_1309 = arith.constant 0 : index
      %get3A_1310 = tpu.vector_load %arg7[%get3A_1308, %get3A_1309] {strides = array<i32>} : memref<128x128xf32, #tpu.memory_space<vmem>>, vector<1x16xf32>,
      %get3A_1311 = vector.shape_cast %get3A_1310 : vector<1x16xf32> to vector<16xf32>
      %swap3A_1312 = arith.constant 14 : i32
      %swap3A_1313 = arith.index_cast %swap3A_1312 : i32 to index
      %swap3A_1314 = arith.constant 0 : index
      %swap3A_1315 = tpu.vector_load %arg8[%swap3A_1313, %swap3A_1314] {strides = array<i32>} : memref<32x128xf32, #tpu.memory_space<vmem>>, vector<1x16xf32>,
      %swap3A_1316 = vector.shape_cast %swap3A_1315 : vector<1x16xf32> to vector<16xf32>
      %swap3A_1317 = vector.shape_cast %get3A_1311 : vector<16xf32> to vector<1x16xf32>
      tpu.vector_store %arg8[%swap3A_1313, %swap3A_1314], %swap3A_1317 {strides = array<i32>} : memref<32x128xf32, #tpu.memory_space<vmem>>, vector<1x16xf32>,
      %get3A_1318 = arith.constant 56 : i32
      %get3A_1319 = arith.index_cast %get3A_1318 : i32 to index
      %get3A_1320 = arith.constant 16 : index
      %get3A_1321 = tpu.vector_load %arg7[%get3A_1319, %get3A_1320] {strides = array<i32>} : memref<128x128xf32, #tpu.memory_space<vmem>>, vector<1x16xf32>,
      %get3A_1322 = vector.shape_cast %get3A_1321 : vector<1x16xf32> to vector<16xf32>
      %swap3A_1323 = arith.constant 14 : i32
      %swap3A_1324 = arith.index_cast %swap3A_1323 : i32 to index
      %swap3A_1325 = arith.constant 16 : index
      %swap3A_1326 = tpu.vector_load %arg8[%swap3A_1324, %swap3A_1325] {strides = array<i32>} : memref<32x128xf32, #tpu.memory_space<vmem>>, vector<1x16xf32>,
      %swap3A_1327 = vector.shape_cast %swap3A_1326 : vector<1x16xf32> to vector<16xf32>
      %swap3A_1328 = vector.shape_cast %get3A_1322 : vector<16xf32> to vector<1x16xf32>
      tpu.vector_store %arg8[%swap3A_1324, %swap3A_1325], %swap3A_1328 {strides = array<i32>} : memref<32x128xf32, #tpu.memory_space<vmem>>, vector<1x16xf32>,
      %get3A_1329 = arith.constant 57 : i32
      %get3A_1330 = arith.index_cast %get3A_1329 : i32 to index
      %get3A_1331 = arith.constant 0 : index
      %get3A_1332 = tpu.vector_load %arg7[%get3A_1330, %get3A_1331] {strides = array<i32>} : memref<128x128xf32, #tpu.memory_space<vmem>>, vector<1x16xf32>,
      %get3A_1333 = vector.shape_cast %get3A_1332 : vector<1x16xf32> to vector<16xf32>
      %swap3A_1334 = arith.constant 14 : i32
      %swap3A_1335 = arith.index_cast %swap3A_1334 : i32 to index
      %swap3A_1336 = arith.constant 32 : index
      %swap3A_1337 = tpu.vector_load %arg8[%swap3A_1335, %swap3A_1336] {strides = array<i32>} : memref<32x128xf32, #tpu.memory_space<vmem>>, vector<1x16xf32>,
      %swap3A_1338 = vector.shape_cast %swap3A_1337 : vector<1x16xf32> to vector<16xf32>
      %swap3A_1339 = vector.shape_cast %get3A_1333 : vector<16xf32> to vector<1x16xf32>
      tpu.vector_store %arg8[%swap3A_1335, %swap3A_1336], %swap3A_1339 {strides = array<i32>} : memref<32x128xf32, #tpu.memory_space<vmem>>, vector<1x16xf32>,
      %get3A_1340 = arith.constant 57 : i32
      %get3A_1341 = arith.index_cast %get3A_1340 : i32 to index
      %get3A_1342 = arith.constant 16 : index
      %get3A_1343 = tpu.vector_load %arg7[%get3A_1341, %get3A_1342] {strides = array<i32>} : memref<128x128xf32, #tpu.memory_space<vmem>>, vector<1x16xf32>,
      %get3A_1344 = vector.shape_cast %get3A_1343 : vector<1x16xf32> to vector<16xf32>
      %swap3A_1345 = arith.constant 14 : i32
      %swap3A_1346 = arith.index_cast %swap3A_1345 : i32 to index
      %swap3A_1347 = arith.constant 48 : index
      %swap3A_1348 = tpu.vector_load %arg8[%swap3A_1346, %swap3A_1347] {strides = array<i32>} : memref<32x128xf32, #tpu.memory_space<vmem>>, vector<1x16xf32>,
      %swap3A_1349 = vector.shape_cast %swap3A_1348 : vector<1x16xf32> to vector<16xf32>
      %swap3A_1350 = vector.shape_cast %get3A_1344 : vector<16xf32> to vector<1x16xf32>
      tpu.vector_store %arg8[%swap3A_1346, %swap3A_1347], %swap3A_1350 {strides = array<i32>} : memref<32x128xf32, #tpu.memory_space<vmem>>, vector<1x16xf32>,
      %get3A_1351 = arith.constant 58 : i32
      %get3A_1352 = arith.index_cast %get3A_1351 : i32 to index
      %get3A_1353 = arith.constant 0 : index
      %get3A_1354 = tpu.vector_load %arg7[%get3A_1352, %get3A_1353] {strides = array<i32>} : memref<128x128xf32, #tpu.memory_space<vmem>>, vector<1x16xf32>,
      %get3A_1355 = vector.shape_cast %get3A_1354 : vector<1x16xf32> to vector<16xf32>
      %swap3A_1356 = arith.constant 14 : i32
      %swap3A_1357 = arith.index_cast %swap3A_1356 : i32 to index
      %swap3A_1358 = arith.constant 64 : index
      %swap3A_1359 = tpu.vector_load %arg8[%swap3A_1357, %swap3A_1358] {strides = array<i32>} : memref<32x128xf32, #tpu.memory_space<vmem>>, vector<1x16xf32>,
      %swap3A_1360 = vector.shape_cast %swap3A_1359 : vector<1x16xf32> to vector<16xf32>
      %swap3A_1361 = vector.shape_cast %get3A_1355 : vector<16xf32> to vector<1x16xf32>
      tpu.vector_store %arg8[%swap3A_1357, %swap3A_1358], %swap3A_1361 {strides = array<i32>} : memref<32x128xf32, #tpu.memory_space<vmem>>, vector<1x16xf32>,
      %get3A_1362 = arith.constant 58 : i32
      %get3A_1363 = arith.index_cast %get3A_1362 : i32 to index
      %get3A_1364 = arith.constant 16 : index
      %get3A_1365 = tpu.vector_load %arg7[%get3A_1363, %get3A_1364] {strides = array<i32>} : memref<128x128xf32, #tpu.memory_space<vmem>>, vector<1x16xf32>,
      %get3A_1366 = vector.shape_cast %get3A_1365 : vector<1x16xf32> to vector<16xf32>
      %swap3A_1367 = arith.constant 14 : i32
      %swap3A_1368 = arith.index_cast %swap3A_1367 : i32 to index
      %swap3A_1369 = arith.constant 80 : index
      %swap3A_1370 = tpu.vector_load %arg8[%swap3A_1368, %swap3A_1369] {strides = array<i32>} : memref<32x128xf32, #tpu.memory_space<vmem>>, vector<1x16xf32>,
      %swap3A_1371 = vector.shape_cast %swap3A_1370 : vector<1x16xf32> to vector<16xf32>
      %swap3A_1372 = vector.shape_cast %get3A_1366 : vector<16xf32> to vector<1x16xf32>
      tpu.vector_store %arg8[%swap3A_1368, %swap3A_1369], %swap3A_1372 {strides = array<i32>} : memref<32x128xf32, #tpu.memory_space<vmem>>, vector<1x16xf32>,
      %get3A_1373 = arith.constant 59 : i32
      %get3A_1374 = arith.index_cast %get3A_1373 : i32 to index
      %get3A_1375 = arith.constant 0 : index
      %get3A_1376 = tpu.vector_load %arg7[%get3A_1374, %get3A_1375] {strides = array<i32>} : memref<128x128xf32, #tpu.memory_space<vmem>>, vector<1x16xf32>,
      %get3A_1377 = vector.shape_cast %get3A_1376 : vector<1x16xf32> to vector<16xf32>
      %swap3A_1378 = arith.constant 14 : i32
      %swap3A_1379 = arith.index_cast %swap3A_1378 : i32 to index
      %swap3A_1380 = arith.constant 96 : index
      %swap3A_1381 = tpu.vector_load %arg8[%swap3A_1379, %swap3A_1380] {strides = array<i32>} : memref<32x128xf32, #tpu.memory_space<vmem>>, vector<1x16xf32>,
      %swap3A_1382 = vector.shape_cast %swap3A_1381 : vector<1x16xf32> to vector<16xf32>
      %swap3A_1383 = vector.shape_cast %get3A_1377 : vector<16xf32> to vector<1x16xf32>
      tpu.vector_store %arg8[%swap3A_1379, %swap3A_1380], %swap3A_1383 {strides = array<i32>} : memref<32x128xf32, #tpu.memory_space<vmem>>, vector<1x16xf32>,
      %get3A_1384 = arith.constant 59 : i32
      %get3A_1385 = arith.index_cast %get3A_1384 : i32 to index
      %get3A_1386 = arith.constant 16 : index
      %get3A_1387 = tpu.vector_load %arg7[%get3A_1385, %get3A_1386] {strides = array<i32>} : memref<128x128xf32, #tpu.memory_space<vmem>>, vector<1x16xf32>,
      %get3A_1388 = vector.shape_cast %get3A_1387 : vector<1x16xf32> to vector<16xf32>
      %swap3A_1389 = arith.constant 14 : i32
      %swap3A_1390 = arith.index_cast %swap3A_1389 : i32 to index
      %swap3A_1391 = arith.constant 112 : index
      %swap3A_1392 = tpu.vector_load %arg8[%swap3A_1390, %swap3A_1391] {strides = array<i32>} : memref<32x128xf32, #tpu.memory_space<vmem>>, vector<1x16xf32>,
      %swap3A_1393 = vector.shape_cast %swap3A_1392 : vector<1x16xf32> to vector<16xf32>
      %swap3A_1394 = vector.shape_cast %get3A_1388 : vector<16xf32> to vector<1x16xf32>
      tpu.vector_store %arg8[%swap3A_1390, %swap3A_1391], %swap3A_1394 {strides = array<i32>} : memref<32x128xf32, #tpu.memory_space<vmem>>, vector<1x16xf32>,
      %get3A_1395 = arith.constant 60 : i32
      %get3A_1396 = arith.index_cast %get3A_1395 : i32 to index
      %get3A_1397 = arith.constant 0 : index
      %get3A_1398 = tpu.vector_load %arg7[%get3A_1396, %get3A_1397] {strides = array<i32>} : memref<128x128xf32, #tpu.memory_space<vmem>>, vector<1x16xf32>,
      %get3A_1399 = vector.shape_cast %get3A_1398 : vector<1x16xf32> to vector<16xf32>
      %swap3A_1400 = arith.constant 15 : i32
      %swap3A_1401 = arith.index_cast %swap3A_1400 : i32 to index
      %swap3A_1402 = arith.constant 0 : index
      %swap3A_1403 = tpu.vector_load %arg8[%swap3A_1401, %swap3A_1402] {strides = array<i32>} : memref<32x128xf32, #tpu.memory_space<vmem>>, vector<1x16xf32>,
      %swap3A_1404 = vector.shape_cast %swap3A_1403 : vector<1x16xf32> to vector<16xf32>
      %swap3A_1405 = vector.shape_cast %get3A_1399 : vector<16xf32> to vector<1x16xf32>
      tpu.vector_store %arg8[%swap3A_1401, %swap3A_1402], %swap3A_1405 {strides = array<i32>} : memref<32x128xf32, #tpu.memory_space<vmem>>, vector<1x16xf32>,
      %get3A_1406 = arith.constant 60 : i32
      %get3A_1407 = arith.index_cast %get3A_1406 : i32 to index
      %get3A_1408 = arith.constant 16 : index
      %get3A_1409 = tpu.vector_load %arg7[%get3A_1407, %get3A_1408] {strides = array<i32>} : memref<128x128xf32, #tpu.memory_space<vmem>>, vector<1x16xf32>,
      %get3A_1410 = vector.shape_cast %get3A_1409 : vector<1x16xf32> to vector<16xf32>
      %swap3A_1411 = arith.constant 15 : i32
      %swap3A_1412 = arith.index_cast %swap3A_1411 : i32 to index
      %swap3A_1413 = arith.constant 16 : index
      %swap3A_1414 = tpu.vector_load %arg8[%swap3A_1412, %swap3A_1413] {strides = array<i32>} : memref<32x128xf32, #tpu.memory_space<vmem>>, vector<1x16xf32>,
      %swap3A_1415 = vector.shape_cast %swap3A_1414 : vector<1x16xf32> to vector<16xf32>
      %swap3A_1416 = vector.shape_cast %get3A_1410 : vector<16xf32> to vector<1x16xf32>
      tpu.vector_store %arg8[%swap3A_1412, %swap3A_1413], %swap3A_1416 {strides = array<i32>} : memref<32x128xf32, #tpu.memory_space<vmem>>, vector<1x16xf32>,
      %get3A_1417 = arith.constant 61 : i32
      %get3A_1418 = arith.index_cast %get3A_1417 : i32 to index
      %get3A_1419 = arith.constant 0 : index
      %get3A_1420 = tpu.vector_load %arg7[%get3A_1418, %get3A_1419] {strides = array<i32>} : memref<128x128xf32, #tpu.memory_space<vmem>>, vector<1x16xf32>,
      %get3A_1421 = vector.shape_cast %get3A_1420 : vector<1x16xf32> to vector<16xf32>
      %swap3A_1422 = arith.constant 15 : i32
      %swap3A_1423 = arith.index_cast %swap3A_1422 : i32 to index
      %swap3A_1424 = arith.constant 32 : index
      %swap3A_1425 = tpu.vector_load %arg8[%swap3A_1423, %swap3A_1424] {strides = array<i32>} : memref<32x128xf32, #tpu.memory_space<vmem>>, vector<1x16xf32>,
      %swap3A_1426 = vector.shape_cast %swap3A_1425 : vector<1x16xf32> to vector<16xf32>
      %swap3A_1427 = vector.shape_cast %get3A_1421 : vector<16xf32> to vector<1x16xf32>
      tpu.vector_store %arg8[%swap3A_1423, %swap3A_1424], %swap3A_1427 {strides = array<i32>} : memref<32x128xf32, #tpu.memory_space<vmem>>, vector<1x16xf32>,
      %get3A_1428 = arith.constant 61 : i32
      %get3A_1429 = arith.index_cast %get3A_1428 : i32 to index
      %get3A_1430 = arith.constant 16 : index
      %get3A_1431 = tpu.vector_load %arg7[%get3A_1429, %get3A_1430] {strides = array<i32>} : memref<128x128xf32, #tpu.memory_space<vmem>>, vector<1x16xf32>,
      %get3A_1432 = vector.shape_cast %get3A_1431 : vector<1x16xf32> to vector<16xf32>
      %swap3A_1433 = arith.constant 15 : i32
      %swap3A_1434 = arith.index_cast %swap3A_1433 : i32 to index
      %swap3A_1435 = arith.constant 48 : index
      %swap3A_1436 = tpu.vector_load %arg8[%swap3A_1434, %swap3A_1435] {strides = array<i32>} : memref<32x128xf32, #tpu.memory_space<vmem>>, vector<1x16xf32>,
      %swap3A_1437 = vector.shape_cast %swap3A_1436 : vector<1x16xf32> to vector<16xf32>
      %swap3A_1438 = vector.shape_cast %get3A_1432 : vector<16xf32> to vector<1x16xf32>
      tpu.vector_store %arg8[%swap3A_1434, %swap3A_1435], %swap3A_1438 {strides = array<i32>} : memref<32x128xf32, #tpu.memory_space<vmem>>, vector<1x16xf32>,
      %get3A_1439 = arith.constant 62 : i32
      %get3A_1440 = arith.index_cast %get3A_1439 : i32 to index
      %get3A_1441 = arith.constant 0 : index
      %get3A_1442 = tpu.vector_load %arg7[%get3A_1440, %get3A_1441] {strides = array<i32>} : memref<128x128xf32, #tpu.memory_space<vmem>>, vector<1x16xf32>,
      %get3A_1443 = vector.shape_cast %get3A_1442 : vector<1x16xf32> to vector<16xf32>
      %swap3A_1444 = arith.constant 15 : i32
      %swap3A_1445 = arith.index_cast %swap3A_1444 : i32 to index
      %swap3A_1446 = arith.constant 64 : index
      %swap3A_1447 = tpu.vector_load %arg8[%swap3A_1445, %swap3A_1446] {strides = array<i32>} : memref<32x128xf32, #tpu.memory_space<vmem>>, vector<1x16xf32>,
      %swap3A_1448 = vector.shape_cast %swap3A_1447 : vector<1x16xf32> to vector<16xf32>
      %swap3A_1449 = vector.shape_cast %get3A_1443 : vector<16xf32> to vector<1x16xf32>
      tpu.vector_store %arg8[%swap3A_1445, %swap3A_1446], %swap3A_1449 {strides = array<i32>} : memref<32x128xf32, #tpu.memory_space<vmem>>, vector<1x16xf32>,
      %get3A_1450 = arith.constant 62 : i32
      %get3A_1451 = arith.index_cast %get3A_1450 : i32 to index
      %get3A_1452 = arith.constant 16 : index
      %get3A_1453 = tpu.vector_load %arg7[%get3A_1451, %get3A_1452] {strides = array<i32>} : memref<128x128xf32, #tpu.memory_space<vmem>>, vector<1x16xf32>,
      %get3A_1454 = vector.shape_cast %get3A_1453 : vector<1x16xf32> to vector<16xf32>
      %swap3A_1455 = arith.constant 15 : i32
      %swap3A_1456 = arith.index_cast %swap3A_1455 : i32 to index
      %swap3A_1457 = arith.constant 80 : index
      %swap3A_1458 = tpu.vector_load %arg8[%swap3A_1456, %swap3A_1457] {strides = array<i32>} : memref<32x128xf32, #tpu.memory_space<vmem>>, vector<1x16xf32>,
      %swap3A_1459 = vector.shape_cast %swap3A_1458 : vector<1x16xf32> to vector<16xf32>
      %swap3A_1460 = vector.shape_cast %get3A_1454 : vector<16xf32> to vector<1x16xf32>
      tpu.vector_store %arg8[%swap3A_1456, %swap3A_1457], %swap3A_1460 {strides = array<i32>} : memref<32x128xf32, #tpu.memory_space<vmem>>, vector<1x16xf32>,
      %get3A_1461 = arith.constant 63 : i32
      %get3A_1462 = arith.index_cast %get3A_1461 : i32 to index
      %get3A_1463 = arith.constant 0 : index
      %get3A_1464 = tpu.vector_load %arg7[%get3A_1462, %get3A_1463] {strides = array<i32>} : memref<128x128xf32, #tpu.memory_space<vmem>>, vector<1x16xf32>,
      %get3A_1465 = vector.shape_cast %get3A_1464 : vector<1x16xf32> to vector<16xf32>
      %swap3A_1466 = arith.constant 15 : i32
      %swap3A_1467 = arith.index_cast %swap3A_1466 : i32 to index
      %swap3A_1468 = arith.constant 96 : index
      %swap3A_1469 = tpu.vector_load %arg8[%swap3A_1467, %swap3A_1468] {strides = array<i32>} : memref<32x128xf32, #tpu.memory_space<vmem>>, vector<1x16xf32>,
      %swap3A_1470 = vector.shape_cast %swap3A_1469 : vector<1x16xf32> to vector<16xf32>
      %swap3A_1471 = vector.shape_cast %get3A_1465 : vector<16xf32> to vector<1x16xf32>
      tpu.vector_store %arg8[%swap3A_1467, %swap3A_1468], %swap3A_1471 {strides = array<i32>} : memref<32x128xf32, #tpu.memory_space<vmem>>, vector<1x16xf32>,
      %get3A_1472 = arith.constant 63 : i32
      %get3A_1473 = arith.index_cast %get3A_1472 : i32 to index
      %get3A_1474 = arith.constant 16 : index
      %get3A_1475 = tpu.vector_load %arg7[%get3A_1473, %get3A_1474] {strides = array<i32>} : memref<128x128xf32, #tpu.memory_space<vmem>>, vector<1x16xf32>,
      %get3A_1476 = vector.shape_cast %get3A_1475 : vector<1x16xf32> to vector<16xf32>
      %swap3A_1477 = arith.constant 15 : i32
      %swap3A_1478 = arith.index_cast %swap3A_1477 : i32 to index
      %swap3A_1479 = arith.constant 112 : index
      %swap3A_1480 = tpu.vector_load %arg8[%swap3A_1478, %swap3A_1479] {strides = array<i32>} : memref<32x128xf32, #tpu.memory_space<vmem>>, vector<1x16xf32>,
      %swap3A_1481 = vector.shape_cast %swap3A_1480 : vector<1x16xf32> to vector<16xf32>
      %swap3A_1482 = vector.shape_cast %get3A_1476 : vector<16xf32> to vector<1x16xf32>
      tpu.vector_store %arg8[%swap3A_1478, %swap3A_1479], %swap3A_1482 {strides = array<i32>} : memref<32x128xf32, #tpu.memory_space<vmem>>, vector<1x16xf32>,
      %get3A_1483 = arith.constant 64 : i32
      %get3A_1484 = arith.index_cast %get3A_1483 : i32 to index
      %get3A_1485 = arith.constant 0 : index
      %get3A_1486 = tpu.vector_load %arg7[%get3A_1484, %get3A_1485] {strides = array<i32>} : memref<128x128xf32, #tpu.memory_space<vmem>>, vector<1x16xf32>,
      %get3A_1487 = vector.shape_cast %get3A_1486 : vector<1x16xf32> to vector<16xf32>
      %swap3A_1488 = arith.constant 16 : i32
      %swap3A_1489 = arith.index_cast %swap3A_1488 : i32 to index
      %swap3A_1490 = arith.constant 0 : index
      %swap3A_1491 = tpu.vector_load %arg8[%swap3A_1489, %swap3A_1490] {strides = array<i32>} : memref<32x128xf32, #tpu.memory_space<vmem>>, vector<1x16xf32>,
      %swap3A_1492 = vector.shape_cast %swap3A_1491 : vector<1x16xf32> to vector<16xf32>
      %swap3A_1493 = vector.shape_cast %get3A_1487 : vector<16xf32> to vector<1x16xf32>
      tpu.vector_store %arg8[%swap3A_1489, %swap3A_1490], %swap3A_1493 {strides = array<i32>} : memref<32x128xf32, #tpu.memory_space<vmem>>, vector<1x16xf32>,
      %get3A_1494 = arith.constant 64 : i32
      %get3A_1495 = arith.index_cast %get3A_1494 : i32 to index
      %get3A_1496 = arith.constant 16 : index
      %get3A_1497 = tpu.vector_load %arg7[%get3A_1495, %get3A_1496] {strides = array<i32>} : memref<128x128xf32, #tpu.memory_space<vmem>>, vector<1x16xf32>,
      %get3A_1498 = vector.shape_cast %get3A_1497 : vector<1x16xf32> to vector<16xf32>
      %swap3A_1499 = arith.constant 16 : i32
      %swap3A_1500 = arith.index_cast %swap3A_1499 : i32 to index
      %swap3A_1501 = arith.constant 16 : index
      %swap3A_1502 = tpu.vector_load %arg8[%swap3A_1500, %swap3A_1501] {strides = array<i32>} : memref<32x128xf32, #tpu.memory_space<vmem>>, vector<1x16xf32>,
      %swap3A_1503 = vector.shape_cast %swap3A_1502 : vector<1x16xf32> to vector<16xf32>
      %swap3A_1504 = vector.shape_cast %get3A_1498 : vector<16xf32> to vector<1x16xf32>
      tpu.vector_store %arg8[%swap3A_1500, %swap3A_1501], %swap3A_1504 {strides = array<i32>} : memref<32x128xf32, #tpu.memory_space<vmem>>, vector<1x16xf32>,
      %get3A_1505 = arith.constant 65 : i32
      %get3A_1506 = arith.index_cast %get3A_1505 : i32 to index
      %get3A_1507 = arith.constant 0 : index
      %get3A_1508 = tpu.vector_load %arg7[%get3A_1506, %get3A_1507] {strides = array<i32>} : memref<128x128xf32, #tpu.memory_space<vmem>>, vector<1x16xf32>,
      %get3A_1509 = vector.shape_cast %get3A_1508 : vector<1x16xf32> to vector<16xf32>
      %swap3A_1510 = arith.constant 16 : i32
      %swap3A_1511 = arith.index_cast %swap3A_1510 : i32 to index
      %swap3A_1512 = arith.constant 32 : index
      %swap3A_1513 = tpu.vector_load %arg8[%swap3A_1511, %swap3A_1512] {strides = array<i32>} : memref<32x128xf32, #tpu.memory_space<vmem>>, vector<1x16xf32>,
      %swap3A_1514 = vector.shape_cast %swap3A_1513 : vector<1x16xf32> to vector<16xf32>
      %swap3A_1515 = vector.shape_cast %get3A_1509 : vector<16xf32> to vector<1x16xf32>
      tpu.vector_store %arg8[%swap3A_1511, %swap3A_1512], %swap3A_1515 {strides = array<i32>} : memref<32x128xf32, #tpu.memory_space<vmem>>, vector<1x16xf32>,
      %get3A_1516 = arith.constant 65 : i32
      %get3A_1517 = arith.index_cast %get3A_1516 : i32 to index
      %get3A_1518 = arith.constant 16 : index
      %get3A_1519 = tpu.vector_load %arg7[%get3A_1517, %get3A_1518] {strides = array<i32>} : memref<128x128xf32, #tpu.memory_space<vmem>>, vector<1x16xf32>,
      %get3A_1520 = vector.shape_cast %get3A_1519 : vector<1x16xf32> to vector<16xf32>
      %swap3A_1521 = arith.constant 16 : i32
      %swap3A_1522 = arith.index_cast %swap3A_1521 : i32 to index
      %swap3A_1523 = arith.constant 48 : index
      %swap3A_1524 = tpu.vector_load %arg8[%swap3A_1522, %swap3A_1523] {strides = array<i32>} : memref<32x128xf32, #tpu.memory_space<vmem>>, vector<1x16xf32>,
      %swap3A_1525 = vector.shape_cast %swap3A_1524 : vector<1x16xf32> to vector<16xf32>
      %swap3A_1526 = vector.shape_cast %get3A_1520 : vector<16xf32> to vector<1x16xf32>
      tpu.vector_store %arg8[%swap3A_1522, %swap3A_1523], %swap3A_1526 {strides = array<i32>} : memref<32x128xf32, #tpu.memory_space<vmem>>, vector<1x16xf32>,
      %get3A_1527 = arith.constant 66 : i32
      %get3A_1528 = arith.index_cast %get3A_1527 : i32 to index
      %get3A_1529 = arith.constant 0 : index
      %get3A_1530 = tpu.vector_load %arg7[%get3A_1528, %get3A_1529] {strides = array<i32>} : memref<128x128xf32, #tpu.memory_space<vmem>>, vector<1x16xf32>,
      %get3A_1531 = vector.shape_cast %get3A_1530 : vector<1x16xf32> to vector<16xf32>
      %swap3A_1532 = arith.constant 16 : i32
      %swap3A_1533 = arith.index_cast %swap3A_1532 : i32 to index
      %swap3A_1534 = arith.constant 64 : index
      %swap3A_1535 = tpu.vector_load %arg8[%swap3A_1533, %swap3A_1534] {strides = array<i32>} : memref<32x128xf32, #tpu.memory_space<vmem>>, vector<1x16xf32>,
      %swap3A_1536 = vector.shape_cast %swap3A_1535 : vector<1x16xf32> to vector<16xf32>
      %swap3A_1537 = vector.shape_cast %get3A_1531 : vector<16xf32> to vector<1x16xf32>
      tpu.vector_store %arg8[%swap3A_1533, %swap3A_1534], %swap3A_1537 {strides = array<i32>} : memref<32x128xf32, #tpu.memory_space<vmem>>, vector<1x16xf32>,
      %get3A_1538 = arith.constant 66 : i32
      %get3A_1539 = arith.index_cast %get3A_1538 : i32 to index
      %get3A_1540 = arith.constant 16 : index
      %get3A_1541 = tpu.vector_load %arg7[%get3A_1539, %get3A_1540] {strides = array<i32>} : memref<128x128xf32, #tpu.memory_space<vmem>>, vector<1x16xf32>,
      %get3A_1542 = vector.shape_cast %get3A_1541 : vector<1x16xf32> to vector<16xf32>
      %swap3A_1543 = arith.constant 16 : i32
      %swap3A_1544 = arith.index_cast %swap3A_1543 : i32 to index
      %swap3A_1545 = arith.constant 80 : index
      %swap3A_1546 = tpu.vector_load %arg8[%swap3A_1544, %swap3A_1545] {strides = array<i32>} : memref<32x128xf32, #tpu.memory_space<vmem>>, vector<1x16xf32>,
      %swap3A_1547 = vector.shape_cast %swap3A_1546 : vector<1x16xf32> to vector<16xf32>
      %swap3A_1548 = vector.shape_cast %get3A_1542 : vector<16xf32> to vector<1x16xf32>
      tpu.vector_store %arg8[%swap3A_1544, %swap3A_1545], %swap3A_1548 {strides = array<i32>} : memref<32x128xf32, #tpu.memory_space<vmem>>, vector<1x16xf32>,
      %get3A_1549 = arith.constant 67 : i32
      %get3A_1550 = arith.index_cast %get3A_1549 : i32 to index
      %get3A_1551 = arith.constant 0 : index
      %get3A_1552 = tpu.vector_load %arg7[%get3A_1550, %get3A_1551] {strides = array<i32>} : memref<128x128xf32, #tpu.memory_space<vmem>>, vector<1x16xf32>,
      %get3A_1553 = vector.shape_cast %get3A_1552 : vector<1x16xf32> to vector<16xf32>
      %swap3A_1554 = arith.constant 16 : i32
      %swap3A_1555 = arith.index_cast %swap3A_1554 : i32 to index
      %swap3A_1556 = arith.constant 96 : index
      %swap3A_1557 = tpu.vector_load %arg8[%swap3A_1555, %swap3A_1556] {strides = array<i32>} : memref<32x128xf32, #tpu.memory_space<vmem>>, vector<1x16xf32>,
      %swap3A_1558 = vector.shape_cast %swap3A_1557 : vector<1x16xf32> to vector<16xf32>
      %swap3A_1559 = vector.shape_cast %get3A_1553 : vector<16xf32> to vector<1x16xf32>
      tpu.vector_store %arg8[%swap3A_1555, %swap3A_1556], %swap3A_1559 {strides = array<i32>} : memref<32x128xf32, #tpu.memory_space<vmem>>, vector<1x16xf32>,
      %get3A_1560 = arith.constant 67 : i32
      %get3A_1561 = arith.index_cast %get3A_1560 : i32 to index
      %get3A_1562 = arith.constant 16 : index
      %get3A_1563 = tpu.vector_load %arg7[%get3A_1561, %get3A_1562] {strides = array<i32>} : memref<128x128xf32, #tpu.memory_space<vmem>>, vector<1x16xf32>,
      %get3A_1564 = vector.shape_cast %get3A_1563 : vector<1x16xf32> to vector<16xf32>
      %swap3A_1565 = arith.constant 16 : i32
      %swap3A_1566 = arith.index_cast %swap3A_1565 : i32 to index
      %swap3A_1567 = arith.constant 112 : index
      %swap3A_1568 = tpu.vector_load %arg8[%swap3A_1566, %swap3A_1567] {strides = array<i32>} : memref<32x128xf32, #tpu.memory_space<vmem>>, vector<1x16xf32>,
      %swap3A_1569 = vector.shape_cast %swap3A_1568 : vector<1x16xf32> to vector<16xf32>
      %swap3A_1570 = vector.shape_cast %get3A_1564 : vector<16xf32> to vector<1x16xf32>
      tpu.vector_store %arg8[%swap3A_1566, %swap3A_1567], %swap3A_1570 {strides = array<i32>} : memref<32x128xf32, #tpu.memory_space<vmem>>, vector<1x16xf32>,
      %get3A_1571 = arith.constant 68 : i32
      %get3A_1572 = arith.index_cast %get3A_1571 : i32 to index
      %get3A_1573 = arith.constant 0 : index
      %get3A_1574 = tpu.vector_load %arg7[%get3A_1572, %get3A_1573] {strides = array<i32>} : memref<128x128xf32, #tpu.memory_space<vmem>>, vector<1x16xf32>,
      %get3A_1575 = vector.shape_cast %get3A_1574 : vector<1x16xf32> to vector<16xf32>
      %swap3A_1576 = arith.constant 17 : i32
      %swap3A_1577 = arith.index_cast %swap3A_1576 : i32 to index
      %swap3A_1578 = arith.constant 0 : index
      %swap3A_1579 = tpu.vector_load %arg8[%swap3A_1577, %swap3A_1578] {strides = array<i32>} : memref<32x128xf32, #tpu.memory_space<vmem>>, vector<1x16xf32>,
      %swap3A_1580 = vector.shape_cast %swap3A_1579 : vector<1x16xf32> to vector<16xf32>
      %swap3A_1581 = vector.shape_cast %get3A_1575 : vector<16xf32> to vector<1x16xf32>
      tpu.vector_store %arg8[%swap3A_1577, %swap3A_1578], %swap3A_1581 {strides = array<i32>} : memref<32x128xf32, #tpu.memory_space<vmem>>, vector<1x16xf32>,
      %get3A_1582 = arith.constant 68 : i32
      %get3A_1583 = arith.index_cast %get3A_1582 : i32 to index
      %get3A_1584 = arith.constant 16 : index
      %get3A_1585 = tpu.vector_load %arg7[%get3A_1583, %get3A_1584] {strides = array<i32>} : memref<128x128xf32, #tpu.memory_space<vmem>>, vector<1x16xf32>,
      %get3A_1586 = vector.shape_cast %get3A_1585 : vector<1x16xf32> to vector<16xf32>
      %swap3A_1587 = arith.constant 17 : i32
      %swap3A_1588 = arith.index_cast %swap3A_1587 : i32 to index
      %swap3A_1589 = arith.constant 16 : index
      %swap3A_1590 = tpu.vector_load %arg8[%swap3A_1588, %swap3A_1589] {strides = array<i32>} : memref<32x128xf32, #tpu.memory_space<vmem>>, vector<1x16xf32>,
      %swap3A_1591 = vector.shape_cast %swap3A_1590 : vector<1x16xf32> to vector<16xf32>
      %swap3A_1592 = vector.shape_cast %get3A_1586 : vector<16xf32> to vector<1x16xf32>
      tpu.vector_store %arg8[%swap3A_1588, %swap3A_1589], %swap3A_1592 {strides = array<i32>} : memref<32x128xf32, #tpu.memory_space<vmem>>, vector<1x16xf32>,
      %get3A_1593 = arith.constant 69 : i32
      %get3A_1594 = arith.index_cast %get3A_1593 : i32 to index
      %get3A_1595 = arith.constant 0 : index
      %get3A_1596 = tpu.vector_load %arg7[%get3A_1594, %get3A_1595] {strides = array<i32>} : memref<128x128xf32, #tpu.memory_space<vmem>>, vector<1x16xf32>,
      %get3A_1597 = vector.shape_cast %get3A_1596 : vector<1x16xf32> to vector<16xf32>
      %swap3A_1598 = arith.constant 17 : i32
      %swap3A_1599 = arith.index_cast %swap3A_1598 : i32 to index
      %swap3A_1600 = arith.constant 32 : index
      %swap3A_1601 = tpu.vector_load %arg8[%swap3A_1599, %swap3A_1600] {strides = array<i32>} : memref<32x128xf32, #tpu.memory_space<vmem>>, vector<1x16xf32>,
      %swap3A_1602 = vector.shape_cast %swap3A_1601 : vector<1x16xf32> to vector<16xf32>
      %swap3A_1603 = vector.shape_cast %get3A_1597 : vector<16xf32> to vector<1x16xf32>
      tpu.vector_store %arg8[%swap3A_1599, %swap3A_1600], %swap3A_1603 {strides = array<i32>} : memref<32x128xf32, #tpu.memory_space<vmem>>, vector<1x16xf32>,
      %get3A_1604 = arith.constant 69 : i32
      %get3A_1605 = arith.index_cast %get3A_1604 : i32 to index
      %get3A_1606 = arith.constant 16 : index
      %get3A_1607 = tpu.vector_load %arg7[%get3A_1605, %get3A_1606] {strides = array<i32>} : memref<128x128xf32, #tpu.memory_space<vmem>>, vector<1x16xf32>,
      %get3A_1608 = vector.shape_cast %get3A_1607 : vector<1x16xf32> to vector<16xf32>
      %swap3A_1609 = arith.constant 17 : i32
      %swap3A_1610 = arith.index_cast %swap3A_1609 : i32 to index
      %swap3A_1611 = arith.constant 48 : index
      %swap3A_1612 = tpu.vector_load %arg8[%swap3A_1610, %swap3A_1611] {strides = array<i32>} : memref<32x128xf32, #tpu.memory_space<vmem>>, vector<1x16xf32>,
      %swap3A_1613 = vector.shape_cast %swap3A_1612 : vector<1x16xf32> to vector<16xf32>
      %swap3A_1614 = vector.shape_cast %get3A_1608 : vector<16xf32> to vector<1x16xf32>
      tpu.vector_store %arg8[%swap3A_1610, %swap3A_1611], %swap3A_1614 {strides = array<i32>} : memref<32x128xf32, #tpu.memory_space<vmem>>, vector<1x16xf32>,
      %get3A_1615 = arith.constant 70 : i32
      %get3A_1616 = arith.index_cast %get3A_1615 : i32 to index
      %get3A_1617 = arith.constant 0 : index
      %get3A_1618 = tpu.vector_load %arg7[%get3A_1616, %get3A_1617] {strides = array<i32>} : memref<128x128xf32, #tpu.memory_space<vmem>>, vector<1x16xf32>,
      %get3A_1619 = vector.shape_cast %get3A_1618 : vector<1x16xf32> to vector<16xf32>
      %swap3A_1620 = arith.constant 17 : i32
      %swap3A_1621 = arith.index_cast %swap3A_1620 : i32 to index
      %swap3A_1622 = arith.constant 64 : index
      %swap3A_1623 = tpu.vector_load %arg8[%swap3A_1621, %swap3A_1622] {strides = array<i32>} : memref<32x128xf32, #tpu.memory_space<vmem>>, vector<1x16xf32>,
      %swap3A_1624 = vector.shape_cast %swap3A_1623 : vector<1x16xf32> to vector<16xf32>
      %swap3A_1625 = vector.shape_cast %get3A_1619 : vector<16xf32> to vector<1x16xf32>
      tpu.vector_store %arg8[%swap3A_1621, %swap3A_1622], %swap3A_1625 {strides = array<i32>} : memref<32x128xf32, #tpu.memory_space<vmem>>, vector<1x16xf32>,
      %get3A_1626 = arith.constant 70 : i32
      %get3A_1627 = arith.index_cast %get3A_1626 : i32 to index
      %get3A_1628 = arith.constant 16 : index
      %get3A_1629 = tpu.vector_load %arg7[%get3A_1627, %get3A_1628] {strides = array<i32>} : memref<128x128xf32, #tpu.memory_space<vmem>>, vector<1x16xf32>,
      %get3A_1630 = vector.shape_cast %get3A_1629 : vector<1x16xf32> to vector<16xf32>
      %swap3A_1631 = arith.constant 17 : i32
      %swap3A_1632 = arith.index_cast %swap3A_1631 : i32 to index
      %swap3A_1633 = arith.constant 80 : index
      %swap3A_1634 = tpu.vector_load %arg8[%swap3A_1632, %swap3A_1633] {strides = array<i32>} : memref<32x128xf32, #tpu.memory_space<vmem>>, vector<1x16xf32>,
      %swap3A_1635 = vector.shape_cast %swap3A_1634 : vector<1x16xf32> to vector<16xf32>
      %swap3A_1636 = vector.shape_cast %get3A_1630 : vector<16xf32> to vector<1x16xf32>
      tpu.vector_store %arg8[%swap3A_1632, %swap3A_1633], %swap3A_1636 {strides = array<i32>} : memref<32x128xf32, #tpu.memory_space<vmem>>, vector<1x16xf32>,
      %get3A_1637 = arith.constant 71 : i32
      %get3A_1638 = arith.index_cast %get3A_1637 : i32 to index
      %get3A_1639 = arith.constant 0 : index
      %get3A_1640 = tpu.vector_load %arg7[%get3A_1638, %get3A_1639] {strides = array<i32>} : memref<128x128xf32, #tpu.memory_space<vmem>>, vector<1x16xf32>,
      %get3A_1641 = vector.shape_cast %get3A_1640 : vector<1x16xf32> to vector<16xf32>
      %swap3A_1642 = arith.constant 17 : i32
      %swap3A_1643 = arith.index_cast %swap3A_1642 : i32 to index
      %swap3A_1644 = arith.constant 96 : index
      %swap3A_1645 = tpu.vector_load %arg8[%swap3A_1643, %swap3A_1644] {strides = array<i32>} : memref<32x128xf32, #tpu.memory_space<vmem>>, vector<1x16xf32>,
      %swap3A_1646 = vector.shape_cast %swap3A_1645 : vector<1x16xf32> to vector<16xf32>
      %swap3A_1647 = vector.shape_cast %get3A_1641 : vector<16xf32> to vector<1x16xf32>
      tpu.vector_store %arg8[%swap3A_1643, %swap3A_1644], %swap3A_1647 {strides = array<i32>} : memref<32x128xf32, #tpu.memory_space<vmem>>, vector<1x16xf32>,
      %get3A_1648 = arith.constant 71 : i32
      %get3A_1649 = arith.index_cast %get3A_1648 : i32 to index
      %get3A_1650 = arith.constant 16 : index
      %get3A_1651 = tpu.vector_load %arg7[%get3A_1649, %get3A_1650] {strides = array<i32>} : memref<128x128xf32, #tpu.memory_space<vmem>>, vector<1x16xf32>,
      %get3A_1652 = vector.shape_cast %get3A_1651 : vector<1x16xf32> to vector<16xf32>
      %swap3A_1653 = arith.constant 17 : i32
      %swap3A_1654 = arith.index_cast %swap3A_1653 : i32 to index
      %swap3A_1655 = arith.constant 112 : index
      %swap3A_1656 = tpu.vector_load %arg8[%swap3A_1654, %swap3A_1655] {strides = array<i32>} : memref<32x128xf32, #tpu.memory_space<vmem>>, vector<1x16xf32>,
      %swap3A_1657 = vector.shape_cast %swap3A_1656 : vector<1x16xf32> to vector<16xf32>
      %swap3A_1658 = vector.shape_cast %get3A_1652 : vector<16xf32> to vector<1x16xf32>
      tpu.vector_store %arg8[%swap3A_1654, %swap3A_1655], %swap3A_1658 {strides = array<i32>} : memref<32x128xf32, #tpu.memory_space<vmem>>, vector<1x16xf32>,
      %get3A_1659 = arith.constant 72 : i32
      %get3A_1660 = arith.index_cast %get3A_1659 : i32 to index
      %get3A_1661 = arith.constant 0 : index
      %get3A_1662 = tpu.vector_load %arg7[%get3A_1660, %get3A_1661] {strides = array<i32>} : memref<128x128xf32, #tpu.memory_space<vmem>>, vector<1x16xf32>,
      %get3A_1663 = vector.shape_cast %get3A_1662 : vector<1x16xf32> to vector<16xf32>
      %swap3A_1664 = arith.constant 18 : i32
      %swap3A_1665 = arith.index_cast %swap3A_1664 : i32 to index
      %swap3A_1666 = arith.constant 0 : index
      %swap3A_1667 = tpu.vector_load %arg8[%swap3A_1665, %swap3A_1666] {strides = array<i32>} : memref<32x128xf32, #tpu.memory_space<vmem>>, vector<1x16xf32>,
      %swap3A_1668 = vector.shape_cast %swap3A_1667 : vector<1x16xf32> to vector<16xf32>
      %swap3A_1669 = vector.shape_cast %get3A_1663 : vector<16xf32> to vector<1x16xf32>
      tpu.vector_store %arg8[%swap3A_1665, %swap3A_1666], %swap3A_1669 {strides = array<i32>} : memref<32x128xf32, #tpu.memory_space<vmem>>, vector<1x16xf32>,
      %get3A_1670 = arith.constant 72 : i32
      %get3A_1671 = arith.index_cast %get3A_1670 : i32 to index
      %get3A_1672 = arith.constant 16 : index
      %get3A_1673 = tpu.vector_load %arg7[%get3A_1671, %get3A_1672] {strides = array<i32>} : memref<128x128xf32, #tpu.memory_space<vmem>>, vector<1x16xf32>,
      %get3A_1674 = vector.shape_cast %get3A_1673 : vector<1x16xf32> to vector<16xf32>
      %swap3A_1675 = arith.constant 18 : i32
      %swap3A_1676 = arith.index_cast %swap3A_1675 : i32 to index
      %swap3A_1677 = arith.constant 16 : index
      %swap3A_1678 = tpu.vector_load %arg8[%swap3A_1676, %swap3A_1677] {strides = array<i32>} : memref<32x128xf32, #tpu.memory_space<vmem>>, vector<1x16xf32>,
      %swap3A_1679 = vector.shape_cast %swap3A_1678 : vector<1x16xf32> to vector<16xf32>
      %swap3A_1680 = vector.shape_cast %get3A_1674 : vector<16xf32> to vector<1x16xf32>
      tpu.vector_store %arg8[%swap3A_1676, %swap3A_1677], %swap3A_1680 {strides = array<i32>} : memref<32x128xf32, #tpu.memory_space<vmem>>, vector<1x16xf32>,
      %get3A_1681 = arith.constant 73 : i32
      %get3A_1682 = arith.index_cast %get3A_1681 : i32 to index
      %get3A_1683 = arith.constant 0 : index
      %get3A_1684 = tpu.vector_load %arg7[%get3A_1682, %get3A_1683] {strides = array<i32>} : memref<128x128xf32, #tpu.memory_space<vmem>>, vector<1x16xf32>,
      %get3A_1685 = vector.shape_cast %get3A_1684 : vector<1x16xf32> to vector<16xf32>
      %swap3A_1686 = arith.constant 18 : i32
      %swap3A_1687 = arith.index_cast %swap3A_1686 : i32 to index
      %swap3A_1688 = arith.constant 32 : index
      %swap3A_1689 = tpu.vector_load %arg8[%swap3A_1687, %swap3A_1688] {strides = array<i32>} : memref<32x128xf32, #tpu.memory_space<vmem>>, vector<1x16xf32>,
      %swap3A_1690 = vector.shape_cast %swap3A_1689 : vector<1x16xf32> to vector<16xf32>
      %swap3A_1691 = vector.shape_cast %get3A_1685 : vector<16xf32> to vector<1x16xf32>
      tpu.vector_store %arg8[%swap3A_1687, %swap3A_1688], %swap3A_1691 {strides = array<i32>} : memref<32x128xf32, #tpu.memory_space<vmem>>, vector<1x16xf32>,
      %get3A_1692 = arith.constant 73 : i32
      %get3A_1693 = arith.index_cast %get3A_1692 : i32 to index
      %get3A_1694 = arith.constant 16 : index
      %get3A_1695 = tpu.vector_load %arg7[%get3A_1693, %get3A_1694] {strides = array<i32>} : memref<128x128xf32, #tpu.memory_space<vmem>>, vector<1x16xf32>,
      %get3A_1696 = vector.shape_cast %get3A_1695 : vector<1x16xf32> to vector<16xf32>
      %swap3A_1697 = arith.constant 18 : i32
      %swap3A_1698 = arith.index_cast %swap3A_1697 : i32 to index
      %swap3A_1699 = arith.constant 48 : index
      %swap3A_1700 = tpu.vector_load %arg8[%swap3A_1698, %swap3A_1699] {strides = array<i32>} : memref<32x128xf32, #tpu.memory_space<vmem>>, vector<1x16xf32>,
      %swap3A_1701 = vector.shape_cast %swap3A_1700 : vector<1x16xf32> to vector<16xf32>
      %swap3A_1702 = vector.shape_cast %get3A_1696 : vector<16xf32> to vector<1x16xf32>
      tpu.vector_store %arg8[%swap3A_1698, %swap3A_1699], %swap3A_1702 {strides = array<i32>} : memref<32x128xf32, #tpu.memory_space<vmem>>, vector<1x16xf32>,
      %get3A_1703 = arith.constant 74 : i32
      %get3A_1704 = arith.index_cast %get3A_1703 : i32 to index
      %get3A_1705 = arith.constant 0 : index
      %get3A_1706 = tpu.vector_load %arg7[%get3A_1704, %get3A_1705] {strides = array<i32>} : memref<128x128xf32, #tpu.memory_space<vmem>>, vector<1x16xf32>,
      %get3A_1707 = vector.shape_cast %get3A_1706 : vector<1x16xf32> to vector<16xf32>
      %swap3A_1708 = arith.constant 18 : i32
      %swap3A_1709 = arith.index_cast %swap3A_1708 : i32 to index
      %swap3A_1710 = arith.constant 64 : index
      %swap3A_1711 = tpu.vector_load %arg8[%swap3A_1709, %swap3A_1710] {strides = array<i32>} : memref<32x128xf32, #tpu.memory_space<vmem>>, vector<1x16xf32>,
      %swap3A_1712 = vector.shape_cast %swap3A_1711 : vector<1x16xf32> to vector<16xf32>
      %swap3A_1713 = vector.shape_cast %get3A_1707 : vector<16xf32> to vector<1x16xf32>
      tpu.vector_store %arg8[%swap3A_1709, %swap3A_1710], %swap3A_1713 {strides = array<i32>} : memref<32x128xf32, #tpu.memory_space<vmem>>, vector<1x16xf32>,
      %get3A_1714 = arith.constant 74 : i32
      %get3A_1715 = arith.index_cast %get3A_1714 : i32 to index
      %get3A_1716 = arith.constant 16 : index
      %get3A_1717 = tpu.vector_load %arg7[%get3A_1715, %get3A_1716] {strides = array<i32>} : memref<128x128xf32, #tpu.memory_space<vmem>>, vector<1x16xf32>,
      %get3A_1718 = vector.shape_cast %get3A_1717 : vector<1x16xf32> to vector<16xf32>
      %swap3A_1719 = arith.constant 18 : i32
      %swap3A_1720 = arith.index_cast %swap3A_1719 : i32 to index
      %swap3A_1721 = arith.constant 80 : index
      %swap3A_1722 = tpu.vector_load %arg8[%swap3A_1720, %swap3A_1721] {strides = array<i32>} : memref<32x128xf32, #tpu.memory_space<vmem>>, vector<1x16xf32>,
      %swap3A_1723 = vector.shape_cast %swap3A_1722 : vector<1x16xf32> to vector<16xf32>
      %swap3A_1724 = vector.shape_cast %get3A_1718 : vector<16xf32> to vector<1x16xf32>
      tpu.vector_store %arg8[%swap3A_1720, %swap3A_1721], %swap3A_1724 {strides = array<i32>} : memref<32x128xf32, #tpu.memory_space<vmem>>, vector<1x16xf32>,
      %get3A_1725 = arith.constant 75 : i32
      %get3A_1726 = arith.index_cast %get3A_1725 : i32 to index
      %get3A_1727 = arith.constant 0 : index
      %get3A_1728 = tpu.vector_load %arg7[%get3A_1726, %get3A_1727] {strides = array<i32>} : memref<128x128xf32, #tpu.memory_space<vmem>>, vector<1x16xf32>,
      %get3A_1729 = vector.shape_cast %get3A_1728 : vector<1x16xf32> to vector<16xf32>
      %swap3A_1730 = arith.constant 18 : i32
      %swap3A_1731 = arith.index_cast %swap3A_1730 : i32 to index
      %swap3A_1732 = arith.constant 96 : index
      %swap3A_1733 = tpu.vector_load %arg8[%swap3A_1731, %swap3A_1732] {strides = array<i32>} : memref<32x128xf32, #tpu.memory_space<vmem>>, vector<1x16xf32>,
      %swap3A_1734 = vector.shape_cast %swap3A_1733 : vector<1x16xf32> to vector<16xf32>
      %swap3A_1735 = vector.shape_cast %get3A_1729 : vector<16xf32> to vector<1x16xf32>
      tpu.vector_store %arg8[%swap3A_1731, %swap3A_1732], %swap3A_1735 {strides = array<i32>} : memref<32x128xf32, #tpu.memory_space<vmem>>, vector<1x16xf32>,
      %get3A_1736 = arith.constant 75 : i32
      %get3A_1737 = arith.index_cast %get3A_1736 : i32 to index
      %get3A_1738 = arith.constant 16 : index
      %get3A_1739 = tpu.vector_load %arg7[%get3A_1737, %get3A_1738] {strides = array<i32>} : memref<128x128xf32, #tpu.memory_space<vmem>>, vector<1x16xf32>,
      %get3A_1740 = vector.shape_cast %get3A_1739 : vector<1x16xf32> to vector<16xf32>
      %swap3A_1741 = arith.constant 18 : i32
      %swap3A_1742 = arith.index_cast %swap3A_1741 : i32 to index
      %swap3A_1743 = arith.constant 112 : index
      %swap3A_1744 = tpu.vector_load %arg8[%swap3A_1742, %swap3A_1743] {strides = array<i32>} : memref<32x128xf32, #tpu.memory_space<vmem>>, vector<1x16xf32>,
      %swap3A_1745 = vector.shape_cast %swap3A_1744 : vector<1x16xf32> to vector<16xf32>
      %swap3A_1746 = vector.shape_cast %get3A_1740 : vector<16xf32> to vector<1x16xf32>
      tpu.vector_store %arg8[%swap3A_1742, %swap3A_1743], %swap3A_1746 {strides = array<i32>} : memref<32x128xf32, #tpu.memory_space<vmem>>, vector<1x16xf32>,
      %get3A_1747 = arith.constant 76 : i32
      %get3A_1748 = arith.index_cast %get3A_1747 : i32 to index
      %get3A_1749 = arith.constant 0 : index
      %get3A_1750 = tpu.vector_load %arg7[%get3A_1748, %get3A_1749] {strides = array<i32>} : memref<128x128xf32, #tpu.memory_space<vmem>>, vector<1x16xf32>,
      %get3A_1751 = vector.shape_cast %get3A_1750 : vector<1x16xf32> to vector<16xf32>
      %swap3A_1752 = arith.constant 19 : i32
      %swap3A_1753 = arith.index_cast %swap3A_1752 : i32 to index
      %swap3A_1754 = arith.constant 0 : index
      %swap3A_1755 = tpu.vector_load %arg8[%swap3A_1753, %swap3A_1754] {strides = array<i32>} : memref<32x128xf32, #tpu.memory_space<vmem>>, vector<1x16xf32>,
      %swap3A_1756 = vector.shape_cast %swap3A_1755 : vector<1x16xf32> to vector<16xf32>
      %swap3A_1757 = vector.shape_cast %get3A_1751 : vector<16xf32> to vector<1x16xf32>
      tpu.vector_store %arg8[%swap3A_1753, %swap3A_1754], %swap3A_1757 {strides = array<i32>} : memref<32x128xf32, #tpu.memory_space<vmem>>, vector<1x16xf32>,
      %get3A_1758 = arith.constant 76 : i32
      %get3A_1759 = arith.index_cast %get3A_1758 : i32 to index
      %get3A_1760 = arith.constant 16 : index
      %get3A_1761 = tpu.vector_load %arg7[%get3A_1759, %get3A_1760] {strides = array<i32>} : memref<128x128xf32, #tpu.memory_space<vmem>>, vector<1x16xf32>,
      %get3A_1762 = vector.shape_cast %get3A_1761 : vector<1x16xf32> to vector<16xf32>
      %swap3A_1763 = arith.constant 19 : i32
      %swap3A_1764 = arith.index_cast %swap3A_1763 : i32 to index
      %swap3A_1765 = arith.constant 16 : index
      %swap3A_1766 = tpu.vector_load %arg8[%swap3A_1764, %swap3A_1765] {strides = array<i32>} : memref<32x128xf32, #tpu.memory_space<vmem>>, vector<1x16xf32>,
      %swap3A_1767 = vector.shape_cast %swap3A_1766 : vector<1x16xf32> to vector<16xf32>
      %swap3A_1768 = vector.shape_cast %get3A_1762 : vector<16xf32> to vector<1x16xf32>
      tpu.vector_store %arg8[%swap3A_1764, %swap3A_1765], %swap3A_1768 {strides = array<i32>} : memref<32x128xf32, #tpu.memory_space<vmem>>, vector<1x16xf32>,
      %get3A_1769 = arith.constant 77 : i32
      %get3A_1770 = arith.index_cast %get3A_1769 : i32 to index
      %get3A_1771 = arith.constant 0 : index
      %get3A_1772 = tpu.vector_load %arg7[%get3A_1770, %get3A_1771] {strides = array<i32>} : memref<128x128xf32, #tpu.memory_space<vmem>>, vector<1x16xf32>,
      %get3A_1773 = vector.shape_cast %get3A_1772 : vector<1x16xf32> to vector<16xf32>
      %swap3A_1774 = arith.constant 19 : i32
      %swap3A_1775 = arith.index_cast %swap3A_1774 : i32 to index
      %swap3A_1776 = arith.constant 32 : index
      %swap3A_1777 = tpu.vector_load %arg8[%swap3A_1775, %swap3A_1776] {strides = array<i32>} : memref<32x128xf32, #tpu.memory_space<vmem>>, vector<1x16xf32>,
      %swap3A_1778 = vector.shape_cast %swap3A_1777 : vector<1x16xf32> to vector<16xf32>
      %swap3A_1779 = vector.shape_cast %get3A_1773 : vector<16xf32> to vector<1x16xf32>
      tpu.vector_store %arg8[%swap3A_1775, %swap3A_1776], %swap3A_1779 {strides = array<i32>} : memref<32x128xf32, #tpu.memory_space<vmem>>, vector<1x16xf32>,
      %get3A_1780 = arith.constant 77 : i32
      %get3A_1781 = arith.index_cast %get3A_1780 : i32 to index
      %get3A_1782 = arith.constant 16 : index
      %get3A_1783 = tpu.vector_load %arg7[%get3A_1781, %get3A_1782] {strides = array<i32>} : memref<128x128xf32, #tpu.memory_space<vmem>>, vector<1x16xf32>,
      %get3A_1784 = vector.shape_cast %get3A_1783 : vector<1x16xf32> to vector<16xf32>
      %swap3A_1785 = arith.constant 19 : i32
      %swap3A_1786 = arith.index_cast %swap3A_1785 : i32 to index
      %swap3A_1787 = arith.constant 48 : index
      %swap3A_1788 = tpu.vector_load %arg8[%swap3A_1786, %swap3A_1787] {strides = array<i32>} : memref<32x128xf32, #tpu.memory_space<vmem>>, vector<1x16xf32>,
      %swap3A_1789 = vector.shape_cast %swap3A_1788 : vector<1x16xf32> to vector<16xf32>
      %swap3A_1790 = vector.shape_cast %get3A_1784 : vector<16xf32> to vector<1x16xf32>
      tpu.vector_store %arg8[%swap3A_1786, %swap3A_1787], %swap3A_1790 {strides = array<i32>} : memref<32x128xf32, #tpu.memory_space<vmem>>, vector<1x16xf32>,
      %get3A_1791 = arith.constant 78 : i32
      %get3A_1792 = arith.index_cast %get3A_1791 : i32 to index
      %get3A_1793 = arith.constant 0 : index
      %get3A_1794 = tpu.vector_load %arg7[%get3A_1792, %get3A_1793] {strides = array<i32>} : memref<128x128xf32, #tpu.memory_space<vmem>>, vector<1x16xf32>,
      %get3A_1795 = vector.shape_cast %get3A_1794 : vector<1x16xf32> to vector<16xf32>
      %swap3A_1796 = arith.constant 19 : i32
      %swap3A_1797 = arith.index_cast %swap3A_1796 : i32 to index
      %swap3A_1798 = arith.constant 64 : index
      %swap3A_1799 = tpu.vector_load %arg8[%swap3A_1797, %swap3A_1798] {strides = array<i32>} : memref<32x128xf32, #tpu.memory_space<vmem>>, vector<1x16xf32>,
      %swap3A_1800 = vector.shape_cast %swap3A_1799 : vector<1x16xf32> to vector<16xf32>
      %swap3A_1801 = vector.shape_cast %get3A_1795 : vector<16xf32> to vector<1x16xf32>
      tpu.vector_store %arg8[%swap3A_1797, %swap3A_1798], %swap3A_1801 {strides = array<i32>} : memref<32x128xf32, #tpu.memory_space<vmem>>, vector<1x16xf32>,
      %get3A_1802 = arith.constant 78 : i32
      %get3A_1803 = arith.index_cast %get3A_1802 : i32 to index
      %get3A_1804 = arith.constant 16 : index
      %get3A_1805 = tpu.vector_load %arg7[%get3A_1803, %get3A_1804] {strides = array<i32>} : memref<128x128xf32, #tpu.memory_space<vmem>>, vector<1x16xf32>,
      %get3A_1806 = vector.shape_cast %get3A_1805 : vector<1x16xf32> to vector<16xf32>
      %swap3A_1807 = arith.constant 19 : i32
      %swap3A_1808 = arith.index_cast %swap3A_1807 : i32 to index
      %swap3A_1809 = arith.constant 80 : index
      %swap3A_1810 = tpu.vector_load %arg8[%swap3A_1808, %swap3A_1809] {strides = array<i32>} : memref<32x128xf32, #tpu.memory_space<vmem>>, vector<1x16xf32>,
      %swap3A_1811 = vector.shape_cast %swap3A_1810 : vector<1x16xf32> to vector<16xf32>
      %swap3A_1812 = vector.shape_cast %get3A_1806 : vector<16xf32> to vector<1x16xf32>
      tpu.vector_store %arg8[%swap3A_1808, %swap3A_1809], %swap3A_1812 {strides = array<i32>} : memref<32x128xf32, #tpu.memory_space<vmem>>, vector<1x16xf32>,
      %get3A_1813 = arith.constant 79 : i32
      %get3A_1814 = arith.index_cast %get3A_1813 : i32 to index
      %get3A_1815 = arith.constant 0 : index
      %get3A_1816 = tpu.vector_load %arg7[%get3A_1814, %get3A_1815] {strides = array<i32>} : memref<128x128xf32, #tpu.memory_space<vmem>>, vector<1x16xf32>,
      %get3A_1817 = vector.shape_cast %get3A_1816 : vector<1x16xf32> to vector<16xf32>
      %swap3A_1818 = arith.constant 19 : i32
      %swap3A_1819 = arith.index_cast %swap3A_1818 : i32 to index
      %swap3A_1820 = arith.constant 96 : index
      %swap3A_1821 = tpu.vector_load %arg8[%swap3A_1819, %swap3A_1820] {strides = array<i32>} : memref<32x128xf32, #tpu.memory_space<vmem>>, vector<1x16xf32>,
      %swap3A_1822 = vector.shape_cast %swap3A_1821 : vector<1x16xf32> to vector<16xf32>
      %swap3A_1823 = vector.shape_cast %get3A_1817 : vector<16xf32> to vector<1x16xf32>
      tpu.vector_store %arg8[%swap3A_1819, %swap3A_1820], %swap3A_1823 {strides = array<i32>} : memref<32x128xf32, #tpu.memory_space<vmem>>, vector<1x16xf32>,
      %get3A_1824 = arith.constant 79 : i32
      %get3A_1825 = arith.index_cast %get3A_1824 : i32 to index
      %get3A_1826 = arith.constant 16 : index
      %get3A_1827 = tpu.vector_load %arg7[%get3A_1825, %get3A_1826] {strides = array<i32>} : memref<128x128xf32, #tpu.memory_space<vmem>>, vector<1x16xf32>,
      %get3A_1828 = vector.shape_cast %get3A_1827 : vector<1x16xf32> to vector<16xf32>
      %swap3A_1829 = arith.constant 19 : i32
      %swap3A_1830 = arith.index_cast %swap3A_1829 : i32 to index
      %swap3A_1831 = arith.constant 112 : index
      %swap3A_1832 = tpu.vector_load %arg8[%swap3A_1830, %swap3A_1831] {strides = array<i32>} : memref<32x128xf32, #tpu.memory_space<vmem>>, vector<1x16xf32>,
      %swap3A_1833 = vector.shape_cast %swap3A_1832 : vector<1x16xf32> to vector<16xf32>
      %swap3A_1834 = vector.shape_cast %get3A_1828 : vector<16xf32> to vector<1x16xf32>
      tpu.vector_store %arg8[%swap3A_1830, %swap3A_1831], %swap3A_1834 {strides = array<i32>} : memref<32x128xf32, #tpu.memory_space<vmem>>, vector<1x16xf32>,
      %get3A_1835 = arith.constant 80 : i32
      %get3A_1836 = arith.index_cast %get3A_1835 : i32 to index
      %get3A_1837 = arith.constant 0 : index
      %get3A_1838 = tpu.vector_load %arg7[%get3A_1836, %get3A_1837] {strides = array<i32>} : memref<128x128xf32, #tpu.memory_space<vmem>>, vector<1x16xf32>,
      %get3A_1839 = vector.shape_cast %get3A_1838 : vector<1x16xf32> to vector<16xf32>
      %swap3A_1840 = arith.constant 20 : i32
      %swap3A_1841 = arith.index_cast %swap3A_1840 : i32 to index
      %swap3A_1842 = arith.constant 0 : index
      %swap3A_1843 = tpu.vector_load %arg8[%swap3A_1841, %swap3A_1842] {strides = array<i32>} : memref<32x128xf32, #tpu.memory_space<vmem>>, vector<1x16xf32>,
      %swap3A_1844 = vector.shape_cast %swap3A_1843 : vector<1x16xf32> to vector<16xf32>
      %swap3A_1845 = vector.shape_cast %get3A_1839 : vector<16xf32> to vector<1x16xf32>
      tpu.vector_store %arg8[%swap3A_1841, %swap3A_1842], %swap3A_1845 {strides = array<i32>} : memref<32x128xf32, #tpu.memory_space<vmem>>, vector<1x16xf32>,
      %get3A_1846 = arith.constant 80 : i32
      %get3A_1847 = arith.index_cast %get3A_1846 : i32 to index
      %get3A_1848 = arith.constant 16 : index
      %get3A_1849 = tpu.vector_load %arg7[%get3A_1847, %get3A_1848] {strides = array<i32>} : memref<128x128xf32, #tpu.memory_space<vmem>>, vector<1x16xf32>,
      %get3A_1850 = vector.shape_cast %get3A_1849 : vector<1x16xf32> to vector<16xf32>
      %swap3A_1851 = arith.constant 20 : i32
      %swap3A_1852 = arith.index_cast %swap3A_1851 : i32 to index
      %swap3A_1853 = arith.constant 16 : index
      %swap3A_1854 = tpu.vector_load %arg8[%swap3A_1852, %swap3A_1853] {strides = array<i32>} : memref<32x128xf32, #tpu.memory_space<vmem>>, vector<1x16xf32>,
      %swap3A_1855 = vector.shape_cast %swap3A_1854 : vector<1x16xf32> to vector<16xf32>
      %swap3A_1856 = vector.shape_cast %get3A_1850 : vector<16xf32> to vector<1x16xf32>
      tpu.vector_store %arg8[%swap3A_1852, %swap3A_1853], %swap3A_1856 {strides = array<i32>} : memref<32x128xf32, #tpu.memory_space<vmem>>, vector<1x16xf32>,
      %get3A_1857 = arith.constant 81 : i32
      %get3A_1858 = arith.index_cast %get3A_1857 : i32 to index
      %get3A_1859 = arith.constant 0 : index
      %get3A_1860 = tpu.vector_load %arg7[%get3A_1858, %get3A_1859] {strides = array<i32>} : memref<128x128xf32, #tpu.memory_space<vmem>>, vector<1x16xf32>,
      %get3A_1861 = vector.shape_cast %get3A_1860 : vector<1x16xf32> to vector<16xf32>
      %swap3A_1862 = arith.constant 20 : i32
      %swap3A_1863 = arith.index_cast %swap3A_1862 : i32 to index
      %swap3A_1864 = arith.constant 32 : index
      %swap3A_1865 = tpu.vector_load %arg8[%swap3A_1863, %swap3A_1864] {strides = array<i32>} : memref<32x128xf32, #tpu.memory_space<vmem>>, vector<1x16xf32>,
      %swap3A_1866 = vector.shape_cast %swap3A_1865 : vector<1x16xf32> to vector<16xf32>
      %swap3A_1867 = vector.shape_cast %get3A_1861 : vector<16xf32> to vector<1x16xf32>
      tpu.vector_store %arg8[%swap3A_1863, %swap3A_1864], %swap3A_1867 {strides = array<i32>} : memref<32x128xf32, #tpu.memory_space<vmem>>, vector<1x16xf32>,
      %get3A_1868 = arith.constant 81 : i32
      %get3A_1869 = arith.index_cast %get3A_1868 : i32 to index
      %get3A_1870 = arith.constant 16 : index
      %get3A_1871 = tpu.vector_load %arg7[%get3A_1869, %get3A_1870] {strides = array<i32>} : memref<128x128xf32, #tpu.memory_space<vmem>>, vector<1x16xf32>,
      %get3A_1872 = vector.shape_cast %get3A_1871 : vector<1x16xf32> to vector<16xf32>
      %swap3A_1873 = arith.constant 20 : i32
      %swap3A_1874 = arith.index_cast %swap3A_1873 : i32 to index
      %swap3A_1875 = arith.constant 48 : index
      %swap3A_1876 = tpu.vector_load %arg8[%swap3A_1874, %swap3A_1875] {strides = array<i32>} : memref<32x128xf32, #tpu.memory_space<vmem>>, vector<1x16xf32>,
      %swap3A_1877 = vector.shape_cast %swap3A_1876 : vector<1x16xf32> to vector<16xf32>
      %swap3A_1878 = vector.shape_cast %get3A_1872 : vector<16xf32> to vector<1x16xf32>
      tpu.vector_store %arg8[%swap3A_1874, %swap3A_1875], %swap3A_1878 {strides = array<i32>} : memref<32x128xf32, #tpu.memory_space<vmem>>, vector<1x16xf32>,
      %get3A_1879 = arith.constant 82 : i32
      %get3A_1880 = arith.index_cast %get3A_1879 : i32 to index
      %get3A_1881 = arith.constant 0 : index
      %get3A_1882 = tpu.vector_load %arg7[%get3A_1880, %get3A_1881] {strides = array<i32>} : memref<128x128xf32, #tpu.memory_space<vmem>>, vector<1x16xf32>,
      %get3A_1883 = vector.shape_cast %get3A_1882 : vector<1x16xf32> to vector<16xf32>
      %swap3A_1884 = arith.constant 20 : i32
      %swap3A_1885 = arith.index_cast %swap3A_1884 : i32 to index
      %swap3A_1886 = arith.constant 64 : index
      %swap3A_1887 = tpu.vector_load %arg8[%swap3A_1885, %swap3A_1886] {strides = array<i32>} : memref<32x128xf32, #tpu.memory_space<vmem>>, vector<1x16xf32>,
      %swap3A_1888 = vector.shape_cast %swap3A_1887 : vector<1x16xf32> to vector<16xf32>
      %swap3A_1889 = vector.shape_cast %get3A_1883 : vector<16xf32> to vector<1x16xf32>
      tpu.vector_store %arg8[%swap3A_1885, %swap3A_1886], %swap3A_1889 {strides = array<i32>} : memref<32x128xf32, #tpu.memory_space<vmem>>, vector<1x16xf32>,
      %get3A_1890 = arith.constant 82 : i32
      %get3A_1891 = arith.index_cast %get3A_1890 : i32 to index
      %get3A_1892 = arith.constant 16 : index
      %get3A_1893 = tpu.vector_load %arg7[%get3A_1891, %get3A_1892] {strides = array<i32>} : memref<128x128xf32, #tpu.memory_space<vmem>>, vector<1x16xf32>,
      %get3A_1894 = vector.shape_cast %get3A_1893 : vector<1x16xf32> to vector<16xf32>
      %swap3A_1895 = arith.constant 20 : i32
      %swap3A_1896 = arith.index_cast %swap3A_1895 : i32 to index
      %swap3A_1897 = arith.constant 80 : index
      %swap3A_1898 = tpu.vector_load %arg8[%swap3A_1896, %swap3A_1897] {strides = array<i32>} : memref<32x128xf32, #tpu.memory_space<vmem>>, vector<1x16xf32>,
      %swap3A_1899 = vector.shape_cast %swap3A_1898 : vector<1x16xf32> to vector<16xf32>
      %swap3A_1900 = vector.shape_cast %get3A_1894 : vector<16xf32> to vector<1x16xf32>
      tpu.vector_store %arg8[%swap3A_1896, %swap3A_1897], %swap3A_1900 {strides = array<i32>} : memref<32x128xf32, #tpu.memory_space<vmem>>, vector<1x16xf32>,
      %get3A_1901 = arith.constant 83 : i32
      %get3A_1902 = arith.index_cast %get3A_1901 : i32 to index
      %get3A_1903 = arith.constant 0 : index
      %get3A_1904 = tpu.vector_load %arg7[%get3A_1902, %get3A_1903] {strides = array<i32>} : memref<128x128xf32, #tpu.memory_space<vmem>>, vector<1x16xf32>,
      %get3A_1905 = vector.shape_cast %get3A_1904 : vector<1x16xf32> to vector<16xf32>
      %swap3A_1906 = arith.constant 20 : i32
      %swap3A_1907 = arith.index_cast %swap3A_1906 : i32 to index
      %swap3A_1908 = arith.constant 96 : index
      %swap3A_1909 = tpu.vector_load %arg8[%swap3A_1907, %swap3A_1908] {strides = array<i32>} : memref<32x128xf32, #tpu.memory_space<vmem>>, vector<1x16xf32>,
      %swap3A_1910 = vector.shape_cast %swap3A_1909 : vector<1x16xf32> to vector<16xf32>
      %swap3A_1911 = vector.shape_cast %get3A_1905 : vector<16xf32> to vector<1x16xf32>
      tpu.vector_store %arg8[%swap3A_1907, %swap3A_1908], %swap3A_1911 {strides = array<i32>} : memref<32x128xf32, #tpu.memory_space<vmem>>, vector<1x16xf32>,
      %get3A_1912 = arith.constant 83 : i32
      %get3A_1913 = arith.index_cast %get3A_1912 : i32 to index
      %get3A_1914 = arith.constant 16 : index
      %get3A_1915 = tpu.vector_load %arg7[%get3A_1913, %get3A_1914] {strides = array<i32>} : memref<128x128xf32, #tpu.memory_space<vmem>>, vector<1x16xf32>,
      %get3A_1916 = vector.shape_cast %get3A_1915 : vector<1x16xf32> to vector<16xf32>
      %swap3A_1917 = arith.constant 20 : i32
      %swap3A_1918 = arith.index_cast %swap3A_1917 : i32 to index
      %swap3A_1919 = arith.constant 112 : index
      %swap3A_1920 = tpu.vector_load %arg8[%swap3A_1918, %swap3A_1919] {strides = array<i32>} : memref<32x128xf32, #tpu.memory_space<vmem>>, vector<1x16xf32>,
      %swap3A_1921 = vector.shape_cast %swap3A_1920 : vector<1x16xf32> to vector<16xf32>
      %swap3A_1922 = vector.shape_cast %get3A_1916 : vector<16xf32> to vector<1x16xf32>
      tpu.vector_store %arg8[%swap3A_1918, %swap3A_1919], %swap3A_1922 {strides = array<i32>} : memref<32x128xf32, #tpu.memory_space<vmem>>, vector<1x16xf32>,
      %get3A_1923 = arith.constant 84 : i32
      %get3A_1924 = arith.index_cast %get3A_1923 : i32 to index
      %get3A_1925 = arith.constant 0 : index
      %get3A_1926 = tpu.vector_load %arg7[%get3A_1924, %get3A_1925] {strides = array<i32>} : memref<128x128xf32, #tpu.memory_space<vmem>>, vector<1x16xf32>,
      %get3A_1927 = vector.shape_cast %get3A_1926 : vector<1x16xf32> to vector<16xf32>
      %swap3A_1928 = arith.constant 21 : i32
      %swap3A_1929 = arith.index_cast %swap3A_1928 : i32 to index
      %swap3A_1930 = arith.constant 0 : index
      %swap3A_1931 = tpu.vector_load %arg8[%swap3A_1929, %swap3A_1930] {strides = array<i32>} : memref<32x128xf32, #tpu.memory_space<vmem>>, vector<1x16xf32>,
      %swap3A_1932 = vector.shape_cast %swap3A_1931 : vector<1x16xf32> to vector<16xf32>
      %swap3A_1933 = vector.shape_cast %get3A_1927 : vector<16xf32> to vector<1x16xf32>
      tpu.vector_store %arg8[%swap3A_1929, %swap3A_1930], %swap3A_1933 {strides = array<i32>} : memref<32x128xf32, #tpu.memory_space<vmem>>, vector<1x16xf32>,
      %get3A_1934 = arith.constant 84 : i32
      %get3A_1935 = arith.index_cast %get3A_1934 : i32 to index
      %get3A_1936 = arith.constant 16 : index
      %get3A_1937 = tpu.vector_load %arg7[%get3A_1935, %get3A_1936] {strides = array<i32>} : memref<128x128xf32, #tpu.memory_space<vmem>>, vector<1x16xf32>,
      %get3A_1938 = vector.shape_cast %get3A_1937 : vector<1x16xf32> to vector<16xf32>
      %swap3A_1939 = arith.constant 21 : i32
      %swap3A_1940 = arith.index_cast %swap3A_1939 : i32 to index
      %swap3A_1941 = arith.constant 16 : index
      %swap3A_1942 = tpu.vector_load %arg8[%swap3A_1940, %swap3A_1941] {strides = array<i32>} : memref<32x128xf32, #tpu.memory_space<vmem>>, vector<1x16xf32>,
      %swap3A_1943 = vector.shape_cast %swap3A_1942 : vector<1x16xf32> to vector<16xf32>
      %swap3A_1944 = vector.shape_cast %get3A_1938 : vector<16xf32> to vector<1x16xf32>
      tpu.vector_store %arg8[%swap3A_1940, %swap3A_1941], %swap3A_1944 {strides = array<i32>} : memref<32x128xf32, #tpu.memory_space<vmem>>, vector<1x16xf32>,
      %get3A_1945 = arith.constant 85 : i32
      %get3A_1946 = arith.index_cast %get3A_1945 : i32 to index
      %get3A_1947 = arith.constant 0 : index
      %get3A_1948 = tpu.vector_load %arg7[%get3A_1946, %get3A_1947] {strides = array<i32>} : memref<128x128xf32, #tpu.memory_space<vmem>>, vector<1x16xf32>,
      %get3A_1949 = vector.shape_cast %get3A_1948 : vector<1x16xf32> to vector<16xf32>
      %swap3A_1950 = arith.constant 21 : i32
      %swap3A_1951 = arith.index_cast %swap3A_1950 : i32 to index
      %swap3A_1952 = arith.constant 32 : index
      %swap3A_1953 = tpu.vector_load %arg8[%swap3A_1951, %swap3A_1952] {strides = array<i32>} : memref<32x128xf32, #tpu.memory_space<vmem>>, vector<1x16xf32>,
      %swap3A_1954 = vector.shape_cast %swap3A_1953 : vector<1x16xf32> to vector<16xf32>
      %swap3A_1955 = vector.shape_cast %get3A_1949 : vector<16xf32> to vector<1x16xf32>
      tpu.vector_store %arg8[%swap3A_1951, %swap3A_1952], %swap3A_1955 {strides = array<i32>} : memref<32x128xf32, #tpu.memory_space<vmem>>, vector<1x16xf32>,
      %get3A_1956 = arith.constant 85 : i32
      %get3A_1957 = arith.index_cast %get3A_1956 : i32 to index
      %get3A_1958 = arith.constant 16 : index
      %get3A_1959 = tpu.vector_load %arg7[%get3A_1957, %get3A_1958] {strides = array<i32>} : memref<128x128xf32, #tpu.memory_space<vmem>>, vector<1x16xf32>,
      %get3A_1960 = vector.shape_cast %get3A_1959 : vector<1x16xf32> to vector<16xf32>
      %swap3A_1961 = arith.constant 21 : i32
      %swap3A_1962 = arith.index_cast %swap3A_1961 : i32 to index
      %swap3A_1963 = arith.constant 48 : index
      %swap3A_1964 = tpu.vector_load %arg8[%swap3A_1962, %swap3A_1963] {strides = array<i32>} : memref<32x128xf32, #tpu.memory_space<vmem>>, vector<1x16xf32>,
      %swap3A_1965 = vector.shape_cast %swap3A_1964 : vector<1x16xf32> to vector<16xf32>
      %swap3A_1966 = vector.shape_cast %get3A_1960 : vector<16xf32> to vector<1x16xf32>
      tpu.vector_store %arg8[%swap3A_1962, %swap3A_1963], %swap3A_1966 {strides = array<i32>} : memref<32x128xf32, #tpu.memory_space<vmem>>, vector<1x16xf32>,
      %get3A_1967 = arith.constant 86 : i32
      %get3A_1968 = arith.index_cast %get3A_1967 : i32 to index
      %get3A_1969 = arith.constant 0 : index
      %get3A_1970 = tpu.vector_load %arg7[%get3A_1968, %get3A_1969] {strides = array<i32>} : memref<128x128xf32, #tpu.memory_space<vmem>>, vector<1x16xf32>,
      %get3A_1971 = vector.shape_cast %get3A_1970 : vector<1x16xf32> to vector<16xf32>
      %swap3A_1972 = arith.constant 21 : i32
      %swap3A_1973 = arith.index_cast %swap3A_1972 : i32 to index
      %swap3A_1974 = arith.constant 64 : index
      %swap3A_1975 = tpu.vector_load %arg8[%swap3A_1973, %swap3A_1974] {strides = array<i32>} : memref<32x128xf32, #tpu.memory_space<vmem>>, vector<1x16xf32>,
      %swap3A_1976 = vector.shape_cast %swap3A_1975 : vector<1x16xf32> to vector<16xf32>
      %swap3A_1977 = vector.shape_cast %get3A_1971 : vector<16xf32> to vector<1x16xf32>
      tpu.vector_store %arg8[%swap3A_1973, %swap3A_1974], %swap3A_1977 {strides = array<i32>} : memref<32x128xf32, #tpu.memory_space<vmem>>, vector<1x16xf32>,
      %get3A_1978 = arith.constant 86 : i32
      %get3A_1979 = arith.index_cast %get3A_1978 : i32 to index
      %get3A_1980 = arith.constant 16 : index
      %get3A_1981 = tpu.vector_load %arg7[%get3A_1979, %get3A_1980] {strides = array<i32>} : memref<128x128xf32, #tpu.memory_space<vmem>>, vector<1x16xf32>,
      %get3A_1982 = vector.shape_cast %get3A_1981 : vector<1x16xf32> to vector<16xf32>
      %swap3A_1983 = arith.constant 21 : i32
      %swap3A_1984 = arith.index_cast %swap3A_1983 : i32 to index
      %swap3A_1985 = arith.constant 80 : index
      %swap3A_1986 = tpu.vector_load %arg8[%swap3A_1984, %swap3A_1985] {strides = array<i32>} : memref<32x128xf32, #tpu.memory_space<vmem>>, vector<1x16xf32>,
      %swap3A_1987 = vector.shape_cast %swap3A_1986 : vector<1x16xf32> to vector<16xf32>
      %swap3A_1988 = vector.shape_cast %get3A_1982 : vector<16xf32> to vector<1x16xf32>
      tpu.vector_store %arg8[%swap3A_1984, %swap3A_1985], %swap3A_1988 {strides = array<i32>} : memref<32x128xf32, #tpu.memory_space<vmem>>, vector<1x16xf32>,
      %get3A_1989 = arith.constant 87 : i32
      %get3A_1990 = arith.index_cast %get3A_1989 : i32 to index
      %get3A_1991 = arith.constant 0 : index
      %get3A_1992 = tpu.vector_load %arg7[%get3A_1990, %get3A_1991] {strides = array<i32>} : memref<128x128xf32, #tpu.memory_space<vmem>>, vector<1x16xf32>,
      %get3A_1993 = vector.shape_cast %get3A_1992 : vector<1x16xf32> to vector<16xf32>
      %swap3A_1994 = arith.constant 21 : i32
      %swap3A_1995 = arith.index_cast %swap3A_1994 : i32 to index
      %swap3A_1996 = arith.constant 96 : index
      %swap3A_1997 = tpu.vector_load %arg8[%swap3A_1995, %swap3A_1996] {strides = array<i32>} : memref<32x128xf32, #tpu.memory_space<vmem>>, vector<1x16xf32>,
      %swap3A_1998 = vector.shape_cast %swap3A_1997 : vector<1x16xf32> to vector<16xf32>
      %swap3A_1999 = vector.shape_cast %get3A_1993 : vector<16xf32> to vector<1x16xf32>
      tpu.vector_store %arg8[%swap3A_1995, %swap3A_1996], %swap3A_1999 {strides = array<i32>} : memref<32x128xf32, #tpu.memory_space<vmem>>, vector<1x16xf32>,
      %get3A_2000 = arith.constant 87 : i32
      %get3A_2001 = arith.index_cast %get3A_2000 : i32 to index
      %get3A_2002 = arith.constant 16 : index
      %get3A_2003 = tpu.vector_load %arg7[%get3A_2001, %get3A_2002] {strides = array<i32>} : memref<128x128xf32, #tpu.memory_space<vmem>>, vector<1x16xf32>,
      %get3A_2004 = vector.shape_cast %get3A_2003 : vector<1x16xf32> to vector<16xf32>
      %swap3A_2005 = arith.constant 21 : i32
      %swap3A_2006 = arith.index_cast %swap3A_2005 : i32 to index
      %swap3A_2007 = arith.constant 112 : index
      %swap3A_2008 = tpu.vector_load %arg8[%swap3A_2006, %swap3A_2007] {strides = array<i32>} : memref<32x128xf32, #tpu.memory_space<vmem>>, vector<1x16xf32>,
      %swap3A_2009 = vector.shape_cast %swap3A_2008 : vector<1x16xf32> to vector<16xf32>
      %swap3A_2010 = vector.shape_cast %get3A_2004 : vector<16xf32> to vector<1x16xf32>
      tpu.vector_store %arg8[%swap3A_2006, %swap3A_2007], %swap3A_2010 {strides = array<i32>} : memref<32x128xf32, #tpu.memory_space<vmem>>, vector<1x16xf32>,
      %get3A_2011 = arith.constant 88 : i32
      %get3A_2012 = arith.index_cast %get3A_2011 : i32 to index
      %get3A_2013 = arith.constant 0 : index
      %get3A_2014 = tpu.vector_load %arg7[%get3A_2012, %get3A_2013] {strides = array<i32>} : memref<128x128xf32, #tpu.memory_space<vmem>>, vector<1x16xf32>,
      %get3A_2015 = vector.shape_cast %get3A_2014 : vector<1x16xf32> to vector<16xf32>
      %swap3A_2016 = arith.constant 22 : i32
      %swap3A_2017 = arith.index_cast %swap3A_2016 : i32 to index
      %swap3A_2018 = arith.constant 0 : index
      %swap3A_2019 = tpu.vector_load %arg8[%swap3A_2017, %swap3A_2018] {strides = array<i32>} : memref<32x128xf32, #tpu.memory_space<vmem>>, vector<1x16xf32>,
      %swap3A_2020 = vector.shape_cast %swap3A_2019 : vector<1x16xf32> to vector<16xf32>
      %swap3A_2021 = vector.shape_cast %get3A_2015 : vector<16xf32> to vector<1x16xf32>
      tpu.vector_store %arg8[%swap3A_2017, %swap3A_2018], %swap3A_2021 {strides = array<i32>} : memref<32x128xf32, #tpu.memory_space<vmem>>, vector<1x16xf32>,
      %get3A_2022 = arith.constant 88 : i32
      %get3A_2023 = arith.index_cast %get3A_2022 : i32 to index
      %get3A_2024 = arith.constant 16 : index
      %get3A_2025 = tpu.vector_load %arg7[%get3A_2023, %get3A_2024] {strides = array<i32>} : memref<128x128xf32, #tpu.memory_space<vmem>>, vector<1x16xf32>,
      %get3A_2026 = vector.shape_cast %get3A_2025 : vector<1x16xf32> to vector<16xf32>
      %swap3A_2027 = arith.constant 22 : i32
      %swap3A_2028 = arith.index_cast %swap3A_2027 : i32 to index
      %swap3A_2029 = arith.constant 16 : index
      %swap3A_2030 = tpu.vector_load %arg8[%swap3A_2028, %swap3A_2029] {strides = array<i32>} : memref<32x128xf32, #tpu.memory_space<vmem>>, vector<1x16xf32>,
      %swap3A_2031 = vector.shape_cast %swap3A_2030 : vector<1x16xf32> to vector<16xf32>
      %swap3A_2032 = vector.shape_cast %get3A_2026 : vector<16xf32> to vector<1x16xf32>
      tpu.vector_store %arg8[%swap3A_2028, %swap3A_2029], %swap3A_2032 {strides = array<i32>} : memref<32x128xf32, #tpu.memory_space<vmem>>, vector<1x16xf32>,
      %get3A_2033 = arith.constant 89 : i32
      %get3A_2034 = arith.index_cast %get3A_2033 : i32 to index
      %get3A_2035 = arith.constant 0 : index
      %get3A_2036 = tpu.vector_load %arg7[%get3A_2034, %get3A_2035] {strides = array<i32>} : memref<128x128xf32, #tpu.memory_space<vmem>>, vector<1x16xf32>,
      %get3A_2037 = vector.shape_cast %get3A_2036 : vector<1x16xf32> to vector<16xf32>
      %swap3A_2038 = arith.constant 22 : i32
      %swap3A_2039 = arith.index_cast %swap3A_2038 : i32 to index
      %swap3A_2040 = arith.constant 32 : index
      %swap3A_2041 = tpu.vector_load %arg8[%swap3A_2039, %swap3A_2040] {strides = array<i32>} : memref<32x128xf32, #tpu.memory_space<vmem>>, vector<1x16xf32>,
      %swap3A_2042 = vector.shape_cast %swap3A_2041 : vector<1x16xf32> to vector<16xf32>
      %swap3A_2043 = vector.shape_cast %get3A_2037 : vector<16xf32> to vector<1x16xf32>
      tpu.vector_store %arg8[%swap3A_2039, %swap3A_2040], %swap3A_2043 {strides = array<i32>} : memref<32x128xf32, #tpu.memory_space<vmem>>, vector<1x16xf32>,
      %get3A_2044 = arith.constant 89 : i32
      %get3A_2045 = arith.index_cast %get3A_2044 : i32 to index
      %get3A_2046 = arith.constant 16 : index
      %get3A_2047 = tpu.vector_load %arg7[%get3A_2045, %get3A_2046] {strides = array<i32>} : memref<128x128xf32, #tpu.memory_space<vmem>>, vector<1x16xf32>,
      %get3A_2048 = vector.shape_cast %get3A_2047 : vector<1x16xf32> to vector<16xf32>
      %swap3A_2049 = arith.constant 22 : i32
      %swap3A_2050 = arith.index_cast %swap3A_2049 : i32 to index
      %swap3A_2051 = arith.constant 48 : index
      %swap3A_2052 = tpu.vector_load %arg8[%swap3A_2050, %swap3A_2051] {strides = array<i32>} : memref<32x128xf32, #tpu.memory_space<vmem>>, vector<1x16xf32>,
      %swap3A_2053 = vector.shape_cast %swap3A_2052 : vector<1x16xf32> to vector<16xf32>
      %swap3A_2054 = vector.shape_cast %get3A_2048 : vector<16xf32> to vector<1x16xf32>
      tpu.vector_store %arg8[%swap3A_2050, %swap3A_2051], %swap3A_2054 {strides = array<i32>} : memref<32x128xf32, #tpu.memory_space<vmem>>, vector<1x16xf32>,
      %get3A_2055 = arith.constant 90 : i32
      %get3A_2056 = arith.index_cast %get3A_2055 : i32 to index
      %get3A_2057 = arith.constant 0 : index
      %get3A_2058 = tpu.vector_load %arg7[%get3A_2056, %get3A_2057] {strides = array<i32>} : memref<128x128xf32, #tpu.memory_space<vmem>>, vector<1x16xf32>,
      %get3A_2059 = vector.shape_cast %get3A_2058 : vector<1x16xf32> to vector<16xf32>
      %swap3A_2060 = arith.constant 22 : i32
      %swap3A_2061 = arith.index_cast %swap3A_2060 : i32 to index
      %swap3A_2062 = arith.constant 64 : index
      %swap3A_2063 = tpu.vector_load %arg8[%swap3A_2061, %swap3A_2062] {strides = array<i32>} : memref<32x128xf32, #tpu.memory_space<vmem>>, vector<1x16xf32>,
      %swap3A_2064 = vector.shape_cast %swap3A_2063 : vector<1x16xf32> to vector<16xf32>
      %swap3A_2065 = vector.shape_cast %get3A_2059 : vector<16xf32> to vector<1x16xf32>
      tpu.vector_store %arg8[%swap3A_2061, %swap3A_2062], %swap3A_2065 {strides = array<i32>} : memref<32x128xf32, #tpu.memory_space<vmem>>, vector<1x16xf32>,
      %get3A_2066 = arith.constant 90 : i32
      %get3A_2067 = arith.index_cast %get3A_2066 : i32 to index
      %get3A_2068 = arith.constant 16 : index
      %get3A_2069 = tpu.vector_load %arg7[%get3A_2067, %get3A_2068] {strides = array<i32>} : memref<128x128xf32, #tpu.memory_space<vmem>>, vector<1x16xf32>,
      %get3A_2070 = vector.shape_cast %get3A_2069 : vector<1x16xf32> to vector<16xf32>
      %swap3A_2071 = arith.constant 22 : i32
      %swap3A_2072 = arith.index_cast %swap3A_2071 : i32 to index
      %swap3A_2073 = arith.constant 80 : index
      %swap3A_2074 = tpu.vector_load %arg8[%swap3A_2072, %swap3A_2073] {strides = array<i32>} : memref<32x128xf32, #tpu.memory_space<vmem>>, vector<1x16xf32>,
      %swap3A_2075 = vector.shape_cast %swap3A_2074 : vector<1x16xf32> to vector<16xf32>
      %swap3A_2076 = vector.shape_cast %get3A_2070 : vector<16xf32> to vector<1x16xf32>
      tpu.vector_store %arg8[%swap3A_2072, %swap3A_2073], %swap3A_2076 {strides = array<i32>} : memref<32x128xf32, #tpu.memory_space<vmem>>, vector<1x16xf32>,
      %get3A_2077 = arith.constant 91 : i32
      %get3A_2078 = arith.index_cast %get3A_2077 : i32 to index
      %get3A_2079 = arith.constant 0 : index
      %get3A_2080 = tpu.vector_load %arg7[%get3A_2078, %get3A_2079] {strides = array<i32>} : memref<128x128xf32, #tpu.memory_space<vmem>>, vector<1x16xf32>,
      %get3A_2081 = vector.shape_cast %get3A_2080 : vector<1x16xf32> to vector<16xf32>
      %swap3A_2082 = arith.constant 22 : i32
      %swap3A_2083 = arith.index_cast %swap3A_2082 : i32 to index
      %swap3A_2084 = arith.constant 96 : index
      %swap3A_2085 = tpu.vector_load %arg8[%swap3A_2083, %swap3A_2084] {strides = array<i32>} : memref<32x128xf32, #tpu.memory_space<vmem>>, vector<1x16xf32>,
      %swap3A_2086 = vector.shape_cast %swap3A_2085 : vector<1x16xf32> to vector<16xf32>
      %swap3A_2087 = vector.shape_cast %get3A_2081 : vector<16xf32> to vector<1x16xf32>
      tpu.vector_store %arg8[%swap3A_2083, %swap3A_2084], %swap3A_2087 {strides = array<i32>} : memref<32x128xf32, #tpu.memory_space<vmem>>, vector<1x16xf32>,
      %get3A_2088 = arith.constant 91 : i32
      %get3A_2089 = arith.index_cast %get3A_2088 : i32 to index
      %get3A_2090 = arith.constant 16 : index
      %get3A_2091 = tpu.vector_load %arg7[%get3A_2089, %get3A_2090] {strides = array<i32>} : memref<128x128xf32, #tpu.memory_space<vmem>>, vector<1x16xf32>,
      %get3A_2092 = vector.shape_cast %get3A_2091 : vector<1x16xf32> to vector<16xf32>
      %swap3A_2093 = arith.constant 22 : i32
      %swap3A_2094 = arith.index_cast %swap3A_2093 : i32 to index
      %swap3A_2095 = arith.constant 112 : index
      %swap3A_2096 = tpu.vector_load %arg8[%swap3A_2094, %swap3A_2095] {strides = array<i32>} : memref<32x128xf32, #tpu.memory_space<vmem>>, vector<1x16xf32>,
      %swap3A_2097 = vector.shape_cast %swap3A_2096 : vector<1x16xf32> to vector<16xf32>
      %swap3A_2098 = vector.shape_cast %get3A_2092 : vector<16xf32> to vector<1x16xf32>
      tpu.vector_store %arg8[%swap3A_2094, %swap3A_2095], %swap3A_2098 {strides = array<i32>} : memref<32x128xf32, #tpu.memory_space<vmem>>, vector<1x16xf32>,
      %get3A_2099 = arith.constant 92 : i32
      %get3A_2100 = arith.index_cast %get3A_2099 : i32 to index
      %get3A_2101 = arith.constant 0 : index
      %get3A_2102 = tpu.vector_load %arg7[%get3A_2100, %get3A_2101] {strides = array<i32>} : memref<128x128xf32, #tpu.memory_space<vmem>>, vector<1x16xf32>,
      %get3A_2103 = vector.shape_cast %get3A_2102 : vector<1x16xf32> to vector<16xf32>
      %swap3A_2104 = arith.constant 23 : i32
      %swap3A_2105 = arith.index_cast %swap3A_2104 : i32 to index
      %swap3A_2106 = arith.constant 0 : index
      %swap3A_2107 = tpu.vector_load %arg8[%swap3A_2105, %swap3A_2106] {strides = array<i32>} : memref<32x128xf32, #tpu.memory_space<vmem>>, vector<1x16xf32>,
      %swap3A_2108 = vector.shape_cast %swap3A_2107 : vector<1x16xf32> to vector<16xf32>
      %swap3A_2109 = vector.shape_cast %get3A_2103 : vector<16xf32> to vector<1x16xf32>
      tpu.vector_store %arg8[%swap3A_2105, %swap3A_2106], %swap3A_2109 {strides = array<i32>} : memref<32x128xf32, #tpu.memory_space<vmem>>, vector<1x16xf32>,
      %get3A_2110 = arith.constant 92 : i32
      %get3A_2111 = arith.index_cast %get3A_2110 : i32 to index
      %get3A_2112 = arith.constant 16 : index
      %get3A_2113 = tpu.vector_load %arg7[%get3A_2111, %get3A_2112] {strides = array<i32>} : memref<128x128xf32, #tpu.memory_space<vmem>>, vector<1x16xf32>,
      %get3A_2114 = vector.shape_cast %get3A_2113 : vector<1x16xf32> to vector<16xf32>
      %swap3A_2115 = arith.constant 23 : i32
      %swap3A_2116 = arith.index_cast %swap3A_2115 : i32 to index
      %swap3A_2117 = arith.constant 16 : index
      %swap3A_2118 = tpu.vector_load %arg8[%swap3A_2116, %swap3A_2117] {strides = array<i32>} : memref<32x128xf32, #tpu.memory_space<vmem>>, vector<1x16xf32>,
      %swap3A_2119 = vector.shape_cast %swap3A_2118 : vector<1x16xf32> to vector<16xf32>
      %swap3A_2120 = vector.shape_cast %get3A_2114 : vector<16xf32> to vector<1x16xf32>
      tpu.vector_store %arg8[%swap3A_2116, %swap3A_2117], %swap3A_2120 {strides = array<i32>} : memref<32x128xf32, #tpu.memory_space<vmem>>, vector<1x16xf32>,
      %get3A_2121 = arith.constant 93 : i32
      %get3A_2122 = arith.index_cast %get3A_2121 : i32 to index
      %get3A_2123 = arith.constant 0 : index
      %get3A_2124 = tpu.vector_load %arg7[%get3A_2122, %get3A_2123] {strides = array<i32>} : memref<128x128xf32, #tpu.memory_space<vmem>>, vector<1x16xf32>,
      %get3A_2125 = vector.shape_cast %get3A_2124 : vector<1x16xf32> to vector<16xf32>
      %swap3A_2126 = arith.constant 23 : i32
      %swap3A_2127 = arith.index_cast %swap3A_2126 : i32 to index
      %swap3A_2128 = arith.constant 32 : index
      %swap3A_2129 = tpu.vector_load %arg8[%swap3A_2127, %swap3A_2128] {strides = array<i32>} : memref<32x128xf32, #tpu.memory_space<vmem>>, vector<1x16xf32>,
      %swap3A_2130 = vector.shape_cast %swap3A_2129 : vector<1x16xf32> to vector<16xf32>
      %swap3A_2131 = vector.shape_cast %get3A_2125 : vector<16xf32> to vector<1x16xf32>
      tpu.vector_store %arg8[%swap3A_2127, %swap3A_2128], %swap3A_2131 {strides = array<i32>} : memref<32x128xf32, #tpu.memory_space<vmem>>, vector<1x16xf32>,
      %get3A_2132 = arith.constant 93 : i32
      %get3A_2133 = arith.index_cast %get3A_2132 : i32 to index
      %get3A_2134 = arith.constant 16 : index
      %get3A_2135 = tpu.vector_load %arg7[%get3A_2133, %get3A_2134] {strides = array<i32>} : memref<128x128xf32, #tpu.memory_space<vmem>>, vector<1x16xf32>,
      %get3A_2136 = vector.shape_cast %get3A_2135 : vector<1x16xf32> to vector<16xf32>
      %swap3A_2137 = arith.constant 23 : i32
      %swap3A_2138 = arith.index_cast %swap3A_2137 : i32 to index
      %swap3A_2139 = arith.constant 48 : index
      %swap3A_2140 = tpu.vector_load %arg8[%swap3A_2138, %swap3A_2139] {strides = array<i32>} : memref<32x128xf32, #tpu.memory_space<vmem>>, vector<1x16xf32>,
      %swap3A_2141 = vector.shape_cast %swap3A_2140 : vector<1x16xf32> to vector<16xf32>
      %swap3A_2142 = vector.shape_cast %get3A_2136 : vector<16xf32> to vector<1x16xf32>
      tpu.vector_store %arg8[%swap3A_2138, %swap3A_2139], %swap3A_2142 {strides = array<i32>} : memref<32x128xf32, #tpu.memory_space<vmem>>, vector<1x16xf32>,
      %get3A_2143 = arith.constant 94 : i32
      %get3A_2144 = arith.index_cast %get3A_2143 : i32 to index
      %get3A_2145 = arith.constant 0 : index
      %get3A_2146 = tpu.vector_load %arg7[%get3A_2144, %get3A_2145] {strides = array<i32>} : memref<128x128xf32, #tpu.memory_space<vmem>>, vector<1x16xf32>,
      %get3A_2147 = vector.shape_cast %get3A_2146 : vector<1x16xf32> to vector<16xf32>
      %swap3A_2148 = arith.constant 23 : i32
      %swap3A_2149 = arith.index_cast %swap3A_2148 : i32 to index
      %swap3A_2150 = arith.constant 64 : index
      %swap3A_2151 = tpu.vector_load %arg8[%swap3A_2149, %swap3A_2150] {strides = array<i32>} : memref<32x128xf32, #tpu.memory_space<vmem>>, vector<1x16xf32>,
      %swap3A_2152 = vector.shape_cast %swap3A_2151 : vector<1x16xf32> to vector<16xf32>
      %swap3A_2153 = vector.shape_cast %get3A_2147 : vector<16xf32> to vector<1x16xf32>
      tpu.vector_store %arg8[%swap3A_2149, %swap3A_2150], %swap3A_2153 {strides = array<i32>} : memref<32x128xf32, #tpu.memory_space<vmem>>, vector<1x16xf32>,
      %get3A_2154 = arith.constant 94 : i32
      %get3A_2155 = arith.index_cast %get3A_2154 : i32 to index
      %get3A_2156 = arith.constant 16 : index
      %get3A_2157 = tpu.vector_load %arg7[%get3A_2155, %get3A_2156] {strides = array<i32>} : memref<128x128xf32, #tpu.memory_space<vmem>>, vector<1x16xf32>,
      %get3A_2158 = vector.shape_cast %get3A_2157 : vector<1x16xf32> to vector<16xf32>
      %swap3A_2159 = arith.constant 23 : i32
      %swap3A_2160 = arith.index_cast %swap3A_2159 : i32 to index
      %swap3A_2161 = arith.constant 80 : index
      %swap3A_2162 = tpu.vector_load %arg8[%swap3A_2160, %swap3A_2161] {strides = array<i32>} : memref<32x128xf32, #tpu.memory_space<vmem>>, vector<1x16xf32>,
      %swap3A_2163 = vector.shape_cast %swap3A_2162 : vector<1x16xf32> to vector<16xf32>
      %swap3A_2164 = vector.shape_cast %get3A_2158 : vector<16xf32> to vector<1x16xf32>
      tpu.vector_store %arg8[%swap3A_2160, %swap3A_2161], %swap3A_2164 {strides = array<i32>} : memref<32x128xf32, #tpu.memory_space<vmem>>, vector<1x16xf32>,
      %get3A_2165 = arith.constant 95 : i32
      %get3A_2166 = arith.index_cast %get3A_2165 : i32 to index
      %get3A_2167 = arith.constant 0 : index
      %get3A_2168 = tpu.vector_load %arg7[%get3A_2166, %get3A_2167] {strides = array<i32>} : memref<128x128xf32, #tpu.memory_space<vmem>>, vector<1x16xf32>,
      %get3A_2169 = vector.shape_cast %get3A_2168 : vector<1x16xf32> to vector<16xf32>
      %swap3A_2170 = arith.constant 23 : i32
      %swap3A_2171 = arith.index_cast %swap3A_2170 : i32 to index
      %swap3A_2172 = arith.constant 96 : index
      %swap3A_2173 = tpu.vector_load %arg8[%swap3A_2171, %swap3A_2172] {strides = array<i32>} : memref<32x128xf32, #tpu.memory_space<vmem>>, vector<1x16xf32>,
      %swap3A_2174 = vector.shape_cast %swap3A_2173 : vector<1x16xf32> to vector<16xf32>
      %swap3A_2175 = vector.shape_cast %get3A_2169 : vector<16xf32> to vector<1x16xf32>
      tpu.vector_store %arg8[%swap3A_2171, %swap3A_2172], %swap3A_2175 {strides = array<i32>} : memref<32x128xf32, #tpu.memory_space<vmem>>, vector<1x16xf32>,
      %get3A_2176 = arith.constant 95 : i32
      %get3A_2177 = arith.index_cast %get3A_2176 : i32 to index
      %get3A_2178 = arith.constant 16 : index
      %get3A_2179 = tpu.vector_load %arg7[%get3A_2177, %get3A_2178] {strides = array<i32>} : memref<128x128xf32, #tpu.memory_space<vmem>>, vector<1x16xf32>,
      %get3A_2180 = vector.shape_cast %get3A_2179 : vector<1x16xf32> to vector<16xf32>
      %swap3A_2181 = arith.constant 23 : i32
      %swap3A_2182 = arith.index_cast %swap3A_2181 : i32 to index
      %swap3A_2183 = arith.constant 112 : index
      %swap3A_2184 = tpu.vector_load %arg8[%swap3A_2182, %swap3A_2183] {strides = array<i32>} : memref<32x128xf32, #tpu.memory_space<vmem>>, vector<1x16xf32>,
      %swap3A_2185 = vector.shape_cast %swap3A_2184 : vector<1x16xf32> to vector<16xf32>
      %swap3A_2186 = vector.shape_cast %get3A_2180 : vector<16xf32> to vector<1x16xf32>
      tpu.vector_store %arg8[%swap3A_2182, %swap3A_2183], %swap3A_2186 {strides = array<i32>} : memref<32x128xf32, #tpu.memory_space<vmem>>, vector<1x16xf32>,
      %get3A_2187 = arith.constant 96 : i32
      %get3A_2188 = arith.index_cast %get3A_2187 : i32 to index
      %get3A_2189 = arith.constant 0 : index
      %get3A_2190 = tpu.vector_load %arg7[%get3A_2188, %get3A_2189] {strides = array<i32>} : memref<128x128xf32, #tpu.memory_space<vmem>>, vector<1x16xf32>,
      %get3A_2191 = vector.shape_cast %get3A_2190 : vector<1x16xf32> to vector<16xf32>
      %swap3A_2192 = arith.constant 24 : i32
      %swap3A_2193 = arith.index_cast %swap3A_2192 : i32 to index
      %swap3A_2194 = arith.constant 0 : index
      %swap3A_2195 = tpu.vector_load %arg8[%swap3A_2193, %swap3A_2194] {strides = array<i32>} : memref<32x128xf32, #tpu.memory_space<vmem>>, vector<1x16xf32>,
      %swap3A_2196 = vector.shape_cast %swap3A_2195 : vector<1x16xf32> to vector<16xf32>
      %swap3A_2197 = vector.shape_cast %get3A_2191 : vector<16xf32> to vector<1x16xf32>
      tpu.vector_store %arg8[%swap3A_2193, %swap3A_2194], %swap3A_2197 {strides = array<i32>} : memref<32x128xf32, #tpu.memory_space<vmem>>, vector<1x16xf32>,
      %get3A_2198 = arith.constant 96 : i32
      %get3A_2199 = arith.index_cast %get3A_2198 : i32 to index
      %get3A_2200 = arith.constant 16 : index
      %get3A_2201 = tpu.vector_load %arg7[%get3A_2199, %get3A_2200] {strides = array<i32>} : memref<128x128xf32, #tpu.memory_space<vmem>>, vector<1x16xf32>,
      %get3A_2202 = vector.shape_cast %get3A_2201 : vector<1x16xf32> to vector<16xf32>
      %swap3A_2203 = arith.constant 24 : i32
      %swap3A_2204 = arith.index_cast %swap3A_2203 : i32 to index
      %swap3A_2205 = arith.constant 16 : index
      %swap3A_2206 = tpu.vector_load %arg8[%swap3A_2204, %swap3A_2205] {strides = array<i32>} : memref<32x128xf32, #tpu.memory_space<vmem>>, vector<1x16xf32>,
      %swap3A_2207 = vector.shape_cast %swap3A_2206 : vector<1x16xf32> to vector<16xf32>
      %swap3A_2208 = vector.shape_cast %get3A_2202 : vector<16xf32> to vector<1x16xf32>
      tpu.vector_store %arg8[%swap3A_2204, %swap3A_2205], %swap3A_2208 {strides = array<i32>} : memref<32x128xf32, #tpu.memory_space<vmem>>, vector<1x16xf32>,
      %get3A_2209 = arith.constant 97 : i32
      %get3A_2210 = arith.index_cast %get3A_2209 : i32 to index
      %get3A_2211 = arith.constant 0 : index
      %get3A_2212 = tpu.vector_load %arg7[%get3A_2210, %get3A_2211] {strides = array<i32>} : memref<128x128xf32, #tpu.memory_space<vmem>>, vector<1x16xf32>,
      %get3A_2213 = vector.shape_cast %get3A_2212 : vector<1x16xf32> to vector<16xf32>
      %swap3A_2214 = arith.constant 24 : i32
      %swap3A_2215 = arith.index_cast %swap3A_2214 : i32 to index
      %swap3A_2216 = arith.constant 32 : index
      %swap3A_2217 = tpu.vector_load %arg8[%swap3A_2215, %swap3A_2216] {strides = array<i32>} : memref<32x128xf32, #tpu.memory_space<vmem>>, vector<1x16xf32>,
      %swap3A_2218 = vector.shape_cast %swap3A_2217 : vector<1x16xf32> to vector<16xf32>
      %swap3A_2219 = vector.shape_cast %get3A_2213 : vector<16xf32> to vector<1x16xf32>
      tpu.vector_store %arg8[%swap3A_2215, %swap3A_2216], %swap3A_2219 {strides = array<i32>} : memref<32x128xf32, #tpu.memory_space<vmem>>, vector<1x16xf32>,
      %get3A_2220 = arith.constant 97 : i32
      %get3A_2221 = arith.index_cast %get3A_2220 : i32 to index
      %get3A_2222 = arith.constant 16 : index
      %get3A_2223 = tpu.vector_load %arg7[%get3A_2221, %get3A_2222] {strides = array<i32>} : memref<128x128xf32, #tpu.memory_space<vmem>>, vector<1x16xf32>,
      %get3A_2224 = vector.shape_cast %get3A_2223 : vector<1x16xf32> to vector<16xf32>
      %swap3A_2225 = arith.constant 24 : i32
      %swap3A_2226 = arith.index_cast %swap3A_2225 : i32 to index
      %swap3A_2227 = arith.constant 48 : index
      %swap3A_2228 = tpu.vector_load %arg8[%swap3A_2226, %swap3A_2227] {strides = array<i32>} : memref<32x128xf32, #tpu.memory_space<vmem>>, vector<1x16xf32>,
      %swap3A_2229 = vector.shape_cast %swap3A_2228 : vector<1x16xf32> to vector<16xf32>
      %swap3A_2230 = vector.shape_cast %get3A_2224 : vector<16xf32> to vector<1x16xf32>
      tpu.vector_store %arg8[%swap3A_2226, %swap3A_2227], %swap3A_2230 {strides = array<i32>} : memref<32x128xf32, #tpu.memory_space<vmem>>, vector<1x16xf32>,
      %get3A_2231 = arith.constant 98 : i32
      %get3A_2232 = arith.index_cast %get3A_2231 : i32 to index
      %get3A_2233 = arith.constant 0 : index
      %get3A_2234 = tpu.vector_load %arg7[%get3A_2232, %get3A_2233] {strides = array<i32>} : memref<128x128xf32, #tpu.memory_space<vmem>>, vector<1x16xf32>,
      %get3A_2235 = vector.shape_cast %get3A_2234 : vector<1x16xf32> to vector<16xf32>
      %swap3A_2236 = arith.constant 24 : i32
      %swap3A_2237 = arith.index_cast %swap3A_2236 : i32 to index
      %swap3A_2238 = arith.constant 64 : index
      %swap3A_2239 = tpu.vector_load %arg8[%swap3A_2237, %swap3A_2238] {strides = array<i32>} : memref<32x128xf32, #tpu.memory_space<vmem>>, vector<1x16xf32>,
      %swap3A_2240 = vector.shape_cast %swap3A_2239 : vector<1x16xf32> to vector<16xf32>
      %swap3A_2241 = vector.shape_cast %get3A_2235 : vector<16xf32> to vector<1x16xf32>
      tpu.vector_store %arg8[%swap3A_2237, %swap3A_2238], %swap3A_2241 {strides = array<i32>} : memref<32x128xf32, #tpu.memory_space<vmem>>, vector<1x16xf32>,
      %get3A_2242 = arith.constant 98 : i32
      %get3A_2243 = arith.index_cast %get3A_2242 : i32 to index
      %get3A_2244 = arith.constant 16 : index
      %get3A_2245 = tpu.vector_load %arg7[%get3A_2243, %get3A_2244] {strides = array<i32>} : memref<128x128xf32, #tpu.memory_space<vmem>>, vector<1x16xf32>,
      %get3A_2246 = vector.shape_cast %get3A_2245 : vector<1x16xf32> to vector<16xf32>
      %swap3A_2247 = arith.constant 24 : i32
      %swap3A_2248 = arith.index_cast %swap3A_2247 : i32 to index
      %swap3A_2249 = arith.constant 80 : index
      %swap3A_2250 = tpu.vector_load %arg8[%swap3A_2248, %swap3A_2249] {strides = array<i32>} : memref<32x128xf32, #tpu.memory_space<vmem>>, vector<1x16xf32>,
      %swap3A_2251 = vector.shape_cast %swap3A_2250 : vector<1x16xf32> to vector<16xf32>
      %swap3A_2252 = vector.shape_cast %get3A_2246 : vector<16xf32> to vector<1x16xf32>
      tpu.vector_store %arg8[%swap3A_2248, %swap3A_2249], %swap3A_2252 {strides = array<i32>} : memref<32x128xf32, #tpu.memory_space<vmem>>, vector<1x16xf32>,
      %get3A_2253 = arith.constant 99 : i32
      %get3A_2254 = arith.index_cast %get3A_2253 : i32 to index
      %get3A_2255 = arith.constant 0 : index
      %get3A_2256 = tpu.vector_load %arg7[%get3A_2254, %get3A_2255] {strides = array<i32>} : memref<128x128xf32, #tpu.memory_space<vmem>>, vector<1x16xf32>,
      %get3A_2257 = vector.shape_cast %get3A_2256 : vector<1x16xf32> to vector<16xf32>
      %swap3A_2258 = arith.constant 24 : i32
      %swap3A_2259 = arith.index_cast %swap3A_2258 : i32 to index
      %swap3A_2260 = arith.constant 96 : index
      %swap3A_2261 = tpu.vector_load %arg8[%swap3A_2259, %swap3A_2260] {strides = array<i32>} : memref<32x128xf32, #tpu.memory_space<vmem>>, vector<1x16xf32>,
      %swap3A_2262 = vector.shape_cast %swap3A_2261 : vector<1x16xf32> to vector<16xf32>
      %swap3A_2263 = vector.shape_cast %get3A_2257 : vector<16xf32> to vector<1x16xf32>
      tpu.vector_store %arg8[%swap3A_2259, %swap3A_2260], %swap3A_2263 {strides = array<i32>} : memref<32x128xf32, #tpu.memory_space<vmem>>, vector<1x16xf32>,
      %get3A_2264 = arith.constant 99 : i32
      %get3A_2265 = arith.index_cast %get3A_2264 : i32 to index
      %get3A_2266 = arith.constant 16 : index
      %get3A_2267 = tpu.vector_load %arg7[%get3A_2265, %get3A_2266] {strides = array<i32>} : memref<128x128xf32, #tpu.memory_space<vmem>>, vector<1x16xf32>,
      %get3A_2268 = vector.shape_cast %get3A_2267 : vector<1x16xf32> to vector<16xf32>
      %swap3A_2269 = arith.constant 24 : i32
      %swap3A_2270 = arith.index_cast %swap3A_2269 : i32 to index
      %swap3A_2271 = arith.constant 112 : index
      %swap3A_2272 = tpu.vector_load %arg8[%swap3A_2270, %swap3A_2271] {strides = array<i32>} : memref<32x128xf32, #tpu.memory_space<vmem>>, vector<1x16xf32>,
      %swap3A_2273 = vector.shape_cast %swap3A_2272 : vector<1x16xf32> to vector<16xf32>
      %swap3A_2274 = vector.shape_cast %get3A_2268 : vector<16xf32> to vector<1x16xf32>
      tpu.vector_store %arg8[%swap3A_2270, %swap3A_2271], %swap3A_2274 {strides = array<i32>} : memref<32x128xf32, #tpu.memory_space<vmem>>, vector<1x16xf32>,
      %get3A_2275 = arith.constant 100 : i32
      %get3A_2276 = arith.index_cast %get3A_2275 : i32 to index
      %get3A_2277 = arith.constant 0 : index
      %get3A_2278 = tpu.vector_load %arg7[%get3A_2276, %get3A_2277] {strides = array<i32>} : memref<128x128xf32, #tpu.memory_space<vmem>>, vector<1x16xf32>,
      %get3A_2279 = vector.shape_cast %get3A_2278 : vector<1x16xf32> to vector<16xf32>
      %swap3A_2280 = arith.constant 25 : i32
      %swap3A_2281 = arith.index_cast %swap3A_2280 : i32 to index
      %swap3A_2282 = arith.constant 0 : index
      %swap3A_2283 = tpu.vector_load %arg8[%swap3A_2281, %swap3A_2282] {strides = array<i32>} : memref<32x128xf32, #tpu.memory_space<vmem>>, vector<1x16xf32>,
      %swap3A_2284 = vector.shape_cast %swap3A_2283 : vector<1x16xf32> to vector<16xf32>
      %swap3A_2285 = vector.shape_cast %get3A_2279 : vector<16xf32> to vector<1x16xf32>
      tpu.vector_store %arg8[%swap3A_2281, %swap3A_2282], %swap3A_2285 {strides = array<i32>} : memref<32x128xf32, #tpu.memory_space<vmem>>, vector<1x16xf32>,
      %get3A_2286 = arith.constant 100 : i32
      %get3A_2287 = arith.index_cast %get3A_2286 : i32 to index
      %get3A_2288 = arith.constant 16 : index
      %get3A_2289 = tpu.vector_load %arg7[%get3A_2287, %get3A_2288] {strides = array<i32>} : memref<128x128xf32, #tpu.memory_space<vmem>>, vector<1x16xf32>,
      %get3A_2290 = vector.shape_cast %get3A_2289 : vector<1x16xf32> to vector<16xf32>
      %swap3A_2291 = arith.constant 25 : i32
      %swap3A_2292 = arith.index_cast %swap3A_2291 : i32 to index
      %swap3A_2293 = arith.constant 16 : index
      %swap3A_2294 = tpu.vector_load %arg8[%swap3A_2292, %swap3A_2293] {strides = array<i32>} : memref<32x128xf32, #tpu.memory_space<vmem>>, vector<1x16xf32>,
      %swap3A_2295 = vector.shape_cast %swap3A_2294 : vector<1x16xf32> to vector<16xf32>
      %swap3A_2296 = vector.shape_cast %get3A_2290 : vector<16xf32> to vector<1x16xf32>
      tpu.vector_store %arg8[%swap3A_2292, %swap3A_2293], %swap3A_2296 {strides = array<i32>} : memref<32x128xf32, #tpu.memory_space<vmem>>, vector<1x16xf32>,
      %get3A_2297 = arith.constant 101 : i32
      %get3A_2298 = arith.index_cast %get3A_2297 : i32 to index
      %get3A_2299 = arith.constant 0 : index
      %get3A_2300 = tpu.vector_load %arg7[%get3A_2298, %get3A_2299] {strides = array<i32>} : memref<128x128xf32, #tpu.memory_space<vmem>>, vector<1x16xf32>,
      %get3A_2301 = vector.shape_cast %get3A_2300 : vector<1x16xf32> to vector<16xf32>
      %swap3A_2302 = arith.constant 25 : i32
      %swap3A_2303 = arith.index_cast %swap3A_2302 : i32 to index
      %swap3A_2304 = arith.constant 32 : index
      %swap3A_2305 = tpu.vector_load %arg8[%swap3A_2303, %swap3A_2304] {strides = array<i32>} : memref<32x128xf32, #tpu.memory_space<vmem>>, vector<1x16xf32>,
      %swap3A_2306 = vector.shape_cast %swap3A_2305 : vector<1x16xf32> to vector<16xf32>
      %swap3A_2307 = vector.shape_cast %get3A_2301 : vector<16xf32> to vector<1x16xf32>
      tpu.vector_store %arg8[%swap3A_2303, %swap3A_2304], %swap3A_2307 {strides = array<i32>} : memref<32x128xf32, #tpu.memory_space<vmem>>, vector<1x16xf32>,
      %get3A_2308 = arith.constant 101 : i32
      %get3A_2309 = arith.index_cast %get3A_2308 : i32 to index
      %get3A_2310 = arith.constant 16 : index
      %get3A_2311 = tpu.vector_load %arg7[%get3A_2309, %get3A_2310] {strides = array<i32>} : memref<128x128xf32, #tpu.memory_space<vmem>>, vector<1x16xf32>,
      %get3A_2312 = vector.shape_cast %get3A_2311 : vector<1x16xf32> to vector<16xf32>
      %swap3A_2313 = arith.constant 25 : i32
      %swap3A_2314 = arith.index_cast %swap3A_2313 : i32 to index
      %swap3A_2315 = arith.constant 48 : index
      %swap3A_2316 = tpu.vector_load %arg8[%swap3A_2314, %swap3A_2315] {strides = array<i32>} : memref<32x128xf32, #tpu.memory_space<vmem>>, vector<1x16xf32>,
      %swap3A_2317 = vector.shape_cast %swap3A_2316 : vector<1x16xf32> to vector<16xf32>
      %swap3A_2318 = vector.shape_cast %get3A_2312 : vector<16xf32> to vector<1x16xf32>
      tpu.vector_store %arg8[%swap3A_2314, %swap3A_2315], %swap3A_2318 {strides = array<i32>} : memref<32x128xf32, #tpu.memory_space<vmem>>, vector<1x16xf32>,
      %get3A_2319 = arith.constant 102 : i32
      %get3A_2320 = arith.index_cast %get3A_2319 : i32 to index
      %get3A_2321 = arith.constant 0 : index
      %get3A_2322 = tpu.vector_load %arg7[%get3A_2320, %get3A_2321] {strides = array<i32>} : memref<128x128xf32, #tpu.memory_space<vmem>>, vector<1x16xf32>,
      %get3A_2323 = vector.shape_cast %get3A_2322 : vector<1x16xf32> to vector<16xf32>
      %swap3A_2324 = arith.constant 25 : i32
      %swap3A_2325 = arith.index_cast %swap3A_2324 : i32 to index
      %swap3A_2326 = arith.constant 64 : index
      %swap3A_2327 = tpu.vector_load %arg8[%swap3A_2325, %swap3A_2326] {strides = array<i32>} : memref<32x128xf32, #tpu.memory_space<vmem>>, vector<1x16xf32>,
      %swap3A_2328 = vector.shape_cast %swap3A_2327 : vector<1x16xf32> to vector<16xf32>
      %swap3A_2329 = vector.shape_cast %get3A_2323 : vector<16xf32> to vector<1x16xf32>
      tpu.vector_store %arg8[%swap3A_2325, %swap3A_2326], %swap3A_2329 {strides = array<i32>} : memref<32x128xf32, #tpu.memory_space<vmem>>, vector<1x16xf32>,
      %get3A_2330 = arith.constant 102 : i32
      %get3A_2331 = arith.index_cast %get3A_2330 : i32 to index
      %get3A_2332 = arith.constant 16 : index
      %get3A_2333 = tpu.vector_load %arg7[%get3A_2331, %get3A_2332] {strides = array<i32>} : memref<128x128xf32, #tpu.memory_space<vmem>>, vector<1x16xf32>,
      %get3A_2334 = vector.shape_cast %get3A_2333 : vector<1x16xf32> to vector<16xf32>
      %swap3A_2335 = arith.constant 25 : i32
      %swap3A_2336 = arith.index_cast %swap3A_2335 : i32 to index
      %swap3A_2337 = arith.constant 80 : index
      %swap3A_2338 = tpu.vector_load %arg8[%swap3A_2336, %swap3A_2337] {strides = array<i32>} : memref<32x128xf32, #tpu.memory_space<vmem>>, vector<1x16xf32>,
      %swap3A_2339 = vector.shape_cast %swap3A_2338 : vector<1x16xf32> to vector<16xf32>
      %swap3A_2340 = vector.shape_cast %get3A_2334 : vector<16xf32> to vector<1x16xf32>
      tpu.vector_store %arg8[%swap3A_2336, %swap3A_2337], %swap3A_2340 {strides = array<i32>} : memref<32x128xf32, #tpu.memory_space<vmem>>, vector<1x16xf32>,
      %get3A_2341 = arith.constant 103 : i32
      %get3A_2342 = arith.index_cast %get3A_2341 : i32 to index
      %get3A_2343 = arith.constant 0 : index
      %get3A_2344 = tpu.vector_load %arg7[%get3A_2342, %get3A_2343] {strides = array<i32>} : memref<128x128xf32, #tpu.memory_space<vmem>>, vector<1x16xf32>,
      %get3A_2345 = vector.shape_cast %get3A_2344 : vector<1x16xf32> to vector<16xf32>
      %swap3A_2346 = arith.constant 25 : i32
      %swap3A_2347 = arith.index_cast %swap3A_2346 : i32 to index
      %swap3A_2348 = arith.constant 96 : index
      %swap3A_2349 = tpu.vector_load %arg8[%swap3A_2347, %swap3A_2348] {strides = array<i32>} : memref<32x128xf32, #tpu.memory_space<vmem>>, vector<1x16xf32>,
      %swap3A_2350 = vector.shape_cast %swap3A_2349 : vector<1x16xf32> to vector<16xf32>
      %swap3A_2351 = vector.shape_cast %get3A_2345 : vector<16xf32> to vector<1x16xf32>
      tpu.vector_store %arg8[%swap3A_2347, %swap3A_2348], %swap3A_2351 {strides = array<i32>} : memref<32x128xf32, #tpu.memory_space<vmem>>, vector<1x16xf32>,
      %get3A_2352 = arith.constant 103 : i32
      %get3A_2353 = arith.index_cast %get3A_2352 : i32 to index
      %get3A_2354 = arith.constant 16 : index
      %get3A_2355 = tpu.vector_load %arg7[%get3A_2353, %get3A_2354] {strides = array<i32>} : memref<128x128xf32, #tpu.memory_space<vmem>>, vector<1x16xf32>,
      %get3A_2356 = vector.shape_cast %get3A_2355 : vector<1x16xf32> to vector<16xf32>
      %swap3A_2357 = arith.constant 25 : i32
      %swap3A_2358 = arith.index_cast %swap3A_2357 : i32 to index
      %swap3A_2359 = arith.constant 112 : index
      %swap3A_2360 = tpu.vector_load %arg8[%swap3A_2358, %swap3A_2359] {strides = array<i32>} : memref<32x128xf32, #tpu.memory_space<vmem>>, vector<1x16xf32>,
      %swap3A_2361 = vector.shape_cast %swap3A_2360 : vector<1x16xf32> to vector<16xf32>
      %swap3A_2362 = vector.shape_cast %get3A_2356 : vector<16xf32> to vector<1x16xf32>
      tpu.vector_store %arg8[%swap3A_2358, %swap3A_2359], %swap3A_2362 {strides = array<i32>} : memref<32x128xf32, #tpu.memory_space<vmem>>, vector<1x16xf32>,
      %get3A_2363 = arith.constant 104 : i32
      %get3A_2364 = arith.index_cast %get3A_2363 : i32 to index
      %get3A_2365 = arith.constant 0 : index
      %get3A_2366 = tpu.vector_load %arg7[%get3A_2364, %get3A_2365] {strides = array<i32>} : memref<128x128xf32, #tpu.memory_space<vmem>>, vector<1x16xf32>,
      %get3A_2367 = vector.shape_cast %get3A_2366 : vector<1x16xf32> to vector<16xf32>
      %swap3A_2368 = arith.constant 26 : i32
      %swap3A_2369 = arith.index_cast %swap3A_2368 : i32 to index
      %swap3A_2370 = arith.constant 0 : index
      %swap3A_2371 = tpu.vector_load %arg8[%swap3A_2369, %swap3A_2370] {strides = array<i32>} : memref<32x128xf32, #tpu.memory_space<vmem>>, vector<1x16xf32>,
      %swap3A_2372 = vector.shape_cast %swap3A_2371 : vector<1x16xf32> to vector<16xf32>
      %swap3A_2373 = vector.shape_cast %get3A_2367 : vector<16xf32> to vector<1x16xf32>
      tpu.vector_store %arg8[%swap3A_2369, %swap3A_2370], %swap3A_2373 {strides = array<i32>} : memref<32x128xf32, #tpu.memory_space<vmem>>, vector<1x16xf32>,
      %get3A_2374 = arith.constant 104 : i32
      %get3A_2375 = arith.index_cast %get3A_2374 : i32 to index
      %get3A_2376 = arith.constant 16 : index
      %get3A_2377 = tpu.vector_load %arg7[%get3A_2375, %get3A_2376] {strides = array<i32>} : memref<128x128xf32, #tpu.memory_space<vmem>>, vector<1x16xf32>,
      %get3A_2378 = vector.shape_cast %get3A_2377 : vector<1x16xf32> to vector<16xf32>
      %swap3A_2379 = arith.constant 26 : i32
      %swap3A_2380 = arith.index_cast %swap3A_2379 : i32 to index
      %swap3A_2381 = arith.constant 16 : index
      %swap3A_2382 = tpu.vector_load %arg8[%swap3A_2380, %swap3A_2381] {strides = array<i32>} : memref<32x128xf32, #tpu.memory_space<vmem>>, vector<1x16xf32>,
      %swap3A_2383 = vector.shape_cast %swap3A_2382 : vector<1x16xf32> to vector<16xf32>
      %swap3A_2384 = vector.shape_cast %get3A_2378 : vector<16xf32> to vector<1x16xf32>
      tpu.vector_store %arg8[%swap3A_2380, %swap3A_2381], %swap3A_2384 {strides = array<i32>} : memref<32x128xf32, #tpu.memory_space<vmem>>, vector<1x16xf32>,
      %get3A_2385 = arith.constant 105 : i32
      %get3A_2386 = arith.index_cast %get3A_2385 : i32 to index
      %get3A_2387 = arith.constant 0 : index
      %get3A_2388 = tpu.vector_load %arg7[%get3A_2386, %get3A_2387] {strides = array<i32>} : memref<128x128xf32, #tpu.memory_space<vmem>>, vector<1x16xf32>,
      %get3A_2389 = vector.shape_cast %get3A_2388 : vector<1x16xf32> to vector<16xf32>
      %swap3A_2390 = arith.constant 26 : i32
      %swap3A_2391 = arith.index_cast %swap3A_2390 : i32 to index
      %swap3A_2392 = arith.constant 32 : index
      %swap3A_2393 = tpu.vector_load %arg8[%swap3A_2391, %swap3A_2392] {strides = array<i32>} : memref<32x128xf32, #tpu.memory_space<vmem>>, vector<1x16xf32>,
      %swap3A_2394 = vector.shape_cast %swap3A_2393 : vector<1x16xf32> to vector<16xf32>
      %swap3A_2395 = vector.shape_cast %get3A_2389 : vector<16xf32> to vector<1x16xf32>
      tpu.vector_store %arg8[%swap3A_2391, %swap3A_2392], %swap3A_2395 {strides = array<i32>} : memref<32x128xf32, #tpu.memory_space<vmem>>, vector<1x16xf32>,
      %get3A_2396 = arith.constant 105 : i32
      %get3A_2397 = arith.index_cast %get3A_2396 : i32 to index
      %get3A_2398 = arith.constant 16 : index
      %get3A_2399 = tpu.vector_load %arg7[%get3A_2397, %get3A_2398] {strides = array<i32>} : memref<128x128xf32, #tpu.memory_space<vmem>>, vector<1x16xf32>,
      %get3A_2400 = vector.shape_cast %get3A_2399 : vector<1x16xf32> to vector<16xf32>
      %swap3A_2401 = arith.constant 26 : i32
      %swap3A_2402 = arith.index_cast %swap3A_2401 : i32 to index
      %swap3A_2403 = arith.constant 48 : index
      %swap3A_2404 = tpu.vector_load %arg8[%swap3A_2402, %swap3A_2403] {strides = array<i32>} : memref<32x128xf32, #tpu.memory_space<vmem>>, vector<1x16xf32>,
      %swap3A_2405 = vector.shape_cast %swap3A_2404 : vector<1x16xf32> to vector<16xf32>
      %swap3A_2406 = vector.shape_cast %get3A_2400 : vector<16xf32> to vector<1x16xf32>
      tpu.vector_store %arg8[%swap3A_2402, %swap3A_2403], %swap3A_2406 {strides = array<i32>} : memref<32x128xf32, #tpu.memory_space<vmem>>, vector<1x16xf32>,
      %get3A_2407 = arith.constant 106 : i32
      %get3A_2408 = arith.index_cast %get3A_2407 : i32 to index
      %get3A_2409 = arith.constant 0 : index
      %get3A_2410 = tpu.vector_load %arg7[%get3A_2408, %get3A_2409] {strides = array<i32>} : memref<128x128xf32, #tpu.memory_space<vmem>>, vector<1x16xf32>,
      %get3A_2411 = vector.shape_cast %get3A_2410 : vector<1x16xf32> to vector<16xf32>
      %swap3A_2412 = arith.constant 26 : i32
      %swap3A_2413 = arith.index_cast %swap3A_2412 : i32 to index
      %swap3A_2414 = arith.constant 64 : index
      %swap3A_2415 = tpu.vector_load %arg8[%swap3A_2413, %swap3A_2414] {strides = array<i32>} : memref<32x128xf32, #tpu.memory_space<vmem>>, vector<1x16xf32>,
      %swap3A_2416 = vector.shape_cast %swap3A_2415 : vector<1x16xf32> to vector<16xf32>
      %swap3A_2417 = vector.shape_cast %get3A_2411 : vector<16xf32> to vector<1x16xf32>
      tpu.vector_store %arg8[%swap3A_2413, %swap3A_2414], %swap3A_2417 {strides = array<i32>} : memref<32x128xf32, #tpu.memory_space<vmem>>, vector<1x16xf32>,
      %get3A_2418 = arith.constant 106 : i32
      %get3A_2419 = arith.index_cast %get3A_2418 : i32 to index
      %get3A_2420 = arith.constant 16 : index
      %get3A_2421 = tpu.vector_load %arg7[%get3A_2419, %get3A_2420] {strides = array<i32>} : memref<128x128xf32, #tpu.memory_space<vmem>>, vector<1x16xf32>,
      %get3A_2422 = vector.shape_cast %get3A_2421 : vector<1x16xf32> to vector<16xf32>
      %swap3A_2423 = arith.constant 26 : i32
      %swap3A_2424 = arith.index_cast %swap3A_2423 : i32 to index
      %swap3A_2425 = arith.constant 80 : index
      %swap3A_2426 = tpu.vector_load %arg8[%swap3A_2424, %swap3A_2425] {strides = array<i32>} : memref<32x128xf32, #tpu.memory_space<vmem>>, vector<1x16xf32>,
      %swap3A_2427 = vector.shape_cast %swap3A_2426 : vector<1x16xf32> to vector<16xf32>
      %swap3A_2428 = vector.shape_cast %get3A_2422 : vector<16xf32> to vector<1x16xf32>
      tpu.vector_store %arg8[%swap3A_2424, %swap3A_2425], %swap3A_2428 {strides = array<i32>} : memref<32x128xf32, #tpu.memory_space<vmem>>, vector<1x16xf32>,
      %get3A_2429 = arith.constant 107 : i32
      %get3A_2430 = arith.index_cast %get3A_2429 : i32 to index
      %get3A_2431 = arith.constant 0 : index
      %get3A_2432 = tpu.vector_load %arg7[%get3A_2430, %get3A_2431] {strides = array<i32>} : memref<128x128xf32, #tpu.memory_space<vmem>>, vector<1x16xf32>,
      %get3A_2433 = vector.shape_cast %get3A_2432 : vector<1x16xf32> to vector<16xf32>
      %swap3A_2434 = arith.constant 26 : i32
      %swap3A_2435 = arith.index_cast %swap3A_2434 : i32 to index
      %swap3A_2436 = arith.constant 96 : index
      %swap3A_2437 = tpu.vector_load %arg8[%swap3A_2435, %swap3A_2436] {strides = array<i32>} : memref<32x128xf32, #tpu.memory_space<vmem>>, vector<1x16xf32>,
      %swap3A_2438 = vector.shape_cast %swap3A_2437 : vector<1x16xf32> to vector<16xf32>
      %swap3A_2439 = vector.shape_cast %get3A_2433 : vector<16xf32> to vector<1x16xf32>
      tpu.vector_store %arg8[%swap3A_2435, %swap3A_2436], %swap3A_2439 {strides = array<i32>} : memref<32x128xf32, #tpu.memory_space<vmem>>, vector<1x16xf32>,
      %get3A_2440 = arith.constant 107 : i32
      %get3A_2441 = arith.index_cast %get3A_2440 : i32 to index
      %get3A_2442 = arith.constant 16 : index
      %get3A_2443 = tpu.vector_load %arg7[%get3A_2441, %get3A_2442] {strides = array<i32>} : memref<128x128xf32, #tpu.memory_space<vmem>>, vector<1x16xf32>,
      %get3A_2444 = vector.shape_cast %get3A_2443 : vector<1x16xf32> to vector<16xf32>
      %swap3A_2445 = arith.constant 26 : i32
      %swap3A_2446 = arith.index_cast %swap3A_2445 : i32 to index
      %swap3A_2447 = arith.constant 112 : index
      %swap3A_2448 = tpu.vector_load %arg8[%swap3A_2446, %swap3A_2447] {strides = array<i32>} : memref<32x128xf32, #tpu.memory_space<vmem>>, vector<1x16xf32>,
      %swap3A_2449 = vector.shape_cast %swap3A_2448 : vector<1x16xf32> to vector<16xf32>
      %swap3A_2450 = vector.shape_cast %get3A_2444 : vector<16xf32> to vector<1x16xf32>
      tpu.vector_store %arg8[%swap3A_2446, %swap3A_2447], %swap3A_2450 {strides = array<i32>} : memref<32x128xf32, #tpu.memory_space<vmem>>, vector<1x16xf32>,
      %get3A_2451 = arith.constant 108 : i32
      %get3A_2452 = arith.index_cast %get3A_2451 : i32 to index
      %get3A_2453 = arith.constant 0 : index
      %get3A_2454 = tpu.vector_load %arg7[%get3A_2452, %get3A_2453] {strides = array<i32>} : memref<128x128xf32, #tpu.memory_space<vmem>>, vector<1x16xf32>,
      %get3A_2455 = vector.shape_cast %get3A_2454 : vector<1x16xf32> to vector<16xf32>
      %swap3A_2456 = arith.constant 27 : i32
      %swap3A_2457 = arith.index_cast %swap3A_2456 : i32 to index
      %swap3A_2458 = arith.constant 0 : index
      %swap3A_2459 = tpu.vector_load %arg8[%swap3A_2457, %swap3A_2458] {strides = array<i32>} : memref<32x128xf32, #tpu.memory_space<vmem>>, vector<1x16xf32>,
      %swap3A_2460 = vector.shape_cast %swap3A_2459 : vector<1x16xf32> to vector<16xf32>
      %swap3A_2461 = vector.shape_cast %get3A_2455 : vector<16xf32> to vector<1x16xf32>
      tpu.vector_store %arg8[%swap3A_2457, %swap3A_2458], %swap3A_2461 {strides = array<i32>} : memref<32x128xf32, #tpu.memory_space<vmem>>, vector<1x16xf32>,
      %get3A_2462 = arith.constant 108 : i32
      %get3A_2463 = arith.index_cast %get3A_2462 : i32 to index
      %get3A_2464 = arith.constant 16 : index
      %get3A_2465 = tpu.vector_load %arg7[%get3A_2463, %get3A_2464] {strides = array<i32>} : memref<128x128xf32, #tpu.memory_space<vmem>>, vector<1x16xf32>,
      %get3A_2466 = vector.shape_cast %get3A_2465 : vector<1x16xf32> to vector<16xf32>
      %swap3A_2467 = arith.constant 27 : i32
      %swap3A_2468 = arith.index_cast %swap3A_2467 : i32 to index
      %swap3A_2469 = arith.constant 16 : index
      %swap3A_2470 = tpu.vector_load %arg8[%swap3A_2468, %swap3A_2469] {strides = array<i32>} : memref<32x128xf32, #tpu.memory_space<vmem>>, vector<1x16xf32>,
      %swap3A_2471 = vector.shape_cast %swap3A_2470 : vector<1x16xf32> to vector<16xf32>
      %swap3A_2472 = vector.shape_cast %get3A_2466 : vector<16xf32> to vector<1x16xf32>
      tpu.vector_store %arg8[%swap3A_2468, %swap3A_2469], %swap3A_2472 {strides = array<i32>} : memref<32x128xf32, #tpu.memory_space<vmem>>, vector<1x16xf32>,
      %get3A_2473 = arith.constant 109 : i32
      %get3A_2474 = arith.index_cast %get3A_2473 : i32 to index
      %get3A_2475 = arith.constant 0 : index
      %get3A_2476 = tpu.vector_load %arg7[%get3A_2474, %get3A_2475] {strides = array<i32>} : memref<128x128xf32, #tpu.memory_space<vmem>>, vector<1x16xf32>,
      %get3A_2477 = vector.shape_cast %get3A_2476 : vector<1x16xf32> to vector<16xf32>
      %swap3A_2478 = arith.constant 27 : i32
      %swap3A_2479 = arith.index_cast %swap3A_2478 : i32 to index
      %swap3A_2480 = arith.constant 32 : index
      %swap3A_2481 = tpu.vector_load %arg8[%swap3A_2479, %swap3A_2480] {strides = array<i32>} : memref<32x128xf32, #tpu.memory_space<vmem>>, vector<1x16xf32>,
      %swap3A_2482 = vector.shape_cast %swap3A_2481 : vector<1x16xf32> to vector<16xf32>
      %swap3A_2483 = vector.shape_cast %get3A_2477 : vector<16xf32> to vector<1x16xf32>
      tpu.vector_store %arg8[%swap3A_2479, %swap3A_2480], %swap3A_2483 {strides = array<i32>} : memref<32x128xf32, #tpu.memory_space<vmem>>, vector<1x16xf32>,
      %get3A_2484 = arith.constant 109 : i32
      %get3A_2485 = arith.index_cast %get3A_2484 : i32 to index
      %get3A_2486 = arith.constant 16 : index
      %get3A_2487 = tpu.vector_load %arg7[%get3A_2485, %get3A_2486] {strides = array<i32>} : memref<128x128xf32, #tpu.memory_space<vmem>>, vector<1x16xf32>,
      %get3A_2488 = vector.shape_cast %get3A_2487 : vector<1x16xf32> to vector<16xf32>
      %swap3A_2489 = arith.constant 27 : i32
      %swap3A_2490 = arith.index_cast %swap3A_2489 : i32 to index
      %swap3A_2491 = arith.constant 48 : index
      %swap3A_2492 = tpu.vector_load %arg8[%swap3A_2490, %swap3A_2491] {strides = array<i32>} : memref<32x128xf32, #tpu.memory_space<vmem>>, vector<1x16xf32>,
      %swap3A_2493 = vector.shape_cast %swap3A_2492 : vector<1x16xf32> to vector<16xf32>
      %swap3A_2494 = vector.shape_cast %get3A_2488 : vector<16xf32> to vector<1x16xf32>
      tpu.vector_store %arg8[%swap3A_2490, %swap3A_2491], %swap3A_2494 {strides = array<i32>} : memref<32x128xf32, #tpu.memory_space<vmem>>, vector<1x16xf32>,
      %get3A_2495 = arith.constant 110 : i32
      %get3A_2496 = arith.index_cast %get3A_2495 : i32 to index
      %get3A_2497 = arith.constant 0 : index
      %get3A_2498 = tpu.vector_load %arg7[%get3A_2496, %get3A_2497] {strides = array<i32>} : memref<128x128xf32, #tpu.memory_space<vmem>>, vector<1x16xf32>,
      %get3A_2499 = vector.shape_cast %get3A_2498 : vector<1x16xf32> to vector<16xf32>
      %swap3A_2500 = arith.constant 27 : i32
      %swap3A_2501 = arith.index_cast %swap3A_2500 : i32 to index
      %swap3A_2502 = arith.constant 64 : index
      %swap3A_2503 = tpu.vector_load %arg8[%swap3A_2501, %swap3A_2502] {strides = array<i32>} : memref<32x128xf32, #tpu.memory_space<vmem>>, vector<1x16xf32>,
      %swap3A_2504 = vector.shape_cast %swap3A_2503 : vector<1x16xf32> to vector<16xf32>
      %swap3A_2505 = vector.shape_cast %get3A_2499 : vector<16xf32> to vector<1x16xf32>
      tpu.vector_store %arg8[%swap3A_2501, %swap3A_2502], %swap3A_2505 {strides = array<i32>} : memref<32x128xf32, #tpu.memory_space<vmem>>, vector<1x16xf32>,
      %get3A_2506 = arith.constant 110 : i32
      %get3A_2507 = arith.index_cast %get3A_2506 : i32 to index
      %get3A_2508 = arith.constant 16 : index
      %get3A_2509 = tpu.vector_load %arg7[%get3A_2507, %get3A_2508] {strides = array<i32>} : memref<128x128xf32, #tpu.memory_space<vmem>>, vector<1x16xf32>,
      %get3A_2510 = vector.shape_cast %get3A_2509 : vector<1x16xf32> to vector<16xf32>
      %swap3A_2511 = arith.constant 27 : i32
      %swap3A_2512 = arith.index_cast %swap3A_2511 : i32 to index
      %swap3A_2513 = arith.constant 80 : index
      %swap3A_2514 = tpu.vector_load %arg8[%swap3A_2512, %swap3A_2513] {strides = array<i32>} : memref<32x128xf32, #tpu.memory_space<vmem>>, vector<1x16xf32>,
      %swap3A_2515 = vector.shape_cast %swap3A_2514 : vector<1x16xf32> to vector<16xf32>
      %swap3A_2516 = vector.shape_cast %get3A_2510 : vector<16xf32> to vector<1x16xf32>
      tpu.vector_store %arg8[%swap3A_2512, %swap3A_2513], %swap3A_2516 {strides = array<i32>} : memref<32x128xf32, #tpu.memory_space<vmem>>, vector<1x16xf32>,
      %get3A_2517 = arith.constant 111 : i32
      %get3A_2518 = arith.index_cast %get3A_2517 : i32 to index
      %get3A_2519 = arith.constant 0 : index
      %get3A_2520 = tpu.vector_load %arg7[%get3A_2518, %get3A_2519] {strides = array<i32>} : memref<128x128xf32, #tpu.memory_space<vmem>>, vector<1x16xf32>,
      %get3A_2521 = vector.shape_cast %get3A_2520 : vector<1x16xf32> to vector<16xf32>
      %swap3A_2522 = arith.constant 27 : i32
      %swap3A_2523 = arith.index_cast %swap3A_2522 : i32 to index
      %swap3A_2524 = arith.constant 96 : index
      %swap3A_2525 = tpu.vector_load %arg8[%swap3A_2523, %swap3A_2524] {strides = array<i32>} : memref<32x128xf32, #tpu.memory_space<vmem>>, vector<1x16xf32>,
      %swap3A_2526 = vector.shape_cast %swap3A_2525 : vector<1x16xf32> to vector<16xf32>
      %swap3A_2527 = vector.shape_cast %get3A_2521 : vector<16xf32> to vector<1x16xf32>
      tpu.vector_store %arg8[%swap3A_2523, %swap3A_2524], %swap3A_2527 {strides = array<i32>} : memref<32x128xf32, #tpu.memory_space<vmem>>, vector<1x16xf32>,
      %get3A_2528 = arith.constant 111 : i32
      %get3A_2529 = arith.index_cast %get3A_2528 : i32 to index
      %get3A_2530 = arith.constant 16 : index
      %get3A_2531 = tpu.vector_load %arg7[%get3A_2529, %get3A_2530] {strides = array<i32>} : memref<128x128xf32, #tpu.memory_space<vmem>>, vector<1x16xf32>,
      %get3A_2532 = vector.shape_cast %get3A_2531 : vector<1x16xf32> to vector<16xf32>
      %swap3A_2533 = arith.constant 27 : i32
      %swap3A_2534 = arith.index_cast %swap3A_2533 : i32 to index
      %swap3A_2535 = arith.constant 112 : index
      %swap3A_2536 = tpu.vector_load %arg8[%swap3A_2534, %swap3A_2535] {strides = array<i32>} : memref<32x128xf32, #tpu.memory_space<vmem>>, vector<1x16xf32>,
      %swap3A_2537 = vector.shape_cast %swap3A_2536 : vector<1x16xf32> to vector<16xf32>
      %swap3A_2538 = vector.shape_cast %get3A_2532 : vector<16xf32> to vector<1x16xf32>
      tpu.vector_store %arg8[%swap3A_2534, %swap3A_2535], %swap3A_2538 {strides = array<i32>} : memref<32x128xf32, #tpu.memory_space<vmem>>, vector<1x16xf32>,
      %get3A_2539 = arith.constant 112 : i32
      %get3A_2540 = arith.index_cast %get3A_2539 : i32 to index
      %get3A_2541 = arith.constant 0 : index
      %get3A_2542 = tpu.vector_load %arg7[%get3A_2540, %get3A_2541] {strides = array<i32>} : memref<128x128xf32, #tpu.memory_space<vmem>>, vector<1x16xf32>,
      %get3A_2543 = vector.shape_cast %get3A_2542 : vector<1x16xf32> to vector<16xf32>
      %swap3A_2544 = arith.constant 28 : i32
      %swap3A_2545 = arith.index_cast %swap3A_2544 : i32 to index
      %swap3A_2546 = arith.constant 0 : index
      %swap3A_2547 = tpu.vector_load %arg8[%swap3A_2545, %swap3A_2546] {strides = array<i32>} : memref<32x128xf32, #tpu.memory_space<vmem>>, vector<1x16xf32>,
      %swap3A_2548 = vector.shape_cast %swap3A_2547 : vector<1x16xf32> to vector<16xf32>
      %swap3A_2549 = vector.shape_cast %get3A_2543 : vector<16xf32> to vector<1x16xf32>
      tpu.vector_store %arg8[%swap3A_2545, %swap3A_2546], %swap3A_2549 {strides = array<i32>} : memref<32x128xf32, #tpu.memory_space<vmem>>, vector<1x16xf32>,
      %get3A_2550 = arith.constant 112 : i32
      %get3A_2551 = arith.index_cast %get3A_2550 : i32 to index
      %get3A_2552 = arith.constant 16 : index
      %get3A_2553 = tpu.vector_load %arg7[%get3A_2551, %get3A_2552] {strides = array<i32>} : memref<128x128xf32, #tpu.memory_space<vmem>>, vector<1x16xf32>,
      %get3A_2554 = vector.shape_cast %get3A_2553 : vector<1x16xf32> to vector<16xf32>
      %swap3A_2555 = arith.constant 28 : i32
      %swap3A_2556 = arith.index_cast %swap3A_2555 : i32 to index
      %swap3A_2557 = arith.constant 16 : index
      %swap3A_2558 = tpu.vector_load %arg8[%swap3A_2556, %swap3A_2557] {strides = array<i32>} : memref<32x128xf32, #tpu.memory_space<vmem>>, vector<1x16xf32>,
      %swap3A_2559 = vector.shape_cast %swap3A_2558 : vector<1x16xf32> to vector<16xf32>
      %swap3A_2560 = vector.shape_cast %get3A_2554 : vector<16xf32> to vector<1x16xf32>
      tpu.vector_store %arg8[%swap3A_2556, %swap3A_2557], %swap3A_2560 {strides = array<i32>} : memref<32x128xf32, #tpu.memory_space<vmem>>, vector<1x16xf32>,
      %get3A_2561 = arith.constant 113 : i32
      %get3A_2562 = arith.index_cast %get3A_2561 : i32 to index
      %get3A_2563 = arith.constant 0 : index
      %get3A_2564 = tpu.vector_load %arg7[%get3A_2562, %get3A_2563] {strides = array<i32>} : memref<128x128xf32, #tpu.memory_space<vmem>>, vector<1x16xf32>,
      %get3A_2565 = vector.shape_cast %get3A_2564 : vector<1x16xf32> to vector<16xf32>
      %swap3A_2566 = arith.constant 28 : i32
      %swap3A_2567 = arith.index_cast %swap3A_2566 : i32 to index
      %swap3A_2568 = arith.constant 32 : index
      %swap3A_2569 = tpu.vector_load %arg8[%swap3A_2567, %swap3A_2568] {strides = array<i32>} : memref<32x128xf32, #tpu.memory_space<vmem>>, vector<1x16xf32>,
      %swap3A_2570 = vector.shape_cast %swap3A_2569 : vector<1x16xf32> to vector<16xf32>
      %swap3A_2571 = vector.shape_cast %get3A_2565 : vector<16xf32> to vector<1x16xf32>
      tpu.vector_store %arg8[%swap3A_2567, %swap3A_2568], %swap3A_2571 {strides = array<i32>} : memref<32x128xf32, #tpu.memory_space<vmem>>, vector<1x16xf32>,
      %get3A_2572 = arith.constant 113 : i32
      %get3A_2573 = arith.index_cast %get3A_2572 : i32 to index
      %get3A_2574 = arith.constant 16 : index
      %get3A_2575 = tpu.vector_load %arg7[%get3A_2573, %get3A_2574] {strides = array<i32>} : memref<128x128xf32, #tpu.memory_space<vmem>>, vector<1x16xf32>,
      %get3A_2576 = vector.shape_cast %get3A_2575 : vector<1x16xf32> to vector<16xf32>
      %swap3A_2577 = arith.constant 28 : i32
      %swap3A_2578 = arith.index_cast %swap3A_2577 : i32 to index
      %swap3A_2579 = arith.constant 48 : index
      %swap3A_2580 = tpu.vector_load %arg8[%swap3A_2578, %swap3A_2579] {strides = array<i32>} : memref<32x128xf32, #tpu.memory_space<vmem>>, vector<1x16xf32>,
      %swap3A_2581 = vector.shape_cast %swap3A_2580 : vector<1x16xf32> to vector<16xf32>
      %swap3A_2582 = vector.shape_cast %get3A_2576 : vector<16xf32> to vector<1x16xf32>
      tpu.vector_store %arg8[%swap3A_2578, %swap3A_2579], %swap3A_2582 {strides = array<i32>} : memref<32x128xf32, #tpu.memory_space<vmem>>, vector<1x16xf32>,
      %get3A_2583 = arith.constant 114 : i32
      %get3A_2584 = arith.index_cast %get3A_2583 : i32 to index
      %get3A_2585 = arith.constant 0 : index
      %get3A_2586 = tpu.vector_load %arg7[%get3A_2584, %get3A_2585] {strides = array<i32>} : memref<128x128xf32, #tpu.memory_space<vmem>>, vector<1x16xf32>,
      %get3A_2587 = vector.shape_cast %get3A_2586 : vector<1x16xf32> to vector<16xf32>
      %swap3A_2588 = arith.constant 28 : i32
      %swap3A_2589 = arith.index_cast %swap3A_2588 : i32 to index
      %swap3A_2590 = arith.constant 64 : index
      %swap3A_2591 = tpu.vector_load %arg8[%swap3A_2589, %swap3A_2590] {strides = array<i32>} : memref<32x128xf32, #tpu.memory_space<vmem>>, vector<1x16xf32>,
      %swap3A_2592 = vector.shape_cast %swap3A_2591 : vector<1x16xf32> to vector<16xf32>
      %swap3A_2593 = vector.shape_cast %get3A_2587 : vector<16xf32> to vector<1x16xf32>
      tpu.vector_store %arg8[%swap3A_2589, %swap3A_2590], %swap3A_2593 {strides = array<i32>} : memref<32x128xf32, #tpu.memory_space<vmem>>, vector<1x16xf32>,
      %get3A_2594 = arith.constant 114 : i32
      %get3A_2595 = arith.index_cast %get3A_2594 : i32 to index
      %get3A_2596 = arith.constant 16 : index
      %get3A_2597 = tpu.vector_load %arg7[%get3A_2595, %get3A_2596] {strides = array<i32>} : memref<128x128xf32, #tpu.memory_space<vmem>>, vector<1x16xf32>,
      %get3A_2598 = vector.shape_cast %get3A_2597 : vector<1x16xf32> to vector<16xf32>
      %swap3A_2599 = arith.constant 28 : i32
      %swap3A_2600 = arith.index_cast %swap3A_2599 : i32 to index
      %swap3A_2601 = arith.constant 80 : index
      %swap3A_2602 = tpu.vector_load %arg8[%swap3A_2600, %swap3A_2601] {strides = array<i32>} : memref<32x128xf32, #tpu.memory_space<vmem>>, vector<1x16xf32>,
      %swap3A_2603 = vector.shape_cast %swap3A_2602 : vector<1x16xf32> to vector<16xf32>
      %swap3A_2604 = vector.shape_cast %get3A_2598 : vector<16xf32> to vector<1x16xf32>
      tpu.vector_store %arg8[%swap3A_2600, %swap3A_2601], %swap3A_2604 {strides = array<i32>} : memref<32x128xf32, #tpu.memory_space<vmem>>, vector<1x16xf32>,
      %get3A_2605 = arith.constant 115 : i32
      %get3A_2606 = arith.index_cast %get3A_2605 : i32 to index
      %get3A_2607 = arith.constant 0 : index
      %get3A_2608 = tpu.vector_load %arg7[%get3A_2606, %get3A_2607] {strides = array<i32>} : memref<128x128xf32, #tpu.memory_space<vmem>>, vector<1x16xf32>,
      %get3A_2609 = vector.shape_cast %get3A_2608 : vector<1x16xf32> to vector<16xf32>
      %swap3A_2610 = arith.constant 28 : i32
      %swap3A_2611 = arith.index_cast %swap3A_2610 : i32 to index
      %swap3A_2612 = arith.constant 96 : index
      %swap3A_2613 = tpu.vector_load %arg8[%swap3A_2611, %swap3A_2612] {strides = array<i32>} : memref<32x128xf32, #tpu.memory_space<vmem>>, vector<1x16xf32>,
      %swap3A_2614 = vector.shape_cast %swap3A_2613 : vector<1x16xf32> to vector<16xf32>
      %swap3A_2615 = vector.shape_cast %get3A_2609 : vector<16xf32> to vector<1x16xf32>
      tpu.vector_store %arg8[%swap3A_2611, %swap3A_2612], %swap3A_2615 {strides = array<i32>} : memref<32x128xf32, #tpu.memory_space<vmem>>, vector<1x16xf32>,
      %get3A_2616 = arith.constant 115 : i32
      %get3A_2617 = arith.index_cast %get3A_2616 : i32 to index
      %get3A_2618 = arith.constant 16 : index
      %get3A_2619 = tpu.vector_load %arg7[%get3A_2617, %get3A_2618] {strides = array<i32>} : memref<128x128xf32, #tpu.memory_space<vmem>>, vector<1x16xf32>,
      %get3A_2620 = vector.shape_cast %get3A_2619 : vector<1x16xf32> to vector<16xf32>
      %swap3A_2621 = arith.constant 28 : i32
      %swap3A_2622 = arith.index_cast %swap3A_2621 : i32 to index
      %swap3A_2623 = arith.constant 112 : index
      %swap3A_2624 = tpu.vector_load %arg8[%swap3A_2622, %swap3A_2623] {strides = array<i32>} : memref<32x128xf32, #tpu.memory_space<vmem>>, vector<1x16xf32>,
      %swap3A_2625 = vector.shape_cast %swap3A_2624 : vector<1x16xf32> to vector<16xf32>
      %swap3A_2626 = vector.shape_cast %get3A_2620 : vector<16xf32> to vector<1x16xf32>
      tpu.vector_store %arg8[%swap3A_2622, %swap3A_2623], %swap3A_2626 {strides = array<i32>} : memref<32x128xf32, #tpu.memory_space<vmem>>, vector<1x16xf32>,
      %get3A_2627 = arith.constant 116 : i32
      %get3A_2628 = arith.index_cast %get3A_2627 : i32 to index
      %get3A_2629 = arith.constant 0 : index
      %get3A_2630 = tpu.vector_load %arg7[%get3A_2628, %get3A_2629] {strides = array<i32>} : memref<128x128xf32, #tpu.memory_space<vmem>>, vector<1x16xf32>,
      %get3A_2631 = vector.shape_cast %get3A_2630 : vector<1x16xf32> to vector<16xf32>
      %swap3A_2632 = arith.constant 29 : i32
      %swap3A_2633 = arith.index_cast %swap3A_2632 : i32 to index
      %swap3A_2634 = arith.constant 0 : index
      %swap3A_2635 = tpu.vector_load %arg8[%swap3A_2633, %swap3A_2634] {strides = array<i32>} : memref<32x128xf32, #tpu.memory_space<vmem>>, vector<1x16xf32>,
      %swap3A_2636 = vector.shape_cast %swap3A_2635 : vector<1x16xf32> to vector<16xf32>
      %swap3A_2637 = vector.shape_cast %get3A_2631 : vector<16xf32> to vector<1x16xf32>
      tpu.vector_store %arg8[%swap3A_2633, %swap3A_2634], %swap3A_2637 {strides = array<i32>} : memref<32x128xf32, #tpu.memory_space<vmem>>, vector<1x16xf32>,
      %get3A_2638 = arith.constant 116 : i32
      %get3A_2639 = arith.index_cast %get3A_2638 : i32 to index
      %get3A_2640 = arith.constant 16 : index
      %get3A_2641 = tpu.vector_load %arg7[%get3A_2639, %get3A_2640] {strides = array<i32>} : memref<128x128xf32, #tpu.memory_space<vmem>>, vector<1x16xf32>,
      %get3A_2642 = vector.shape_cast %get3A_2641 : vector<1x16xf32> to vector<16xf32>
      %swap3A_2643 = arith.constant 29 : i32
      %swap3A_2644 = arith.index_cast %swap3A_2643 : i32 to index
      %swap3A_2645 = arith.constant 16 : index
      %swap3A_2646 = tpu.vector_load %arg8[%swap3A_2644, %swap3A_2645] {strides = array<i32>} : memref<32x128xf32, #tpu.memory_space<vmem>>, vector<1x16xf32>,
      %swap3A_2647 = vector.shape_cast %swap3A_2646 : vector<1x16xf32> to vector<16xf32>
      %swap3A_2648 = vector.shape_cast %get3A_2642 : vector<16xf32> to vector<1x16xf32>
      tpu.vector_store %arg8[%swap3A_2644, %swap3A_2645], %swap3A_2648 {strides = array<i32>} : memref<32x128xf32, #tpu.memory_space<vmem>>, vector<1x16xf32>,
      %get3A_2649 = arith.constant 117 : i32
      %get3A_2650 = arith.index_cast %get3A_2649 : i32 to index
      %get3A_2651 = arith.constant 0 : index
      %get3A_2652 = tpu.vector_load %arg7[%get3A_2650, %get3A_2651] {strides = array<i32>} : memref<128x128xf32, #tpu.memory_space<vmem>>, vector<1x16xf32>,
      %get3A_2653 = vector.shape_cast %get3A_2652 : vector<1x16xf32> to vector<16xf32>
      %swap3A_2654 = arith.constant 29 : i32
      %swap3A_2655 = arith.index_cast %swap3A_2654 : i32 to index
      %swap3A_2656 = arith.constant 32 : index
      %swap3A_2657 = tpu.vector_load %arg8[%swap3A_2655, %swap3A_2656] {strides = array<i32>} : memref<32x128xf32, #tpu.memory_space<vmem>>, vector<1x16xf32>,
      %swap3A_2658 = vector.shape_cast %swap3A_2657 : vector<1x16xf32> to vector<16xf32>
      %swap3A_2659 = vector.shape_cast %get3A_2653 : vector<16xf32> to vector<1x16xf32>
      tpu.vector_store %arg8[%swap3A_2655, %swap3A_2656], %swap3A_2659 {strides = array<i32>} : memref<32x128xf32, #tpu.memory_space<vmem>>, vector<1x16xf32>,
      %get3A_2660 = arith.constant 117 : i32
      %get3A_2661 = arith.index_cast %get3A_2660 : i32 to index
      %get3A_2662 = arith.constant 16 : index
      %get3A_2663 = tpu.vector_load %arg7[%get3A_2661, %get3A_2662] {strides = array<i32>} : memref<128x128xf32, #tpu.memory_space<vmem>>, vector<1x16xf32>,
      %get3A_2664 = vector.shape_cast %get3A_2663 : vector<1x16xf32> to vector<16xf32>
      %swap3A_2665 = arith.constant 29 : i32
      %swap3A_2666 = arith.index_cast %swap3A_2665 : i32 to index
      %swap3A_2667 = arith.constant 48 : index
      %swap3A_2668 = tpu.vector_load %arg8[%swap3A_2666, %swap3A_2667] {strides = array<i32>} : memref<32x128xf32, #tpu.memory_space<vmem>>, vector<1x16xf32>,
      %swap3A_2669 = vector.shape_cast %swap3A_2668 : vector<1x16xf32> to vector<16xf32>
      %swap3A_2670 = vector.shape_cast %get3A_2664 : vector<16xf32> to vector<1x16xf32>
      tpu.vector_store %arg8[%swap3A_2666, %swap3A_2667], %swap3A_2670 {strides = array<i32>} : memref<32x128xf32, #tpu.memory_space<vmem>>, vector<1x16xf32>,
      %get3A_2671 = arith.constant 118 : i32
      %get3A_2672 = arith.index_cast %get3A_2671 : i32 to index
      %get3A_2673 = arith.constant 0 : index
      %get3A_2674 = tpu.vector_load %arg7[%get3A_2672, %get3A_2673] {strides = array<i32>} : memref<128x128xf32, #tpu.memory_space<vmem>>, vector<1x16xf32>,
      %get3A_2675 = vector.shape_cast %get3A_2674 : vector<1x16xf32> to vector<16xf32>
      %swap3A_2676 = arith.constant 29 : i32
      %swap3A_2677 = arith.index_cast %swap3A_2676 : i32 to index
      %swap3A_2678 = arith.constant 64 : index
      %swap3A_2679 = tpu.vector_load %arg8[%swap3A_2677, %swap3A_2678] {strides = array<i32>} : memref<32x128xf32, #tpu.memory_space<vmem>>, vector<1x16xf32>,
      %swap3A_2680 = vector.shape_cast %swap3A_2679 : vector<1x16xf32> to vector<16xf32>
      %swap3A_2681 = vector.shape_cast %get3A_2675 : vector<16xf32> to vector<1x16xf32>
      tpu.vector_store %arg8[%swap3A_2677, %swap3A_2678], %swap3A_2681 {strides = array<i32>} : memref<32x128xf32, #tpu.memory_space<vmem>>, vector<1x16xf32>,
      %get3A_2682 = arith.constant 118 : i32
      %get3A_2683 = arith.index_cast %get3A_2682 : i32 to index
      %get3A_2684 = arith.constant 16 : index
      %get3A_2685 = tpu.vector_load %arg7[%get3A_2683, %get3A_2684] {strides = array<i32>} : memref<128x128xf32, #tpu.memory_space<vmem>>, vector<1x16xf32>,
      %get3A_2686 = vector.shape_cast %get3A_2685 : vector<1x16xf32> to vector<16xf32>
      %swap3A_2687 = arith.constant 29 : i32
      %swap3A_2688 = arith.index_cast %swap3A_2687 : i32 to index
      %swap3A_2689 = arith.constant 80 : index
      %swap3A_2690 = tpu.vector_load %arg8[%swap3A_2688, %swap3A_2689] {strides = array<i32>} : memref<32x128xf32, #tpu.memory_space<vmem>>, vector<1x16xf32>,
      %swap3A_2691 = vector.shape_cast %swap3A_2690 : vector<1x16xf32> to vector<16xf32>
      %swap3A_2692 = vector.shape_cast %get3A_2686 : vector<16xf32> to vector<1x16xf32>
      tpu.vector_store %arg8[%swap3A_2688, %swap3A_2689], %swap3A_2692 {strides = array<i32>} : memref<32x128xf32, #tpu.memory_space<vmem>>, vector<1x16xf32>,
      %get3A_2693 = arith.constant 119 : i32
      %get3A_2694 = arith.index_cast %get3A_2693 : i32 to index
      %get3A_2695 = arith.constant 0 : index
      %get3A_2696 = tpu.vector_load %arg7[%get3A_2694, %get3A_2695] {strides = array<i32>} : memref<128x128xf32, #tpu.memory_space<vmem>>, vector<1x16xf32>,
      %get3A_2697 = vector.shape_cast %get3A_2696 : vector<1x16xf32> to vector<16xf32>
      %swap3A_2698 = arith.constant 29 : i32
      %swap3A_2699 = arith.index_cast %swap3A_2698 : i32 to index
      %swap3A_2700 = arith.constant 96 : index
      %swap3A_2701 = tpu.vector_load %arg8[%swap3A_2699, %swap3A_2700] {strides = array<i32>} : memref<32x128xf32, #tpu.memory_space<vmem>>, vector<1x16xf32>,
      %swap3A_2702 = vector.shape_cast %swap3A_2701 : vector<1x16xf32> to vector<16xf32>
      %swap3A_2703 = vector.shape_cast %get3A_2697 : vector<16xf32> to vector<1x16xf32>
      tpu.vector_store %arg8[%swap3A_2699, %swap3A_2700], %swap3A_2703 {strides = array<i32>} : memref<32x128xf32, #tpu.memory_space<vmem>>, vector<1x16xf32>,
      %get3A_2704 = arith.constant 119 : i32
      %get3A_2705 = arith.index_cast %get3A_2704 : i32 to index
      %get3A_2706 = arith.constant 16 : index
      %get3A_2707 = tpu.vector_load %arg7[%get3A_2705, %get3A_2706] {strides = array<i32>} : memref<128x128xf32, #tpu.memory_space<vmem>>, vector<1x16xf32>,
      %get3A_2708 = vector.shape_cast %get3A_2707 : vector<1x16xf32> to vector<16xf32>
      %swap3A_2709 = arith.constant 29 : i32
      %swap3A_2710 = arith.index_cast %swap3A_2709 : i32 to index
      %swap3A_2711 = arith.constant 112 : index
      %swap3A_2712 = tpu.vector_load %arg8[%swap3A_2710, %swap3A_2711] {strides = array<i32>} : memref<32x128xf32, #tpu.memory_space<vmem>>, vector<1x16xf32>,
      %swap3A_2713 = vector.shape_cast %swap3A_2712 : vector<1x16xf32> to vector<16xf32>
      %swap3A_2714 = vector.shape_cast %get3A_2708 : vector<16xf32> to vector<1x16xf32>
      tpu.vector_store %arg8[%swap3A_2710, %swap3A_2711], %swap3A_2714 {strides = array<i32>} : memref<32x128xf32, #tpu.memory_space<vmem>>, vector<1x16xf32>,
      %get3A_2715 = arith.constant 120 : i32
      %get3A_2716 = arith.index_cast %get3A_2715 : i32 to index
      %get3A_2717 = arith.constant 0 : index
      %get3A_2718 = tpu.vector_load %arg7[%get3A_2716, %get3A_2717] {strides = array<i32>} : memref<128x128xf32, #tpu.memory_space<vmem>>, vector<1x16xf32>,
      %get3A_2719 = vector.shape_cast %get3A_2718 : vector<1x16xf32> to vector<16xf32>
      %swap3A_2720 = arith.constant 30 : i32
      %swap3A_2721 = arith.index_cast %swap3A_2720 : i32 to index
      %swap3A_2722 = arith.constant 0 : index
      %swap3A_2723 = tpu.vector_load %arg8[%swap3A_2721, %swap3A_2722] {strides = array<i32>} : memref<32x128xf32, #tpu.memory_space<vmem>>, vector<1x16xf32>,
      %swap3A_2724 = vector.shape_cast %swap3A_2723 : vector<1x16xf32> to vector<16xf32>
      %swap3A_2725 = vector.shape_cast %get3A_2719 : vector<16xf32> to vector<1x16xf32>
      tpu.vector_store %arg8[%swap3A_2721, %swap3A_2722], %swap3A_2725 {strides = array<i32>} : memref<32x128xf32, #tpu.memory_space<vmem>>, vector<1x16xf32>,
      %get3A_2726 = arith.constant 120 : i32
      %get3A_2727 = arith.index_cast %get3A_2726 : i32 to index
      %get3A_2728 = arith.constant 16 : index
      %get3A_2729 = tpu.vector_load %arg7[%get3A_2727, %get3A_2728] {strides = array<i32>} : memref<128x128xf32, #tpu.memory_space<vmem>>, vector<1x16xf32>,
      %get3A_2730 = vector.shape_cast %get3A_2729 : vector<1x16xf32> to vector<16xf32>
      %swap3A_2731 = arith.constant 30 : i32
      %swap3A_2732 = arith.index_cast %swap3A_2731 : i32 to index
      %swap3A_2733 = arith.constant 16 : index
      %swap3A_2734 = tpu.vector_load %arg8[%swap3A_2732, %swap3A_2733] {strides = array<i32>} : memref<32x128xf32, #tpu.memory_space<vmem>>, vector<1x16xf32>,
      %swap3A_2735 = vector.shape_cast %swap3A_2734 : vector<1x16xf32> to vector<16xf32>
      %swap3A_2736 = vector.shape_cast %get3A_2730 : vector<16xf32> to vector<1x16xf32>
      tpu.vector_store %arg8[%swap3A_2732, %swap3A_2733], %swap3A_2736 {strides = array<i32>} : memref<32x128xf32, #tpu.memory_space<vmem>>, vector<1x16xf32>,
      %get3A_2737 = arith.constant 121 : i32
      %get3A_2738 = arith.index_cast %get3A_2737 : i32 to index
      %get3A_2739 = arith.constant 0 : index
      %get3A_2740 = tpu.vector_load %arg7[%get3A_2738, %get3A_2739] {strides = array<i32>} : memref<128x128xf32, #tpu.memory_space<vmem>>, vector<1x16xf32>,
      %get3A_2741 = vector.shape_cast %get3A_2740 : vector<1x16xf32> to vector<16xf32>
      %swap3A_2742 = arith.constant 30 : i32
      %swap3A_2743 = arith.index_cast %swap3A_2742 : i32 to index
      %swap3A_2744 = arith.constant 32 : index
      %swap3A_2745 = tpu.vector_load %arg8[%swap3A_2743, %swap3A_2744] {strides = array<i32>} : memref<32x128xf32, #tpu.memory_space<vmem>>, vector<1x16xf32>,
      %swap3A_2746 = vector.shape_cast %swap3A_2745 : vector<1x16xf32> to vector<16xf32>
      %swap3A_2747 = vector.shape_cast %get3A_2741 : vector<16xf32> to vector<1x16xf32>
      tpu.vector_store %arg8[%swap3A_2743, %swap3A_2744], %swap3A_2747 {strides = array<i32>} : memref<32x128xf32, #tpu.memory_space<vmem>>, vector<1x16xf32>,
      %get3A_2748 = arith.constant 121 : i32
      %get3A_2749 = arith.index_cast %get3A_2748 : i32 to index
      %get3A_2750 = arith.constant 16 : index
      %get3A_2751 = tpu.vector_load %arg7[%get3A_2749, %get3A_2750] {strides = array<i32>} : memref<128x128xf32, #tpu.memory_space<vmem>>, vector<1x16xf32>,
      %get3A_2752 = vector.shape_cast %get3A_2751 : vector<1x16xf32> to vector<16xf32>
      %swap3A_2753 = arith.constant 30 : i32
      %swap3A_2754 = arith.index_cast %swap3A_2753 : i32 to index
      %swap3A_2755 = arith.constant 48 : index
      %swap3A_2756 = tpu.vector_load %arg8[%swap3A_2754, %swap3A_2755] {strides = array<i32>} : memref<32x128xf32, #tpu.memory_space<vmem>>, vector<1x16xf32>,
      %swap3A_2757 = vector.shape_cast %swap3A_2756 : vector<1x16xf32> to vector<16xf32>
      %swap3A_2758 = vector.shape_cast %get3A_2752 : vector<16xf32> to vector<1x16xf32>
      tpu.vector_store %arg8[%swap3A_2754, %swap3A_2755], %swap3A_2758 {strides = array<i32>} : memref<32x128xf32, #tpu.memory_space<vmem>>, vector<1x16xf32>,
      %get3A_2759 = arith.constant 122 : i32
      %get3A_2760 = arith.index_cast %get3A_2759 : i32 to index
      %get3A_2761 = arith.constant 0 : index
      %get3A_2762 = tpu.vector_load %arg7[%get3A_2760, %get3A_2761] {strides = array<i32>} : memref<128x128xf32, #tpu.memory_space<vmem>>, vector<1x16xf32>,
      %get3A_2763 = vector.shape_cast %get3A_2762 : vector<1x16xf32> to vector<16xf32>
      %swap3A_2764 = arith.constant 30 : i32
      %swap3A_2765 = arith.index_cast %swap3A_2764 : i32 to index
      %swap3A_2766 = arith.constant 64 : index
      %swap3A_2767 = tpu.vector_load %arg8[%swap3A_2765, %swap3A_2766] {strides = array<i32>} : memref<32x128xf32, #tpu.memory_space<vmem>>, vector<1x16xf32>,
      %swap3A_2768 = vector.shape_cast %swap3A_2767 : vector<1x16xf32> to vector<16xf32>
      %swap3A_2769 = vector.shape_cast %get3A_2763 : vector<16xf32> to vector<1x16xf32>
      tpu.vector_store %arg8[%swap3A_2765, %swap3A_2766], %swap3A_2769 {strides = array<i32>} : memref<32x128xf32, #tpu.memory_space<vmem>>, vector<1x16xf32>,
      %get3A_2770 = arith.constant 122 : i32
      %get3A_2771 = arith.index_cast %get3A_2770 : i32 to index
      %get3A_2772 = arith.constant 16 : index
      %get3A_2773 = tpu.vector_load %arg7[%get3A_2771, %get3A_2772] {strides = array<i32>} : memref<128x128xf32, #tpu.memory_space<vmem>>, vector<1x16xf32>,
      %get3A_2774 = vector.shape_cast %get3A_2773 : vector<1x16xf32> to vector<16xf32>
      %swap3A_2775 = arith.constant 30 : i32
      %swap3A_2776 = arith.index_cast %swap3A_2775 : i32 to index
      %swap3A_2777 = arith.constant 80 : index
      %swap3A_2778 = tpu.vector_load %arg8[%swap3A_2776, %swap3A_2777] {strides = array<i32>} : memref<32x128xf32, #tpu.memory_space<vmem>>, vector<1x16xf32>,
      %swap3A_2779 = vector.shape_cast %swap3A_2778 : vector<1x16xf32> to vector<16xf32>
      %swap3A_2780 = vector.shape_cast %get3A_2774 : vector<16xf32> to vector<1x16xf32>
      tpu.vector_store %arg8[%swap3A_2776, %swap3A_2777], %swap3A_2780 {strides = array<i32>} : memref<32x128xf32, #tpu.memory_space<vmem>>, vector<1x16xf32>,
      %get3A_2781 = arith.constant 123 : i32
      %get3A_2782 = arith.index_cast %get3A_2781 : i32 to index
      %get3A_2783 = arith.constant 0 : index
      %get3A_2784 = tpu.vector_load %arg7[%get3A_2782, %get3A_2783] {strides = array<i32>} : memref<128x128xf32, #tpu.memory_space<vmem>>, vector<1x16xf32>,
      %get3A_2785 = vector.shape_cast %get3A_2784 : vector<1x16xf32> to vector<16xf32>
      %swap3A_2786 = arith.constant 30 : i32
      %swap3A_2787 = arith.index_cast %swap3A_2786 : i32 to index
      %swap3A_2788 = arith.constant 96 : index
      %swap3A_2789 = tpu.vector_load %arg8[%swap3A_2787, %swap3A_2788] {strides = array<i32>} : memref<32x128xf32, #tpu.memory_space<vmem>>, vector<1x16xf32>,
      %swap3A_2790 = vector.shape_cast %swap3A_2789 : vector<1x16xf32> to vector<16xf32>
      %swap3A_2791 = vector.shape_cast %get3A_2785 : vector<16xf32> to vector<1x16xf32>
      tpu.vector_store %arg8[%swap3A_2787, %swap3A_2788], %swap3A_2791 {strides = array<i32>} : memref<32x128xf32, #tpu.memory_space<vmem>>, vector<1x16xf32>,
      %get3A_2792 = arith.constant 123 : i32
      %get3A_2793 = arith.index_cast %get3A_2792 : i32 to index
      %get3A_2794 = arith.constant 16 : index
      %get3A_2795 = tpu.vector_load %arg7[%get3A_2793, %get3A_2794] {strides = array<i32>} : memref<128x128xf32, #tpu.memory_space<vmem>>, vector<1x16xf32>,
      %get3A_2796 = vector.shape_cast %get3A_2795 : vector<1x16xf32> to vector<16xf32>
      %swap3A_2797 = arith.constant 30 : i32
      %swap3A_2798 = arith.index_cast %swap3A_2797 : i32 to index
      %swap3A_2799 = arith.constant 112 : index
      %swap3A_2800 = tpu.vector_load %arg8[%swap3A_2798, %swap3A_2799] {strides = array<i32>} : memref<32x128xf32, #tpu.memory_space<vmem>>, vector<1x16xf32>,
      %swap3A_2801 = vector.shape_cast %swap3A_2800 : vector<1x16xf32> to vector<16xf32>
      %swap3A_2802 = vector.shape_cast %get3A_2796 : vector<16xf32> to vector<1x16xf32>
      tpu.vector_store %arg8[%swap3A_2798, %swap3A_2799], %swap3A_2802 {strides = array<i32>} : memref<32x128xf32, #tpu.memory_space<vmem>>, vector<1x16xf32>,
      %get3A_2803 = arith.constant 124 : i32
      %get3A_2804 = arith.index_cast %get3A_2803 : i32 to index
      %get3A_2805 = arith.constant 0 : index
      %get3A_2806 = tpu.vector_load %arg7[%get3A_2804, %get3A_2805] {strides = array<i32>} : memref<128x128xf32, #tpu.memory_space<vmem>>, vector<1x16xf32>,
      %get3A_2807 = vector.shape_cast %get3A_2806 : vector<1x16xf32> to vector<16xf32>
      %swap3A_2808 = arith.constant 31 : i32
      %swap3A_2809 = arith.index_cast %swap3A_2808 : i32 to index
      %swap3A_2810 = arith.constant 0 : index
      %swap3A_2811 = tpu.vector_load %arg8[%swap3A_2809, %swap3A_2810] {strides = array<i32>} : memref<32x128xf32, #tpu.memory_space<vmem>>, vector<1x16xf32>,
      %swap3A_2812 = vector.shape_cast %swap3A_2811 : vector<1x16xf32> to vector<16xf32>
      %swap3A_2813 = vector.shape_cast %get3A_2807 : vector<16xf32> to vector<1x16xf32>
      tpu.vector_store %arg8[%swap3A_2809, %swap3A_2810], %swap3A_2813 {strides = array<i32>} : memref<32x128xf32, #tpu.memory_space<vmem>>, vector<1x16xf32>,
      %get3A_2814 = arith.constant 124 : i32
      %get3A_2815 = arith.index_cast %get3A_2814 : i32 to index
      %get3A_2816 = arith.constant 16 : index
      %get3A_2817 = tpu.vector_load %arg7[%get3A_2815, %get3A_2816] {strides = array<i32>} : memref<128x128xf32, #tpu.memory_space<vmem>>, vector<1x16xf32>,
      %get3A_2818 = vector.shape_cast %get3A_2817 : vector<1x16xf32> to vector<16xf32>
      %swap3A_2819 = arith.constant 31 : i32
      %swap3A_2820 = arith.index_cast %swap3A_2819 : i32 to index
      %swap3A_2821 = arith.constant 16 : index
      %swap3A_2822 = tpu.vector_load %arg8[%swap3A_2820, %swap3A_2821] {strides = array<i32>} : memref<32x128xf32, #tpu.memory_space<vmem>>, vector<1x16xf32>,
      %swap3A_2823 = vector.shape_cast %swap3A_2822 : vector<1x16xf32> to vector<16xf32>
      %swap3A_2824 = vector.shape_cast %get3A_2818 : vector<16xf32> to vector<1x16xf32>
      tpu.vector_store %arg8[%swap3A_2820, %swap3A_2821], %swap3A_2824 {strides = array<i32>} : memref<32x128xf32, #tpu.memory_space<vmem>>, vector<1x16xf32>,
      %get3A_2825 = arith.constant 125 : i32
      %get3A_2826 = arith.index_cast %get3A_2825 : i32 to index
      %get3A_2827 = arith.constant 0 : index
      %get3A_2828 = tpu.vector_load %arg7[%get3A_2826, %get3A_2827] {strides = array<i32>} : memref<128x128xf32, #tpu.memory_space<vmem>>, vector<1x16xf32>,
      %get3A_2829 = vector.shape_cast %get3A_2828 : vector<1x16xf32> to vector<16xf32>
      %swap3A_2830 = arith.constant 31 : i32
      %swap3A_2831 = arith.index_cast %swap3A_2830 : i32 to index
      %swap3A_2832 = arith.constant 32 : index
      %swap3A_2833 = tpu.vector_load %arg8[%swap3A_2831, %swap3A_2832] {strides = array<i32>} : memref<32x128xf32, #tpu.memory_space<vmem>>, vector<1x16xf32>,
      %swap3A_2834 = vector.shape_cast %swap3A_2833 : vector<1x16xf32> to vector<16xf32>
      %swap3A_2835 = vector.shape_cast %get3A_2829 : vector<16xf32> to vector<1x16xf32>
      tpu.vector_store %arg8[%swap3A_2831, %swap3A_2832], %swap3A_2835 {strides = array<i32>} : memref<32x128xf32, #tpu.memory_space<vmem>>, vector<1x16xf32>,
      %get3A_2836 = arith.constant 125 : i32
      %get3A_2837 = arith.index_cast %get3A_2836 : i32 to index
      %get3A_2838 = arith.constant 16 : index
      %get3A_2839 = tpu.vector_load %arg7[%get3A_2837, %get3A_2838] {strides = array<i32>} : memref<128x128xf32, #tpu.memory_space<vmem>>, vector<1x16xf32>,
      %get3A_2840 = vector.shape_cast %get3A_2839 : vector<1x16xf32> to vector<16xf32>
      %swap3A_2841 = arith.constant 31 : i32
      %swap3A_2842 = arith.index_cast %swap3A_2841 : i32 to index
      %swap3A_2843 = arith.constant 48 : index
      %swap3A_2844 = tpu.vector_load %arg8[%swap3A_2842, %swap3A_2843] {strides = array<i32>} : memref<32x128xf32, #tpu.memory_space<vmem>>, vector<1x16xf32>,
      %swap3A_2845 = vector.shape_cast %swap3A_2844 : vector<1x16xf32> to vector<16xf32>
      %swap3A_2846 = vector.shape_cast %get3A_2840 : vector<16xf32> to vector<1x16xf32>
      tpu.vector_store %arg8[%swap3A_2842, %swap3A_2843], %swap3A_2846 {strides = array<i32>} : memref<32x128xf32, #tpu.memory_space<vmem>>, vector<1x16xf32>,
      %get3A_2847 = arith.constant 126 : i32
      %get3A_2848 = arith.index_cast %get3A_2847 : i32 to index
      %get3A_2849 = arith.constant 0 : index
      %get3A_2850 = tpu.vector_load %arg7[%get3A_2848, %get3A_2849] {strides = array<i32>} : memref<128x128xf32, #tpu.memory_space<vmem>>, vector<1x16xf32>,
      %get3A_2851 = vector.shape_cast %get3A_2850 : vector<1x16xf32> to vector<16xf32>
      %swap3A_2852 = arith.constant 31 : i32
      %swap3A_2853 = arith.index_cast %swap3A_2852 : i32 to index
      %swap3A_2854 = arith.constant 64 : index
      %swap3A_2855 = tpu.vector_load %arg8[%swap3A_2853, %swap3A_2854] {strides = array<i32>} : memref<32x128xf32, #tpu.memory_space<vmem>>, vector<1x16xf32>,
      %swap3A_2856 = vector.shape_cast %swap3A_2855 : vector<1x16xf32> to vector<16xf32>
      %swap3A_2857 = vector.shape_cast %get3A_2851 : vector<16xf32> to vector<1x16xf32>
      tpu.vector_store %arg8[%swap3A_2853, %swap3A_2854], %swap3A_2857 {strides = array<i32>} : memref<32x128xf32, #tpu.memory_space<vmem>>, vector<1x16xf32>,
      %get3A_2858 = arith.constant 126 : i32
      %get3A_2859 = arith.index_cast %get3A_2858 : i32 to index
      %get3A_2860 = arith.constant 16 : index
      %get3A_2861 = tpu.vector_load %arg7[%get3A_2859, %get3A_2860] {strides = array<i32>} : memref<128x128xf32, #tpu.memory_space<vmem>>, vector<1x16xf32>,
      %get3A_2862 = vector.shape_cast %get3A_2861 : vector<1x16xf32> to vector<16xf32>
      %swap3A_2863 = arith.constant 31 : i32
      %swap3A_2864 = arith.index_cast %swap3A_2863 : i32 to index
      %swap3A_2865 = arith.constant 80 : index
      %swap3A_2866 = tpu.vector_load %arg8[%swap3A_2864, %swap3A_2865] {strides = array<i32>} : memref<32x128xf32, #tpu.memory_space<vmem>>, vector<1x16xf32>,
      %swap3A_2867 = vector.shape_cast %swap3A_2866 : vector<1x16xf32> to vector<16xf32>
      %swap3A_2868 = vector.shape_cast %get3A_2862 : vector<16xf32> to vector<1x16xf32>
      tpu.vector_store %arg8[%swap3A_2864, %swap3A_2865], %swap3A_2868 {strides = array<i32>} : memref<32x128xf32, #tpu.memory_space<vmem>>, vector<1x16xf32>,
      %get3A_2869 = arith.constant 127 : i32
      %get3A_2870 = arith.index_cast %get3A_2869 : i32 to index
      %get3A_2871 = arith.constant 0 : index
      %get3A_2872 = tpu.vector_load %arg7[%get3A_2870, %get3A_2871] {strides = array<i32>} : memref<128x128xf32, #tpu.memory_space<vmem>>, vector<1x16xf32>,
      %get3A_2873 = vector.shape_cast %get3A_2872 : vector<1x16xf32> to vector<16xf32>
      %swap3A_2874 = arith.constant 31 : i32
      %swap3A_2875 = arith.index_cast %swap3A_2874 : i32 to index
      %swap3A_2876 = arith.constant 96 : index
      %swap3A_2877 = tpu.vector_load %arg8[%swap3A_2875, %swap3A_2876] {strides = array<i32>} : memref<32x128xf32, #tpu.memory_space<vmem>>, vector<1x16xf32>,
      %swap3A_2878 = vector.shape_cast %swap3A_2877 : vector<1x16xf32> to vector<16xf32>
      %swap3A_2879 = vector.shape_cast %get3A_2873 : vector<16xf32> to vector<1x16xf32>
      tpu.vector_store %arg8[%swap3A_2875, %swap3A_2876], %swap3A_2879 {strides = array<i32>} : memref<32x128xf32, #tpu.memory_space<vmem>>, vector<1x16xf32>,
      %get3A_2880 = arith.constant 127 : i32
      %get3A_2881 = arith.index_cast %get3A_2880 : i32 to index
      %get3A_2882 = arith.constant 16 : index
      %get3A_2883 = tpu.vector_load %arg7[%get3A_2881, %get3A_2882] {strides = array<i32>} : memref<128x128xf32, #tpu.memory_space<vmem>>, vector<1x16xf32>,
      %get3A_2884 = vector.shape_cast %get3A_2883 : vector<1x16xf32> to vector<16xf32>
      %swap3A_2885 = arith.constant 31 : i32
      %swap3A_2886 = arith.index_cast %swap3A_2885 : i32 to index
      %swap3A_2887 = arith.constant 112 : index
      %swap3A_2888 = tpu.vector_load %arg8[%swap3A_2886, %swap3A_2887] {strides = array<i32>} : memref<32x128xf32, #tpu.memory_space<vmem>>, vector<1x16xf32>,
      %swap3A_2889 = vector.shape_cast %swap3A_2888 : vector<1x16xf32> to vector<16xf32>
      %swap3A_2890 = vector.shape_cast %get3A_2884 : vector<16xf32> to vector<1x16xf32>
      tpu.vector_store %arg8[%swap3A_2886, %swap3A_2887], %swap3A_2890 {strides = array<i32>} : memref<32x128xf32, #tpu.memory_space<vmem>>, vector<1x16xf32>,
      %mul3A_2891 = arith.constant 3328 : i32
      %mul3A_2892 = arith.muli %add3A, %mul3A_2891 : i32
      %mul3A_2893 = arith.constant 32 : i32
      %mul3A_2894 = arith.muli %scan3A_8, %mul3A_2893 : i32
      %add3A_2895 = arith.addi %mul3A_2892, %mul3A_2894 : i32
      "tpu.region"() ({
        %run_scoped3A = tpu.sem_alloc : memref<!tpu.dma_semaphore, #tpu.memory_space<semaphore_mem>>
        %dma_start3A_2896 = arith.constant 0 : i32
        %dma_start3A_2897 = tpu.memref_slice %arg4[%add3A_2895, %dma_start3A_2896] : memref<106496x128xf32, #tpu.memory_space<hbm>> -> memref<32x128xf32, #tpu.memory_space<hbm>>
        %dma_start3A_2898 = arith.constant 0 : i32
        %dma_start3A_2899 = tpu.memref_slice %arg4[%add3A_2895, %dma_start3A_2898] : memref<106496x128xf32, #tpu.memory_space<hbm>> -> memref<32x128xf32, #tpu.memory_space<hbm>>
        tpu.enqueue_dma source(%arg8 : memref<32x128xf32, #tpu.memory_space<vmem>>) target(%dma_start3A_2899 : memref<32x128xf32, #tpu.memory_space<hbm>>) target_semaphore(%run_scoped3A : memref<!tpu.dma_semaphore, #tpu.memory_space<semaphore_mem>>)
        %dma_wait3A_2900 = arith.constant 0 : i32
        %dma_wait3A_2901 = tpu.memref_slice %arg4[%add3A_2895, %dma_wait3A_2900] : memref<106496x128xf32, #tpu.memory_space<hbm>> -> memref<32x128xf32, #tpu.memory_space<hbm>>
        %dma_wait3A_2902 = arith.constant 0 : i32
        %dma_wait3A_2903 = tpu.memref_slice %arg4[%add3A_2895, %dma_wait3A_2902] : memref<106496x128xf32, #tpu.memory_space<hbm>> -> memref<32x128xf32, #tpu.memory_space<hbm>>
        tpu.wait_dma2 semaphore(%run_scoped3A : memref<!tpu.dma_semaphore, #tpu.memory_space<semaphore_mem>>) src(%arg8 : memref<32x128xf32, #tpu.memory_space<vmem>>) dst(%dma_wait3A_2903 : memref<32x128xf32, #tpu.memory_space<hbm>>)
        tpu.yield
      }) : () -> ()
    }
    %scan3A_7 = arith.constant 104 : i32
    return
  }
}

module attributes {stable_mosaic.version = 14 : i64} {
  func.func @body(%arg0: i32, %arg1: memref<832xf32, #tpu.memory_space<vmem>>, %arg2: memref<832xf32, #tpu.memory_space<vmem>>, %arg3: memref<832x128xf32, #tpu.memory_space<vmem>>, %arg4: memref<128x832xf32, #tpu.memory_space<vmem>>) attributes {dimension_semantics = [#tpu.dimension_semantics<arbitrary>], iteration_bounds = array<i64: 128>, scalar_prefetch = 0 : i64, scratch_operands = 0 : i64, tpu.core_type = #tpu.core_type<tc>, window_params = [{pipeline_mode = #tpu.pipeline_mode<synchronous>, transform_indices = @transform_0, window_bounds = array<i64: 832>}, {pipeline_mode = #tpu.pipeline_mode<synchronous>, transform_indices = @transform_1, window_bounds = array<i64: 832>}, {transform_indices = @transform_2, window_bounds = array<i64: 832, 128>}, {transform_indices = @transform_3, window_bounds = array<i64: 128, 832>}]} {
    %get3A = arith.constant 0 : index
    %get3A_0 = arith.constant 0 : index
    %get3A_1 = vector.load %arg3[%get3A, %get3A_0] : memref<832x128xf32, #tpu.memory_space<vmem>>, vector<832x128xf32>
    %reshape3A = vector.shape_cast %get3A_1 : vector<832x128xf32> to vector<64x13x128xf32>
    %slice3A = vector.extract_strided_slice %reshape3A {offsets = [0, 0, 0], sizes = [64, 1, 128], strides = [1, 1, 1]} : vector<64x13x128xf32> to vector<64x1x128xf32>
    %squeeze3A = vector.shape_cast %slice3A : vector<64x1x128xf32> to vector<64x128xf32>
    %slice3A_2 = vector.extract_strided_slice %reshape3A {offsets = [0, 1, 0], sizes = [64, 1, 128], strides = [1, 1, 1]} : vector<64x13x128xf32> to vector<64x1x128xf32>
    %squeeze3A_3 = vector.shape_cast %slice3A_2 : vector<64x1x128xf32> to vector<64x128xf32>
    %slice3A_4 = vector.extract_strided_slice %reshape3A {offsets = [0, 2, 0], sizes = [64, 1, 128], strides = [1, 1, 1]} : vector<64x13x128xf32> to vector<64x1x128xf32>
    %squeeze3A_5 = vector.shape_cast %slice3A_4 : vector<64x1x128xf32> to vector<64x128xf32>
    %slice3A_6 = vector.extract_strided_slice %reshape3A {offsets = [0, 3, 0], sizes = [64, 1, 128], strides = [1, 1, 1]} : vector<64x13x128xf32> to vector<64x1x128xf32>
    %squeeze3A_7 = vector.shape_cast %slice3A_6 : vector<64x1x128xf32> to vector<64x128xf32>
    %slice3A_8 = vector.extract_strided_slice %reshape3A {offsets = [0, 4, 0], sizes = [64, 1, 128], strides = [1, 1, 1]} : vector<64x13x128xf32> to vector<64x1x128xf32>
    %squeeze3A_9 = vector.shape_cast %slice3A_8 : vector<64x1x128xf32> to vector<64x128xf32>
    %slice3A_10 = vector.extract_strided_slice %reshape3A {offsets = [0, 5, 0], sizes = [64, 1, 128], strides = [1, 1, 1]} : vector<64x13x128xf32> to vector<64x1x128xf32>
    %squeeze3A_11 = vector.shape_cast %slice3A_10 : vector<64x1x128xf32> to vector<64x128xf32>
    %slice3A_12 = vector.extract_strided_slice %reshape3A {offsets = [0, 6, 0], sizes = [64, 1, 64], strides = [1, 1, 1]} : vector<64x13x128xf32> to vector<64x1x64xf32>
    %squeeze3A_13 = vector.shape_cast %slice3A_12 : vector<64x1x64xf32> to vector<64x64xf32>
    %concatenate3A = tpu.concatenate %squeeze3A, %squeeze3A_3, %squeeze3A_5, %squeeze3A_7, %squeeze3A_9, %squeeze3A_11, %squeeze3A_13 in 1 : vector<64x128xf32>, vector<64x128xf32>, vector<64x128xf32>, vector<64x128xf32>, vector<64x128xf32>, vector<64x128xf32>, vector<64x64xf32> -> vector<64x832xf32>
    %slice3A_14 = vector.extract_strided_slice %reshape3A {offsets = [0, 6, 64], sizes = [64, 1, 64], strides = [1, 1, 1]} : vector<64x13x128xf32> to vector<64x1x64xf32>
    %squeeze3A_15 = vector.shape_cast %slice3A_14 : vector<64x1x64xf32> to vector<64x64xf32>
    %slice3A_16 = vector.extract_strided_slice %reshape3A {offsets = [0, 7, 0], sizes = [64, 1, 128], strides = [1, 1, 1]} : vector<64x13x128xf32> to vector<64x1x128xf32>
    %squeeze3A_17 = vector.shape_cast %slice3A_16 : vector<64x1x128xf32> to vector<64x128xf32>
    %slice3A_18 = vector.extract_strided_slice %reshape3A {offsets = [0, 8, 0], sizes = [64, 1, 128], strides = [1, 1, 1]} : vector<64x13x128xf32> to vector<64x1x128xf32>
    %squeeze3A_19 = vector.shape_cast %slice3A_18 : vector<64x1x128xf32> to vector<64x128xf32>
    %slice3A_20 = vector.extract_strided_slice %reshape3A {offsets = [0, 9, 0], sizes = [64, 1, 128], strides = [1, 1, 1]} : vector<64x13x128xf32> to vector<64x1x128xf32>
    %squeeze3A_21 = vector.shape_cast %slice3A_20 : vector<64x1x128xf32> to vector<64x128xf32>
    %slice3A_22 = vector.extract_strided_slice %reshape3A {offsets = [0, 10, 0], sizes = [64, 1, 128], strides = [1, 1, 1]} : vector<64x13x128xf32> to vector<64x1x128xf32>
    %squeeze3A_23 = vector.shape_cast %slice3A_22 : vector<64x1x128xf32> to vector<64x128xf32>
    %slice3A_24 = vector.extract_strided_slice %reshape3A {offsets = [0, 11, 0], sizes = [64, 1, 128], strides = [1, 1, 1]} : vector<64x13x128xf32> to vector<64x1x128xf32>
    %squeeze3A_25 = vector.shape_cast %slice3A_24 : vector<64x1x128xf32> to vector<64x128xf32>
    %slice3A_26 = vector.extract_strided_slice %reshape3A {offsets = [0, 12, 0], sizes = [64, 1, 128], strides = [1, 1, 1]} : vector<64x13x128xf32> to vector<64x1x128xf32>
    %squeeze3A_27 = vector.shape_cast %slice3A_26 : vector<64x1x128xf32> to vector<64x128xf32>
    %concatenate3A_28 = tpu.concatenate %squeeze3A_15, %squeeze3A_17, %squeeze3A_19, %squeeze3A_21, %squeeze3A_23, %squeeze3A_25, %squeeze3A_27 in 1 : vector<64x64xf32>, vector<64x128xf32>, vector<64x128xf32>, vector<64x128xf32>, vector<64x128xf32>, vector<64x128xf32>, vector<64x128xf32> -> vector<64x832xf32>
    %stack3A = vector.shape_cast %concatenate3A : vector<64x832xf32> to vector<64x1x832xf32>
    %stack3A_29 = vector.shape_cast %concatenate3A_28 : vector<64x832xf32> to vector<64x1x832xf32>
    %stack3A_30 = tpu.concatenate %stack3A, %stack3A_29 in 1 : vector<64x1x832xf32>, vector<64x1x832xf32> -> vector<64x2x832xf32>
    %reshape3A_31 = vector.shape_cast %stack3A_30 : vector<64x2x832xf32> to vector<128x832xf32>
    %reduce_sum3A = arith.constant dense<0.000000e+00> : vector<128xf32>
    %reduce_sum3A_32 = vector.multi_reduction <add>, %reshape3A_31, %reduce_sum3A [1] : vector<128x832xf32> to vector<128xf32>
    %broadcast_in_dim3A = vector.shape_cast %reduce_sum3A_32 : vector<128xf32> to vector<128x1xf32>
    %div3A = arith.constant 8.320000e+02 : f32
    %div3A_33 = vector.broadcast %div3A : f32 to vector<128x1xf32>
    %div3A_34 = arith.divf %broadcast_in_dim3A, %div3A_33 : vector<128x1xf32>
    %mul3A = arith.mulf %reshape3A_31, %reshape3A_31 : vector<128x832xf32>
    %reduce_sum3A_35 = arith.constant dense<0.000000e+00> : vector<128xf32>
    %reduce_sum3A_36 = vector.multi_reduction <add>, %mul3A, %reduce_sum3A_35 [1] : vector<128x832xf32> to vector<128xf32>
    %broadcast_in_dim3A_37 = vector.shape_cast %reduce_sum3A_36 : vector<128xf32> to vector<128x1xf32>
    %div3A_38 = arith.constant 8.320000e+02 : f32
    %div3A_39 = vector.broadcast %div3A_38 : f32 to vector<128x1xf32>
    %div3A_40 = arith.divf %broadcast_in_dim3A_37, %div3A_39 : vector<128x1xf32>
    %mul3A_41 = arith.mulf %div3A_34, %div3A_34 : vector<128x1xf32>
    %sub3A = arith.subf %div3A_40, %mul3A_41 : vector<128x1xf32>
    %sub3A_42 = vector.broadcast %div3A_34 : vector<128x1xf32> to vector<128x832xf32>
    %sub3A_43 = arith.subf %reshape3A_31, %sub3A_42 : vector<128x832xf32>
    %add3A = arith.constant 9.99999974E-6 : f32
    %add3A_44 = vector.broadcast %add3A : f32 to vector<128x1xf32>
    %add3A_45 = arith.addf %sub3A, %add3A_44 : vector<128x1xf32>
    %rsqrt3A = math.rsqrt %add3A_45 : vector<128x1xf32>
    %mul3A_46 = vector.broadcast %rsqrt3A : vector<128x1xf32> to vector<128x832xf32>
    %mul3A_47 = arith.mulf %sub3A_43, %mul3A_46 : vector<128x832xf32>
    %get3A_48 = arith.constant 0 : index
    %get3A_49 = vector.load %arg1[%get3A_48] : memref<832xf32, #tpu.memory_space<vmem>>, vector<832xf32>
    %broadcast_in_dim3A_50 = vector.shape_cast %get3A_49 : vector<832xf32> to vector<1x832xf32>
    %mul3A_51 = vector.broadcast %broadcast_in_dim3A_50 : vector<1x832xf32> to vector<128x832xf32>
    %mul3A_52 = arith.mulf %mul3A_47, %mul3A_51 : vector<128x832xf32>
    %get3A_53 = arith.constant 0 : index
    %get3A_54 = vector.load %arg2[%get3A_53] : memref<832xf32, #tpu.memory_space<vmem>>, vector<832xf32>
    %broadcast_in_dim3A_55 = vector.shape_cast %get3A_54 : vector<832xf32> to vector<1x832xf32>
    %add3A_56 = vector.broadcast %broadcast_in_dim3A_55 : vector<1x832xf32> to vector<128x832xf32>
    %add3A_57 = arith.addf %mul3A_52, %add3A_56 : vector<128x832xf32>
    %swap3A = arith.constant 0 : index
    %swap3A_58 = arith.constant 0 : index
    %swap3A_59 = vector.load %arg4[%swap3A, %swap3A_58] : memref<128x832xf32, #tpu.memory_space<vmem>>, vector<128x832xf32>
    tpu.vector_store %arg4[%swap3A, %swap3A_58], %add3A_57 {strides = array<i32>} : memref<128x832xf32, #tpu.memory_space<vmem>>, vector<128x832xf32>,
    return
  }
  func.func @transform_0(%arg0: i32) -> i32 {
    %c0_i32 = arith.constant 0 : i32
    %c0_i32_0 = arith.constant 0 : i32
    return %c0_i32 : i32
  }
  func.func @transform_1(%arg0: i32) -> i32 {
    %c0_i32 = arith.constant 0 : i32
    %c0_i32_0 = arith.constant 0 : i32
    return %c0_i32 : i32
  }
  func.func @transform_2(%arg0: i32) -> (i32, i32) {
    %c0_i32 = arith.constant 0 : i32
    %c0_i32_0 = arith.constant 0 : i32
    return %arg0, %c0_i32 : i32, i32
  }
  func.func @transform_3(%arg0: i32) -> (i32, i32) {
    %c0_i32 = arith.constant 0 : i32
    %c0_i32_0 = arith.constant 0 : i32
    return %arg0, %c0_i32 : i32, i32
  }
}

</mosaic_0001>

<sc_bundles>
// kernel: kernel.4.cloned.1.call-start
scs
__scs_entry_jumppad:
0x0: {  	(pc) =	sbr.rel $0x88, $3  }
0x1: {  	(tag) =	ssettag $0x0;
	lr =	simm.s32 $0x1  }
0x2: {  	[smem:$0x3F9D] =	sst lr;
	_ =	strace $0xD0000000  }
0x3: {  	_ = 	snop  }
0x4: {  	_ = 	snop  }
0x5: {  	_ = 	snop  }
0x6: {  	_ = 	snop  }
0x7: {  	_ = 	snop  }
__scs_overlays_trampoline_lowered:
0x8: {  	[smem:$0x3FAC] =	sst s0  }
0x9: {  	[smem:$0x3FAD] =	sst s1  }
0xa: {  	[smem:$0x3FAE] =	sst s2  }
0xb: {  	[smem:$0x3FAF] =	sst s3  }
0xc: {  	[smem:$0x3FB0] =	sst s4  }
0xd: {  	[smem:$0x3FB1] =	sst s5  }
0xe: {  	[smem:$0x3FB2] =	sst s6  }
0xf: {  	[smem:$0x3FB3] =	sst s7  }
0x10: {  	[smem:$0x3FB4] =	sst s8  }
0x11: {  	[smem:$0x3FB5] =	sst s9;
	s0 =	simm.s32 @!p0 $0x0  }
0x12: {  	s1 =	sld [smem:$0x3F9B];
	s0 =	simm.s32 @p0 $0x1  }
0x13: {  	[smem:$0x3FB6] =	sst s0;
	s0 =	simm.s32 @!p1 $0x0  }
0x14: {  	s2 =	sld [smem:$0x3F9A];
	s0 =	simm.s32 @p1 $0x1  }
0x15: {  	[smem:$0x3FB7] =	sst s0;
	s0 =	simm.s32 @!p2 $0x0  }
0x16: {  	s3 =	sld [smem:$0x3FDB];
	s0 =	simm.s32 @p2 $0x1  }
0x17: {  	s4 =	simm.s32 $0x1BF5;
	[smem:$0x3FB9] =	sst s0  }
0x18: {  	s0 =	sld [smem:$0x3F9C];
	_ =	swait.ge [sflag:s4], $0x0  }
0x19: {  	s7 =	sld [smem:$0x3F9D]  }
0x1a: {  	s8 =	sadd.s32 $0xFFFFE003, lr  }
0x1b: {  	s9 =	sadd.s32 $0xFFFFFEF7, lr;
	s5 =	simm.s32 $0xFFFFFFFF;
	p2 =	slt.u32 s8, $0xFFFFF086  }
0x1c: {  	p1 =	slt.u32 s9, $0xF7A;
	s5 =	simm.s32 @!p2 $0x0  }
0x1d: {  	s5 =	simm.s32 @p1 $0x1;
	p0 =	seq.s32 s7, s2  }
0x1e: {  	s7 =	smul.u32 @!p0 $0xF7A, s2;
	p2 =	seq.s32 @!p0 s5, $0x0  }
0x1f: {  	s9 =	smul.u32 $0xF7A, s1;
	s8 =	simm.s32 @!p0 $0x1BF5;
	p2 =	por !p2, p0  }
0x20: {  	[sflag:s8] =	ssyncset.s32 @!p0 $0xFFFFF086;
	s6 =	sadd.s32 @!p0 s3, s7;
	s7 =	simm.s32 @!p0 $0x108  }
0x21: {  	s3 =	sadd.s32 s3, s9;
	s6 =	sadd.s32 @!p0 $0x88, s6;
	s7 =	simm.s32 @p2 $0x1082  }
0x22: {  	[simem:s7], [sflag:s8] =	dma.local @!p0 [hbm:s6], $0xF7A  }
0x23: {  	s9 =	sor.u32 $0xD0000000, s2;
	s6 =	simm.s32 $0x108;
	_ =	swait.ge @!p0 [sflag:s8], $0x0  }
0x24: {  	s3 =	sadd.s32 $0x88, s3;
	s6 =	simm.s32 @!p1 $0x1082;
	[sflag:s4] =	ssyncset.s32 $0xFFFFF086  }
0x25: {  	[simem:s6], [sflag:s4] =	dma.local [hbm:s3], $0xF7A  }
0x26: {  	[smem:$0x3F9D] =	sst s1;
	(tag) =	ssettag s2;
	_ =	strace s9  }
0x27: {  	s1 =	sld [smem:$0x3FAD]  }
0x28: {  	s2 =	sld [smem:$0x3FAE]  }
0x29: {  	s4 =	sld [smem:$0x3FB0]  }
0x2a: {  	p0 =	seq.s32 s5, $0x0;
	s5 =	sld [smem:$0x3FB1]  }
0x2b: {  	s6 =	sld [smem:$0x3FB2]  }
0x2c: {  	s7 =	sld [smem:$0x3FB3]  }
0x2d: {  	s3 =	simm.s32 $0x108;
	s8 =	sld [smem:$0x3FB4]  }
0x2e: {  	s3 =	simm.s32 @!p0 $0x1082;
	s9 =	sld [smem:$0x3FB5]  }
0x2f: {  	lr =	sadd.s32 s0, s3;
	s0 =	sld [smem:$0x3FAC]  }
0x30: {  	s3 =	sld [smem:$0x3FAF]  }
0x31: {  	[smem:$0x3FB8] =	sst s10  }
0x32: {  	s10 =	sld [smem:$0x3FB6];
	_ =	sdelay $0x3  }
0x33: {  	p0 =	seq.s32 s10, $0x1;
	s10 =	sld [smem:$0x3FB8];
	_ =	sdelay $0x3  }
0x34: {  	[smem:$0x3FB8] =	sst s10  }
0x35: {  	s10 =	sld [smem:$0x3FB7];
	_ =	sdelay $0x3  }
0x36: {  	p1 =	seq.s32 s10, $0x1;
	s10 =	sld [smem:$0x3FB8];
	_ =	sdelay $0x3  }
0x37: {  	[smem:$0x3FB8] =	sst s10  }
0x38: {  	s10 =	sld [smem:$0x3FB9]  }
0x39: {  	_ = 	snop;
	(pc) =	sbr.ind lr, $3  }
0x3a: {  	_ = 	snop  }
0x3b: {  	_ = 	snop  }
0x3c: {  	p2 =	seq.s32 s10, $0x1;
	s10 =	sld [smem:$0x3FB8]  }
0x3d: {  	_ =	shalt  }
0x3e: {  	_ =	shalt  }
0x3f: {  	_ =	shalt  }
0x40: {  	_ =	shalt  }
0x41: {  	_ =	shalt  }
0x42: {  	_ =	shalt  }
0x43: {  	_ =	shalt  }
0x44: {  	_ =	shalt  }
0x45: {  	_ =	shalt  }
0x46: {  	_ =	shalt  }
0x47: {  	_ =	shalt  }
0x48: {  	_ =	shalt  }
0x49: {  	_ =	shalt  }
0x4a: {  	_ =	shalt  }
0x4b: {  	_ =	shalt  }
0x4c: {  	_ =	shalt  }
0x4d: {  	_ =	shalt  }
0x4e: {  	_ =	shalt  }
0x4f: {  	_ =	shalt  }
0x50: {  	_ =	shalt  }
0x51: {  	_ =	shalt  }
0x52: {  	_ =	shalt  }
0x53: {  	_ =	shalt  }
0x54: {  	_ =	shalt  }
0x55: {  	_ =	shalt  }
0x56: {  	_ =	shalt  }
0x57: {  	_ =	shalt  }
0x58: {  	_ =	shalt  }
0x59: {  	_ =	shalt  }
0x5a: {  	_ =	shalt  }
0x5b: {  	_ =	shalt  }
0x5c: {  	_ =	shalt  }
0x5d: {  	_ =	shalt  }
0x5e: {  	_ =	shalt  }
0x5f: {  	_ =	shalt  }
0x60: {  	_ =	shalt  }
0x61: {  	_ =	shalt  }
0x62: {  	_ =	shalt  }
0x63: {  	_ =	shalt  }
0x64: {  	_ =	shalt  }
0x65: {  	_ =	shalt  }
0x66: {  	_ =	shalt  }
0x67: {  	_ =	shalt  }
0x68: {  	_ =	shalt  }
0x69: {  	_ =	shalt  }
0x6a: {  	_ =	shalt  }
0x6b: {  	_ =	shalt  }
0x6c: {  	_ =	shalt  }
0x6d: {  	_ =	shalt  }
0x6e: {  	_ =	shalt  }
0x6f: {  	_ =	shalt  }
0x70: {  	_ =	shalt  }
0x71: {  	_ =	shalt  }
0x72: {  	_ =	shalt  }
0x73: {  	_ =	shalt  }
0x74: {  	_ =	shalt  }
0x75: {  	_ =	shalt  }
0x76: {  	_ =	shalt  }
0x77: {  	_ =	shalt  }
0x78: {  	_ =	shalt  }
0x79: {  	_ =	shalt  }
0x7a: {  	_ =	shalt  }
0x7b: {  	_ =	shalt  }
0x7c: {  	_ =	shalt  }
0x7d: {  	_ =	shalt  }
0x7e: {  	_ =	shalt  }
0x7f: {  	_ =	shalt  }
0x80: {  	_ =	shalt  }
0x81: {  	_ =	shalt  }
0x82: {  	_ =	shalt  }
0x83: {  	_ =	shalt  }
0x84: {  	_ =	shalt  }
0x85: {  	_ =	shalt  }
0x86: {  	_ =	shalt  }
0x87: {  	_ =	shalt  }
.Lfunc_end0:
.L_simem_size_0:
called_computation.1_lowered:
.L_overlay_start_0:
0x88: {  	s2 =	sld [smem:$0x3FD9]  }
0x89: {  	s3 =	sld [smem:$0x3FFE];
	_ =	sdelay $0x1  }
0x8a: {  	s1 =	srdreg.scid  }
0x8b: {  	s0 =	sand.u32 $0x1, s1  }
0x8c: {  	s17 =	sshll.u32 s0, $0xA;
	s2 =	sadd.s32 s3, s2  }
0x8d: {  	s2 =	sadd.s32 s2, s17  }
0x8e: {  	[smem:$0x3FC4] =	sst s2  }
0x8f: {  	_ = 	snop  }
0x90: {  	s2 =	sld [smem:$0x3FD0];
	(tm) =	ssettm $0x1  }
0x91: {  	s18 =	sld [smem:$0x3FFB];
	_ =	sdelay $0x3  }
0x92: {  	_ =	strace s18  }
0x93: {  	s3 =	sld [smem:$0x3FFC];
	_ =	sdelay $0x3  }
0x94: {  	_ =	strace s3  }
0x95: {  	s3 =	sld [smem:$0x3FFD];
	_ =	sdelay $0x3  }
0x96: {  	_ =	strace s3  }
0x97: {  	_ =	strace $0x8FFFFFFF  }
0x98: {  	s19 =	sld [smem:$0x3FDB];
	_ =	sdelay $0x1  }
0x99: {  	s4 =	simm.s32 $_scs_section_size  }
0x9a: {  	s5 =	simm.s32 $_size__tile_overlayer_lowered;
	s6 =	simm.s32 $_tile_overlayer_lowered  }
0x9b: {  	s22 =	simm.s32 $0x1BFF;
	s21 =	sshll.u32 s6, $0x1;
	s3 =	sadd.s32 s4, s19  }
0x9c: {  	s7 =	simm.s32 $0x0;
	s20 =	sshll.u32 s5, $0x1;
	s5 =	sadd.s32 s21, s3  }
0x9d: {  	[timem:s7], [sflag:s22] =	dma.local [hbm:s5], s20  }
0x9e: {  	_ =	swait.ge [sflag:s22], s20  }
0x9f: {  	s4 =	ssub.s32 $0x0, s20;
	[sflag:s22] =	ssyncset.done $0x0  }
0xa0: {  	[sflag:s22] =	ssyncadd.s32 s4;
	_ =	sdelay $0x1  }
0xa1: {  	s23 =	simm.s32 $0x1B8B  }
0xa2: {  	_ =	swait.ge [sflag:s23], $0x1  }
0xa3: {  	[sflag:s23] =	ssyncset.done $0x0  }
0xa4: {  	s25 =	simm.s32 $0x1B8E;
	s24 =	sld [smem:$0x3FFE];
	[sflag:s23] =	ssyncadd.s32 $0xFFFFFFFF  }
0xa5: {  	s26 =	simm.s32 $execute0_lowered;
	[smem:$0x3FD2] =	sst s25  }
0xa6: {  	s5 =	sshll.u32 s26, $0x1;
	_ =	strace $0x80000049;
	[dreg:$0x1] =	wrdreg $0xFFFFFFFF  }
0xa7: {  	s28 =	simm.s32 $_size_execute0_lowered;
	s3 =	sadd.s32 s3, s5;
	[dreg:$0x0] =	wrdreg $0x0  }
0xa8: {  	s5 =	sshll.u32 s28, $0x1;
	[dreg:$0x2] =	wrdreg s3  }
0xa9: {  	[dreg:$0x3] =	wrdreg s5  }
0xaa: {  	[dreg:$0x4] =	wrdreg $0xC0  }
0xab: {  	_ =	task [dreg:s7], $0x5FFFF  }
0xac: {  	[dreg:$0x1] =	wrdreg $0xFFFFFFFF  }
0xad: {  	[dreg:$0x0] =	wrdreg $0x60  }
0xae: {  	[dreg:$0x2] =	wrdreg s24  }
0xaf: {  	[dreg:$0x3] =	wrdreg s2  }
0xb0: {  	[dreg:$0x4] =	wrdreg $0x9  }
0xb1: {  	_ =	task.clear_ibuf [dreg:s7], $0x5FFFF;
	_ =	strace $0x90000049  }
0xb2: {  	s29 =	simm.s32 $0x9;
	_ =	strace $0x8000004B  }
0xb3: {  	_ =	swait.ge [sflag:s29], $0x1  }
0xb4: {  	[sflag:s29] =	ssyncadd.s32 $0xFFFFFFFF  }
0xb5: {  	_ =	strace $0x9000004B  }
0xb6: {  	_ =	sfence  }
0xb7: {  	s30 =	sld [smem:$0x0];
	_ =	sdelay $0x2  }
0xb8: {  	s31 =	sshll.u32 s1, $0xD;
	s1 =	sshrl.u32 s1, $0x2  }
0xb9: {  	s3 =	sand.u32 $0x4000, s31;
	s1 =	sadd.s32 s1, s30  }
0xba: {  	s0 =	sor.u32 s3, s0;
	s1 =	sshll.u32 s1, $0x11  }
0xbb: {  	s0 =	sor.u32 s1, s0  }
0xbc: {  	s0 =	sadd.s32 $0x8F2B, s0  }
0xbd: {  	[sflag:s0] =	ssyncadd.remote.s32 $0x1  }
0xbe: {  	_ =	sfence.sel $0xFFFF  }
0xbf: {  	[dreg:$0x0] =	wrdreg $0xFFFFFFFF;
	(pc) =	sbr.abs _section_cstart, $3  }
0xc0: {  	[dreg:$0x1] =	wrdreg $0xFFFFFFFF  }
0xc1: {  	_ =	task.clear_ibuf [dreg:s7], $0x2FFFF;
	_ =	strace $0x9FFFFFFF  }
0xc2: {  	(tm) =	ssettm $0x7FFFFFFF  }
0xc3: {  	_ =	shalt  }
tec
execute0_lowered:
.L_overlay_start_1:
0x0: {  	(tag) =	ssettag $0x1  }
0x1: {  	s1 =	srdreg.scid;
	s4 =	rddreg [dreg:$0x0]  }
0x2: {  	s0 =	stileid.u32;
	s6 =	rddreg [dreg:$0x1]  }
0x3: {  	s2 =	simm.s32 $0x0;
	s10 =	simm.s32 $0x3480;
	s11 =	simm.s32 $0x1  }
0x4: {  	s12 =	simm.s32 $0x7480;
	s13 =	simm.s32 $0x0;
	s3 =	sand.u32 $0x1, s1  }
0x5: {  	s29 =	sshll.u32 s0, $0x1;
	s7 =	smul.u32 $0xD0000, s0;
	[smem:$0x7FF] =	sst s2  }
0x6: {  	s1 =	sor.u32 s3, s29;
	s8 =	smul.u32 $0x68000, s3;
	s9 =	ssub.s32 $0x2, s3  }
0x7: {  	s3 =	sadd.s32 $0x27BB000, s4;
	s5 =	smul.u32 $0x680, s1;
	s1 =	rddreg [dreg:$0x2]  }
0x8: {  	_ =	strace $0x8000004A;
	s30 =	sshrl.u32 s9, $0x1;
	s7 =	sadd.s32 s8, s7  }
0x9: {  	s31 =	ssub.s32 s9, s30;
	s8 =	simm.s32 $0x80;
	s5 =	sadd.s32 s5, s4  }
0xa: {  	s9 =	simm.s32 $0x3400;
	s7 =	sshrl.u32 s7, $0x3;
	s4 =	sadd.s32 $0x27AE000, s5  }
0xb: {  	s5 =	smax.u32 s31, $0x1;
	s6 =	sadd.s32 s7, s6;
	s7 =	simm.s32 $0x2  }
.LBB2_1:
0xc: {  	[tilespmem:s2], [sflag:$0x2] =	stream.linear.gather [hbm4b:s4+s2], $0x3400, $0x38;
	[tilespmem:$0x8480] =	vst v63  }
0xd: {  	_ =	swait.ge [sflag:s7], $0x3400  }
0xe: {  	[sflag:s7] =	ssyncset.done $0x0  }
0xf: {  	s14 =	simm.s32 $0x0;
	[sflag:s7] =	ssyncadd.s32 $0xFFFFCC00  }
.LBB2_2:
0x10: {  	s15 =	sshra.s32 s14, $0x2  }
0x11: {  	v0 =	vld [tilespmem:s15+$0x0];
	_ =	sdelay $0x4  }
0x12: {  	[tilespmem:$0x3400] =	vst v0  }
0x13: {  	v0 =	vld [tilespmem:s15+$0x10];
	_ =	sdelay $0x4  }
0x14: {  	[tilespmem:$0x3410] =	vst v0  }
0x15: {  	v0 =	vld [tilespmem:s15+$0x20];
	_ =	sdelay $0x4  }
0x16: {  	[tilespmem:$0x3420] =	vst v0  }
0x17: {  	v0 =	vld [tilespmem:s15+$0x30];
	_ =	sdelay $0x4  }
0x18: {  	[tilespmem:$0x3430] =	vst v0  }
0x19: {  	v0 =	vld [tilespmem:s15+$0x40];
	_ =	sdelay $0x4  }
0x1a: {  	[tilespmem:$0x3440] =	vst v0  }
0x1b: {  	v0 =	vld [tilespmem:s15+$0x50];
	_ =	sdelay $0x4  }
0x1c: {  	[tilespmem:$0x3450] =	vst v0  }
0x1d: {  	v0 =	vld [tilespmem:s15+$0x60];
	_ =	sdelay $0x4  }
0x1e: {  	[tilespmem:$0x3460] =	vst v0  }
0x1f: {  	v0 =	vld [tilespmem:s15+$0x70];
	_ =	sdelay $0x4  }
0x20: {  	[tilespmem:$0x3470] =	vst v0  }
0x21: {  	[tilespmem:s10], [sflag:$0x1] =	stream.indirect.gather [hbm4b:s3+s8], $0x80, s9, s8, $0xb8;
	[tilespmem:$0x8480] =	vst v63  }
0x22: {  	_ =	swait.ge [sflag:s11], $0x4000  }
0x23: {  	[sflag:s11] =	ssyncset.done $0x0  }
0x24: {  	[sflag:s11] =	ssyncadd.s32 $0xFFFFC000  }
0x25: {  	v37 =	vld [tilespmem:$0x3480]  }
0x26: {  	v1 =	vld [tilespmem:$0x3490]  }
0x27: {  	v2 =	vld [tilespmem:$0x3500]  }
0x28: {  	v3 =	vld [tilespmem:$0x3510]  }
0x29: {  	v4 =	vld [tilespmem:$0x3580]  }
0x2a: {  	v38 =	vld [tilespmem:$0x3590];
	[tilespmem:$0x7480] =	vst v37  }
0x2b: {  	v39 =	vld [tilespmem:$0x3600];
	[tilespmem:$0x7490] =	vst v1  }
0x2c: {  	v40 =	vld [tilespmem:$0x3610];
	[tilespmem:$0x74A0] =	vst v2  }
0x2d: {  	[tilespmem:$0x74B0] =	vst v3  }
0x2e: {  	[tilespmem:$0x74C0] =	vst v4  }
0x2f: {  	[tilespmem:$0x74D0] =	vst v38  }
0x30: {  	[tilespmem:$0x74E0] =	vst v39  }
0x31: {  	[tilespmem:$0x74F0] =	vst v40  }
0x32: {  	v41 =	vld [tilespmem:$0x3680]  }
0x33: {  	v42 =	vld [tilespmem:$0x3690]  }
0x34: {  	v2 =	vld [tilespmem:$0x3700]  }
0x35: {  	v43 =	vld [tilespmem:$0x3710]  }
0x36: {  	v44 =	vld [tilespmem:$0x3780]  }
0x37: {  	v45 =	vld [tilespmem:$0x3790];
	[tilespmem:$0x7500] =	vst v41  }
0x38: {  	v46 =	vld [tilespmem:$0x3800];
	[tilespmem:$0x7510] =	vst v42  }
0x39: {  	v47 =	vld [tilespmem:$0x3810];
	[tilespmem:$0x7520] =	vst v2  }
0x3a: {  	v48 =	vld [tilespmem:$0x3880];
	[tilespmem:$0x7530] =	vst v43  }
0x3b: {  	v49 =	vld [tilespmem:$0x3890];
	[tilespmem:$0x7540] =	vst v44  }
0x3c: {  	v50 =	vld [tilespmem:$0x3900];
	[tilespmem:$0x7550] =	vst v45  }
0x3d: {  	v51 =	vld [tilespmem:$0x3910];
	[tilespmem:$0x7560] =	vst v46  }
0x3e: {  	v52 =	vld [tilespmem:$0x3980];
	[tilespmem:$0x7570] =	vst v47  }
0x3f: {  	v53 =	vld [tilespmem:$0x3990];
	[tilespmem:$0x7580] =	vst v48  }
0x40: {  	v54 =	vld [tilespmem:$0x3A00];
	[tilespmem:$0x7590] =	vst v49  }
0x41: {  	v55 =	vld [tilespmem:$0x3A10];
	[tilespmem:$0x75A0] =	vst v50  }
0x42: {  	v56 =	vld [tilespmem:$0x3A80];
	[tilespmem:$0x75B0] =	vst v51  }
0x43: {  	v57 =	vld [tilespmem:$0x3A90];
	[tilespmem:$0x75C0] =	vst v52  }
0x44: {  	v58 =	vld [tilespmem:$0x3B00];
	[tilespmem:$0x75D0] =	vst v53  }
0x45: {  	v59 =	vld [tilespmem:$0x3B10];
	[tilespmem:$0x75E0] =	vst v54  }
0x46: {  	v60 =	vld [tilespmem:$0x3B80];
	[tilespmem:$0x75F0] =	vst v55  }
0x47: {  	v61 =	vld [tilespmem:$0x3B90];
	[tilespmem:$0x7600] =	vst v56  }
0x48: {  	v62 =	vld [tilespmem:$0x3C00];
	[tilespmem:$0x7610] =	vst v57  }
0x49: {  	v63 =	vld [tilespmem:$0x3C10];
	[tilespmem:$0x7620] =	vst v58  }
0x4a: {  	v8 =	vld [tilespmem:$0x3C80];
	[tilespmem:$0x7630] =	vst v59  }
0x4b: {  	v9 =	vld [tilespmem:$0x3C90];
	[tilespmem:$0x7640] =	vst v60  }
0x4c: {  	v10 =	vld [tilespmem:$0x3D00];
	[tilespmem:$0x7650] =	vst v61  }
0x4d: {  	v11 =	vld [tilespmem:$0x3D10];
	[tilespmem:$0x7660] =	vst v62  }
0x4e: {  	v12 =	vld [tilespmem:$0x3D80];
	[tilespmem:$0x7670] =	vst v63  }
0x4f: {  	v13 =	vld [tilespmem:$0x3D90];
	[tilespmem:$0x7680] =	vst v8  }
0x50: {  	v14 =	vld [tilespmem:$0x3E00];
	[tilespmem:$0x7690] =	vst v9  }
0x51: {  	v15 =	vld [tilespmem:$0x3E10];
	[tilespmem:$0x76A0] =	vst v10  }
0x52: {  	v16 =	vld [tilespmem:$0x3E80];
	[tilespmem:$0x76B0] =	vst v11  }
0x53: {  	v17 =	vld [tilespmem:$0x3E90];
	[tilespmem:$0x76C0] =	vst v12  }
0x54: {  	v18 =	vld [tilespmem:$0x3F00];
	[tilespmem:$0x76D0] =	vst v13  }
0x55: {  	v19 =	vld [tilespmem:$0x3F10];
	[tilespmem:$0x76E0] =	vst v14  }
0x56: {  	v20 =	vld [tilespmem:$0x3F80];
	[tilespmem:$0x76F0] =	vst v15  }
0x57: {  	v21 =	vld [tilespmem:$0x3F90];
	[tilespmem:$0x7700] =	vst v16  }
0x58: {  	v22 =	vld [tilespmem:$0x4000];
	[tilespmem:$0x7710] =	vst v17  }
0x59: {  	v23 =	vld [tilespmem:$0x4010];
	[tilespmem:$0x7720] =	vst v18  }
0x5a: {  	v24 =	vld [tilespmem:$0x4080];
	[tilespmem:$0x7730] =	vst v19  }
0x5b: {  	v25 =	vld [tilespmem:$0x4090];
	[tilespmem:$0x7740] =	vst v20  }
0x5c: {  	v26 =	vld [tilespmem:$0x4100];
	[tilespmem:$0x7750] =	vst v21  }
0x5d: {  	v27 =	vld [tilespmem:$0x4110];
	[tilespmem:$0x7760] =	vst v22  }
0x5e: {  	v28 =	vld [tilespmem:$0x4180];
	[tilespmem:$0x7770] =	vst v23  }
0x5f: {  	v29 =	vld [tilespmem:$0x4190];
	[tilespmem:$0x7780] =	vst v24  }
0x60: {  	v30 =	vld [tilespmem:$0x4200];
	[tilespmem:$0x7790] =	vst v25  }
0x61: {  	v31 =	vld [tilespmem:$0x4210];
	[tilespmem:$0x77A0] =	vst v26  }
0x62: {  	v32 =	vld [tilespmem:$0x4280];
	[tilespmem:$0x77B0] =	vst v27  }
0x63: {  	v33 =	vld [tilespmem:$0x4290];
	[tilespmem:$0x77C0] =	vst v28  }
0x64: {  	v34 =	vld [tilespmem:$0x4300];
	[tilespmem:$0x77D0] =	vst v29  }
0x65: {  	v35 =	vld [tilespmem:$0x4310];
	[tilespmem:$0x77E0] =	vst v30  }
0x66: {  	v36 =	vld [tilespmem:$0x4380];
	[tilespmem:$0x77F0] =	vst v31  }
0x67: {  	v37 =	vld [tilespmem:$0x4390];
	[tilespmem:$0x7800] =	vst v32  }
0x68: {  	v38 =	vld [tilespmem:$0x4400];
	[tilespmem:$0x7810] =	vst v33  }
0x69: {  	v39 =	vld [tilespmem:$0x4410];
	[tilespmem:$0x7820] =	vst v34  }
0x6a: {  	v40 =	vld [tilespmem:$0x4480];
	[tilespmem:$0x7830] =	vst v35  }
0x6b: {  	[tilespmem:$0x7840] =	vst v36;
	v41 =	vld [tilespmem:$0x4490]  }
0x6c: {  	[tilespmem:$0x7850] =	vst v37;
	v42 =	vld [tilespmem:$0x4500]  }
0x6d: {  	[tilespmem:$0x7860] =	vst v38;
	v43 =	vld [tilespmem:$0x4510]  }
0x6e: {  	[tilespmem:$0x7870] =	vst v39;
	v44 =	vld [tilespmem:$0x4580]  }
0x6f: {  	[tilespmem:$0x7880] =	vst v40;
	v45 =	vld [tilespmem:$0x4590]  }
0x70: {  	v46 =	vld [tilespmem:$0x4600];
	[tilespmem:$0x7890] =	vst v41  }
0x71: {  	v47 =	vld [tilespmem:$0x4610];
	[tilespmem:$0x78A0] =	vst v42  }
0x72: {  	v48 =	vld [tilespmem:$0x4680];
	[tilespmem:$0x78B0] =	vst v43  }
0x73: {  	v49 =	vld [tilespmem:$0x4690];
	[tilespmem:$0x78C0] =	vst v44  }
0x74: {  	v50 =	vld [tilespmem:$0x4700];
	[tilespmem:$0x78D0] =	vst v45  }
0x75: {  	v51 =	vld [tilespmem:$0x4710];
	[tilespmem:$0x78E0] =	vst v46  }
0x76: {  	v52 =	vld [tilespmem:$0x4780];
	[tilespmem:$0x78F0] =	vst v47  }
0x77: {  	v53 =	vld [tilespmem:$0x4790];
	[tilespmem:$0x7900] =	vst v48  }
0x78: {  	v54 =	vld [tilespmem:$0x4800];
	[tilespmem:$0x7910] =	vst v49  }
0x79: {  	v55 =	vld [tilespmem:$0x4810];
	[tilespmem:$0x7920] =	vst v50  }
0x7a: {  	v56 =	vld [tilespmem:$0x4880];
	[tilespmem:$0x7930] =	vst v51  }
0x7b: {  	v57 =	vld [tilespmem:$0x4890];
	[tilespmem:$0x7940] =	vst v52  }
0x7c: {  	v58 =	vld [tilespmem:$0x4900];
	[tilespmem:$0x7950] =	vst v53  }
0x7d: {  	v59 =	vld [tilespmem:$0x4910];
	[tilespmem:$0x7960] =	vst v54  }
0x7e: {  	v60 =	vld [tilespmem:$0x4980];
	[tilespmem:$0x7970] =	vst v55  }
0x7f: {  	v61 =	vld [tilespmem:$0x4990];
	[tilespmem:$0x7980] =	vst v56  }
0x80: {  	v62 =	vld [tilespmem:$0x4A00];
	[tilespmem:$0x7990] =	vst v57  }
0x81: {  	v63 =	vld [tilespmem:$0x4A10];
	[tilespmem:$0x79A0] =	vst v58  }
0x82: {  	v8 =	vld [tilespmem:$0x4A80];
	[tilespmem:$0x79B0] =	vst v59  }
0x83: {  	v9 =	vld [tilespmem:$0x4A90];
	[tilespmem:$0x79C0] =	vst v60  }
0x84: {  	v10 =	vld [tilespmem:$0x4B00];
	[tilespmem:$0x79D0] =	vst v61  }
0x85: {  	v11 =	vld [tilespmem:$0x4B10];
	[tilespmem:$0x79E0] =	vst v62  }
0x86: {  	v12 =	vld [tilespmem:$0x4B80];
	[tilespmem:$0x79F0] =	vst v63  }
0x87: {  	v13 =	vld [tilespmem:$0x4B90];
	[tilespmem:$0x7A00] =	vst v8  }
0x88: {  	v14 =	vld [tilespmem:$0x4C00];
	[tilespmem:$0x7A10] =	vst v9  }
0x89: {  	v15 =	vld [tilespmem:$0x4C10];
	[tilespmem:$0x7A20] =	vst v10  }
0x8a: {  	v16 =	vld [tilespmem:$0x4C80];
	[tilespmem:$0x7A30] =	vst v11  }
0x8b: {  	v17 =	vld [tilespmem:$0x4C90];
	[tilespmem:$0x7A40] =	vst v12  }
0x8c: {  	v18 =	vld [tilespmem:$0x4D00];
	[tilespmem:$0x7A50] =	vst v13  }
0x8d: {  	v19 =	vld [tilespmem:$0x4D10];
	[tilespmem:$0x7A60] =	vst v14  }
0x8e: {  	v20 =	vld [tilespmem:$0x4D80];
	[tilespmem:$0x7A70] =	vst v15  }
0x8f: {  	v21 =	vld [tilespmem:$0x4D90];
	[tilespmem:$0x7A80] =	vst v16  }
0x90: {  	v22 =	vld [tilespmem:$0x4E00];
	[tilespmem:$0x7A90] =	vst v17  }
0x91: {  	v23 =	vld [tilespmem:$0x4E10];
	[tilespmem:$0x7AA0] =	vst v18  }
0x92: {  	v24 =	vld [tilespmem:$0x4E80];
	[tilespmem:$0x7AB0] =	vst v19  }
0x93: {  	v25 =	vld [tilespmem:$0x4E90];
	[tilespmem:$0x7AC0] =	vst v20  }
0x94: {  	v26 =	vld [tilespmem:$0x4F00];
	[tilespmem:$0x7AD0] =	vst v21  }
0x95: {  	v27 =	vld [tilespmem:$0x4F10];
	[tilespmem:$0x7AE0] =	vst v22  }
0x96: {  	v28 =	vld [tilespmem:$0x4F80];
	[tilespmem:$0x7AF0] =	vst v23  }
0x97: {  	v29 =	vld [tilespmem:$0x4F90];
	[tilespmem:$0x7B00] =	vst v24  }
0x98: {  	v30 =	vld [tilespmem:$0x5000];
	[tilespmem:$0x7B10] =	vst v25  }
0x99: {  	v31 =	vld [tilespmem:$0x5010];
	[tilespmem:$0x7B20] =	vst v26  }
0x9a: {  	v32 =	vld [tilespmem:$0x5080];
	[tilespmem:$0x7B30] =	vst v27  }
0x9b: {  	v33 =	vld [tilespmem:$0x5090];
	[tilespmem:$0x7B40] =	vst v28  }
0x9c: {  	v34 =	vld [tilespmem:$0x5100];
	[tilespmem:$0x7B50] =	vst v29  }
0x9d: {  	v35 =	vld [tilespmem:$0x5110];
	[tilespmem:$0x7B60] =	vst v30  }
0x9e: {  	v36 =	vld [tilespmem:$0x5180];
	[tilespmem:$0x7B70] =	vst v31  }
0x9f: {  	v37 =	vld [tilespmem:$0x5190];
	[tilespmem:$0x7B80] =	vst v32  }
0xa0: {  	v38 =	vld [tilespmem:$0x5200];
	[tilespmem:$0x7B90] =	vst v33  }
0xa1: {  	v39 =	vld [tilespmem:$0x5210];
	[tilespmem:$0x7BA0] =	vst v34  }
0xa2: {  	v40 =	vld [tilespmem:$0x5280];
	[tilespmem:$0x7BB0] =	vst v35  }
0xa3: {  	[tilespmem:$0x7BC0] =	vst v36;
	v41 =	vld [tilespmem:$0x5290]  }
0xa4: {  	[tilespmem:$0x7BD0] =	vst v37;
	v42 =	vld [tilespmem:$0x5300]  }
0xa5: {  	[tilespmem:$0x7BE0] =	vst v38;
	v43 =	vld [tilespmem:$0x5310]  }
0xa6: {  	[tilespmem:$0x7BF0] =	vst v39;
	v44 =	vld [tilespmem:$0x5380]  }
0xa7: {  	[tilespmem:$0x7C00] =	vst v40;
	v45 =	vld [tilespmem:$0x5390]  }
0xa8: {  	v46 =	vld [tilespmem:$0x5400];
	[tilespmem:$0x7C10] =	vst v41  }
0xa9: {  	v47 =	vld [tilespmem:$0x5410];
	[tilespmem:$0x7C20] =	vst v42  }
0xaa: {  	v48 =	vld [tilespmem:$0x5480];
	[tilespmem:$0x7C30] =	vst v43  }
0xab: {  	v49 =	vld [tilespmem:$0x5490];
	[tilespmem:$0x7C40] =	vst v44  }
0xac: {  	v50 =	vld [tilespmem:$0x5500];
	[tilespmem:$0x7C50] =	vst v45  }
0xad: {  	v51 =	vld [tilespmem:$0x5510];
	[tilespmem:$0x7C60] =	vst v46  }
0xae: {  	v52 =	vld [tilespmem:$0x5580];
	[tilespmem:$0x7C70] =	vst v47  }
0xaf: {  	v53 =	vld [tilespmem:$0x5590];
	[tilespmem:$0x7C80] =	vst v48  }
0xb0: {  	v54 =	vld [tilespmem:$0x5600];
	[tilespmem:$0x7C90] =	vst v49  }
0xb1: {  	v55 =	vld [tilespmem:$0x5610];
	[tilespmem:$0x7CA0] =	vst v50  }
0xb2: {  	v56 =	vld [tilespmem:$0x5680];
	[tilespmem:$0x7CB0] =	vst v51  }
0xb3: {  	v57 =	vld [tilespmem:$0x5690];
	[tilespmem:$0x7CC0] =	vst v52  }
0xb4: {  	v58 =	vld [tilespmem:$0x5700];
	[tilespmem:$0x7CD0] =	vst v53  }
0xb5: {  	v59 =	vld [tilespmem:$0x5710];
	[tilespmem:$0x7CE0] =	vst v54  }
0xb6: {  	v60 =	vld [tilespmem:$0x5780];
	[tilespmem:$0x7CF0] =	vst v55  }
0xb7: {  	v61 =	vld [tilespmem:$0x5790];
	[tilespmem:$0x7D00] =	vst v56  }
0xb8: {  	v62 =	vld [tilespmem:$0x5800];
	[tilespmem:$0x7D10] =	vst v57  }
0xb9: {  	v63 =	vld [tilespmem:$0x5810];
	[tilespmem:$0x7D20] =	vst v58  }
0xba: {  	v8 =	vld [tilespmem:$0x5880];
	[tilespmem:$0x7D30] =	vst v59  }
0xbb: {  	v9 =	vld [tilespmem:$0x5890];
	[tilespmem:$0x7D40] =	vst v60  }
0xbc: {  	v10 =	vld [tilespmem:$0x5900];
	[tilespmem:$0x7D50] =	vst v61  }
0xbd: {  	v11 =	vld [tilespmem:$0x5910];
	[tilespmem:$0x7D60] =	vst v62  }
0xbe: {  	v12 =	vld [tilespmem:$0x5980];
	[tilespmem:$0x7D70] =	vst v63  }
0xbf: {  	v13 =	vld [tilespmem:$0x5990];
	[tilespmem:$0x7D80] =	vst v8  }
0xc0: {  	v14 =	vld [tilespmem:$0x5A00];
	[tilespmem:$0x7D90] =	vst v9  }
0xc1: {  	v15 =	vld [tilespmem:$0x5A10];
	[tilespmem:$0x7DA0] =	vst v10  }
0xc2: {  	v16 =	vld [tilespmem:$0x5A80];
	[tilespmem:$0x7DB0] =	vst v11  }
0xc3: {  	v17 =	vld [tilespmem:$0x5A90];
	[tilespmem:$0x7DC0] =	vst v12  }
0xc4: {  	v18 =	vld [tilespmem:$0x5B00];
	[tilespmem:$0x7DD0] =	vst v13  }
0xc5: {  	v19 =	vld [tilespmem:$0x5B10];
	[tilespmem:$0x7DE0] =	vst v14  }
0xc6: {  	v20 =	vld [tilespmem:$0x5B80];
	[tilespmem:$0x7DF0] =	vst v15  }
0xc7: {  	v21 =	vld [tilespmem:$0x5B90];
	[tilespmem:$0x7E00] =	vst v16  }
0xc8: {  	v22 =	vld [tilespmem:$0x5C00];
	[tilespmem:$0x7E10] =	vst v17  }
0xc9: {  	v23 =	vld [tilespmem:$0x5C10];
	[tilespmem:$0x7E20] =	vst v18  }
0xca: {  	v24 =	vld [tilespmem:$0x5C80];
	[tilespmem:$0x7E30] =	vst v19  }
0xcb: {  	v25 =	vld [tilespmem:$0x5C90];
	[tilespmem:$0x7E40] =	vst v20  }
0xcc: {  	v26 =	vld [tilespmem:$0x5D00];
	[tilespmem:$0x7E50] =	vst v21  }
0xcd: {  	v27 =	vld [tilespmem:$0x5D10];
	[tilespmem:$0x7E60] =	vst v22  }
0xce: {  	v28 =	vld [tilespmem:$0x5D80];
	[tilespmem:$0x7E70] =	vst v23  }
0xcf: {  	v29 =	vld [tilespmem:$0x5D90];
	[tilespmem:$0x7E80] =	vst v24  }
0xd0: {  	v30 =	vld [tilespmem:$0x5E00];
	[tilespmem:$0x7E90] =	vst v25  }
0xd1: {  	v31 =	vld [tilespmem:$0x5E10];
	[tilespmem:$0x7EA0] =	vst v26  }
0xd2: {  	v32 =	vld [tilespmem:$0x5E80];
	[tilespmem:$0x7EB0] =	vst v27  }
0xd3: {  	v33 =	vld [tilespmem:$0x5E90];
	[tilespmem:$0x7EC0] =	vst v28  }
0xd4: {  	v34 =	vld [tilespmem:$0x5F00];
	[tilespmem:$0x7ED0] =	vst v29  }
0xd5: {  	v35 =	vld [tilespmem:$0x5F10];
	[tilespmem:$0x7EE0] =	vst v30  }
0xd6: {  	v36 =	vld [tilespmem:$0x5F80];
	[tilespmem:$0x7EF0] =	vst v31  }
0xd7: {  	v37 =	vld [tilespmem:$0x5F90];
	[tilespmem:$0x7F00] =	vst v32  }
0xd8: {  	v38 =	vld [tilespmem:$0x6000];
	[tilespmem:$0x7F10] =	vst v33  }
0xd9: {  	v39 =	vld [tilespmem:$0x6010];
	[tilespmem:$0x7F20] =	vst v34  }
0xda: {  	v40 =	vld [tilespmem:$0x6080];
	[tilespmem:$0x7F30] =	vst v35  }
0xdb: {  	[tilespmem:$0x7F40] =	vst v36;
	v41 =	vld [tilespmem:$0x6090]  }
0xdc: {  	[tilespmem:$0x7F50] =	vst v37;
	v42 =	vld [tilespmem:$0x6100]  }
0xdd: {  	[tilespmem:$0x7F60] =	vst v38;
	v43 =	vld [tilespmem:$0x6110]  }
0xde: {  	[tilespmem:$0x7F70] =	vst v39;
	v44 =	vld [tilespmem:$0x6180]  }
0xdf: {  	[tilespmem:$0x7F80] =	vst v40;
	v45 =	vld [tilespmem:$0x6190]  }
0xe0: {  	v46 =	vld [tilespmem:$0x6200];
	[tilespmem:$0x7F90] =	vst v41  }
0xe1: {  	v47 =	vld [tilespmem:$0x6210];
	[tilespmem:$0x7FA0] =	vst v42  }
0xe2: {  	v48 =	vld [tilespmem:$0x6280];
	[tilespmem:$0x7FB0] =	vst v43  }
0xe3: {  	v49 =	vld [tilespmem:$0x6290];
	[tilespmem:$0x7FC0] =	vst v44  }
0xe4: {  	v50 =	vld [tilespmem:$0x6300];
	[tilespmem:$0x7FD0] =	vst v45  }
0xe5: {  	v51 =	vld [tilespmem:$0x6310];
	[tilespmem:$0x7FE0] =	vst v46  }
0xe6: {  	v52 =	vld [tilespmem:$0x6380];
	[tilespmem:$0x7FF0] =	vst v47  }
0xe7: {  	v53 =	vld [tilespmem:$0x6390];
	[tilespmem:$0x8000] =	vst v48  }
0xe8: {  	v54 =	vld [tilespmem:$0x6400];
	[tilespmem:$0x8010] =	vst v49  }
0xe9: {  	v55 =	vld [tilespmem:$0x6410];
	[tilespmem:$0x8020] =	vst v50  }
0xea: {  	v56 =	vld [tilespmem:$0x6480];
	[tilespmem:$0x8030] =	vst v51  }
0xeb: {  	v57 =	vld [tilespmem:$0x6490];
	[tilespmem:$0x8040] =	vst v52  }
0xec: {  	v58 =	vld [tilespmem:$0x6500];
	[tilespmem:$0x8050] =	vst v53  }
0xed: {  	v59 =	vld [tilespmem:$0x6510];
	[tilespmem:$0x8060] =	vst v54  }
0xee: {  	v60 =	vld [tilespmem:$0x6580];
	[tilespmem:$0x8070] =	vst v55  }
0xef: {  	v61 =	vld [tilespmem:$0x6590];
	[tilespmem:$0x8080] =	vst v56  }
0xf0: {  	v62 =	vld [tilespmem:$0x6600];
	[tilespmem:$0x8090] =	vst v57  }
0xf1: {  	v63 =	vld [tilespmem:$0x6610];
	[tilespmem:$0x80A0] =	vst v58  }
0xf2: {  	v8 =	vld [tilespmem:$0x6680];
	[tilespmem:$0x80B0] =	vst v59  }
0xf3: {  	v9 =	vld [tilespmem:$0x6690];
	[tilespmem:$0x80C0] =	vst v60  }
0xf4: {  	v10 =	vld [tilespmem:$0x6700];
	[tilespmem:$0x80D0] =	vst v61  }
0xf5: {  	v11 =	vld [tilespmem:$0x6710];
	[tilespmem:$0x80E0] =	vst v62  }
0xf6: {  	v12 =	vld [tilespmem:$0x6780];
	[tilespmem:$0x80F0] =	vst v63  }
0xf7: {  	v13 =	vld [tilespmem:$0x6790];
	[tilespmem:$0x8100] =	vst v8  }
0xf8: {  	v14 =	vld [tilespmem:$0x6800];
	[tilespmem:$0x8110] =	vst v9  }
0xf9: {  	v15 =	vld [tilespmem:$0x6810];
	[tilespmem:$0x8120] =	vst v10  }
0xfa: {  	v16 =	vld [tilespmem:$0x6880];
	[tilespmem:$0x8130] =	vst v11  }
0xfb: {  	v17 =	vld [tilespmem:$0x6890];
	[tilespmem:$0x8140] =	vst v12  }
0xfc: {  	v18 =	vld [tilespmem:$0x6900];
	[tilespmem:$0x8150] =	vst v13  }
0xfd: {  	v19 =	vld [tilespmem:$0x6910];
	[tilespmem:$0x8160] =	vst v14  }
0xfe: {  	v20 =	vld [tilespmem:$0x6980];
	[tilespmem:$0x8170] =	vst v15  }
0xff: {  	v21 =	vld [tilespmem:$0x6990];
	[tilespmem:$0x8180] =	vst v16  }
0x100: {  	v22 =	vld [tilespmem:$0x6A00];
	[tilespmem:$0x8190] =	vst v17  }
0x101: {  	v23 =	vld [tilespmem:$0x6A10];
	[tilespmem:$0x81A0] =	vst v18  }
0x102: {  	v24 =	vld [tilespmem:$0x6A80];
	[tilespmem:$0x81B0] =	vst v19  }
0x103: {  	v25 =	vld [tilespmem:$0x6A90];
	[tilespmem:$0x81C0] =	vst v20  }
0x104: {  	v26 =	vld [tilespmem:$0x6B00];
	[tilespmem:$0x81D0] =	vst v21  }
0x105: {  	v27 =	vld [tilespmem:$0x6B10];
	[tilespmem:$0x81E0] =	vst v22  }
0x106: {  	v28 =	vld [tilespmem:$0x6B80];
	[tilespmem:$0x81F0] =	vst v23  }
0x107: {  	v29 =	vld [tilespmem:$0x6B90];
	[tilespmem:$0x8200] =	vst v24  }
0x108: {  	v30 =	vld [tilespmem:$0x6C00];
	[tilespmem:$0x8210] =	vst v25  }
0x109: {  	v31 =	vld [tilespmem:$0x6C10];
	[tilespmem:$0x8220] =	vst v26  }
0x10a: {  	v32 =	vld [tilespmem:$0x6C80];
	[tilespmem:$0x8230] =	vst v27  }
0x10b: {  	v33 =	vld [tilespmem:$0x6C90];
	[tilespmem:$0x8240] =	vst v28  }
0x10c: {  	v34 =	vld [tilespmem:$0x6D00];
	[tilespmem:$0x8250] =	vst v29  }
0x10d: {  	v35 =	vld [tilespmem:$0x6D10];
	[tilespmem:$0x8260] =	vst v30  }
0x10e: {  	v36 =	vld [tilespmem:$0x6D80];
	[tilespmem:$0x8270] =	vst v31  }
0x10f: {  	v37 =	vld [tilespmem:$0x6D90];
	[tilespmem:$0x8280] =	vst v32  }
0x110: {  	v38 =	vld [tilespmem:$0x6E00];
	[tilespmem:$0x8290] =	vst v33  }
0x111: {  	v39 =	vld [tilespmem:$0x6E10];
	[tilespmem:$0x82A0] =	vst v34  }
0x112: {  	v40 =	vld [tilespmem:$0x6E80];
	[tilespmem:$0x82B0] =	vst v35  }
0x113: {  	[tilespmem:$0x82C0] =	vst v36;
	v41 =	vld [tilespmem:$0x6E90]  }
0x114: {  	[tilespmem:$0x82D0] =	vst v37;
	v42 =	vld [tilespmem:$0x6F00]  }
0x115: {  	[tilespmem:$0x82E0] =	vst v38;
	v43 =	vld [tilespmem:$0x6F10]  }
0x116: {  	[tilespmem:$0x82F0] =	vst v39;
	v44 =	vld [tilespmem:$0x6F80]  }
0x117: {  	[tilespmem:$0x8300] =	vst v40;
	v45 =	vld [tilespmem:$0x6F90]  }
0x118: {  	v46 =	vld [tilespmem:$0x7000];
	[tilespmem:$0x8310] =	vst v41  }
0x119: {  	v47 =	vld [tilespmem:$0x7010];
	[tilespmem:$0x8320] =	vst v42  }
0x11a: {  	v48 =	vld [tilespmem:$0x7080];
	[tilespmem:$0x8330] =	vst v43  }
0x11b: {  	v49 =	vld [tilespmem:$0x7090];
	[tilespmem:$0x8340] =	vst v44  }
0x11c: {  	v50 =	vld [tilespmem:$0x7100];
	[tilespmem:$0x8350] =	vst v45  }
0x11d: {  	v51 =	vld [tilespmem:$0x7110];
	[tilespmem:$0x8360] =	vst v46  }
0x11e: {  	v52 =	vld [tilespmem:$0x7180];
	[tilespmem:$0x8370] =	vst v47  }
0x11f: {  	v53 =	vld [tilespmem:$0x7190];
	[tilespmem:$0x8380] =	vst v48  }
0x120: {  	v54 =	vld [tilespmem:$0x7200];
	[tilespmem:$0x8390] =	vst v49  }
0x121: {  	v55 =	vld [tilespmem:$0x7210];
	[tilespmem:$0x83A0] =	vst v50  }
0x122: {  	v56 =	vld [tilespmem:$0x7280];
	[tilespmem:$0x83B0] =	vst v51  }
0x123: {  	v57 =	vld [tilespmem:$0x7290];
	[tilespmem:$0x83C0] =	vst v52  }
0x124: {  	v58 =	vld [tilespmem:$0x7300];
	[tilespmem:$0x83D0] =	vst v53  }
0x125: {  	v59 =	vld [tilespmem:$0x7310];
	[tilespmem:$0x83E0] =	vst v54  }
0x126: {  	v60 =	vld [tilespmem:$0x7380];
	[tilespmem:$0x83F0] =	vst v55  }
0x127: {  	v61 =	vld [tilespmem:$0x7390];
	[tilespmem:$0x8400] =	vst v56  }
0x128: {  	v62 =	vld [tilespmem:$0x7400];
	[tilespmem:$0x8410] =	vst v57  }
0x129: {  	v63 =	vld [tilespmem:$0x7410];
	[tilespmem:$0x8420] =	vst v58  }
0x12a: {  	[tilespmem:$0x8430] =	vst v59  }
0x12b: {  	[tilespmem:$0x8440] =	vst v60  }
0x12c: {  	[tilespmem:$0x8450] =	vst v61  }
0x12d: {  	p0 =	sne.s32 s14, $0xCE00;
	[tilespmem:$0x8460] =	vst v62  }
.Ltmp0:
0x12e: {  	s31 =	sadd.s32 s14, s6;
	[tilespmem:$0x8470] =	vst v63;
	(pc) =	sbr.rel @p0 .LBB2_2-.Ltmp0, $4  }
0x12f: {  	[hbm4b:s31+s2] =	stream.linear.scatter [tilespmem:s12], [sflag:$0x2], $0x1000, $0x38;
	[tilespmem:$0x8480] =	vst v63  }
0x130: {  	_ =	swait.ge [sflag:s7], $0x1000  }
0x131: {  	[sflag:s7] =	ssyncset.done $0x0  }
0x132: {  	s14 =	sadd.s32 $0x200, s14;
	[sflag:s7] =	ssyncadd.s32 $0xFFFFF000  }
0x133: {  	s13 =	sadd.s32 $0x1, s13  }
0x134: {  	p0 =	sne.s32 s13, s5  }
.Ltmp1:
0x135: {  	_ = 	snop;
	(pc) =	sbr.rel @p0 .LBB2_1-.Ltmp1, $1  }
0x136: {  	_ =	sdelay $0x3  }
0x137: {  	_ =	sfence.sel $0x180000  }
0x138: {  	[bflag:$0x0] =	sbarrier.arrive $0xFFFF  }
0x139: {  	p0 =	sne.s32 s0, $0x0;
	_ =	strace $0x9000004A  }
0x13a: {  	s0 =	sadd.s32 @!p0 $0x100000, s1;
	[bflag:$0x2] =	sbarrier.arrive $0xFFFF  }
0x13b: {  	[sflag:s0] =	ssyncadd.tile.s32 @!p0 $0x1;
	_ =	shalt  }
.Lfunc_end2:
_tile_overlayer_lowered:
.L_overlay_start_2:
0x13c: {  	(tag) =	ssettag $0x2  }
0x13d: {  	s0 =	rddreg [dreg:$0x0];
	s2 =	stileid.u32  }
0x13e: {  	s1 =	rddreg [dreg:$0x1];
	p0 =	sne.s32 s2, $0x0  }
0x13f: {  	s3 =	rddreg [dreg:$0x2];
	[bflag:$0x3] =	sbarrier.arrive $0xFFFF;
	s2 =	simm.s32 @!p0 $0x1C02  }
0x140: {  	[timem:s3], [sflag:s2] =	dma.local @!p0 [hbm:s0], s1  }
0x141: {  	s0 =	simm.s32 @!p0 $0x2  }
0x142: {  	_ =	swait.ge @!p0 [sflag:s0], s1  }
0x143: {  	s1 =	ssub.s32 @!p0 $0x0, s1;
	[sflag:s0] =	ssyncset.done @!p0 $0x0  }
0x144: {  	[sflag:s0] =	ssyncadd.s32 @!p0 s1  }
0x145: {  	[bflag:$0x3] =	sbarrier.arrive $0xFFFF  }
0x146: {  	_ =	shalt  }

// kernel: sparse-core-data-format-call.cloned.1.call-start
scs
called_computation_lowered:
.L_overlay_start_0:
0x0: {  	s2 =	sld [smem:$0x3FD9]  }
0x1: {  	s3 =	sld [smem:$0x3FFE];
	_ =	sdelay $0x1  }
0x2: {  	s1 =	srdreg.scid  }
0x3: {  	s0 =	sand.u32 $0x1, s1  }
0x4: {  	s18 =	sshll.u32 s0, $0xA;
	s2 =	sadd.s32 s3, s2  }
0x5: {  	s2 =	sadd.s32 s2, s18  }
0x6: {  	[smem:$0x3FC4] =	sst s2  }
0x7: {  	_ = 	snop  }
0x8: {  	s2 =	sld [smem:$0x3FC8];
	(tm) =	ssettm $0x1  }
0x9: {  	s19 =	sld [smem:$0x3FFB];
	_ =	sdelay $0x3  }
0xa: {  	_ =	strace s19  }
0xb: {  	s3 =	sld [smem:$0x3FFC];
	_ =	sdelay $0x3  }
0xc: {  	_ =	strace s3  }
0xd: {  	s3 =	sld [smem:$0x3FFD];
	_ =	sdelay $0x3  }
0xe: {  	_ =	strace s3  }
0xf: {  	_ =	strace $0x8FFFFFFF  }
0x10: {  	s20 =	sld [smem:$0x3FDB];
	_ =	sdelay $0x1  }
0x11: {  	s4 =	simm.s32 $_scs_section_size  }
0x12: {  	s5 =	simm.s32 $_size__tile_overlayer_lowered;
	s6 =	simm.s32 $_tile_overlayer_lowered  }
0x13: {  	s23 =	simm.s32 $0x1BFF;
	s22 =	sshll.u32 s6, $0x1;
	s3 =	sadd.s32 s4, s20  }
0x14: {  	s7 =	simm.s32 $0x0;
	s21 =	sshll.u32 s5, $0x1;
	s5 =	sadd.s32 s22, s3  }
0x15: {  	[timem:s7], [sflag:s23] =	dma.local [hbm:s5], s21  }
0x16: {  	_ =	swait.ge [sflag:s23], s21  }
0x17: {  	s4 =	ssub.s32 $0x0, s21;
	[sflag:s23] =	ssyncset.done $0x0  }
0x18: {  	[sflag:s23] =	ssyncadd.s32 s4;
	_ =	sdelay $0x1  }
0x19: {  	s24 =	simm.s32 $0x1B8B  }
0x1a: {  	_ =	swait.ge [sflag:s24], $0x1  }
0x1b: {  	[sflag:s24] =	ssyncset.done $0x0  }
0x1c: {  	s26 =	simm.s32 $0x1B8E;
	s25 =	sld [smem:$0x3FFE];
	[sflag:s24] =	ssyncadd.s32 $0xFFFFFFFF  }
0x1d: {  	s27 =	simm.s32 $execute0_lowered;
	[smem:$0x3FD2] =	sst s26  }
0x1e: {  	s5 =	sshll.u32 s27, $0x1;
	_ =	strace $0x80000046;
	[dreg:$0x1] =	wrdreg $0xFFFFFFFF  }
0x1f: {  	s28 =	simm.s32 $_size_execute0_lowered;
	s3 =	sadd.s32 s3, s5;
	[dreg:$0x0] =	wrdreg $0x0  }
0x20: {  	s5 =	sshll.u32 s28, $0x1;
	[dreg:$0x2] =	wrdreg s3  }
0x21: {  	[dreg:$0x3] =	wrdreg s5  }
0x22: {  	[dreg:$0x4] =	wrdreg $0xC0  }
0x23: {  	_ =	task [dreg:s7], $0x5FFFF  }
0x24: {  	[dreg:$0x1] =	wrdreg $0xFFFFFFFF  }
0x25: {  	[dreg:$0x0] =	wrdreg $0x60  }
0x26: {  	[dreg:$0x2] =	wrdreg s2  }
0x27: {  	[dreg:$0x3] =	wrdreg s25  }
0x28: {  	[dreg:$0x4] =	wrdreg $0x9  }
0x29: {  	_ =	task.clear_ibuf [dreg:s7], $0x5FFFF;
	_ =	strace $0x90000046  }
0x2a: {  	s29 =	simm.s32 $0x9;
	_ =	strace $0x80000048  }
0x2b: {  	_ =	swait.ge [sflag:s29], $0x1  }
0x2c: {  	[sflag:s29] =	ssyncadd.s32 $0xFFFFFFFF  }
0x2d: {  	_ =	strace $0x90000048  }
0x2e: {  	_ =	sfence  }
0x2f: {  	s30 =	sld [smem:$0x0];
	_ =	sdelay $0x2  }
0x30: {  	s31 =	sshll.u32 s1, $0xD;
	s1 =	sshrl.u32 s1, $0x2  }
0x31: {  	s3 =	sand.u32 $0x4000, s31;
	s1 =	sadd.s32 s1, s30  }
0x32: {  	s0 =	sor.u32 s3, s0;
	s1 =	sshll.u32 s1, $0x11  }
0x33: {  	s0 =	sor.u32 s1, s0  }
0x34: {  	s0 =	sadd.s32 $0x8F2B, s0  }
0x35: {  	[sflag:s0] =	ssyncadd.remote.s32 $0x1  }
0x36: {  	_ =	sfence.sel $0xFFFF  }
0x37: {  	[dreg:$0x0] =	wrdreg $0xFFFFFFFF;
	(pc) =	sbr.abs _section_cstart, $3  }
0x38: {  	[dreg:$0x1] =	wrdreg $0xFFFFFFFF  }
0x39: {  	_ =	task.clear_ibuf [dreg:s7], $0x2FFFF;
	_ =	strace $0x9FFFFFFF  }
0x3a: {  	(tm) =	ssettm $0x7FFFFFFF  }
0x3b: {  	_ =	shalt  }
tec
execute0_lowered:
.L_overlay_start_1:
0x0: {  	(tag) =	ssettag $0x1  }
0x1: {  	s2 =	rddreg [dreg:$0x0]  }
0x2: {  	s0 =	srdreg.scid;
	s5 =	rddreg [dreg:$0x1]  }
0x3: {  	s31 =	simm.s32 $0x2;
	s16 =	simm.s32 $0x0;
	p0 =	por $0x0, $0x0  }
0x4: {  	s8 =	simm.s32 $0x80;
	s17 =	simm.s32 $0x0;
	s1 =	sshll.u32 s0, $0x4  }
0x5: {  	s18 =	simm.s32 $0x0;
	s0 =	stileid.u32;
	s1 =	sand.u32 $0x10, s1  }
0x6: {  	s9 =	simm.s32 $0x0;
	s10 =	simm.s32 $0x0;
	s1 =	sor.u32 s0, s1  }
0x7: {  	s11 =	simm.s32 $0x0;
	s13 =	simm.s32 $0x0;
	s3 =	sshll.u32 s1, $0x8  }
.Ltmp0:
0x8: {  	s14 =	simm.s32 $0x0;
	s4 =	ssub.s32 $0x18600, s3;
	(pc) =	sbr.rel .LBB1_1-.Ltmp0, $4  }
0x9: {  	s15 =	simm.s32 $0x0;
	s1 =	rddreg [dreg:$0x2];
	s6 =	sshrl.u32 s4, $0xD  }
0xa: {  	_ =	strace $0x80000047;
	s4 =	simm.s32 $0x1;
	s7 =	smul.u32 $0x1A, s6  }
0xb: {  	s5 =	sadd.s32 $0xE00, s5;
	s12 =	smov.u32 s3;
	[sflag:s4] =	ssyncpa.u1 $0x0  }
0xc: {  	[sflag:s31] =	ssyncpa.u1 $0x0;
	s6 =	sadd.s32 $0x1A, s7;
	s7 =	sadd.s32 $0x1B, s7  }
.LBB1_5:
0xd: {  	p1 =	slt.u32 s15, $0x2  }
0xe: {  	s19 =	smov.u32 s18;
	p2 =	sgt.s32 @!p1 s18, $0x19  }
0xf: {  	s20 =	sshra.s32 @!p1 s18, $0x1F;
	p3 =	sgt.s32 @!p1 s16, $0x185A8;
	p4 =	sgt.s32 @!p1 s17, $0x60  }
0x10: {  	s21 =	sshra.s32 @!p1 s17, $0x1F;
	p2 =	por !p2, p1;
	s18 =	sand.u32 @!p1 s20, s18  }
0x11: {  	p4 =	por !p4, p1;
	s20 =	smov.u32 s17;
	s19 =	simm.s32 @p2 $0x19  }
0x12: {  	s17 =	sand.u32 @!p1 s21, s17;
	s20 =	simm.s32 @p4 $0x60;
	s18 =	ssub.s32 @!p1 s19, s18  }
0x13: {  	p3 =	por !p3, p1;
	s17 =	ssub.s32 @!p1 s20, s17;
	s19 =	sadd.s32 @!p1 $0xFFFFFFE7, s18  }
0x14: {  	s20 =	sshra.s32 @!p1 s16, $0x1F;
	s18 =	ssub.s32 @!p1 $0x1A, s18;
	p2 =	sgt.s32 @!p1 s19, $0x0  }
0x15: {  	s19 =	smov.u32 s16;
	s16 =	sand.u32 @!p1 s20, s16;
	s20 =	sadd.s32 @!p1 $0xFFFFFFA0, s17  }
0x16: {  	s17 =	ssub.s32 @!p1 $0x80, s17;
	s19 =	simm.s32 @p3 $0x185A8;
	p2 =	por !p2, p1  }
0x17: {  	s18 =	simm.s32 @!p2 $0x0;
	s16 =	ssub.s32 @!p1 s19, s16;
	p2 =	sgt.s32 @!p1 s20, $0x1F  }
0x18: {  	s20 =	smov.u32 s13;
	s19 =	sadd.s32 @!p1 $0xFFFE7A58, s16;
	p2 =	por !p2, p1  }
0x19: {  	s16 =	ssub.s32 @!p1 $0x186A8, s16;
	s17 =	simm.s32 @!p2 $0x0;
	p2 =	sgt.s32 @!p1 s19, $0xFF  }
0x1a: {  	s19 =	sadd.s32 $0x2000, s12;
	p2 =	por !p2, p1;
	s17 =	smul.u32 @!p1 s18, s17  }
0x1b: {  	s18 =	sadd.s32 $0x20, s13;
	s16 =	simm.s32 @!p2 $0x0;
	p2 =	sgt.s32 s19, $0x186A0  }
0x1c: {  	s16 =	smul.u32 @!p1 s16, s17;
	s20 =	smov.u32 @p2 s18  }
0x1d: {  	s19 =	smov.u32 @p2 s3;
	s17 =	simm.s32 $0x1;
	p2 =	sgt.s32 s20, $0x1F  }
0x1e: {  	s17 =	simm.s32 @!p2 $0x0  }
0x1f: {  	p0 =	por !p0, !p0;
	s23 =	sadd.s32 s17, s14  }
0x20: {  	s21 =	simm.s32 @!p1 $0x2;
	s20 =	simm.s32 @p2 $0x0;
	p2 =	sgt.s32 s23, $0x19  }
0x21: {  	s18 =	smov.u32 s11;
	s23 =	simm.s32 @p2 $0x0;
	p2 =	sne.s32 s15, s7  }
.Ltmp1:
0x22: {  	s11 =	smov.u32 s14;
	s16 =	sand.u32 @!p1 $0x3FFFFFFF, s16;
	(pc) =	sbr.rel @!p2 .LBB1_6-.Ltmp1, $4  }
0x23: {  	_ =	swait.ge @!p1 [sflag:s21], s16;
	s22 =	ssub.s32 @!p1 $0x0, s16;
	s16 =	smov.u32 s9  }
0x24: {  	s17 =	smov.u32 s10;
	s9 =	smov.u32 s12;
	s10 =	smov.u32 s13  }
0x25: {  	s12 =	smov.u32 s19;
	s13 =	smov.u32 s20;
	[sflag:s21] =	ssyncset.done @!p1 $0x0  }
0x26: {  	s15 =	sadd.s32 $0x1, s15;
	[sflag:s21] =	ssyncadd.s32 @!p1 s22;
	s14 =	smov.u32 s23  }
.LBB1_1:
0x27: {  	p1 =	sge.u32 s15, s6  }
0x28: {  	s19 =	sshrl.u32 @!p1 s13, $0x3  }
0x29: {  	s20 =	sshll.u32 @!p1 s12, $0x3;
	s19 =	smul.u32 @!p1 $0xC3800, s19  }
0x2a: {  	s21 =	sshll.u32 @!p1 s13, $0x7;
	s20 =	sand.u32 @!p1 $0xFFFFFC00, s20  }
0x2b: {  	s19 =	sadd.s32 @!p1 s19, s20;
	s20 =	sand.u32 @!p1 $0x380, s21  }
0x2c: {  	s21 =	sand.u32 @!p1 $0x7F, s12;
	s19 =	sor.u32 @!p1 s20, s19  }
0x2d: {  	s20 =	sor.u32 @!p1 s21, s19  }
0x2e: {  	s21 =	smulhi.u32 @!p1 $0xA79C7B17, s20  }
0x2f: {  	s19 =	smulhi.u32 @!p1 $0xA79C7B17, s19  }
0x30: {  	s21 =	sshrl.u32 @!p1 s21, $0x10  }
0x31: {  	s19 =	sshrl.u32 @!p1 s19, $0x10;
	s21 =	smul.u32 @!p1 $0x18700, s21  }
0x32: {  	s22 =	sxor.u32 @!p1 $0xFFFFFFFF, s15;
	s23 =	smul.u32 @!p1 $0x61C00, s14;
	s19 =	sand.u32 @!p1 $0x1F, s19  }
0x33: {  	s22 =	sshll.u32 @!p1 s22, $0xD;
	s19 =	smul.u32 @!p1 $0x30E0, s19;
	s20 =	ssub.s32 @!p1 s20, s21  }
0x34: {  	s21 =	sand.u32 @!p1 $0x2000, s22;
	s22 =	sadd.s32 @!p1 s2, s23;
	s23 =	sand.u32 @!p1 $0x7, s20  }
0x35: {  	s20 =	sshrl.u32 @!p1 s20, $0x3;
	s19 =	sadd.s32 @!p1 s19, s22;
	s22 =	sshll.u32 @!p1 s23, $0x12  }
0x36: {  	s19 =	sadd.s32 @!p1 s20, s19;
	s20 =	sor.u32 @!p1 $0x800, s22;
	s22 =	simm.s32 @!p1 $0xC3800  }
0x37: {  	[tilespmem:s21], [sflag:$0x1] =	stream.strided.gather @!p1 [hbm4b:s19+s20], $0x2000, s22, s20, $0x38;
	[tilespmem:$0x8200] =	vst v63  }
0x38: {  	p1 =	seq.s32 s15, $0x0  }
0x39: {  	p2 =	sge.u32 @!p1 s15, s7  }
0x3a: {  	p1 =	por p1, p2  }
.Ltmp2:
0x3b: {  	_ = 	snop;
	(pc) =	sbr.rel @p1 .LBB1_5-.Ltmp2, $1  }
0x3c: {  	_ =	sdelay $0x3  }
0x3d: {  	s21 =	simm.s32 $0x0  }
0x3e: {  	s22 =	sand.u32 $0x1800, s21;
	s23 =	sand.u32 $0x380, s21  }
0x3f: {  	s19 =	sand.u32 $0x1, s15;
	s23 =	sor.u32 s23, s22  }
0x40: {  	_ =	swait.ge [sflag:s4], $0x2000;
	s20 =	sshll.u32 s19, $0xD;
	s22 =	sand.u32 $0x1B00, s23  }
0x41: {  	[sflag:s4] =	ssyncset.done $0x0;
	s21 =	sand.u32 $0x80, s21;
	s22 =	sadd.s32 s22, s20  }
0x42: {  	[sflag:s4] =	ssyncadd.s32 $0xFFFFE000;
	s25 =	sadd.s32 s21, s22  }
0x43: {  	v4 =	vld [tilespmem:s25+$0x400]  }
0x44: {  	s24 =	simm.s32 $0x1;
	v5 =	vld [tilespmem:s25+$0x0]  }
0x45: {  	s24 =	simm.s32 @!p0 $0x0;
	v6 =	vld [tilespmem:s25+$0x10]  }
0x46: {  	v0 =	vmov s20;
	s31 =	smul.u32 $0x8400, s24;
	v7 =	vld [tilespmem:s25+$0x20]  }
0x47: {  	v9 =	vld [tilespmem:s25+$0x30]  }
0x48: {  	s21 =	sshrl.u32 s31, $0x2;
	v10 =	vld [tilespmem:s25+$0x40]  }
0x49: {  	s21 =	sor.u32 $0x4000, s21;
	v11 =	vld [tilespmem:s25+$0x50]  }
0x4a: {  	v8 =	vld [tilespmem:s25+$0x60];
	s22 =	sadd.s32 $0x0, s21  }
0x4b: {  	v1 =	vld.idx.msk [tilespmem:v0+s23+$0x410 ss:$0x1], $0xffff;
	[tilespmem:s22+$0x1080 ss:$0x21] =	vst.msk $0xffff, v4  }
0x4c: {  	v2 =	vld.idx.msk [tilespmem:v0+s23+$0x420 ss:$0x1], $0xffff;
	[tilespmem:s22+$0x0 ss:$0x21] =	vst.msk $0xffff, v5  }
0x4d: {  	v3 =	vld.idx.msk [tilespmem:v0+s23+$0x430 ss:$0x1], $0xffff;
	[tilespmem:s22+$0x210 ss:$0x21] =	vst.msk $0xffff, v6  }
0x4e: {  	s19 =	smul.u32 $0x8400, s19;
	[tilespmem:s22+$0x420 ss:$0x21] =	vst.msk $0xffff, v7;
	v7 =	vld [tilespmem:s25+$0x70]  }
0x4f: {  	s26 =	simm.s32 $0x80;
	s27 =	simm.s32 $0x8;
	[tilespmem:s22+$0x630 ss:$0x21] =	vst.msk $0xffff, v9;
	v4 =	vld.idx.msk [tilespmem:v0+s23+$0x440 ss:$0x1], $0xffff  }
0x50: {  	s29 =	sand.u32 $0x380, s26;
	s19 =	sshrl.u32 s19, $0x2;
	[tilespmem:s22+$0x840 ss:$0x21] =	vst.msk $0xffff, v10;
	v5 =	vld.idx.msk [tilespmem:v0+s23+$0x450 ss:$0x1], $0xffff;
	s25 =	simm.s32 $0x100  }
0x51: {  	s24 =	simm.s32 $0x4;
	s19 =	sor.u32 $0x4000, s19;
	[tilespmem:s22+$0xA50 ss:$0x21] =	vst.msk $0xffff, v11;
	v6 =	vld.idx.msk [tilespmem:v0+s23+$0x460 ss:$0x1], $0xffff;
	s28 =	sand.u32 $0x1800, s25  }
.LBB1_3:
0x52: {  	p1 =	sne.s32 s27, $0x7C;
	[tilespmem:s22+$0xC60 ss:$0x21] =	vst.msk $0xffff, v8;
	v8 =	vld.idx.msk [tilespmem:v0+s23+$0x470 ss:$0x1], $0xffff;
	s23 =	sor.u32 s29, s28  }
0x53: {  	s28 =	sand.u32 $0x1B00, s23;
	v9 =	vld.idx.msk [tilespmem:v0+s23+$0x410 ss:$0x1], $0xffff;
	[tilespmem:s22+$0xE70 ss:$0x21] =	vst.msk $0xffff, v7  }
0x54: {  	s29 =	sand.u32 $0x80, s26;
	s28 =	sadd.s32 s28, s20;
	v7 =	vld.idx.msk [tilespmem:v0+s23+$0x420 ss:$0x1], $0xffff;
	[tilespmem:s22+$0x1290 ss:$0x21] =	vst.msk $0xffff, v1  }
0x55: {  	s28 =	sadd.s32 s29, s28;
	v10 =	vld.idx.msk [tilespmem:v0+s23+$0x430 ss:$0x1], $0xffff;
	[tilespmem:s22+$0x14A0 ss:$0x21] =	vst.msk $0xffff, v2  }
0x56: {  	v11 =	vld [tilespmem:s28+$0x400];
	[tilespmem:s22+$0x16B0 ss:$0x21] =	vst.msk $0xffff, v3  }
0x57: {  	v12 =	vld [tilespmem:s28+$0x0];
	[tilespmem:s22+$0x18C0 ss:$0x21] =	vst.msk $0xffff, v4  }
0x58: {  	v4 =	vld [tilespmem:s28+$0x10];
	[tilespmem:s22+$0x1AD0 ss:$0x21] =	vst.msk $0xffff, v5  }
0x59: {  	s29 =	sshra.s32 s24, $0x2;
	s24 =	smov.u32 s27;
	v1 =	vmov v9;
	v5 =	vld [tilespmem:s28+$0x20];
	[tilespmem:s22+$0x1CE0 ss:$0x21] =	vst.msk $0xffff, v6  }
0x5a: {  	v2 =	vmov v7;
	v6 =	vld [tilespmem:s28+$0x30];
	[tilespmem:s22+$0x1EF0 ss:$0x21] =	vst.msk $0xffff, v8;
	s22 =	sadd.s32 s29, s21  }
0x5b: {  	v3 =	vmov v10;
	v9 =	vld [tilespmem:s28+$0x40];
	[tilespmem:s22+$0x1080 ss:$0x21] =	vst.msk $0xffff, v11  }
0x5c: {  	[tilespmem:s22+$0x0 ss:$0x21] =	vst.msk $0xffff, v12;
	v10 =	vld [tilespmem:s28+$0x50]  }
.Ltmp3:
0x5d: {  	[tilespmem:s22+$0x210 ss:$0x21] =	vst.msk $0xffff, v4;
	v8 =	vld [tilespmem:s28+$0x60];
	(pc) =	sbr.rel @p1 .LBB1_3-.Ltmp3, $4  }
0x5e: {  	[tilespmem:s22+$0x420 ss:$0x21] =	vst.msk $0xffff, v5;
	v7 =	vld [tilespmem:s28+$0x70]  }
0x5f: {  	[tilespmem:s22+$0x630 ss:$0x21] =	vst.msk $0xffff, v6;
	v4 =	vld.idx.msk [tilespmem:v0+s23+$0x440 ss:$0x1], $0xffff  }
0x60: {  	s26 =	sadd.s32 $0x80, s26;
	s25 =	sadd.s32 $0x100, s25;
	[tilespmem:s22+$0x840 ss:$0x21] =	vst.msk $0xffff, v9;
	v5 =	vld.idx.msk [tilespmem:v0+s23+$0x450 ss:$0x1], $0xffff  }
0x61: {  	s27 =	sadd.s32 $0x4, s27;
	s29 =	sand.u32 $0x380, s26;
	s28 =	sand.u32 $0x1800, s25;
	[tilespmem:s22+$0xA50 ss:$0x21] =	vst.msk $0xffff, v10;
	v6 =	vld.idx.msk [tilespmem:v0+s23+$0x460 ss:$0x1], $0xffff  }
0x62: {  	_ =	sdelay $0x3  }
0x63: {  	s25 =	sor.u32 s29, s28;
	v47 =	vld.idx.msk [tilespmem:v0+s23+$0x470 ss:$0x1], $0xffff  }
0x64: {  	[tilespmem:s22+$0xC60 ss:$0x21] =	vst.msk $0xffff, v8;
	v57 =	vld.idx.msk [tilespmem:v0+s25+$0x410 ss:$0x1], $0xffff  }
0x65: {  	[tilespmem:s22+$0x1290 ss:$0x21] =	vst.msk $0xffff, v1;
	v58 =	vld.idx.msk [tilespmem:v0+s25+$0x420 ss:$0x1], $0xffff  }
0x66: {  	[tilespmem:s22+$0x14A0 ss:$0x21] =	vst.msk $0xffff, v2;
	v59 =	vld.idx.msk [tilespmem:v0+s25+$0x430 ss:$0x1], $0xffff  }
0x67: {  	[tilespmem:s22+$0x16B0 ss:$0x21] =	vst.msk $0xffff, v3;
	v60 =	vld.idx.msk [tilespmem:v0+s25+$0x440 ss:$0x1], $0xffff  }
0x68: {  	s26 =	sand.u32 $0x80, s26;
	s27 =	sand.u32 $0x1B00, s25;
	[tilespmem:s22+$0xE70 ss:$0x21] =	vst.msk $0xffff, v7;
	v61 =	vld.idx.msk [tilespmem:v0+s25+$0x450 ss:$0x1], $0xffff  }
0x69: {  	s29 =	sshll.u32 s10, $0x3;
	s24 =	sshra.s32 s24, $0x2;
	v62 =	vld.idx.msk [tilespmem:v0+s25+$0x460 ss:$0x1], $0xffff;
	s20 =	sadd.s32 s27, s20;
	[tilespmem:s22+$0x18C0 ss:$0x21] =	vst.msk $0xffff, v4  }
0x6a: {  	p1 =	sgt.s32 s11, $0x19;
	s31 =	sand.u32 $0xFFFFFC00, s29;
	v63 =	vld.idx.msk [tilespmem:v0+s25+$0x470 ss:$0x1], $0xffff;
	s23 =	sadd.s32 s26, s20;
	[tilespmem:s22+$0x1AD0 ss:$0x21] =	vst.msk $0xffff, v5  }
0x6b: {  	p2 =	sgt.s32 s10, $0x60;
	s29 =	sshra.s32 s11, $0x1F;
	s25 =	smul.u32 $0x186A80, s11;
	v48 =	vld [tilespmem:s23+$0x400];
	[tilespmem:s22+$0x1CE0 ss:$0x21] =	vst.msk $0xffff, v6  }
0x6c: {  	s26 =	sshll.u32 s9, $0x7;
	s20 =	sadd.s32 s24, s21;
	s24 =	sand.u32 s29, s11;
	v49 =	vld [tilespmem:s23+$0x0];
	[tilespmem:s22+$0x1EF0 ss:$0x21] =	vst.msk $0xffff, v47  }
0x6d: {  	s29 =	sshra.s32 s9, $0x1F;
	v50 =	vld [tilespmem:s23+$0x10];
	s30 =	sand.u32 $0xFFFFFC00, s26;
	s28 =	sand.u32 $0x380, s26;
	[tilespmem:s20+$0x1290 ss:$0x21] =	vst.msk $0xffff, v57  }
0x6e: {  	v51 =	vld [tilespmem:s23+$0x20];
	s27 =	sadd.s32 s31, s30;
	s22 =	smov.u32 s11;
	s31 =	sshra.s32 s10, $0x1F;
	[tilespmem:s20+$0x14A0 ss:$0x21] =	vst.msk $0xffff, v58  }
0x6f: {  	v52 =	vld [tilespmem:s23+$0x30];
	s21 =	sor.u32 s28, s27;
	s22 =	simm.s32 @!p1 $0x19;
	s28 =	sand.u32 s31, s10;
	[tilespmem:s20+$0x16B0 ss:$0x21] =	vst.msk $0xffff, v59  }
0x70: {  	v53 =	vld [tilespmem:s23+$0x40];
	s27 =	smov.u32 s9;
	[tilespmem:s20+$0x18C0 ss:$0x21] =	vst.msk $0xffff, v60;
	s21 =	sshrl.u32 s21, $0x7;
	s22 =	ssub.s32 s22, s24  }
0x71: {  	v54 =	vld [tilespmem:s23+$0x50];
	[tilespmem:s20+$0x1AD0 ss:$0x21] =	vst.msk $0xffff, v61;
	s24 =	smov.u32 s10;
	s26 =	smulhi.u32 $0xA7C23D, s21;
	s30 =	sadd.s32 $0xFFFFFFE7, s22  }
0x72: {  	v55 =	vld [tilespmem:s23+$0x60];
	[tilespmem:s20+$0x1CE0 ss:$0x21] =	vst.msk $0xffff, v62;
	s24 =	simm.s32 @!p2 $0x60;
	p2 =	sgt.s32 s9, $0x185A8;
	s22 =	ssub.s32 $0x1A, s22  }
0x73: {  	v56 =	vld [tilespmem:s23+$0x70];
	[tilespmem:s20+$0x1EF0 ss:$0x21] =	vst.msk $0xffff, v63;
	p1 =	sgt.s32 s30, $0x0;
	s23 =	ssub.s32 s24, s28;
	s27 =	simm.s32 @!p2 $0x185A8  }
0x74: {  	[tilespmem:s20+$0x1080 ss:$0x21] =	vst.msk $0xffff, v48;
	s24 =	sand.u32 s29, s9;
	s28 =	sand.u32 $0x7, s10;
	s26 =	sshrl.u32 s26, $0x8  }
0x75: {  	[tilespmem:s20+$0x0 ss:$0x21] =	vst.msk $0xffff, v49;
	s24 =	ssub.s32 s27, s24;
	s30 =	sadd.s32 $0xFFFFFFA0, s23;
	s22 =	simm.s32 @p1 $0x0  }
0x76: {  	[tilespmem:s20+$0x210 ss:$0x21] =	vst.msk $0xffff, v50;
	s23 =	ssub.s32 $0x80, s23;
	s27 =	sshrl.u32 s10, $0x3;
	p1 =	sgt.s32 s30, $0x1F  }
0x77: {  	[tilespmem:s20+$0x420 ss:$0x21] =	vst.msk $0xffff, v51;
	s26 =	smul.u32 $0x186A8, s26;
	s31 =	sadd.s32 $0xFFFE7A58, s24;
	s23 =	simm.s32 @p1 $0x0  }
0x78: {  	[tilespmem:s20+$0x630 ss:$0x21] =	vst.msk $0xffff, v52;
	s24 =	ssub.s32 $0x186A8, s24;
	p1 =	sgt.s32 s31, $0xFF;
	s22 =	smul.u32 s22, s23  }
.Ltmp4:
0x79: {  	[tilespmem:s20+$0x840 ss:$0x21] =	vst.msk $0xffff, v53;
	s24 =	simm.s32 @p1 $0x0;
	s21 =	ssub.s32 s21, s26;
	(pc) =	sbr.rel .LBB1_5-.Ltmp4, $4  }
0x7a: {  	[tilespmem:s20+$0xA50 ss:$0x21] =	vst.msk $0xffff, v54;
	s23 =	sadd.s32 s5, s25;
	s22 =	smul.u32 s24, s22;
	s24 =	sand.u32 $0xF, s27  }
0x7b: {  	[tilespmem:s20+$0xC60 ss:$0x21] =	vst.msk $0xffff, v55;
	s29 =	sshll.u32 s28, $0x12;
	s21 =	sshll.u32 s21, $0x4;
	s23 =	sadd.s32 s24, s23  }
0x7c: {  	[tilespmem:s20+$0xE70 ss:$0x21] =	vst.msk $0xffff, v56;
	s31 =	sor.u32 $0x20, s29;
	s30 =	sand.u32 $0x3FFFFFFF, s22;
	s21 =	sadd.s32 s21, s23  }
0x7d: {  	[hbm4b:s21+s31] =	stream.strided.scatter [tilespmem:s19], [sflag:$0x2], s30, s8, s31, $0x10;
	[tilespmem:$0x8200] =	vst v63  }
.LBB1_6:
0x7e: {  	_ =	sfence.sel $0x180000  }
0x7f: {  	s2 =	simm.s32 $0x1;
	[bflag:$0x0] =	sbarrier.arrive $0xFFFF  }
0x80: {  	s31 =	simm.s32 $0x2;
	[sflag:s2] =	ssyncpa.u1 $0x1  }
0x81: {  	[sflag:s31] =	ssyncpa.u1 $0x1  }
0x82: {  	p0 =	sne.s32 s0, $0x0;
	_ =	strace $0x90000047  }
0x83: {  	s0 =	sadd.s32 @!p0 $0x100000, s1;
	[bflag:$0x2] =	sbarrier.arrive $0xFFFF  }
0x84: {  	[sflag:s0] =	ssyncadd.tile.s32 @!p0 $0x1;
	_ =	shalt  }
.Lfunc_end1:
_tile_overlayer_lowered:
.L_overlay_start_2:
0x85: {  	(tag) =	ssettag $0x2  }
0x86: {  	s0 =	rddreg [dreg:$0x0];
	s2 =	stileid.u32  }
0x87: {  	s1 =	rddreg [dreg:$0x1];
	p0 =	sne.s32 s2, $0x0  }
0x88: {  	s3 =	rddreg [dreg:$0x2];
	[bflag:$0x3] =	sbarrier.arrive $0xFFFF;
	s2 =	simm.s32 @!p0 $0x1C01  }
0x89: {  	[timem:s3], [sflag:s2] =	dma.local @!p0 [hbm:s0], s1  }
0x8a: {  	s0 =	simm.s32 @!p0 $0x1  }
0x8b: {  	_ =	swait.ge @!p0 [sflag:s0], s1  }
0x8c: {  	s1 =	ssub.s32 @!p0 $0x0, s1;
	[sflag:s0] =	ssyncset.done @!p0 $0x0  }
0x8d: {  	[sflag:s0] =	ssyncadd.s32 @!p0 s1  }
0x8e: {  	[bflag:$0x3] =	sbarrier.arrive $0xFFFF  }
0x8f: {  	_ =	shalt  }

</sc_bundles>
